<compile_context>
chip_gen: v7x
topology: tpu7x:2x2x1
jax: 0.10.2.dev20260603
libtpu: 0.0.44.dev20260713+nightly
codegen_flags: <defaults>
</compile_context>

<pallas_src>
import jax
import jax.numpy as jnp
from jax import lax
from jax.experimental import pallas as pl
from jax.experimental.pallas import tpu as pltpu
from jax.experimental.pallas import tpu_sc as plsc

N = 10000
E = 320000
D = 128
NS = 16
LANES = 16
B = 80
E_PER_TILE = E // NS
NCH_REAL = E_PER_TILE // B
NCH = 256
G = 16
NG = NCH // G
N_PAD = 10112
ROWS_PER_TILE = N_PAD // NS


def _sc_body(h, h2, src_ct, dst_ct, feat_ct, src_cb, dst_cb, feat_cb, zeros,
             out_ct, out_cb,
             agg, isrc_a, idst_a, isrc_b, idst_b,
             gath0, gath1, feat0, feat1,
             isem_a, isem_b, sem0, sem1):
    cid = lax.axis_index("c")
    sid = lax.axis_index("s")

    def run(src2, dst2, feat_h, out_h):
        row0 = sid * ROWS_PER_TILE
        pltpu.sync_copy(zeros.at[pl.ds(row0, ROWS_PER_TILE)],
                        agg.at[pl.ds(row0, ROWS_PER_TILE)])

        grp0 = sid * NCH

        def idx_slices(g):
            r = pl.ds(grp0 + g * G, G)
            return src2.at[r], dst2.at[r]

        def issue_idx(g, isrc, idst, isem):
            s, d2 = idx_slices(g)
            pltpu.async_copy(s, isrc, isem)
            pltpu.async_copy(d2, idst, isem)

        def wait_idx(g, isrc, idst, isem):
            s, d2 = idx_slices(g)
            pltpu.make_async_copy(s, isrc, isem).wait()
            pltpu.make_async_copy(d2, idst, isem).wait()

        base0 = sid * E_PER_TILE

        def feat_slice(c):
            off = jnp.where(c < NCH_REAL, c * B, 0)
            return feat_h.at[pl.ds(base0 + off, B)]

        def issue(c, k, isrc, slot_g, slot_f, sem, hsrc):
            pltpu.async_copy(hsrc.at[isrc.at[k]], slot_g, sem)
            pltpu.async_copy(feat_slice(c), slot_f, sem)

        def process(c, k, isrc, idst, slot_g, slot_f, sem, hsrc):
            pltpu.make_async_copy(hsrc.at[isrc.at[k]], slot_g, sem).wait()
            pltpu.make_async_copy(feat_slice(c), slot_f, sem).wait()

            def row(i, c2):
                for j in range(D // LANES):
                    s = pl.ds(j * LANES, LANES)
                    slot_f[i, s] = slot_f[i, s] * slot_g[i, s]
                return c2

            lax.fori_loop(0, B, row, 0)
            pltpu.sync_copy(slot_f, agg.at[idst.at[k]], add=True)

        issue_idx(0, isrc_a, idst_a, isem_a)
        plsc.subcore_barrier()

        def group_body(g, isrc, idst, isem):
            c0 = g * G
            issue(c0, 0, isrc, gath0, feat0, sem0, h)

            def it(i, carry):
                k = 2 * i
                issue(c0 + k + 1, k + 1, isrc, gath1, feat1, sem1, h2)
                process(c0 + k, k, isrc, idst, gath0, feat0, sem0, h)

                @pl.when(k + 2 < G)
                def _():
                    issue(c0 + k + 2, k + 2, isrc, gath0, feat0, sem0, h)

                process(c0 + k + 1, k + 1, isrc, idst, gath1, feat1, sem1, h2)
                return carry

            lax.fori_loop(0, G // 2, it, 0)

        def pair(p, carry):
            g = 2 * p
            wait_idx(g, isrc_a, idst_a, isem_a)
            issue_idx(g + 1, isrc_b, idst_b, isem_b)
            group_body(g, isrc_a, idst_a, isem_a)
            wait_idx(g + 1, isrc_b, idst_b, isem_b)

            @pl.when(g + 2 < NG)
            def _():
                issue_idx(g + 2, isrc_a, idst_a, isem_a)

            group_body(g + 1, isrc_b, idst_b, isem_b)
            return carry

        lax.fori_loop(0, NG // 2, pair, 0)

        plsc.subcore_barrier()
        pltpu.sync_copy(agg.at[pl.ds(row0, ROWS_PER_TILE)],
                        out_h.at[pl.ds(row0, ROWS_PER_TILE)])

    @pl.when(cid == 0)
    def _():
        run(src_ct, dst_ct, feat_ct, out_ct)

    @pl.when(cid == 1)
    def _():
        run(src_cb, dst_cb, feat_cb, out_cb)


_sc_call = pl.kernel(
    _sc_body,
    out_type=[jax.ShapeDtypeStruct((N_PAD, D), jnp.float32)] * 2,
    mesh=plsc.VectorSubcoreMesh(core_axis_name="c", subcore_axis_name="s"),
    scratch_types=[
        pltpu.VMEM_SHARED((N_PAD, D), jnp.float32),
        pltpu.VMEM((G, B), jnp.int32),
        pltpu.VMEM((G, B), jnp.int32),
        pltpu.VMEM((G, B), jnp.int32),
        pltpu.VMEM((G, B), jnp.int32),
        pltpu.VMEM((B, D), jnp.float32),
        pltpu.VMEM((B, D), jnp.float32),
        pltpu.VMEM((B, D), jnp.float32),
        pltpu.VMEM((B, D), jnp.float32),
        pltpu.SemaphoreType.DMA,
        pltpu.SemaphoreType.DMA,
        pltpu.SemaphoreType.DMA,
        pltpu.SemaphoreType.DMA,
    ],
)


def _pack_idx(idx, synth):
    a = idx.reshape(NS, NCH_REAL, B)
    pad = jnp.broadcast_to(synth.reshape(1, NCH - NCH_REAL, B),
                           (NS, NCH - NCH_REAL, B))
    return jnp.concatenate([a, pad], axis=1).reshape(NS * NCH, B)


def _tc_body(h_ref, act_ref, acb_ref, wa_ref, wb_ref, bias_ref, out_ref):
    acc = jnp.dot(act_ref[...], wa_ref[...], preferred_element_type=jnp.float32)
    acc = acc + jnp.dot(acb_ref[...], wb_ref[...], preferred_element_type=jnp.float32)
    acc = acc + bias_ref[...]
    g = 0.5 * acc * (1.0 + lax.erf(acc * (2.0 ** -0.5)))
    out_ref[...] = h_ref[...] + g


_TC_R = 2000
_tc_call = pl.pallas_call(
    _tc_body,
    grid=(N // _TC_R,),
    in_specs=[
        pl.BlockSpec((_TC_R, D), lambda i: (i, 0)),
        pl.BlockSpec((_TC_R, D), lambda i: (i, 0)),
        pl.BlockSpec((_TC_R, D), lambda i: (i, 0)),
        pl.BlockSpec((D, D), lambda i: (0, 0)),
        pl.BlockSpec((D, D), lambda i: (0, 0)),
        pl.BlockSpec((1, D), lambda i: (0, 0)),
    ],
    out_specs=pl.BlockSpec((_TC_R, D), lambda i: (i, 0)),
    out_shape=jax.ShapeDtypeStruct((N, D), jnp.float32),
)


def kernel(x, edge_index_ct, edge_feat_ct, edge_index_cb, edge_feat_cb,
           W0, b0, W1, b1):
    n_syn = (NCH - NCH_REAL) * B
    synth_src = jnp.zeros((n_syn,), jnp.int32)
    synth_dst = N + (jnp.arange(n_syn, dtype=jnp.int32) % (N_PAD - N))
    src_ct = _pack_idx(edge_index_ct[0], synth_src)
    dst_ct = _pack_idx(edge_index_ct[1], synth_dst)
    src_cb = _pack_idx(edge_index_cb[0], synth_src)
    dst_cb = _pack_idx(edge_index_cb[1], synth_dst)
    zeros = jnp.zeros((N_PAD, D), jnp.float32)
    h = x
    for (W, b) in ((W0, b0), (W1, b1)):
        wt = jnp.transpose(W)
        wa, wb = wt[:D], wt[D:]
        h_dup = jax.lax.optimization_barrier(h * jnp.float32(1.0))
        agg_ct, agg_cb = _sc_call(h, h_dup, src_ct, dst_ct, edge_feat_ct,
                                  src_cb, dst_cb, edge_feat_cb, zeros)
        h = _tc_call(h, agg_ct, agg_cb, wa, wb, b.reshape(1, D))
    return h

# --- scband reference (transcript-rebuilt; emitter-appended) ---
"""Pipeline reference for scband-link-conv-5755256177464 (READ-ONLY COPY).

The authoritative reference and input builder live on the scoring server;
editing this copy changes nothing except your own understanding.
"""

import jax, jax.numpy as jnp
import numpy as np

N_NODES = 10000
N_EDGES = 320000
H_DIM = 128
N_LAYER = 2


def setup_inputs(seed: int = 0) -> dict:
    key = jax.random.key(seed)
    ks = jax.random.split(key, 10)
    x = jax.random.normal(ks[0], (N_NODES, H_DIM), dtype=jnp.float32)
    edge_index_ct = jax.random.randint(ks[1], (2, N_EDGES), 0, N_NODES)
    edge_feat_ct = jax.random.normal(ks[2], (N_EDGES, H_DIM), dtype=jnp.float32)
    edge_index_cb = jax.random.randint(ks[3], (2, N_EDGES), 0, N_NODES)
    edge_feat_cb = jax.random.normal(ks[4], (N_EDGES, H_DIM), dtype=jnp.float32)
    scale = 1.0 / np.sqrt(2 * H_DIM)
    W0 = jax.random.normal(ks[5], (H_DIM, 2 * H_DIM), dtype=jnp.float32) * scale
    b0 = jnp.zeros((H_DIM,), dtype=jnp.float32)
    W1 = jax.random.normal(ks[6], (H_DIM, 2 * H_DIM), dtype=jnp.float32) * scale
    b1 = jnp.zeros((H_DIM,), dtype=jnp.float32)
    return {
        "x": x,
        "edge_index_ct": edge_index_ct,
        "edge_feat_ct": edge_feat_ct,
        "edge_index_cb": edge_index_cb,
        "edge_feat_cb": edge_feat_cb,
        "W0": W0,
        "b0": b0,
        "W1": W1,
        "b1": b1,
    }


def reference(x, edge_index_ct, edge_feat_ct, edge_index_cb, edge_feat_cb, W0, b0, W1, b1):
    # LinkConv: for each layer t, for each relation r in {connect_to, connected_by}:
    #   message m_e = edge_feat_e * h_src(e)   (DGL fn.e_mul_u)
    #   agg_r[v]   = sum over edges with dst v (DGL fn.sum)
    # cross_reducer: h_ = GELU(Linear_t(concat([agg_ct, agg_cb], -1)))
    # residual: h = h + h_
    params = [(W0, b0), (W1, b1)]
    h = x
    src_ct, dst_ct = edge_index_ct[0], edge_index_ct[1]
    src_cb, dst_cb = edge_index_cb[0], edge_index_cb[1]
    for t in range(N_LAYER):
        m_ct = edge_feat_ct * jnp.take(h, src_ct, axis=0)
        agg_ct = jax.ops.segment_sum(m_ct, dst_ct, num_segments=N_NODES)
        m_cb = edge_feat_cb * jnp.take(h, src_cb, axis=0)
        agg_cb = jax.ops.segment_sum(m_cb, dst_cb, num_segments=N_NODES)
        tcat = jnp.concatenate([agg_ct, agg_cb], axis=-1)
        W, b = params[t]
        h_ = jax.nn.gelu(tcat @ W.T + b, approximate=False)
        h = h + h_
    return h

if __name__ == "__main__":
    import jax
    _d = setup_inputs()
    print(jax.jit(kernel)(*tuple(_d.values())))

</pallas_src>

<mosaic_0001>
#map = affine_map<(d0, d1) -> (0, 0)>
module attributes {stable_mosaic.version = 14 : i64} {
  func.func @_sc_body(%arg0: i32, %arg1: i32, %arg2: memref<10000x128xf32, #tpu.memory_space<hbm>>, %arg3: memref<10000x128xf32, #tpu.memory_space<hbm>>, %arg4: memref<4096x80xi32, #tpu.memory_space<hbm>>, %arg5: memref<4096x80xi32, #tpu.memory_space<hbm>>, %arg6: memref<320000x128xf32, #tpu.memory_space<hbm>>, %arg7: memref<4096x80xi32, #tpu.memory_space<hbm>>, %arg8: memref<4096x80xi32, #tpu.memory_space<hbm>>, %arg9: memref<320000x128xf32, #tpu.memory_space<hbm>>, %arg10: memref<10112x128xf32, #tpu.memory_space<hbm>>, %arg11: memref<10112x128xf32, #tpu.memory_space<hbm>>, %arg12: memref<10112x128xf32, #tpu.memory_space<hbm>>, %arg13: memref<10112x128xf32, #tpu.memory_space<vmem_shared>>, %arg14: memref<16x80xi32, #tpu.memory_space<vmem>>, %arg15: memref<16x80xi32, #tpu.memory_space<vmem>>, %arg16: memref<16x80xi32, #tpu.memory_space<vmem>>, %arg17: memref<16x80xi32, #tpu.memory_space<vmem>>, %arg18: memref<80x128xf32, #tpu.memory_space<vmem>>, %arg19: memref<80x128xf32, #tpu.memory_space<vmem>>, %arg20: memref<80x128xf32, #tpu.memory_space<vmem>>, %arg21: memref<80x128xf32, #tpu.memory_space<vmem>>, %arg22: memref<!tpu.dma_semaphore, #tpu.memory_space<semaphore_mem>>, %arg23: memref<!tpu.dma_semaphore, #tpu.memory_space<semaphore_mem>>, %arg24: memref<!tpu.dma_semaphore, #tpu.memory_space<semaphore_mem>>, %arg25: memref<!tpu.dma_semaphore, #tpu.memory_space<semaphore_mem>>) attributes {dimension_semantics = [#tpu.dimension_semantics<core_parallel>, #tpu.dimension_semantics<subcore_parallel>], iteration_bounds = array<i64: 2, 16>, scalar_prefetch = 0 : i64, scratch_operands = 13 : i64, tpu.core_type = #tpu.core_type<sc_vector_subcore>, window_params = [{transform_indices = #map}, {transform_indices = #map}, {transform_indices = #map}, {transform_indices = #map}, {transform_indices = #map}, {transform_indices = #map}, {transform_indices = #map}, {transform_indices = #map}, {transform_indices = #map}, {transform_indices = #map}, {transform_indices = #map}]} {
    %eq3A = arith.constant 0 : i32
    %eq3A_0 = arith.cmpi eq, %arg0, %eq3A : i32
    %convert_element_type3A = arith.extui %eq3A_0 : i1 to i32
    %cond3A = arith.constant 0 : i32
    %cond3A_1 = arith.cmpi ne, %convert_element_type3A, %cond3A : i32
    scf.if %cond3A_1 {
      %mul3A = arith.constant 632 : i32
      %mul3A_7 = arith.muli %arg1, %mul3A : i32
      "tpu.region"() ({
        %run_scoped3A = tpu.sem_alloc : memref<!tpu.dma_semaphore, #tpu.memory_space<semaphore_mem>>
        %dma_start3A_26 = arith.constant 0 : i32
        %dma_start3A_27 = tpu.memref_slice %arg13[%mul3A_7, %dma_start3A_26] : memref<10112x128xf32, #tpu.memory_space<vmem_shared>> -> memref<632x128xf32, #tpu.memory_space<vmem_shared>>
        %dma_start3A_28 = arith.constant 0 : i32
        %dma_start3A_29 = tpu.memref_slice %arg10[%mul3A_7, %dma_start3A_28] : memref<10112x128xf32, #tpu.memory_space<hbm>> -> memref<632x128xf32, #tpu.memory_space<hbm>>
        tpu.enqueue_dma source(%dma_start3A_29 : memref<632x128xf32, #tpu.memory_space<hbm>>) target(%dma_start3A_27 : memref<632x128xf32, #tpu.memory_space<vmem_shared>>) target_semaphore(%run_scoped3A : memref<!tpu.dma_semaphore, #tpu.memory_space<semaphore_mem>>)
        %dma_wait3A = arith.constant 0 : i32
        %dma_wait3A_30 = tpu.memref_slice %arg13[%mul3A_7, %dma_wait3A] : memref<10112x128xf32, #tpu.memory_space<vmem_shared>> -> memref<632x128xf32, #tpu.memory_space<vmem_shared>>
        %dma_wait3A_31 = arith.constant 0 : i32
        %dma_wait3A_32 = tpu.memref_slice %arg10[%mul3A_7, %dma_wait3A_31] : memref<10112x128xf32, #tpu.memory_space<hbm>> -> memref<632x128xf32, #tpu.memory_space<hbm>>
        tpu.wait_dma2 semaphore(%run_scoped3A : memref<!tpu.dma_semaphore, #tpu.memory_space<semaphore_mem>>) src(%dma_wait3A_32 : memref<632x128xf32, #tpu.memory_space<hbm>>) dst(%dma_wait3A_30 : memref<632x128xf32, #tpu.memory_space<vmem_shared>>)
        tpu.yield
      }) : () -> ()
      %mul3A_8 = arith.constant 256 : i32
      %mul3A_9 = arith.muli %arg1, %mul3A_8 : i32
      %mul3A_10 = arith.constant 20000 : i32
      %mul3A_11 = arith.muli %arg1, %mul3A_10 : i32
      %add3A = arith.constant 0 : i32
      %add3A_12 = arith.addi %mul3A_9, %add3A : i32
      %dma_start3A = arith.constant 0 : i32
      %dma_start3A_13 = tpu.memref_slice %arg4[%add3A_12, %dma_start3A] : memref<4096x80xi32, #tpu.memory_space<hbm>> -> memref<16x80xi32, #tpu.memory_space<hbm>>
      %dma_start3A_14 = arith.constant 0 : i32
      %dma_start3A_15 = tpu.memref_slice %arg4[%add3A_12, %dma_start3A_14] : memref<4096x80xi32, #tpu.memory_space<hbm>> -> memref<16x80xi32, #tpu.memory_space<hbm>>
      tpu.enqueue_dma source(%dma_start3A_15 : memref<16x80xi32, #tpu.memory_space<hbm>>) target(%arg14 : memref<16x80xi32, #tpu.memory_space<vmem>>) target_semaphore(%arg22 : memref<!tpu.dma_semaphore, #tpu.memory_space<semaphore_mem>>)
      %dma_start3A_16 = arith.constant 0 : i32
      %dma_start3A_17 = tpu.memref_slice %arg5[%add3A_12, %dma_start3A_16] : memref<4096x80xi32, #tpu.memory_space<hbm>> -> memref<16x80xi32, #tpu.memory_space<hbm>>
      %dma_start3A_18 = arith.constant 0 : i32
      %dma_start3A_19 = tpu.memref_slice %arg5[%add3A_12, %dma_start3A_18] : memref<4096x80xi32, #tpu.memory_space<hbm>> -> memref<16x80xi32, #tpu.memory_space<hbm>>
      tpu.enqueue_dma source(%dma_start3A_19 : memref<16x80xi32, #tpu.memory_space<hbm>>) target(%arg15 : memref<16x80xi32, #tpu.memory_space<vmem>>) target_semaphore(%arg22 : memref<!tpu.dma_semaphore, #tpu.memory_space<semaphore_mem>>)
      %barrier3A = arith.constant 0 : index
      tpu.barrier barrier_id(%barrier3A)
      %scan3A = arith.constant 0 : i32
      %scan3A_20 = arith.constant 0 : i32
      %scan3A_21 = arith.constant 8 : i32
      %scan3A_22 = arith.addi %scan3A_20, %scan3A_21 : i32
      %scan3A_23 = arith.constant 1 : i32
      scf.for %scan3A_26 = %scan3A_20 to %scan3A_22 step %scan3A_23  : i32 {
        %mul3A_27 = arith.constant 2 : i32
        %mul3A_28 = arith.muli %mul3A_27, %scan3A_26 : i32
        %mul3A_29 = arith.constant 16 : i32
        %mul3A_30 = arith.muli %mul3A_28, %mul3A_29 : i32
        %add3A_31 = arith.addi %mul3A_9, %mul3A_30 : i32
        %dma_wait3A = arith.constant 0 : i32
        %dma_wait3A_32 = tpu.memref_slice %arg4[%add3A_31, %dma_wait3A] : memref<4096x80xi32, #tpu.memory_space<hbm>> -> memref<16x80xi32, #tpu.memory_space<hbm>>
        %dma_wait3A_33 = arith.constant 0 : i32
        %dma_wait3A_34 = tpu.memref_slice %arg4[%add3A_31, %dma_wait3A_33] : memref<4096x80xi32, #tpu.memory_space<hbm>> -> memref<16x80xi32, #tpu.memory_space<hbm>>
        tpu.wait_dma2 semaphore(%arg22 : memref<!tpu.dma_semaphore, #tpu.memory_space<semaphore_mem>>) src(%dma_wait3A_34 : memref<16x80xi32, #tpu.memory_space<hbm>>) dst(%arg14 : memref<16x80xi32, #tpu.memory_space<vmem>>)
        %dma_wait3A_35 = arith.constant 0 : i32
        %dma_wait3A_36 = tpu.memref_slice %arg5[%add3A_31, %dma_wait3A_35] : memref<4096x80xi32, #tpu.memory_space<hbm>> -> memref<16x80xi32, #tpu.memory_space<hbm>>
        %dma_wait3A_37 = arith.constant 0 : i32
        %dma_wait3A_38 = tpu.memref_slice %arg5[%add3A_31, %dma_wait3A_37] : memref<4096x80xi32, #tpu.memory_space<hbm>> -> memref<16x80xi32, #tpu.memory_space<hbm>>
        tpu.wait_dma2 semaphore(%arg22 : memref<!tpu.dma_semaphore, #tpu.memory_space<semaphore_mem>>) src(%dma_wait3A_38 : memref<16x80xi32, #tpu.memory_space<hbm>>) dst(%arg15 : memref<16x80xi32, #tpu.memory_space<vmem>>)
        %add3A_39 = arith.constant 1 : i32
        %add3A_40 = arith.addi %mul3A_28, %add3A_39 : i32
        %mul3A_41 = arith.constant 16 : i32
        %mul3A_42 = arith.muli %add3A_40, %mul3A_41 : i32
        %add3A_43 = arith.addi %mul3A_9, %mul3A_42 : i32
        %dma_start3A_44 = arith.constant 0 : i32
        %dma_start3A_45 = tpu.memref_slice %arg4[%add3A_43, %dma_start3A_44] : memref<4096x80xi32, #tpu.memory_space<hbm>> -> memref<16x80xi32, #tpu.memory_space<hbm>>
        %dma_start3A_46 = arith.constant 0 : i32
        %dma_start3A_47 = tpu.memref_slice %arg4[%add3A_43, %dma_start3A_46] : memref<4096x80xi32, #tpu.memory_space<hbm>> -> memref<16x80xi32, #tpu.memory_space<hbm>>
        tpu.enqueue_dma source(%dma_start3A_47 : memref<16x80xi32, #tpu.memory_space<hbm>>) target(%arg16 : memref<16x80xi32, #tpu.memory_space<vmem>>) target_semaphore(%arg23 : memref<!tpu.dma_semaphore, #tpu.memory_space<semaphore_mem>>)
        %dma_start3A_48 = arith.constant 0 : i32
        %dma_start3A_49 = tpu.memref_slice %arg5[%add3A_43, %dma_start3A_48] : memref<4096x80xi32, #tpu.memory_space<hbm>> -> memref<16x80xi32, #tpu.memory_space<hbm>>
        %dma_start3A_50 = arith.constant 0 : i32
        %dma_start3A_51 = tpu.memref_slice %arg5[%add3A_43, %dma_start3A_50] : memref<4096x80xi32, #tpu.memory_space<hbm>> -> memref<16x80xi32, #tpu.memory_space<hbm>>
        tpu.enqueue_dma source(%dma_start3A_51 : memref<16x80xi32, #tpu.memory_space<hbm>>) target(%arg17 : memref<16x80xi32, #tpu.memory_space<vmem>>) target_semaphore(%arg23 : memref<!tpu.dma_semaphore, #tpu.memory_space<semaphore_mem>>)
        %mul3A_52 = arith.constant 16 : i32
        %mul3A_53 = arith.muli %mul3A_28, %mul3A_52 : i32
        %dma_start3A_54 = arith.constant 0 : i32
        %dma_start3A_55 = arith.constant 0 : i32
        %dma_start3A_56 = tpu.memref_slice %arg14[%dma_start3A_54, %dma_start3A_55] : memref<16x80xi32, #tpu.memory_space<vmem>> -> memref<1x80xi32, #tpu.memory_space<vmem>>
        %dma_start3A_57 = tpu.memref_squeeze %dma_start3A_56 : memref<1x80xi32, #tpu.memory_space<vmem>> -> memref<80xi32, #tpu.memory_space<vmem>>
        %dma_start3A_58 = arith.constant 0 : i32
        %dma_start3A_59 = arith.constant 0 : i32
        %dma_start3A_60 = tpu.memref_slice %arg2[%dma_start3A_58, %dma_start3A_59] : memref<10000x128xf32, #tpu.memory_space<hbm>> -> memref<10000x128xf32, #tpu.memory_space<hbm>>
        tpu.enqueue_indirect_dma source(%dma_start3A_60 : memref<10000x128xf32, #tpu.memory_space<hbm>>) target(%arg18 : memref<80x128xf32, #tpu.memory_space<vmem>>) offsets(%dma_start3A_57 : memref<80xi32, #tpu.memory_space<vmem>>) semaphore(%arg24 : memref<!tpu.dma_semaphore, #tpu.memory_space<semaphore_mem>>)
        %lt3A = arith.constant 250 : i32
        %lt3A_61 = arith.cmpi slt, %mul3A_53, %lt3A : i32
        %mul3A_62 = arith.constant 80 : i32
        %mul3A_63 = arith.muli %mul3A_53, %mul3A_62 : i32
        %jit3A = arith.constant 0 : i32
        %select_n3A = arith.select %lt3A_61, %mul3A_63, %jit3A : i32
        %add3A_64 = arith.addi %mul3A_11, %select_n3A : i32
        %dma_start3A_65 = arith.constant 0 : i32
        %dma_start3A_66 = tpu.memref_slice %arg6[%add3A_64, %dma_start3A_65] : memref<320000x128xf32, #tpu.memory_space<hbm>> -> memref<80x128xf32, #tpu.memory_space<hbm>>
        %dma_start3A_67 = arith.constant 0 : i32
        %dma_start3A_68 = tpu.memref_slice %arg6[%add3A_64, %dma_start3A_67] : memref<320000x128xf32, #tpu.memory_space<hbm>> -> memref<80x128xf32, #tpu.memory_space<hbm>>
        tpu.enqueue_dma source(%dma_start3A_68 : memref<80x128xf32, #tpu.memory_space<hbm>>) target(%arg20 : memref<80x128xf32, #tpu.memory_space<vmem>>) target_semaphore(%arg24 : memref<!tpu.dma_semaphore, #tpu.memory_space<semaphore_mem>>)
        %scan3A_69 = arith.constant 0 : i32
        %scan3A_70 = arith.constant 0 : i32
        %scan3A_71 = arith.constant 8 : i32
        %scan3A_72 = arith.addi %scan3A_70, %scan3A_71 : i32
        %scan3A_73 = arith.constant 1 : i32
        scf.for %scan3A_123 = %scan3A_70 to %scan3A_72 step %scan3A_73  : i32 {
          %mul3A_124 = arith.constant 2 : i32
          %mul3A_125 = arith.muli %mul3A_124, %scan3A_123 : i32
          %add3A_126 = arith.addi %mul3A_53, %mul3A_125 : i32
          %add3A_127 = arith.constant 1 : i32
          %add3A_128 = arith.addi %add3A_126, %add3A_127 : i32
          %add3A_129 = arith.constant 1 : i32
          %add3A_130 = arith.addi %mul3A_125, %add3A_129 : i32
          %dma_start3A_131 = arith.constant 0 : i32
          %dma_start3A_132 = tpu.memref_slice %arg14[%add3A_130, %dma_start3A_131] : memref<16x80xi32, #tpu.memory_space<vmem>> -> memref<1x80xi32, #tpu.memory_space<vmem>>
          %dma_start3A_133 = tpu.memref_squeeze %dma_start3A_132 : memref<1x80xi32, #tpu.memory_space<vmem>> -> memref<80xi32, #tpu.memory_space<vmem>>
          %dma_start3A_134 = arith.constant 0 : i32
          %dma_start3A_135 = arith.constant 0 : i32
          %dma_start3A_136 = tpu.memref_slice %arg3[%dma_start3A_134, %dma_start3A_135] : memref<10000x128xf32, #tpu.memory_space<hbm>> -> memref<10000x128xf32, #tpu.memory_space<hbm>>
          tpu.enqueue_indirect_dma source(%dma_start3A_136 : memref<10000x128xf32, #tpu.memory_space<hbm>>) target(%arg19 : memref<80x128xf32, #tpu.memory_space<vmem>>) offsets(%dma_start3A_133 : memref<80xi32, #tpu.memory_space<vmem>>) semaphore(%arg25 : memref<!tpu.dma_semaphore, #tpu.memory_space<semaphore_mem>>)
          %lt3A_137 = arith.constant 250 : i32
          %lt3A_138 = arith.cmpi slt, %add3A_128, %lt3A_137 : i32
          %mul3A_139 = arith.constant 80 : i32
          %mul3A_140 = arith.muli %add3A_128, %mul3A_139 : i32
          %jit3A_141 = arith.constant 0 : i32
          %select_n3A_142 = arith.select %lt3A_138, %mul3A_140, %jit3A_141 : i32
          %add3A_143 = arith.addi %mul3A_11, %select_n3A_142 : i32
          %dma_start3A_144 = arith.constant 0 : i32
          %dma_start3A_145 = tpu.memref_slice %arg6[%add3A_143, %dma_start3A_144] : memref<320000x128xf32, #tpu.memory_space<hbm>> -> memref<80x128xf32, #tpu.memory_space<hbm>>
          %dma_start3A_146 = arith.constant 0 : i32
          %dma_start3A_147 = tpu.memref_slice %arg6[%add3A_143, %dma_start3A_146] : memref<320000x128xf32, #tpu.memory_space<hbm>> -> memref<80x128xf32, #tpu.memory_space<hbm>>
          tpu.enqueue_dma source(%dma_start3A_147 : memref<80x128xf32, #tpu.memory_space<hbm>>) target(%arg21 : memref<80x128xf32, #tpu.memory_space<vmem>>) target_semaphore(%arg25 : memref<!tpu.dma_semaphore, #tpu.memory_space<semaphore_mem>>)
          %add3A_148 = arith.addi %mul3A_53, %mul3A_125 : i32
          %dma_wait3A_149 = arith.constant 0 : i32
          %dma_wait3A_150 = tpu.memref_slice %arg14[%mul3A_125, %dma_wait3A_149] : memref<16x80xi32, #tpu.memory_space<vmem>> -> memref<1x80xi32, #tpu.memory_space<vmem>>
          %dma_wait3A_151 = tpu.memref_squeeze %dma_wait3A_150 : memref<1x80xi32, #tpu.memory_space<vmem>> -> memref<80xi32, #tpu.memory_space<vmem>>
          %dma_wait3A_152 = arith.constant 0 : i32
          %dma_wait3A_153 = arith.constant 0 : i32
          %dma_wait3A_154 = tpu.memref_slice %arg2[%dma_wait3A_152, %dma_wait3A_153] : memref<10000x128xf32, #tpu.memory_space<hbm>> -> memref<10000x128xf32, #tpu.memory_space<hbm>>
          tpu.wait_indirect_dma semaphore(%arg24 : memref<!tpu.dma_semaphore, #tpu.memory_space<semaphore_mem>>) src(%dma_wait3A_154 : memref<10000x128xf32, #tpu.memory_space<hbm>>) dst(%arg18 : memref<80x128xf32, #tpu.memory_space<vmem>>)
          %lt3A_155 = arith.constant 250 : i32
          %lt3A_156 = arith.cmpi slt, %add3A_148, %lt3A_155 : i32
          %mul3A_157 = arith.constant 80 : i32
          %mul3A_158 = arith.muli %add3A_148, %mul3A_157 : i32
          %jit3A_159 = arith.constant 0 : i32
          %select_n3A_160 = arith.select %lt3A_156, %mul3A_158, %jit3A_159 : i32
          %add3A_161 = arith.addi %mul3A_11, %select_n3A_160 : i32
          %dma_wait3A_162 = arith.constant 0 : i32
          %dma_wait3A_163 = tpu.memref_slice %arg6[%add3A_161, %dma_wait3A_162] : memref<320000x128xf32, #tpu.memory_space<hbm>> -> memref<80x128xf32, #tpu.memory_space<hbm>>
          %dma_wait3A_164 = arith.constant 0 : i32
          %dma_wait3A_165 = tpu.memref_slice %arg6[%add3A_161, %dma_wait3A_164] : memref<320000x128xf32, #tpu.memory_space<hbm>> -> memref<80x128xf32, #tpu.memory_space<hbm>>
          tpu.wait_dma2 semaphore(%arg24 : memref<!tpu.dma_semaphore, #tpu.memory_space<semaphore_mem>>) src(%dma_wait3A_165 : memref<80x128xf32, #tpu.memory_space<hbm>>) dst(%arg20 : memref<80x128xf32, #tpu.memory_space<vmem>>)
          %scan3A_166 = arith.constant 0 : i32
          %scan3A_167 = arith.constant 0 : i32
          %scan3A_168 = arith.constant 80 : i32
          %scan3A_169 = arith.addi %scan3A_167, %scan3A_168 : i32
          %scan3A_170 = arith.constant 1 : i32
          scf.for %scan3A_207 = %scan3A_167 to %scan3A_169 step %scan3A_170  : i32 {
            %get3A = arith.index_cast %scan3A_207 : i32 to index
            %get3A_208 = arith.constant 0 : index
            %get3A_209 = tpu.vector_load %arg20[%get3A, %get3A_208] {strides = array<i32>} : memref<80x128xf32, #tpu.memory_space<vmem>>, vector<1x16xf32>,
            %get3A_210 = vector.shape_cast %get3A_209 : vector<1x16xf32> to vector<16xf32>
            %get3A_211 = arith.index_cast %scan3A_207 : i32 to index
            %get3A_212 = arith.constant 0 : index
            %get3A_213 = tpu.vector_load %arg18[%get3A_211, %get3A_212] {strides = array<i32>} : memref<80x128xf32, #tpu.memory_space<vmem>>, vector<1x16xf32>,
            %get3A_214 = vector.shape_cast %get3A_213 : vector<1x16xf32> to vector<16xf32>
            %mul3A_215 = arith.mulf %get3A_210, %get3A_214 : vector<16xf32>
            %swap3A = arith.index_cast %scan3A_207 : i32 to index
            %swap3A_216 = arith.constant 0 : index
            %swap3A_217 = tpu.vector_load %arg20[%swap3A, %swap3A_216] {strides = array<i32>} : memref<80x128xf32, #tpu.memory_space<vmem>>, vector<1x16xf32>,
            %swap3A_218 = vector.shape_cast %swap3A_217 : vector<1x16xf32> to vector<16xf32>
            %swap3A_219 = vector.shape_cast %mul3A_215 : vector<16xf32> to vector<1x16xf32>
            tpu.vector_store %arg20[%swap3A, %swap3A_216], %swap3A_219 {strides = array<i32>} : memref<80x128xf32, #tpu.memory_space<vmem>>, vector<1x16xf32>,
            %get3A_220 = arith.index_cast %scan3A_207 : i32 to index
            %get3A_221 = arith.constant 16 : index
            %get3A_222 = tpu.vector_load %arg20[%get3A_220, %get3A_221] {strides = array<i32>} : memref<80x128xf32, #tpu.memory_space<vmem>>, vector<1x16xf32>,
            %get3A_223 = vector.shape_cast %get3A_222 : vector<1x16xf32> to vector<16xf32>
            %get3A_224 = arith.index_cast %scan3A_207 : i32 to index
            %get3A_225 = arith.constant 16 : index
            %get3A_226 = tpu.vector_load %arg18[%get3A_224, %get3A_225] {strides = array<i32>} : memref<80x128xf32, #tpu.memory_space<vmem>>, vector<1x16xf32>,
            %get3A_227 = vector.shape_cast %get3A_226 : vector<1x16xf32> to vector<16xf32>
            %mul3A_228 = arith.mulf %get3A_223, %get3A_227 : vector<16xf32>
            %swap3A_229 = arith.index_cast %scan3A_207 : i32 to index
            %swap3A_230 = arith.constant 16 : index
            %swap3A_231 = tpu.vector_load %arg20[%swap3A_229, %swap3A_230] {strides = array<i32>} : memref<80x128xf32, #tpu.memory_space<vmem>>, vector<1x16xf32>,
            %swap3A_232 = vector.shape_cast %swap3A_231 : vector<1x16xf32> to vector<16xf32>
            %swap3A_233 = vector.shape_cast %mul3A_228 : vector<16xf32> to vector<1x16xf32>
            tpu.vector_store %arg20[%swap3A_229, %swap3A_230], %swap3A_233 {strides = array<i32>} : memref<80x128xf32, #tpu.memory_space<vmem>>, vector<1x16xf32>,
            %get3A_234 = arith.index_cast %scan3A_207 : i32 to index
            %get3A_235 = arith.constant 32 : index
            %get3A_236 = tpu.vector_load %arg20[%get3A_234, %get3A_235] {strides = array<i32>} : memref<80x128xf32, #tpu.memory_space<vmem>>, vector<1x16xf32>,
            %get3A_237 = vector.shape_cast %get3A_236 : vector<1x16xf32> to vector<16xf32>
            %get3A_238 = arith.index_cast %scan3A_207 : i32 to index
            %get3A_239 = arith.constant 32 : index
            %get3A_240 = tpu.vector_load %arg18[%get3A_238, %get3A_239] {strides = array<i32>} : memref<80x128xf32, #tpu.memory_space<vmem>>, vector<1x16xf32>,
            %get3A_241 = vector.shape_cast %get3A_240 : vector<1x16xf32> to vector<16xf32>
            %mul3A_242 = arith.mulf %get3A_237, %get3A_241 : vector<16xf32>
            %swap3A_243 = arith.index_cast %scan3A_207 : i32 to index
            %swap3A_244 = arith.constant 32 : index
            %swap3A_245 = tpu.vector_load %arg20[%swap3A_243, %swap3A_244] {strides = array<i32>} : memref<80x128xf32, #tpu.memory_space<vmem>>, vector<1x16xf32>,
            %swap3A_246 = vector.shape_cast %swap3A_245 : vector<1x16xf32> to vector<16xf32>
            %swap3A_247 = vector.shape_cast %mul3A_242 : vector<16xf32> to vector<1x16xf32>
            tpu.vector_store %arg20[%swap3A_243, %swap3A_244], %swap3A_247 {strides = array<i32>} : memref<80x128xf32, #tpu.memory_space<vmem>>, vector<1x16xf32>,
            %get3A_248 = arith.index_cast %scan3A_207 : i32 to index
            %get3A_249 = arith.constant 48 : index
            %get3A_250 = tpu.vector_load %arg20[%get3A_248, %get3A_249] {strides = array<i32>} : memref<80x128xf32, #tpu.memory_space<vmem>>, vector<1x16xf32>,
            %get3A_251 = vector.shape_cast %get3A_250 : vector<1x16xf32> to vector<16xf32>
            %get3A_252 = arith.index_cast %scan3A_207 : i32 to index
            %get3A_253 = arith.constant 48 : index
            %get3A_254 = tpu.vector_load %arg18[%get3A_252, %get3A_253] {strides = array<i32>} : memref<80x128xf32, #tpu.memory_space<vmem>>, vector<1x16xf32>,
            %get3A_255 = vector.shape_cast %get3A_254 : vector<1x16xf32> to vector<16xf32>
            %mul3A_256 = arith.mulf %get3A_251, %get3A_255 : vector<16xf32>
            %swap3A_257 = arith.index_cast %scan3A_207 : i32 to index
            %swap3A_258 = arith.constant 48 : index
            %swap3A_259 = tpu.vector_load %arg20[%swap3A_257, %swap3A_258] {strides = array<i32>} : memref<80x128xf32, #tpu.memory_space<vmem>>, vector<1x16xf32>,
            %swap3A_260 = vector.shape_cast %swap3A_259 : vector<1x16xf32> to vector<16xf32>
            %swap3A_261 = vector.shape_cast %mul3A_256 : vector<16xf32> to vector<1x16xf32>
            tpu.vector_store %arg20[%swap3A_257, %swap3A_258], %swap3A_261 {strides = array<i32>} : memref<80x128xf32, #tpu.memory_space<vmem>>, vector<1x16xf32>,
            %get3A_262 = arith.index_cast %scan3A_207 : i32 to index
            %get3A_263 = arith.constant 64 : index
            %get3A_264 = tpu.vector_load %arg20[%get3A_262, %get3A_263] {strides = array<i32>} : memref<80x128xf32, #tpu.memory_space<vmem>>, vector<1x16xf32>,
            %get3A_265 = vector.shape_cast %get3A_264 : vector<1x16xf32> to vector<16xf32>
            %get3A_266 = arith.index_cast %scan3A_207 : i32 to index
            %get3A_267 = arith.constant 64 : index
            %get3A_268 = tpu.vector_load %arg18[%get3A_266, %get3A_267] {strides = array<i32>} : memref<80x128xf32, #tpu.memory_space<vmem>>, vector<1x16xf32>,
            %get3A_269 = vector.shape_cast %get3A_268 : vector<1x16xf32> to vector<16xf32>
            %mul3A_270 = arith.mulf %get3A_265, %get3A_269 : vector<16xf32>
            %swap3A_271 = arith.index_cast %scan3A_207 : i32 to index
            %swap3A_272 = arith.constant 64 : index
            %swap3A_273 = tpu.vector_load %arg20[%swap3A_271, %swap3A_272] {strides = array<i32>} : memref<80x128xf32, #tpu.memory_space<vmem>>, vector<1x16xf32>,
            %swap3A_274 = vector.shape_cast %swap3A_273 : vector<1x16xf32> to vector<16xf32>
            %swap3A_275 = vector.shape_cast %mul3A_270 : vector<16xf32> to vector<1x16xf32>
            tpu.vector_store %arg20[%swap3A_271, %swap3A_272], %swap3A_275 {strides = array<i32>} : memref<80x128xf32, #tpu.memory_space<vmem>>, vector<1x16xf32>,
            %get3A_276 = arith.index_cast %scan3A_207 : i32 to index
            %get3A_277 = arith.constant 80 : index
            %get3A_278 = tpu.vector_load %arg20[%get3A_276, %get3A_277] {strides = array<i32>} : memref<80x128xf32, #tpu.memory_space<vmem>>, vector<1x16xf32>,
            %get3A_279 = vector.shape_cast %get3A_278 : vector<1x16xf32> to vector<16xf32>
            %get3A_280 = arith.index_cast %scan3A_207 : i32 to index
            %get3A_281 = arith.constant 80 : index
            %get3A_282 = tpu.vector_load %arg18[%get3A_280, %get3A_281] {strides = array<i32>} : memref<80x128xf32, #tpu.memory_space<vmem>>, vector<1x16xf32>,
            %get3A_283 = vector.shape_cast %get3A_282 : vector<1x16xf32> to vector<16xf32>
            %mul3A_284 = arith.mulf %get3A_279, %get3A_283 : vector<16xf32>
            %swap3A_285 = arith.index_cast %scan3A_207 : i32 to index
            %swap3A_286 = arith.constant 80 : index
            %swap3A_287 = tpu.vector_load %arg20[%swap3A_285, %swap3A_286] {strides = array<i32>} : memref<80x128xf32, #tpu.memory_space<vmem>>, vector<1x16xf32>,
            %swap3A_288 = vector.shape_cast %swap3A_287 : vector<1x16xf32> to vector<16xf32>
            %swap3A_289 = vector.shape_cast %mul3A_284 : vector<16xf32> to vector<1x16xf32>
            tpu.vector_store %arg20[%swap3A_285, %swap3A_286], %swap3A_289 {strides = array<i32>} : memref<80x128xf32, #tpu.memory_space<vmem>>, vector<1x16xf32>,
            %get3A_290 = arith.index_cast %scan3A_207 : i32 to index
            %get3A_291 = arith.constant 96 : index
            %get3A_292 = tpu.vector_load %arg20[%get3A_290, %get3A_291] {strides = array<i32>} : memref<80x128xf32, #tpu.memory_space<vmem>>, vector<1x16xf32>,
            %get3A_293 = vector.shape_cast %get3A_292 : vector<1x16xf32> to vector<16xf32>
            %get3A_294 = arith.index_cast %scan3A_207 : i32 to index
            %get3A_295 = arith.constant 96 : index
            %get3A_296 = tpu.vector_load %arg18[%get3A_294, %get3A_295] {strides = array<i32>} : memref<80x128xf32, #tpu.memory_space<vmem>>, vector<1x16xf32>,
            %get3A_297 = vector.shape_cast %get3A_296 : vector<1x16xf32> to vector<16xf32>
            %mul3A_298 = arith.mulf %get3A_293, %get3A_297 : vector<16xf32>
            %swap3A_299 = arith.index_cast %scan3A_207 : i32 to index
            %swap3A_300 = arith.constant 96 : index
            %swap3A_301 = tpu.vector_load %arg20[%swap3A_299, %swap3A_300] {strides = array<i32>} : memref<80x128xf32, #tpu.memory_space<vmem>>, vector<1x16xf32>,
            %swap3A_302 = vector.shape_cast %swap3A_301 : vector<1x16xf32> to vector<16xf32>
            %swap3A_303 = vector.shape_cast %mul3A_298 : vector<16xf32> to vector<1x16xf32>
            tpu.vector_store %arg20[%swap3A_299, %swap3A_300], %swap3A_303 {strides = array<i32>} : memref<80x128xf32, #tpu.memory_space<vmem>>, vector<1x16xf32>,
            %get3A_304 = arith.index_cast %scan3A_207 : i32 to index
            %get3A_305 = arith.constant 112 : index
            %get3A_306 = tpu.vector_load %arg20[%get3A_304, %get3A_305] {strides = array<i32>} : memref<80x128xf32, #tpu.memory_space<vmem>>, vector<1x16xf32>,
            %get3A_307 = vector.shape_cast %get3A_306 : vector<1x16xf32> to vector<16xf32>
            %get3A_308 = arith.index_cast %scan3A_207 : i32 to index
            %get3A_309 = arith.constant 112 : index
            %get3A_310 = tpu.vector_load %arg18[%get3A_308, %get3A_309] {strides = array<i32>} : memref<80x128xf32, #tpu.memory_space<vmem>>, vector<1x16xf32>,
            %get3A_311 = vector.shape_cast %get3A_310 : vector<1x16xf32> to vector<16xf32>
            %mul3A_312 = arith.mulf %get3A_307, %get3A_311 : vector<16xf32>
            %swap3A_313 = arith.index_cast %scan3A_207 : i32 to index
            %swap3A_314 = arith.constant 112 : index
            %swap3A_315 = tpu.vector_load %arg20[%swap3A_313, %swap3A_314] {strides = array<i32>} : memref<80x128xf32, #tpu.memory_space<vmem>>, vector<1x16xf32>,
            %swap3A_316 = vector.shape_cast %swap3A_315 : vector<1x16xf32> to vector<16xf32>
            %swap3A_317 = vector.shape_cast %mul3A_312 : vector<16xf32> to vector<1x16xf32>
            tpu.vector_store %arg20[%swap3A_313, %swap3A_314], %swap3A_317 {strides = array<i32>} : memref<80x128xf32, #tpu.memory_space<vmem>>, vector<1x16xf32>,
          }
          %scan3A_171 = arith.constant 80 : i32
          "tpu.region"() ({
            %run_scoped3A = tpu.sem_alloc : memref<!tpu.dma_semaphore, #tpu.memory_space<semaphore_mem>>
            %dma_start3A_207 = arith.constant 0 : i32
            %dma_start3A_208 = tpu.memref_slice %arg15[%mul3A_125, %dma_start3A_207] : memref<16x80xi32, #tpu.memory_space<vmem>> -> memref<1x80xi32, #tpu.memory_space<vmem>>
            %dma_start3A_209 = tpu.memref_squeeze %dma_start3A_208 : memref<1x80xi32, #tpu.memory_space<vmem>> -> memref<80xi32, #tpu.memory_space<vmem>>
            %dma_start3A_210 = arith.constant 0 : i32
            %dma_start3A_211 = arith.constant 0 : i32
            %dma_start3A_212 = tpu.memref_slice %arg13[%dma_start3A_210, %dma_start3A_211] : memref<10112x128xf32, #tpu.memory_space<vmem_shared>> -> memref<10112x128xf32, #tpu.memory_space<vmem_shared>>
            tpu.enqueue_indirect_dma source(%arg20 : memref<80x128xf32, #tpu.memory_space<vmem>>) target(%dma_start3A_212 : memref<10112x128xf32, #tpu.memory_space<vmem_shared>>) offsets(%dma_start3A_209 : memref<80xi32, #tpu.memory_space<vmem>>) semaphore(%run_scoped3A : memref<!tpu.dma_semaphore, #tpu.memory_space<semaphore_mem>>) {add = true}
            %dma_wait3A_213 = arith.constant 0 : i32
            %dma_wait3A_214 = tpu.memref_slice %arg15[%mul3A_125, %dma_wait3A_213] : memref<16x80xi32, #tpu.memory_space<vmem>> -> memref<1x80xi32, #tpu.memory_space<vmem>>
            %dma_wait3A_215 = tpu.memref_squeeze %dma_wait3A_214 : memref<1x80xi32, #tpu.memory_space<vmem>> -> memref<80xi32, #tpu.memory_space<vmem>>
            %dma_wait3A_216 = arith.constant 0 : i32
            %dma_wait3A_217 = arith.constant 0 : i32
            %dma_wait3A_218 = tpu.memref_slice %arg13[%dma_wait3A_216, %dma_wait3A_217] : memref<10112x128xf32, #tpu.memory_space<vmem_shared>> -> memref<10112x128xf32, #tpu.memory_space<vmem_shared>>
            tpu.wait_indirect_dma semaphore(%run_scoped3A : memref<!tpu.dma_semaphore, #tpu.memory_space<semaphore_mem>>) src(%arg20 : memref<80x128xf32, #tpu.memory_space<vmem>>) dst(%dma_wait3A_218 : memref<10112x128xf32, #tpu.memory_space<vmem_shared>>)
            tpu.yield
          }) : () -> ()
          %add3A_172 = arith.constant 2 : i32
          %add3A_173 = arith.addi %mul3A_125, %add3A_172 : i32
          %lt3A_174 = arith.constant 16 : i32
          %lt3A_175 = arith.cmpi slt, %add3A_173, %lt3A_174 : i32
          %convert_element_type3A_176 = arith.extui %lt3A_175 : i1 to i32
          %cond3A_177 = arith.constant 0 : i32
          %cond3A_178 = arith.cmpi ne, %convert_element_type3A_176, %cond3A_177 : i32
          scf.if %cond3A_178 {
            %add3A_207 = arith.addi %mul3A_53, %mul3A_125 : i32
            %add3A_208 = arith.constant 2 : i32
            %add3A_209 = arith.addi %add3A_207, %add3A_208 : i32
            %add3A_210 = arith.constant 2 : i32
            %add3A_211 = arith.addi %mul3A_125, %add3A_210 : i32
            %dma_start3A_212 = arith.constant 0 : i32
            %dma_start3A_213 = tpu.memref_slice %arg14[%add3A_211, %dma_start3A_212] : memref<16x80xi32, #tpu.memory_space<vmem>> -> memref<1x80xi32, #tpu.memory_space<vmem>>
            %dma_start3A_214 = tpu.memref_squeeze %dma_start3A_213 : memref<1x80xi32, #tpu.memory_space<vmem>> -> memref<80xi32, #tpu.memory_space<vmem>>
            %dma_start3A_215 = arith.constant 0 : i32
            %dma_start3A_216 = arith.constant 0 : i32
            %dma_start3A_217 = tpu.memref_slice %arg2[%dma_start3A_215, %dma_start3A_216] : memref<10000x128xf32, #tpu.memory_space<hbm>> -> memref<10000x128xf32, #tpu.memory_space<hbm>>
            tpu.enqueue_indirect_dma source(%dma_start3A_217 : memref<10000x128xf32, #tpu.memory_space<hbm>>) target(%arg18 : memref<80x128xf32, #tpu.memory_space<vmem>>) offsets(%dma_start3A_214 : memref<80xi32, #tpu.memory_space<vmem>>) semaphore(%arg24 : memref<!tpu.dma_semaphore, #tpu.memory_space<semaphore_mem>>)
            %lt3A_218 = arith.constant 250 : i32
            %lt3A_219 = arith.cmpi slt, %add3A_209, %lt3A_218 : i32
            %mul3A_220 = arith.constant 80 : i32
            %mul3A_221 = arith.muli %add3A_209, %mul3A_220 : i32
            %jit3A_222 = arith.constant 0 : i32
            %select_n3A_223 = arith.select %lt3A_219, %mul3A_221, %jit3A_222 : i32
            %add3A_224 = arith.addi %mul3A_11, %select_n3A_223 : i32
            %dma_start3A_225 = arith.constant 0 : i32
            %dma_start3A_226 = tpu.memref_slice %arg6[%add3A_224, %dma_start3A_225] : memref<320000x128xf32, #tpu.memory_space<hbm>> -> memref<80x128xf32, #tpu.memory_space<hbm>>
            %dma_start3A_227 = arith.constant 0 : i32
            %dma_start3A_228 = tpu.memref_slice %arg6[%add3A_224, %dma_start3A_227] : memref<320000x128xf32, #tpu.memory_space<hbm>> -> memref<80x128xf32, #tpu.memory_space<hbm>>
            tpu.enqueue_dma source(%dma_start3A_228 : memref<80x128xf32, #tpu.memory_space<hbm>>) target(%arg20 : memref<80x128xf32, #tpu.memory_space<vmem>>) target_semaphore(%arg24 : memref<!tpu.dma_semaphore, #tpu.memory_space<semaphore_mem>>)
          } else {
          }
          %add3A_179 = arith.addi %mul3A_53, %mul3A_125 : i32
          %add3A_180 = arith.constant 1 : i32
          %add3A_181 = arith.addi %add3A_179, %add3A_180 : i32
          %add3A_182 = arith.constant 1 : i32
          %add3A_183 = arith.addi %mul3A_125, %add3A_182 : i32
          %dma_wait3A_184 = arith.constant 0 : i32
          %dma_wait3A_185 = tpu.memref_slice %arg14[%add3A_183, %dma_wait3A_184] : memref<16x80xi32, #tpu.memory_space<vmem>> -> memref<1x80xi32, #tpu.memory_space<vmem>>
          %dma_wait3A_186 = tpu.memref_squeeze %dma_wait3A_185 : memref<1x80xi32, #tpu.memory_space<vmem>> -> memref<80xi32, #tpu.memory_space<vmem>>
          %dma_wait3A_187 = arith.constant 0 : i32
          %dma_wait3A_188 = arith.constant 0 : i32
          %dma_wait3A_189 = tpu.memref_slice %arg3[%dma_wait3A_187, %dma_wait3A_188] : memref<10000x128xf32, #tpu.memory_space<hbm>> -> memref<10000x128xf32, #tpu.memory_space<hbm>>
          tpu.wait_indirect_dma semaphore(%arg25 : memref<!tpu.dma_semaphore, #tpu.memory_space<semaphore_mem>>) src(%dma_wait3A_189 : memref<10000x128xf32, #tpu.memory_space<hbm>>) dst(%arg19 : memref<80x128xf32, #tpu.memory_space<vmem>>)
          %lt3A_190 = arith.constant 250 : i32
          %lt3A_191 = arith.cmpi slt, %add3A_181, %lt3A_190 : i32
          %mul3A_192 = arith.constant 80 : i32
          %mul3A_193 = arith.muli %add3A_181, %mul3A_192 : i32
          %jit3A_194 = arith.constant 0 : i32
          %select_n3A_195 = arith.select %lt3A_191, %mul3A_193, %jit3A_194 : i32
          %add3A_196 = arith.addi %mul3A_11, %select_n3A_195 : i32
          %dma_wait3A_197 = arith.constant 0 : i32
          %dma_wait3A_198 = tpu.memref_slice %arg6[%add3A_196, %dma_wait3A_197] : memref<320000x128xf32, #tpu.memory_space<hbm>> -> memref<80x128xf32, #tpu.memory_space<hbm>>
          %dma_wait3A_199 = arith.constant 0 : i32
          %dma_wait3A_200 = tpu.memref_slice %arg6[%add3A_196, %dma_wait3A_199] : memref<320000x128xf32, #tpu.memory_space<hbm>> -> memref<80x128xf32, #tpu.memory_space<hbm>>
          tpu.wait_dma2 semaphore(%arg25 : memref<!tpu.dma_semaphore, #tpu.memory_space<semaphore_mem>>) src(%dma_wait3A_200 : memref<80x128xf32, #tpu.memory_space<hbm>>) dst(%arg21 : memref<80x128xf32, #tpu.memory_space<vmem>>)
          %scan3A_201 = arith.constant 0 : i32
          %scan3A_202 = arith.constant 0 : i32
          %scan3A_203 = arith.constant 80 : i32
          %scan3A_204 = arith.addi %scan3A_202, %scan3A_203 : i32
          %scan3A_205 = arith.constant 1 : i32
          scf.for %scan3A_207 = %scan3A_202 to %scan3A_204 step %scan3A_205  : i32 {
            %get3A = arith.index_cast %scan3A_207 : i32 to index
            %get3A_208 = arith.constant 0 : index
            %get3A_209 = tpu.vector_load %arg21[%get3A, %get3A_208] {strides = array<i32>} : memref<80x128xf32, #tpu.memory_space<vmem>>, vector<1x16xf32>,
            %get3A_210 = vector.shape_cast %get3A_209 : vector<1x16xf32> to vector<16xf32>
            %get3A_211 = arith.index_cast %scan3A_207 : i32 to index
            %get3A_212 = arith.constant 0 : index
            %get3A_213 = tpu.vector_load %arg19[%get3A_211, %get3A_212] {strides = array<i32>} : memref<80x128xf32, #tpu.memory_space<vmem>>, vector<1x16xf32>,
            %get3A_214 = vector.shape_cast %get3A_213 : vector<1x16xf32> to vector<16xf32>
            %mul3A_215 = arith.mulf %get3A_210, %get3A_214 : vector<16xf32>
            %swap3A = arith.index_cast %scan3A_207 : i32 to index
            %swap3A_216 = arith.constant 0 : index
            %swap3A_217 = tpu.vector_load %arg21[%swap3A, %swap3A_216] {strides = array<i32>} : memref<80x128xf32, #tpu.memory_space<vmem>>, vector<1x16xf32>,
            %swap3A_218 = vector.shape_cast %swap3A_217 : vector<1x16xf32> to vector<16xf32>
            %swap3A_219 = vector.shape_cast %mul3A_215 : vector<16xf32> to vector<1x16xf32>
            tpu.vector_store %arg21[%swap3A, %swap3A_216], %swap3A_219 {strides = array<i32>} : memref<80x128xf32, #tpu.memory_space<vmem>>, vector<1x16xf32>,
            %get3A_220 = arith.index_cast %scan3A_207 : i32 to index
            %get3A_221 = arith.constant 16 : index
            %get3A_222 = tpu.vector_load %arg21[%get3A_220, %get3A_221] {strides = array<i32>} : memref<80x128xf32, #tpu.memory_space<vmem>>, vector<1x16xf32>,
            %get3A_223 = vector.shape_cast %get3A_222 : vector<1x16xf32> to vector<16xf32>
            %get3A_224 = arith.index_cast %scan3A_207 : i32 to index
            %get3A_225 = arith.constant 16 : index
            %get3A_226 = tpu.vector_load %arg19[%get3A_224, %get3A_225] {strides = array<i32>} : memref<80x128xf32, #tpu.memory_space<vmem>>, vector<1x16xf32>,
            %get3A_227 = vector.shape_cast %get3A_226 : vector<1x16xf32> to vector<16xf32>
            %mul3A_228 = arith.mulf %get3A_223, %get3A_227 : vector<16xf32>
            %swap3A_229 = arith.index_cast %scan3A_207 : i32 to index
            %swap3A_230 = arith.constant 16 : index
            %swap3A_231 = tpu.vector_load %arg21[%swap3A_229, %swap3A_230] {strides = array<i32>} : memref<80x128xf32, #tpu.memory_space<vmem>>, vector<1x16xf32>,
            %swap3A_232 = vector.shape_cast %swap3A_231 : vector<1x16xf32> to vector<16xf32>
            %swap3A_233 = vector.shape_cast %mul3A_228 : vector<16xf32> to vector<1x16xf32>
            tpu.vector_store %arg21[%swap3A_229, %swap3A_230], %swap3A_233 {strides = array<i32>} : memref<80x128xf32, #tpu.memory_space<vmem>>, vector<1x16xf32>,
            %get3A_234 = arith.index_cast %scan3A_207 : i32 to index
            %get3A_235 = arith.constant 32 : index
            %get3A_236 = tpu.vector_load %arg21[%get3A_234, %get3A_235] {strides = array<i32>} : memref<80x128xf32, #tpu.memory_space<vmem>>, vector<1x16xf32>,
            %get3A_237 = vector.shape_cast %get3A_236 : vector<1x16xf32> to vector<16xf32>
            %get3A_238 = arith.index_cast %scan3A_207 : i32 to index
            %get3A_239 = arith.constant 32 : index
            %get3A_240 = tpu.vector_load %arg19[%get3A_238, %get3A_239] {strides = array<i32>} : memref<80x128xf32, #tpu.memory_space<vmem>>, vector<1x16xf32>,
            %get3A_241 = vector.shape_cast %get3A_240 : vector<1x16xf32> to vector<16xf32>
            %mul3A_242 = arith.mulf %get3A_237, %get3A_241 : vector<16xf32>
            %swap3A_243 = arith.index_cast %scan3A_207 : i32 to index
            %swap3A_244 = arith.constant 32 : index
            %swap3A_245 = tpu.vector_load %arg21[%swap3A_243, %swap3A_244] {strides = array<i32>} : memref<80x128xf32, #tpu.memory_space<vmem>>, vector<1x16xf32>,
            %swap3A_246 = vector.shape_cast %swap3A_245 : vector<1x16xf32> to vector<16xf32>
            %swap3A_247 = vector.shape_cast %mul3A_242 : vector<16xf32> to vector<1x16xf32>
            tpu.vector_store %arg21[%swap3A_243, %swap3A_244], %swap3A_247 {strides = array<i32>} : memref<80x128xf32, #tpu.memory_space<vmem>>, vector<1x16xf32>,
            %get3A_248 = arith.index_cast %scan3A_207 : i32 to index
            %get3A_249 = arith.constant 48 : index
            %get3A_250 = tpu.vector_load %arg21[%get3A_248, %get3A_249] {strides = array<i32>} : memref<80x128xf32, #tpu.memory_space<vmem>>, vector<1x16xf32>,
            %get3A_251 = vector.shape_cast %get3A_250 : vector<1x16xf32> to vector<16xf32>
            %get3A_252 = arith.index_cast %scan3A_207 : i32 to index
            %get3A_253 = arith.constant 48 : index
            %get3A_254 = tpu.vector_load %arg19[%get3A_252, %get3A_253] {strides = array<i32>} : memref<80x128xf32, #tpu.memory_space<vmem>>, vector<1x16xf32>,
            %get3A_255 = vector.shape_cast %get3A_254 : vector<1x16xf32> to vector<16xf32>
            %mul3A_256 = arith.mulf %get3A_251, %get3A_255 : vector<16xf32>
            %swap3A_257 = arith.index_cast %scan3A_207 : i32 to index
            %swap3A_258 = arith.constant 48 : index
            %swap3A_259 = tpu.vector_load %arg21[%swap3A_257, %swap3A_258] {strides = array<i32>} : memref<80x128xf32, #tpu.memory_space<vmem>>, vector<1x16xf32>,
            %swap3A_260 = vector.shape_cast %swap3A_259 : vector<1x16xf32> to vector<16xf32>
            %swap3A_261 = vector.shape_cast %mul3A_256 : vector<16xf32> to vector<1x16xf32>
            tpu.vector_store %arg21[%swap3A_257, %swap3A_258], %swap3A_261 {strides = array<i32>} : memref<80x128xf32, #tpu.memory_space<vmem>>, vector<1x16xf32>,
            %get3A_262 = arith.index_cast %scan3A_207 : i32 to index
            %get3A_263 = arith.constant 64 : index
            %get3A_264 = tpu.vector_load %arg21[%get3A_262, %get3A_263] {strides = array<i32>} : memref<80x128xf32, #tpu.memory_space<vmem>>, vector<1x16xf32>,
            %get3A_265 = vector.shape_cast %get3A_264 : vector<1x16xf32> to vector<16xf32>
            %get3A_266 = arith.index_cast %scan3A_207 : i32 to index
            %get3A_267 = arith.constant 64 : index
            %get3A_268 = tpu.vector_load %arg19[%get3A_266, %get3A_267] {strides = array<i32>} : memref<80x128xf32, #tpu.memory_space<vmem>>, vector<1x16xf32>,
            %get3A_269 = vector.shape_cast %get3A_268 : vector<1x16xf32> to vector<16xf32>
            %mul3A_270 = arith.mulf %get3A_265, %get3A_269 : vector<16xf32>
            %swap3A_271 = arith.index_cast %scan3A_207 : i32 to index
            %swap3A_272 = arith.constant 64 : index
            %swap3A_273 = tpu.vector_load %arg21[%swap3A_271, %swap3A_272] {strides = array<i32>} : memref<80x128xf32, #tpu.memory_space<vmem>>, vector<1x16xf32>,
            %swap3A_274 = vector.shape_cast %swap3A_273 : vector<1x16xf32> to vector<16xf32>
            %swap3A_275 = vector.shape_cast %mul3A_270 : vector<16xf32> to vector<1x16xf32>
            tpu.vector_store %arg21[%swap3A_271, %swap3A_272], %swap3A_275 {strides = array<i32>} : memref<80x128xf32, #tpu.memory_space<vmem>>, vector<1x16xf32>,
            %get3A_276 = arith.index_cast %scan3A_207 : i32 to index
            %get3A_277 = arith.constant 80 : index
            %get3A_278 = tpu.vector_load %arg21[%get3A_276, %get3A_277] {strides = array<i32>} : memref<80x128xf32, #tpu.memory_space<vmem>>, vector<1x16xf32>,
            %get3A_279 = vector.shape_cast %get3A_278 : vector<1x16xf32> to vector<16xf32>
            %get3A_280 = arith.index_cast %scan3A_207 : i32 to index
            %get3A_281 = arith.constant 80 : index
            %get3A_282 = tpu.vector_load %arg19[%get3A_280, %get3A_281] {strides = array<i32>} : memref<80x128xf32, #tpu.memory_space<vmem>>, vector<1x16xf32>,
            %get3A_283 = vector.shape_cast %get3A_282 : vector<1x16xf32> to vector<16xf32>
            %mul3A_284 = arith.mulf %get3A_279, %get3A_283 : vector<16xf32>
            %swap3A_285 = arith.index_cast %scan3A_207 : i32 to index
            %swap3A_286 = arith.constant 80 : index
            %swap3A_287 = tpu.vector_load %arg21[%swap3A_285, %swap3A_286] {strides = array<i32>} : memref<80x128xf32, #tpu.memory_space<vmem>>, vector<1x16xf32>,
            %swap3A_288 = vector.shape_cast %swap3A_287 : vector<1x16xf32> to vector<16xf32>
            %swap3A_289 = vector.shape_cast %mul3A_284 : vector<16xf32> to vector<1x16xf32>
            tpu.vector_store %arg21[%swap3A_285, %swap3A_286], %swap3A_289 {strides = array<i32>} : memref<80x128xf32, #tpu.memory_space<vmem>>, vector<1x16xf32>,
            %get3A_290 = arith.index_cast %scan3A_207 : i32 to index
            %get3A_291 = arith.constant 96 : index
            %get3A_292 = tpu.vector_load %arg21[%get3A_290, %get3A_291] {strides = array<i32>} : memref<80x128xf32, #tpu.memory_space<vmem>>, vector<1x16xf32>,
            %get3A_293 = vector.shape_cast %get3A_292 : vector<1x16xf32> to vector<16xf32>
            %get3A_294 = arith.index_cast %scan3A_207 : i32 to index
            %get3A_295 = arith.constant 96 : index
            %get3A_296 = tpu.vector_load %arg19[%get3A_294, %get3A_295] {strides = array<i32>} : memref<80x128xf32, #tpu.memory_space<vmem>>, vector<1x16xf32>,
            %get3A_297 = vector.shape_cast %get3A_296 : vector<1x16xf32> to vector<16xf32>
            %mul3A_298 = arith.mulf %get3A_293, %get3A_297 : vector<16xf32>
            %swap3A_299 = arith.index_cast %scan3A_207 : i32 to index
            %swap3A_300 = arith.constant 96 : index
            %swap3A_301 = tpu.vector_load %arg21[%swap3A_299, %swap3A_300] {strides = array<i32>} : memref<80x128xf32, #tpu.memory_space<vmem>>, vector<1x16xf32>,
            %swap3A_302 = vector.shape_cast %swap3A_301 : vector<1x16xf32> to vector<16xf32>
            %swap3A_303 = vector.shape_cast %mul3A_298 : vector<16xf32> to vector<1x16xf32>
            tpu.vector_store %arg21[%swap3A_299, %swap3A_300], %swap3A_303 {strides = array<i32>} : memref<80x128xf32, #tpu.memory_space<vmem>>, vector<1x16xf32>,
            %get3A_304 = arith.index_cast %scan3A_207 : i32 to index
            %get3A_305 = arith.constant 112 : index
            %get3A_306 = tpu.vector_load %arg21[%get3A_304, %get3A_305] {strides = array<i32>} : memref<80x128xf32, #tpu.memory_space<vmem>>, vector<1x16xf32>,
            %get3A_307 = vector.shape_cast %get3A_306 : vector<1x16xf32> to vector<16xf32>
            %get3A_308 = arith.index_cast %scan3A_207 : i32 to index
            %get3A_309 = arith.constant 112 : index
            %get3A_310 = tpu.vector_load %arg19[%get3A_308, %get3A_309] {strides = array<i32>} : memref<80x128xf32, #tpu.memory_space<vmem>>, vector<1x16xf32>,
            %get3A_311 = vector.shape_cast %get3A_310 : vector<1x16xf32> to vector<16xf32>
            %mul3A_312 = arith.mulf %get3A_307, %get3A_311 : vector<16xf32>
            %swap3A_313 = arith.index_cast %scan3A_207 : i32 to index
            %swap3A_314 = arith.constant 112 : index
            %swap3A_315 = tpu.vector_load %arg21[%swap3A_313, %swap3A_314] {strides = array<i32>} : memref<80x128xf32, #tpu.memory_space<vmem>>, vector<1x16xf32>,
            %swap3A_316 = vector.shape_cast %swap3A_315 : vector<1x16xf32> to vector<16xf32>
            %swap3A_317 = vector.shape_cast %mul3A_312 : vector<16xf32> to vector<1x16xf32>
            tpu.vector_store %arg21[%swap3A_313, %swap3A_314], %swap3A_317 {strides = array<i32>} : memref<80x128xf32, #tpu.memory_space<vmem>>, vector<1x16xf32>,
          }
          %scan3A_206 = arith.constant 80 : i32
          "tpu.region"() ({
            %run_scoped3A = tpu.sem_alloc : memref<!tpu.dma_semaphore, #tpu.memory_space<semaphore_mem>>
            %dma_start3A_207 = arith.constant 0 : i32
            %dma_start3A_208 = tpu.memref_slice %arg15[%add3A_183, %dma_start3A_207] : memref<16x80xi32, #tpu.memory_space<vmem>> -> memref<1x80xi32, #tpu.memory_space<vmem>>
            %dma_start3A_209 = tpu.memref_squeeze %dma_start3A_208 : memref<1x80xi32, #tpu.memory_space<vmem>> -> memref<80xi32, #tpu.memory_space<vmem>>
            %dma_start3A_210 = arith.constant 0 : i32
            %dma_start3A_211 = arith.constant 0 : i32
            %dma_start3A_212 = tpu.memref_slice %arg13[%dma_start3A_210, %dma_start3A_211] : memref<10112x128xf32, #tpu.memory_space<vmem_shared>> -> memref<10112x128xf32, #tpu.memory_space<vmem_shared>>
            tpu.enqueue_indirect_dma source(%arg21 : memref<80x128xf32, #tpu.memory_space<vmem>>) target(%dma_start3A_212 : memref<10112x128xf32, #tpu.memory_space<vmem_shared>>) offsets(%dma_start3A_209 : memref<80xi32, #tpu.memory_space<vmem>>) semaphore(%run_scoped3A : memref<!tpu.dma_semaphore, #tpu.memory_space<semaphore_mem>>) {add = true}
            %dma_wait3A_213 = arith.constant 0 : i32
            %dma_wait3A_214 = tpu.memref_slice %arg15[%add3A_183, %dma_wait3A_213] : memref<16x80xi32, #tpu.memory_space<vmem>> -> memref<1x80xi32, #tpu.memory_space<vmem>>
            %dma_wait3A_215 = tpu.memref_squeeze %dma_wait3A_214 : memref<1x80xi32, #tpu.memory_space<vmem>> -> memref<80xi32, #tpu.memory_space<vmem>>
            %dma_wait3A_216 = arith.constant 0 : i32
            %dma_wait3A_217 = arith.constant 0 : i32
            %dma_wait3A_218 = tpu.memref_slice %arg13[%dma_wait3A_216, %dma_wait3A_217] : memref<10112x128xf32, #tpu.memory_space<vmem_shared>> -> memref<10112x128xf32, #tpu.memory_space<vmem_shared>>
            tpu.wait_indirect_dma semaphore(%run_scoped3A : memref<!tpu.dma_semaphore, #tpu.memory_space<semaphore_mem>>) src(%arg21 : memref<80x128xf32, #tpu.memory_space<vmem>>) dst(%dma_wait3A_218 : memref<10112x128xf32, #tpu.memory_space<vmem_shared>>)
            tpu.yield
          }) : () -> ()
        }
        %scan3A_74 = arith.constant 8 : i32
        %add3A_75 = arith.constant 1 : i32
        %add3A_76 = arith.addi %mul3A_28, %add3A_75 : i32
        %mul3A_77 = arith.constant 16 : i32
        %mul3A_78 = arith.muli %add3A_76, %mul3A_77 : i32
        %add3A_79 = arith.addi %mul3A_9, %mul3A_78 : i32
        %dma_wait3A_80 = arith.constant 0 : i32
        %dma_wait3A_81 = tpu.memref_slice %arg4[%add3A_79, %dma_wait3A_80] : memref<4096x80xi32, #tpu.memory_space<hbm>> -> memref<16x80xi32, #tpu.memory_space<hbm>>
        %dma_wait3A_82 = arith.constant 0 : i32
        %dma_wait3A_83 = tpu.memref_slice %arg4[%add3A_79, %dma_wait3A_82] : memref<4096x80xi32, #tpu.memory_space<hbm>> -> memref<16x80xi32, #tpu.memory_space<hbm>>
        tpu.wait_dma2 semaphore(%arg23 : memref<!tpu.dma_semaphore, #tpu.memory_space<semaphore_mem>>) src(%dma_wait3A_83 : memref<16x80xi32, #tpu.memory_space<hbm>>) dst(%arg16 : memref<16x80xi32, #tpu.memory_space<vmem>>)
        %dma_wait3A_84 = arith.constant 0 : i32
        %dma_wait3A_85 = tpu.memref_slice %arg5[%add3A_79, %dma_wait3A_84] : memref<4096x80xi32, #tpu.memory_space<hbm>> -> memref<16x80xi32, #tpu.memory_space<hbm>>
        %dma_wait3A_86 = arith.constant 0 : i32
        %dma_wait3A_87 = tpu.memref_slice %arg5[%add3A_79, %dma_wait3A_86] : memref<4096x80xi32, #tpu.memory_space<hbm>> -> memref<16x80xi32, #tpu.memory_space<hbm>>
        tpu.wait_dma2 semaphore(%arg23 : memref<!tpu.dma_semaphore, #tpu.memory_space<semaphore_mem>>) src(%dma_wait3A_87 : memref<16x80xi32, #tpu.memory_space<hbm>>) dst(%arg17 : memref<16x80xi32, #tpu.memory_space<vmem>>)
        %add3A_88 = arith.constant 2 : i32
        %add3A_89 = arith.addi %mul3A_28, %add3A_88 : i32
        %lt3A_90 = arith.constant 16 : i32
        %lt3A_91 = arith.cmpi slt, %add3A_89, %lt3A_90 : i32
        %convert_element_type3A_92 = arith.extui %lt3A_91 : i1 to i32
        %cond3A_93 = arith.constant 0 : i32
        %cond3A_94 = arith.cmpi ne, %convert_element_type3A_92, %cond3A_93 : i32
        scf.if %cond3A_94 {
          %add3A_123 = arith.constant 2 : i32
          %add3A_124 = arith.addi %mul3A_28, %add3A_123 : i32
          %mul3A_125 = arith.constant 16 : i32
          %mul3A_126 = arith.muli %add3A_124, %mul3A_125 : i32
          %add3A_127 = arith.addi %mul3A_9, %mul3A_126 : i32
          %dma_start3A_128 = arith.constant 0 : i32
          %dma_start3A_129 = tpu.memref_slice %arg4[%add3A_127, %dma_start3A_128] : memref<4096x80xi32, #tpu.memory_space<hbm>> -> memref<16x80xi32, #tpu.memory_space<hbm>>
          %dma_start3A_130 = arith.constant 0 : i32
          %dma_start3A_131 = tpu.memref_slice %arg4[%add3A_127, %dma_start3A_130] : memref<4096x80xi32, #tpu.memory_space<hbm>> -> memref<16x80xi32, #tpu.memory_space<hbm>>
          tpu.enqueue_dma source(%dma_start3A_131 : memref<16x80xi32, #tpu.memory_space<hbm>>) target(%arg14 : memref<16x80xi32, #tpu.memory_space<vmem>>) target_semaphore(%arg22 : memref<!tpu.dma_semaphore, #tpu.memory_space<semaphore_mem>>)
          %dma_start3A_132 = arith.constant 0 : i32
          %dma_start3A_133 = tpu.memref_slice %arg5[%add3A_127, %dma_start3A_132] : memref<4096x80xi32, #tpu.memory_space<hbm>> -> memref<16x80xi32, #tpu.memory_space<hbm>>
          %dma_start3A_134 = arith.constant 0 : i32
          %dma_start3A_135 = tpu.memref_slice %arg5[%add3A_127, %dma_start3A_134] : memref<4096x80xi32, #tpu.memory_space<hbm>> -> memref<16x80xi32, #tpu.memory_space<hbm>>
          tpu.enqueue_dma source(%dma_start3A_135 : memref<16x80xi32, #tpu.memory_space<hbm>>) target(%arg15 : memref<16x80xi32, #tpu.memory_space<vmem>>) target_semaphore(%arg22 : memref<!tpu.dma_semaphore, #tpu.memory_space<semaphore_mem>>)
        } else {
        }
        %add3A_95 = arith.constant 1 : i32
        %add3A_96 = arith.addi %mul3A_28, %add3A_95 : i32
        %mul3A_97 = arith.constant 16 : i32
        %mul3A_98 = arith.muli %add3A_96, %mul3A_97 : i32
        %dma_start3A_99 = arith.constant 0 : i32
        %dma_start3A_100 = arith.constant 0 : i32
        %dma_start3A_101 = tpu.memref_slice %arg16[%dma_start3A_99, %dma_start3A_100] : memref<16x80xi32, #tpu.memory_space<vmem>> -> memref<1x80xi32, #tpu.memory_space<vmem>>
        %dma_start3A_102 = tpu.memref_squeeze %dma_start3A_101 : memref<1x80xi32, #tpu.memory_space<vmem>> -> memref<80xi32, #tpu.memory_space<vmem>>
        %dma_start3A_103 = arith.constant 0 : i32
        %dma_start3A_104 = arith.constant 0 : i32
        %dma_start3A_105 = tpu.memref_slice %arg2[%dma_start3A_103, %dma_start3A_104] : memref<10000x128xf32, #tpu.memory_space<hbm>> -> memref<10000x128xf32, #tpu.memory_space<hbm>>
        tpu.enqueue_indirect_dma source(%dma_start3A_105 : memref<10000x128xf32, #tpu.memory_space<hbm>>) target(%arg18 : memref<80x128xf32, #tpu.memory_space<vmem>>) offsets(%dma_start3A_102 : memref<80xi32, #tpu.memory_space<vmem>>) semaphore(%arg24 : memref<!tpu.dma_semaphore, #tpu.memory_space<semaphore_mem>>)
        %lt3A_106 = arith.constant 250 : i32
        %lt3A_107 = arith.cmpi slt, %mul3A_98, %lt3A_106 : i32
        %mul3A_108 = arith.constant 80 : i32
        %mul3A_109 = arith.muli %mul3A_98, %mul3A_108 : i32
        %jit3A_110 = arith.constant 0 : i32
        %select_n3A_111 = arith.select %lt3A_107, %mul3A_109, %jit3A_110 : i32
        %add3A_112 = arith.addi %mul3A_11, %select_n3A_111 : i32
        %dma_start3A_113 = arith.constant 0 : i32
        %dma_start3A_114 = tpu.memref_slice %arg6[%add3A_112, %dma_start3A_113] : memref<320000x128xf32, #tpu.memory_space<hbm>> -> memref<80x128xf32, #tpu.memory_space<hbm>>
        %dma_start3A_115 = arith.constant 0 : i32
        %dma_start3A_116 = tpu.memref_slice %arg6[%add3A_112, %dma_start3A_115] : memref<320000x128xf32, #tpu.memory_space<hbm>> -> memref<80x128xf32, #tpu.memory_space<hbm>>
        tpu.enqueue_dma source(%dma_start3A_116 : memref<80x128xf32, #tpu.memory_space<hbm>>) target(%arg20 : memref<80x128xf32, #tpu.memory_space<vmem>>) target_semaphore(%arg24 : memref<!tpu.dma_semaphore, #tpu.memory_space<semaphore_mem>>)
        %scan3A_117 = arith.constant 0 : i32
        %scan3A_118 = arith.constant 0 : i32
        %scan3A_119 = arith.constant 8 : i32
        %scan3A_120 = arith.addi %scan3A_118, %scan3A_119 : i32
        %scan3A_121 = arith.constant 1 : i32
        scf.for %scan3A_123 = %scan3A_118 to %scan3A_120 step %scan3A_121  : i32 {
          %mul3A_124 = arith.constant 2 : i32
          %mul3A_125 = arith.muli %mul3A_124, %scan3A_123 : i32
          %add3A_126 = arith.addi %mul3A_98, %mul3A_125 : i32
          %add3A_127 = arith.constant 1 : i32
          %add3A_128 = arith.addi %add3A_126, %add3A_127 : i32
          %add3A_129 = arith.constant 1 : i32
          %add3A_130 = arith.addi %mul3A_125, %add3A_129 : i32
          %dma_start3A_131 = arith.constant 0 : i32
          %dma_start3A_132 = tpu.memref_slice %arg16[%add3A_130, %dma_start3A_131] : memref<16x80xi32, #tpu.memory_space<vmem>> -> memref<1x80xi32, #tpu.memory_space<vmem>>
          %dma_start3A_133 = tpu.memref_squeeze %dma_start3A_132 : memref<1x80xi32, #tpu.memory_space<vmem>> -> memref<80xi32, #tpu.memory_space<vmem>>
          %dma_start3A_134 = arith.constant 0 : i32
          %dma_start3A_135 = arith.constant 0 : i32
          %dma_start3A_136 = tpu.memref_slice %arg3[%dma_start3A_134, %dma_start3A_135] : memref<10000x128xf32, #tpu.memory_space<hbm>> -> memref<10000x128xf32, #tpu.memory_space<hbm>>
          tpu.enqueue_indirect_dma source(%dma_start3A_136 : memref<10000x128xf32, #tpu.memory_space<hbm>>) target(%arg19 : memref<80x128xf32, #tpu.memory_space<vmem>>) offsets(%dma_start3A_133 : memref<80xi32, #tpu.memory_space<vmem>>) semaphore(%arg25 : memref<!tpu.dma_semaphore, #tpu.memory_space<semaphore_mem>>)
          %lt3A_137 = arith.constant 250 : i32
          %lt3A_138 = arith.cmpi slt, %add3A_128, %lt3A_137 : i32
          %mul3A_139 = arith.constant 80 : i32
          %mul3A_140 = arith.muli %add3A_128, %mul3A_139 : i32
          %jit3A_141 = arith.constant 0 : i32
          %select_n3A_142 = arith.select %lt3A_138, %mul3A_140, %jit3A_141 : i32
          %add3A_143 = arith.addi %mul3A_11, %select_n3A_142 : i32
          %dma_start3A_144 = arith.constant 0 : i32
          %dma_start3A_145 = tpu.memref_slice %arg6[%add3A_143, %dma_start3A_144] : memref<320000x128xf32, #tpu.memory_space<hbm>> -> memref<80x128xf32, #tpu.memory_space<hbm>>
          %dma_start3A_146 = arith.constant 0 : i32
          %dma_start3A_147 = tpu.memref_slice %arg6[%add3A_143, %dma_start3A_146] : memref<320000x128xf32, #tpu.memory_space<hbm>> -> memref<80x128xf32, #tpu.memory_space<hbm>>
          tpu.enqueue_dma source(%dma_start3A_147 : memref<80x128xf32, #tpu.memory_space<hbm>>) target(%arg21 : memref<80x128xf32, #tpu.memory_space<vmem>>) target_semaphore(%arg25 : memref<!tpu.dma_semaphore, #tpu.memory_space<semaphore_mem>>)
          %add3A_148 = arith.addi %mul3A_98, %mul3A_125 : i32
          %dma_wait3A_149 = arith.constant 0 : i32
          %dma_wait3A_150 = tpu.memref_slice %arg16[%mul3A_125, %dma_wait3A_149] : memref<16x80xi32, #tpu.memory_space<vmem>> -> memref<1x80xi32, #tpu.memory_space<vmem>>
          %dma_wait3A_151 = tpu.memref_squeeze %dma_wait3A_150 : memref<1x80xi32, #tpu.memory_space<vmem>> -> memref<80xi32, #tpu.memory_space<vmem>>
          %dma_wait3A_152 = arith.constant 0 : i32
          %dma_wait3A_153 = arith.constant 0 : i32
          %dma_wait3A_154 = tpu.memref_slice %arg2[%dma_wait3A_152, %dma_wait3A_153] : memref<10000x128xf32, #tpu.memory_space<hbm>> -> memref<10000x128xf32, #tpu.memory_space<hbm>>
          tpu.wait_indirect_dma semaphore(%arg24 : memref<!tpu.dma_semaphore, #tpu.memory_space<semaphore_mem>>) src(%dma_wait3A_154 : memref<10000x128xf32, #tpu.memory_space<hbm>>) dst(%arg18 : memref<80x128xf32, #tpu.memory_space<vmem>>)
          %lt3A_155 = arith.constant 250 : i32
          %lt3A_156 = arith.cmpi slt, %add3A_148, %lt3A_155 : i32
          %mul3A_157 = arith.constant 80 : i32
          %mul3A_158 = arith.muli %add3A_148, %mul3A_157 : i32
          %jit3A_159 = arith.constant 0 : i32
          %select_n3A_160 = arith.select %lt3A_156, %mul3A_158, %jit3A_159 : i32
          %add3A_161 = arith.addi %mul3A_11, %select_n3A_160 : i32
          %dma_wait3A_162 = arith.constant 0 : i32
          %dma_wait3A_163 = tpu.memref_slice %arg6[%add3A_161, %dma_wait3A_162] : memref<320000x128xf32, #tpu.memory_space<hbm>> -> memref<80x128xf32, #tpu.memory_space<hbm>>
          %dma_wait3A_164 = arith.constant 0 : i32
          %dma_wait3A_165 = tpu.memref_slice %arg6[%add3A_161, %dma_wait3A_164] : memref<320000x128xf32, #tpu.memory_space<hbm>> -> memref<80x128xf32, #tpu.memory_space<hbm>>
          tpu.wait_dma2 semaphore(%arg24 : memref<!tpu.dma_semaphore, #tpu.memory_space<semaphore_mem>>) src(%dma_wait3A_165 : memref<80x128xf32, #tpu.memory_space<hbm>>) dst(%arg20 : memref<80x128xf32, #tpu.memory_space<vmem>>)
          %scan3A_166 = arith.constant 0 : i32
          %scan3A_167 = arith.constant 0 : i32
          %scan3A_168 = arith.constant 80 : i32
          %scan3A_169 = arith.addi %scan3A_167, %scan3A_168 : i32
          %scan3A_170 = arith.constant 1 : i32
          scf.for %scan3A_207 = %scan3A_167 to %scan3A_169 step %scan3A_170  : i32 {
            %get3A = arith.index_cast %scan3A_207 : i32 to index
            %get3A_208 = arith.constant 0 : index
            %get3A_209 = tpu.vector_load %arg20[%get3A, %get3A_208] {strides = array<i32>} : memref<80x128xf32, #tpu.memory_space<vmem>>, vector<1x16xf32>,
            %get3A_210 = vector.shape_cast %get3A_209 : vector<1x16xf32> to vector<16xf32>
            %get3A_211 = arith.index_cast %scan3A_207 : i32 to index
            %get3A_212 = arith.constant 0 : index
            %get3A_213 = tpu.vector_load %arg18[%get3A_211, %get3A_212] {strides = array<i32>} : memref<80x128xf32, #tpu.memory_space<vmem>>, vector<1x16xf32>,
            %get3A_214 = vector.shape_cast %get3A_213 : vector<1x16xf32> to vector<16xf32>
            %mul3A_215 = arith.mulf %get3A_210, %get3A_214 : vector<16xf32>
            %swap3A = arith.index_cast %scan3A_207 : i32 to index
            %swap3A_216 = arith.constant 0 : index
            %swap3A_217 = tpu.vector_load %arg20[%swap3A, %swap3A_216] {strides = array<i32>} : memref<80x128xf32, #tpu.memory_space<vmem>>, vector<1x16xf32>,
            %swap3A_218 = vector.shape_cast %swap3A_217 : vector<1x16xf32> to vector<16xf32>
            %swap3A_219 = vector.shape_cast %mul3A_215 : vector<16xf32> to vector<1x16xf32>
            tpu.vector_store %arg20[%swap3A, %swap3A_216], %swap3A_219 {strides = array<i32>} : memref<80x128xf32, #tpu.memory_space<vmem>>, vector<1x16xf32>,
            %get3A_220 = arith.index_cast %scan3A_207 : i32 to index
            %get3A_221 = arith.constant 16 : index
            %get3A_222 = tpu.vector_load %arg20[%get3A_220, %get3A_221] {strides = array<i32>} : memref<80x128xf32, #tpu.memory_space<vmem>>, vector<1x16xf32>,
            %get3A_223 = vector.shape_cast %get3A_222 : vector<1x16xf32> to vector<16xf32>
            %get3A_224 = arith.index_cast %scan3A_207 : i32 to index
            %get3A_225 = arith.constant 16 : index
            %get3A_226 = tpu.vector_load %arg18[%get3A_224, %get3A_225] {strides = array<i32>} : memref<80x128xf32, #tpu.memory_space<vmem>>, vector<1x16xf32>,
            %get3A_227 = vector.shape_cast %get3A_226 : vector<1x16xf32> to vector<16xf32>
            %mul3A_228 = arith.mulf %get3A_223, %get3A_227 : vector<16xf32>
            %swap3A_229 = arith.index_cast %scan3A_207 : i32 to index
            %swap3A_230 = arith.constant 16 : index
            %swap3A_231 = tpu.vector_load %arg20[%swap3A_229, %swap3A_230] {strides = array<i32>} : memref<80x128xf32, #tpu.memory_space<vmem>>, vector<1x16xf32>,
            %swap3A_232 = vector.shape_cast %swap3A_231 : vector<1x16xf32> to vector<16xf32>
            %swap3A_233 = vector.shape_cast %mul3A_228 : vector<16xf32> to vector<1x16xf32>
            tpu.vector_store %arg20[%swap3A_229, %swap3A_230], %swap3A_233 {strides = array<i32>} : memref<80x128xf32, #tpu.memory_space<vmem>>, vector<1x16xf32>,
            %get3A_234 = arith.index_cast %scan3A_207 : i32 to index
            %get3A_235 = arith.constant 32 : index
            %get3A_236 = tpu.vector_load %arg20[%get3A_234, %get3A_235] {strides = array<i32>} : memref<80x128xf32, #tpu.memory_space<vmem>>, vector<1x16xf32>,
            %get3A_237 = vector.shape_cast %get3A_236 : vector<1x16xf32> to vector<16xf32>
            %get3A_238 = arith.index_cast %scan3A_207 : i32 to index
            %get3A_239 = arith.constant 32 : index
            %get3A_240 = tpu.vector_load %arg18[%get3A_238, %get3A_239] {strides = array<i32>} : memref<80x128xf32, #tpu.memory_space<vmem>>, vector<1x16xf32>,
            %get3A_241 = vector.shape_cast %get3A_240 : vector<1x16xf32> to vector<16xf32>
            %mul3A_242 = arith.mulf %get3A_237, %get3A_241 : vector<16xf32>
            %swap3A_243 = arith.index_cast %scan3A_207 : i32 to index
            %swap3A_244 = arith.constant 32 : index
            %swap3A_245 = tpu.vector_load %arg20[%swap3A_243, %swap3A_244] {strides = array<i32>} : memref<80x128xf32, #tpu.memory_space<vmem>>, vector<1x16xf32>,
            %swap3A_246 = vector.shape_cast %swap3A_245 : vector<1x16xf32> to vector<16xf32>
            %swap3A_247 = vector.shape_cast %mul3A_242 : vector<16xf32> to vector<1x16xf32>
            tpu.vector_store %arg20[%swap3A_243, %swap3A_244], %swap3A_247 {strides = array<i32>} : memref<80x128xf32, #tpu.memory_space<vmem>>, vector<1x16xf32>,
            %get3A_248 = arith.index_cast %scan3A_207 : i32 to index
            %get3A_249 = arith.constant 48 : index
            %get3A_250 = tpu.vector_load %arg20[%get3A_248, %get3A_249] {strides = array<i32>} : memref<80x128xf32, #tpu.memory_space<vmem>>, vector<1x16xf32>,
            %get3A_251 = vector.shape_cast %get3A_250 : vector<1x16xf32> to vector<16xf32>
            %get3A_252 = arith.index_cast %scan3A_207 : i32 to index
            %get3A_253 = arith.constant 48 : index
            %get3A_254 = tpu.vector_load %arg18[%get3A_252, %get3A_253] {strides = array<i32>} : memref<80x128xf32, #tpu.memory_space<vmem>>, vector<1x16xf32>,
            %get3A_255 = vector.shape_cast %get3A_254 : vector<1x16xf32> to vector<16xf32>
            %mul3A_256 = arith.mulf %get3A_251, %get3A_255 : vector<16xf32>
            %swap3A_257 = arith.index_cast %scan3A_207 : i32 to index
            %swap3A_258 = arith.constant 48 : index
            %swap3A_259 = tpu.vector_load %arg20[%swap3A_257, %swap3A_258] {strides = array<i32>} : memref<80x128xf32, #tpu.memory_space<vmem>>, vector<1x16xf32>,
            %swap3A_260 = vector.shape_cast %swap3A_259 : vector<1x16xf32> to vector<16xf32>
            %swap3A_261 = vector.shape_cast %mul3A_256 : vector<16xf32> to vector<1x16xf32>
            tpu.vector_store %arg20[%swap3A_257, %swap3A_258], %swap3A_261 {strides = array<i32>} : memref<80x128xf32, #tpu.memory_space<vmem>>, vector<1x16xf32>,
            %get3A_262 = arith.index_cast %scan3A_207 : i32 to index
            %get3A_263 = arith.constant 64 : index
            %get3A_264 = tpu.vector_load %arg20[%get3A_262, %get3A_263] {strides = array<i32>} : memref<80x128xf32, #tpu.memory_space<vmem>>, vector<1x16xf32>,
            %get3A_265 = vector.shape_cast %get3A_264 : vector<1x16xf32> to vector<16xf32>
            %get3A_266 = arith.index_cast %scan3A_207 : i32 to index
            %get3A_267 = arith.constant 64 : index
            %get3A_268 = tpu.vector_load %arg18[%get3A_266, %get3A_267] {strides = array<i32>} : memref<80x128xf32, #tpu.memory_space<vmem>>, vector<1x16xf32>,
            %get3A_269 = vector.shape_cast %get3A_268 : vector<1x16xf32> to vector<16xf32>
            %mul3A_270 = arith.mulf %get3A_265, %get3A_269 : vector<16xf32>
            %swap3A_271 = arith.index_cast %scan3A_207 : i32 to index
            %swap3A_272 = arith.constant 64 : index
            %swap3A_273 = tpu.vector_load %arg20[%swap3A_271, %swap3A_272] {strides = array<i32>} : memref<80x128xf32, #tpu.memory_space<vmem>>, vector<1x16xf32>,
            %swap3A_274 = vector.shape_cast %swap3A_273 : vector<1x16xf32> to vector<16xf32>
            %swap3A_275 = vector.shape_cast %mul3A_270 : vector<16xf32> to vector<1x16xf32>
            tpu.vector_store %arg20[%swap3A_271, %swap3A_272], %swap3A_275 {strides = array<i32>} : memref<80x128xf32, #tpu.memory_space<vmem>>, vector<1x16xf32>,
            %get3A_276 = arith.index_cast %scan3A_207 : i32 to index
            %get3A_277 = arith.constant 80 : index
            %get3A_278 = tpu.vector_load %arg20[%get3A_276, %get3A_277] {strides = array<i32>} : memref<80x128xf32, #tpu.memory_space<vmem>>, vector<1x16xf32>,
            %get3A_279 = vector.shape_cast %get3A_278 : vector<1x16xf32> to vector<16xf32>
            %get3A_280 = arith.index_cast %scan3A_207 : i32 to index
            %get3A_281 = arith.constant 80 : index
            %get3A_282 = tpu.vector_load %arg18[%get3A_280, %get3A_281] {strides = array<i32>} : memref<80x128xf32, #tpu.memory_space<vmem>>, vector<1x16xf32>,
            %get3A_283 = vector.shape_cast %get3A_282 : vector<1x16xf32> to vector<16xf32>
            %mul3A_284 = arith.mulf %get3A_279, %get3A_283 : vector<16xf32>
            %swap3A_285 = arith.index_cast %scan3A_207 : i32 to index
            %swap3A_286 = arith.constant 80 : index
            %swap3A_287 = tpu.vector_load %arg20[%swap3A_285, %swap3A_286] {strides = array<i32>} : memref<80x128xf32, #tpu.memory_space<vmem>>, vector<1x16xf32>,
            %swap3A_288 = vector.shape_cast %swap3A_287 : vector<1x16xf32> to vector<16xf32>
            %swap3A_289 = vector.shape_cast %mul3A_284 : vector<16xf32> to vector<1x16xf32>
            tpu.vector_store %arg20[%swap3A_285, %swap3A_286], %swap3A_289 {strides = array<i32>} : memref<80x128xf32, #tpu.memory_space<vmem>>, vector<1x16xf32>,
            %get3A_290 = arith.index_cast %scan3A_207 : i32 to index
            %get3A_291 = arith.constant 96 : index
            %get3A_292 = tpu.vector_load %arg20[%get3A_290, %get3A_291] {strides = array<i32>} : memref<80x128xf32, #tpu.memory_space<vmem>>, vector<1x16xf32>,
            %get3A_293 = vector.shape_cast %get3A_292 : vector<1x16xf32> to vector<16xf32>
            %get3A_294 = arith.index_cast %scan3A_207 : i32 to index
            %get3A_295 = arith.constant 96 : index
            %get3A_296 = tpu.vector_load %arg18[%get3A_294, %get3A_295] {strides = array<i32>} : memref<80x128xf32, #tpu.memory_space<vmem>>, vector<1x16xf32>,
            %get3A_297 = vector.shape_cast %get3A_296 : vector<1x16xf32> to vector<16xf32>
            %mul3A_298 = arith.mulf %get3A_293, %get3A_297 : vector<16xf32>
            %swap3A_299 = arith.index_cast %scan3A_207 : i32 to index
            %swap3A_300 = arith.constant 96 : index
            %swap3A_301 = tpu.vector_load %arg20[%swap3A_299, %swap3A_300] {strides = array<i32>} : memref<80x128xf32, #tpu.memory_space<vmem>>, vector<1x16xf32>,
            %swap3A_302 = vector.shape_cast %swap3A_301 : vector<1x16xf32> to vector<16xf32>
            %swap3A_303 = vector.shape_cast %mul3A_298 : vector<16xf32> to vector<1x16xf32>
            tpu.vector_store %arg20[%swap3A_299, %swap3A_300], %swap3A_303 {strides = array<i32>} : memref<80x128xf32, #tpu.memory_space<vmem>>, vector<1x16xf32>,
            %get3A_304 = arith.index_cast %scan3A_207 : i32 to index
            %get3A_305 = arith.constant 112 : index
            %get3A_306 = tpu.vector_load %arg20[%get3A_304, %get3A_305] {strides = array<i32>} : memref<80x128xf32, #tpu.memory_space<vmem>>, vector<1x16xf32>,
            %get3A_307 = vector.shape_cast %get3A_306 : vector<1x16xf32> to vector<16xf32>
            %get3A_308 = arith.index_cast %scan3A_207 : i32 to index
            %get3A_309 = arith.constant 112 : index
            %get3A_310 = tpu.vector_load %arg18[%get3A_308, %get3A_309] {strides = array<i32>} : memref<80x128xf32, #tpu.memory_space<vmem>>, vector<1x16xf32>,
            %get3A_311 = vector.shape_cast %get3A_310 : vector<1x16xf32> to vector<16xf32>
            %mul3A_312 = arith.mulf %get3A_307, %get3A_311 : vector<16xf32>
            %swap3A_313 = arith.index_cast %scan3A_207 : i32 to index
            %swap3A_314 = arith.constant 112 : index
            %swap3A_315 = tpu.vector_load %arg20[%swap3A_313, %swap3A_314] {strides = array<i32>} : memref<80x128xf32, #tpu.memory_space<vmem>>, vector<1x16xf32>,
            %swap3A_316 = vector.shape_cast %swap3A_315 : vector<1x16xf32> to vector<16xf32>
            %swap3A_317 = vector.shape_cast %mul3A_312 : vector<16xf32> to vector<1x16xf32>
            tpu.vector_store %arg20[%swap3A_313, %swap3A_314], %swap3A_317 {strides = array<i32>} : memref<80x128xf32, #tpu.memory_space<vmem>>, vector<1x16xf32>,
          }
          %scan3A_171 = arith.constant 80 : i32
          "tpu.region"() ({
            %run_scoped3A = tpu.sem_alloc : memref<!tpu.dma_semaphore, #tpu.memory_space<semaphore_mem>>
            %dma_start3A_207 = arith.constant 0 : i32
            %dma_start3A_208 = tpu.memref_slice %arg17[%mul3A_125, %dma_start3A_207] : memref<16x80xi32, #tpu.memory_space<vmem>> -> memref<1x80xi32, #tpu.memory_space<vmem>>
            %dma_start3A_209 = tpu.memref_squeeze %dma_start3A_208 : memref<1x80xi32, #tpu.memory_space<vmem>> -> memref<80xi32, #tpu.memory_space<vmem>>
            %dma_start3A_210 = arith.constant 0 : i32
            %dma_start3A_211 = arith.constant 0 : i32
            %dma_start3A_212 = tpu.memref_slice %arg13[%dma_start3A_210, %dma_start3A_211] : memref<10112x128xf32, #tpu.memory_space<vmem_shared>> -> memref<10112x128xf32, #tpu.memory_space<vmem_shared>>
            tpu.enqueue_indirect_dma source(%arg20 : memref<80x128xf32, #tpu.memory_space<vmem>>) target(%dma_start3A_212 : memref<10112x128xf32, #tpu.memory_space<vmem_shared>>) offsets(%dma_start3A_209 : memref<80xi32, #tpu.memory_space<vmem>>) semaphore(%run_scoped3A : memref<!tpu.dma_semaphore, #tpu.memory_space<semaphore_mem>>) {add = true}
            %dma_wait3A_213 = arith.constant 0 : i32
            %dma_wait3A_214 = tpu.memref_slice %arg17[%mul3A_125, %dma_wait3A_213] : memref<16x80xi32, #tpu.memory_space<vmem>> -> memref<1x80xi32, #tpu.memory_space<vmem>>
            %dma_wait3A_215 = tpu.memref_squeeze %dma_wait3A_214 : memref<1x80xi32, #tpu.memory_space<vmem>> -> memref<80xi32, #tpu.memory_space<vmem>>
            %dma_wait3A_216 = arith.constant 0 : i32
            %dma_wait3A_217 = arith.constant 0 : i32
            %dma_wait3A_218 = tpu.memref_slice %arg13[%dma_wait3A_216, %dma_wait3A_217] : memref<10112x128xf32, #tpu.memory_space<vmem_shared>> -> memref<10112x128xf32, #tpu.memory_space<vmem_shared>>
            tpu.wait_indirect_dma semaphore(%run_scoped3A : memref<!tpu.dma_semaphore, #tpu.memory_space<semaphore_mem>>) src(%arg20 : memref<80x128xf32, #tpu.memory_space<vmem>>) dst(%dma_wait3A_218 : memref<10112x128xf32, #tpu.memory_space<vmem_shared>>)
            tpu.yield
          }) : () -> ()
          %add3A_172 = arith.constant 2 : i32
          %add3A_173 = arith.addi %mul3A_125, %add3A_172 : i32
          %lt3A_174 = arith.constant 16 : i32
          %lt3A_175 = arith.cmpi slt, %add3A_173, %lt3A_174 : i32
          %convert_element_type3A_176 = arith.extui %lt3A_175 : i1 to i32
          %cond3A_177 = arith.constant 0 : i32
          %cond3A_178 = arith.cmpi ne, %convert_element_type3A_176, %cond3A_177 : i32
          scf.if %cond3A_178 {
            %add3A_207 = arith.addi %mul3A_98, %mul3A_125 : i32
            %add3A_208 = arith.constant 2 : i32
            %add3A_209 = arith.addi %add3A_207, %add3A_208 : i32
            %add3A_210 = arith.constant 2 : i32
            %add3A_211 = arith.addi %mul3A_125, %add3A_210 : i32
            %dma_start3A_212 = arith.constant 0 : i32
            %dma_start3A_213 = tpu.memref_slice %arg16[%add3A_211, %dma_start3A_212] : memref<16x80xi32, #tpu.memory_space<vmem>> -> memref<1x80xi32, #tpu.memory_space<vmem>>
            %dma_start3A_214 = tpu.memref_squeeze %dma_start3A_213 : memref<1x80xi32, #tpu.memory_space<vmem>> -> memref<80xi32, #tpu.memory_space<vmem>>
            %dma_start3A_215 = arith.constant 0 : i32
            %dma_start3A_216 = arith.constant 0 : i32
            %dma_start3A_217 = tpu.memref_slice %arg2[%dma_start3A_215, %dma_start3A_216] : memref<10000x128xf32, #tpu.memory_space<hbm>> -> memref<10000x128xf32, #tpu.memory_space<hbm>>
            tpu.enqueue_indirect_dma source(%dma_start3A_217 : memref<10000x128xf32, #tpu.memory_space<hbm>>) target(%arg18 : memref<80x128xf32, #tpu.memory_space<vmem>>) offsets(%dma_start3A_214 : memref<80xi32, #tpu.memory_space<vmem>>) semaphore(%arg24 : memref<!tpu.dma_semaphore, #tpu.memory_space<semaphore_mem>>)
            %lt3A_218 = arith.constant 250 : i32
            %lt3A_219 = arith.cmpi slt, %add3A_209, %lt3A_218 : i32
            %mul3A_220 = arith.constant 80 : i32
            %mul3A_221 = arith.muli %add3A_209, %mul3A_220 : i32
            %jit3A_222 = arith.constant 0 : i32
            %select_n3A_223 = arith.select %lt3A_219, %mul3A_221, %jit3A_222 : i32
            %add3A_224 = arith.addi %mul3A_11, %select_n3A_223 : i32
            %dma_start3A_225 = arith.constant 0 : i32
            %dma_start3A_226 = tpu.memref_slice %arg6[%add3A_224, %dma_start3A_225] : memref<320000x128xf32, #tpu.memory_space<hbm>> -> memref<80x128xf32, #tpu.memory_space<hbm>>
            %dma_start3A_227 = arith.constant 0 : i32
            %dma_start3A_228 = tpu.memref_slice %arg6[%add3A_224, %dma_start3A_227] : memref<320000x128xf32, #tpu.memory_space<hbm>> -> memref<80x128xf32, #tpu.memory_space<hbm>>
            tpu.enqueue_dma source(%dma_start3A_228 : memref<80x128xf32, #tpu.memory_space<hbm>>) target(%arg20 : memref<80x128xf32, #tpu.memory_space<vmem>>) target_semaphore(%arg24 : memref<!tpu.dma_semaphore, #tpu.memory_space<semaphore_mem>>)
          } else {
          }
          %add3A_179 = arith.addi %mul3A_98, %mul3A_125 : i32
          %add3A_180 = arith.constant 1 : i32
          %add3A_181 = arith.addi %add3A_179, %add3A_180 : i32
          %add3A_182 = arith.constant 1 : i32
          %add3A_183 = arith.addi %mul3A_125, %add3A_182 : i32
          %dma_wait3A_184 = arith.constant 0 : i32
          %dma_wait3A_185 = tpu.memref_slice %arg16[%add3A_183, %dma_wait3A_184] : memref<16x80xi32, #tpu.memory_space<vmem>> -> memref<1x80xi32, #tpu.memory_space<vmem>>
          %dma_wait3A_186 = tpu.memref_squeeze %dma_wait3A_185 : memref<1x80xi32, #tpu.memory_space<vmem>> -> memref<80xi32, #tpu.memory_space<vmem>>
          %dma_wait3A_187 = arith.constant 0 : i32
          %dma_wait3A_188 = arith.constant 0 : i32
          %dma_wait3A_189 = tpu.memref_slice %arg3[%dma_wait3A_187, %dma_wait3A_188] : memref<10000x128xf32, #tpu.memory_space<hbm>> -> memref<10000x128xf32, #tpu.memory_space<hbm>>
          tpu.wait_indirect_dma semaphore(%arg25 : memref<!tpu.dma_semaphore, #tpu.memory_space<semaphore_mem>>) src(%dma_wait3A_189 : memref<10000x128xf32, #tpu.memory_space<hbm>>) dst(%arg19 : memref<80x128xf32, #tpu.memory_space<vmem>>)
          %lt3A_190 = arith.constant 250 : i32
          %lt3A_191 = arith.cmpi slt, %add3A_181, %lt3A_190 : i32
          %mul3A_192 = arith.constant 80 : i32
          %mul3A_193 = arith.muli %add3A_181, %mul3A_192 : i32
          %jit3A_194 = arith.constant 0 : i32
          %select_n3A_195 = arith.select %lt3A_191, %mul3A_193, %jit3A_194 : i32
          %add3A_196 = arith.addi %mul3A_11, %select_n3A_195 : i32
          %dma_wait3A_197 = arith.constant 0 : i32
          %dma_wait3A_198 = tpu.memref_slice %arg6[%add3A_196, %dma_wait3A_197] : memref<320000x128xf32, #tpu.memory_space<hbm>> -> memref<80x128xf32, #tpu.memory_space<hbm>>
          %dma_wait3A_199 = arith.constant 0 : i32
          %dma_wait3A_200 = tpu.memref_slice %arg6[%add3A_196, %dma_wait3A_199] : memref<320000x128xf32, #tpu.memory_space<hbm>> -> memref<80x128xf32, #tpu.memory_space<hbm>>
          tpu.wait_dma2 semaphore(%arg25 : memref<!tpu.dma_semaphore, #tpu.memory_space<semaphore_mem>>) src(%dma_wait3A_200 : memref<80x128xf32, #tpu.memory_space<hbm>>) dst(%arg21 : memref<80x128xf32, #tpu.memory_space<vmem>>)
          %scan3A_201 = arith.constant 0 : i32
          %scan3A_202 = arith.constant 0 : i32
          %scan3A_203 = arith.constant 80 : i32
          %scan3A_204 = arith.addi %scan3A_202, %scan3A_203 : i32
          %scan3A_205 = arith.constant 1 : i32
          scf.for %scan3A_207 = %scan3A_202 to %scan3A_204 step %scan3A_205  : i32 {
            %get3A = arith.index_cast %scan3A_207 : i32 to index
            %get3A_208 = arith.constant 0 : index
            %get3A_209 = tpu.vector_load %arg21[%get3A, %get3A_208] {strides = array<i32>} : memref<80x128xf32, #tpu.memory_space<vmem>>, vector<1x16xf32>,
            %get3A_210 = vector.shape_cast %get3A_209 : vector<1x16xf32> to vector<16xf32>
            %get3A_211 = arith.index_cast %scan3A_207 : i32 to index
            %get3A_212 = arith.constant 0 : index
            %get3A_213 = tpu.vector_load %arg19[%get3A_211, %get3A_212] {strides = array<i32>} : memref<80x128xf32, #tpu.memory_space<vmem>>, vector<1x16xf32>,
            %get3A_214 = vector.shape_cast %get3A_213 : vector<1x16xf32> to vector<16xf32>
            %mul3A_215 = arith.mulf %get3A_210, %get3A_214 : vector<16xf32>
            %swap3A = arith.index_cast %scan3A_207 : i32 to index
            %swap3A_216 = arith.constant 0 : index
            %swap3A_217 = tpu.vector_load %arg21[%swap3A, %swap3A_216] {strides = array<i32>} : memref<80x128xf32, #tpu.memory_space<vmem>>, vector<1x16xf32>,
            %swap3A_218 = vector.shape_cast %swap3A_217 : vector<1x16xf32> to vector<16xf32>
            %swap3A_219 = vector.shape_cast %mul3A_215 : vector<16xf32> to vector<1x16xf32>
            tpu.vector_store %arg21[%swap3A, %swap3A_216], %swap3A_219 {strides = array<i32>} : memref<80x128xf32, #tpu.memory_space<vmem>>, vector<1x16xf32>,
            %get3A_220 = arith.index_cast %scan3A_207 : i32 to index
            %get3A_221 = arith.constant 16 : index
            %get3A_222 = tpu.vector_load %arg21[%get3A_220, %get3A_221] {strides = array<i32>} : memref<80x128xf32, #tpu.memory_space<vmem>>, vector<1x16xf32>,
            %get3A_223 = vector.shape_cast %get3A_222 : vector<1x16xf32> to vector<16xf32>
            %get3A_224 = arith.index_cast %scan3A_207 : i32 to index
            %get3A_225 = arith.constant 16 : index
            %get3A_226 = tpu.vector_load %arg19[%get3A_224, %get3A_225] {strides = array<i32>} : memref<80x128xf32, #tpu.memory_space<vmem>>, vector<1x16xf32>,
            %get3A_227 = vector.shape_cast %get3A_226 : vector<1x16xf32> to vector<16xf32>
            %mul3A_228 = arith.mulf %get3A_223, %get3A_227 : vector<16xf32>
            %swap3A_229 = arith.index_cast %scan3A_207 : i32 to index
            %swap3A_230 = arith.constant 16 : index
            %swap3A_231 = tpu.vector_load %arg21[%swap3A_229, %swap3A_230] {strides = array<i32>} : memref<80x128xf32, #tpu.memory_space<vmem>>, vector<1x16xf32>,
            %swap3A_232 = vector.shape_cast %swap3A_231 : vector<1x16xf32> to vector<16xf32>
            %swap3A_233 = vector.shape_cast %mul3A_228 : vector<16xf32> to vector<1x16xf32>
            tpu.vector_store %arg21[%swap3A_229, %swap3A_230], %swap3A_233 {strides = array<i32>} : memref<80x128xf32, #tpu.memory_space<vmem>>, vector<1x16xf32>,
            %get3A_234 = arith.index_cast %scan3A_207 : i32 to index
            %get3A_235 = arith.constant 32 : index
            %get3A_236 = tpu.vector_load %arg21[%get3A_234, %get3A_235] {strides = array<i32>} : memref<80x128xf32, #tpu.memory_space<vmem>>, vector<1x16xf32>,
            %get3A_237 = vector.shape_cast %get3A_236 : vector<1x16xf32> to vector<16xf32>
            %get3A_238 = arith.index_cast %scan3A_207 : i32 to index
            %get3A_239 = arith.constant 32 : index
            %get3A_240 = tpu.vector_load %arg19[%get3A_238, %get3A_239] {strides = array<i32>} : memref<80x128xf32, #tpu.memory_space<vmem>>, vector<1x16xf32>,
            %get3A_241 = vector.shape_cast %get3A_240 : vector<1x16xf32> to vector<16xf32>
            %mul3A_242 = arith.mulf %get3A_237, %get3A_241 : vector<16xf32>
            %swap3A_243 = arith.index_cast %scan3A_207 : i32 to index
            %swap3A_244 = arith.constant 32 : index
            %swap3A_245 = tpu.vector_load %arg21[%swap3A_243, %swap3A_244] {strides = array<i32>} : memref<80x128xf32, #tpu.memory_space<vmem>>, vector<1x16xf32>,
            %swap3A_246 = vector.shape_cast %swap3A_245 : vector<1x16xf32> to vector<16xf32>
            %swap3A_247 = vector.shape_cast %mul3A_242 : vector<16xf32> to vector<1x16xf32>
            tpu.vector_store %arg21[%swap3A_243, %swap3A_244], %swap3A_247 {strides = array<i32>} : memref<80x128xf32, #tpu.memory_space<vmem>>, vector<1x16xf32>,
            %get3A_248 = arith.index_cast %scan3A_207 : i32 to index
            %get3A_249 = arith.constant 48 : index
            %get3A_250 = tpu.vector_load %arg21[%get3A_248, %get3A_249] {strides = array<i32>} : memref<80x128xf32, #tpu.memory_space<vmem>>, vector<1x16xf32>,
            %get3A_251 = vector.shape_cast %get3A_250 : vector<1x16xf32> to vector<16xf32>
            %get3A_252 = arith.index_cast %scan3A_207 : i32 to index
            %get3A_253 = arith.constant 48 : index
            %get3A_254 = tpu.vector_load %arg19[%get3A_252, %get3A_253] {strides = array<i32>} : memref<80x128xf32, #tpu.memory_space<vmem>>, vector<1x16xf32>,
            %get3A_255 = vector.shape_cast %get3A_254 : vector<1x16xf32> to vector<16xf32>
            %mul3A_256 = arith.mulf %get3A_251, %get3A_255 : vector<16xf32>
            %swap3A_257 = arith.index_cast %scan3A_207 : i32 to index
            %swap3A_258 = arith.constant 48 : index
            %swap3A_259 = tpu.vector_load %arg21[%swap3A_257, %swap3A_258] {strides = array<i32>} : memref<80x128xf32, #tpu.memory_space<vmem>>, vector<1x16xf32>,
            %swap3A_260 = vector.shape_cast %swap3A_259 : vector<1x16xf32> to vector<16xf32>
            %swap3A_261 = vector.shape_cast %mul3A_256 : vector<16xf32> to vector<1x16xf32>
            tpu.vector_store %arg21[%swap3A_257, %swap3A_258], %swap3A_261 {strides = array<i32>} : memref<80x128xf32, #tpu.memory_space<vmem>>, vector<1x16xf32>,
            %get3A_262 = arith.index_cast %scan3A_207 : i32 to index
            %get3A_263 = arith.constant 64 : index
            %get3A_264 = tpu.vector_load %arg21[%get3A_262, %get3A_263] {strides = array<i32>} : memref<80x128xf32, #tpu.memory_space<vmem>>, vector<1x16xf32>,
            %get3A_265 = vector.shape_cast %get3A_264 : vector<1x16xf32> to vector<16xf32>
            %get3A_266 = arith.index_cast %scan3A_207 : i32 to index
            %get3A_267 = arith.constant 64 : index
            %get3A_268 = tpu.vector_load %arg19[%get3A_266, %get3A_267] {strides = array<i32>} : memref<80x128xf32, #tpu.memory_space<vmem>>, vector<1x16xf32>,
            %get3A_269 = vector.shape_cast %get3A_268 : vector<1x16xf32> to vector<16xf32>
            %mul3A_270 = arith.mulf %get3A_265, %get3A_269 : vector<16xf32>
            %swap3A_271 = arith.index_cast %scan3A_207 : i32 to index
            %swap3A_272 = arith.constant 64 : index
            %swap3A_273 = tpu.vector_load %arg21[%swap3A_271, %swap3A_272] {strides = array<i32>} : memref<80x128xf32, #tpu.memory_space<vmem>>, vector<1x16xf32>,
            %swap3A_274 = vector.shape_cast %swap3A_273 : vector<1x16xf32> to vector<16xf32>
            %swap3A_275 = vector.shape_cast %mul3A_270 : vector<16xf32> to vector<1x16xf32>
            tpu.vector_store %arg21[%swap3A_271, %swap3A_272], %swap3A_275 {strides = array<i32>} : memref<80x128xf32, #tpu.memory_space<vmem>>, vector<1x16xf32>,
            %get3A_276 = arith.index_cast %scan3A_207 : i32 to index
            %get3A_277 = arith.constant 80 : index
            %get3A_278 = tpu.vector_load %arg21[%get3A_276, %get3A_277] {strides = array<i32>} : memref<80x128xf32, #tpu.memory_space<vmem>>, vector<1x16xf32>,
            %get3A_279 = vector.shape_cast %get3A_278 : vector<1x16xf32> to vector<16xf32>
            %get3A_280 = arith.index_cast %scan3A_207 : i32 to index
            %get3A_281 = arith.constant 80 : index
            %get3A_282 = tpu.vector_load %arg19[%get3A_280, %get3A_281] {strides = array<i32>} : memref<80x128xf32, #tpu.memory_space<vmem>>, vector<1x16xf32>,
            %get3A_283 = vector.shape_cast %get3A_282 : vector<1x16xf32> to vector<16xf32>
            %mul3A_284 = arith.mulf %get3A_279, %get3A_283 : vector<16xf32>
            %swap3A_285 = arith.index_cast %scan3A_207 : i32 to index
            %swap3A_286 = arith.constant 80 : index
            %swap3A_287 = tpu.vector_load %arg21[%swap3A_285, %swap3A_286] {strides = array<i32>} : memref<80x128xf32, #tpu.memory_space<vmem>>, vector<1x16xf32>,
            %swap3A_288 = vector.shape_cast %swap3A_287 : vector<1x16xf32> to vector<16xf32>
            %swap3A_289 = vector.shape_cast %mul3A_284 : vector<16xf32> to vector<1x16xf32>
            tpu.vector_store %arg21[%swap3A_285, %swap3A_286], %swap3A_289 {strides = array<i32>} : memref<80x128xf32, #tpu.memory_space<vmem>>, vector<1x16xf32>,
            %get3A_290 = arith.index_cast %scan3A_207 : i32 to index
            %get3A_291 = arith.constant 96 : index
            %get3A_292 = tpu.vector_load %arg21[%get3A_290, %get3A_291] {strides = array<i32>} : memref<80x128xf32, #tpu.memory_space<vmem>>, vector<1x16xf32>,
            %get3A_293 = vector.shape_cast %get3A_292 : vector<1x16xf32> to vector<16xf32>
            %get3A_294 = arith.index_cast %scan3A_207 : i32 to index
            %get3A_295 = arith.constant 96 : index
            %get3A_296 = tpu.vector_load %arg19[%get3A_294, %get3A_295] {strides = array<i32>} : memref<80x128xf32, #tpu.memory_space<vmem>>, vector<1x16xf32>,
            %get3A_297 = vector.shape_cast %get3A_296 : vector<1x16xf32> to vector<16xf32>
            %mul3A_298 = arith.mulf %get3A_293, %get3A_297 : vector<16xf32>
            %swap3A_299 = arith.index_cast %scan3A_207 : i32 to index
            %swap3A_300 = arith.constant 96 : index
            %swap3A_301 = tpu.vector_load %arg21[%swap3A_299, %swap3A_300] {strides = array<i32>} : memref<80x128xf32, #tpu.memory_space<vmem>>, vector<1x16xf32>,
            %swap3A_302 = vector.shape_cast %swap3A_301 : vector<1x16xf32> to vector<16xf32>
            %swap3A_303 = vector.shape_cast %mul3A_298 : vector<16xf32> to vector<1x16xf32>
            tpu.vector_store %arg21[%swap3A_299, %swap3A_300], %swap3A_303 {strides = array<i32>} : memref<80x128xf32, #tpu.memory_space<vmem>>, vector<1x16xf32>,
            %get3A_304 = arith.index_cast %scan3A_207 : i32 to index
            %get3A_305 = arith.constant 112 : index
            %get3A_306 = tpu.vector_load %arg21[%get3A_304, %get3A_305] {strides = array<i32>} : memref<80x128xf32, #tpu.memory_space<vmem>>, vector<1x16xf32>,
            %get3A_307 = vector.shape_cast %get3A_306 : vector<1x16xf32> to vector<16xf32>
            %get3A_308 = arith.index_cast %scan3A_207 : i32 to index
            %get3A_309 = arith.constant 112 : index
            %get3A_310 = tpu.vector_load %arg19[%get3A_308, %get3A_309] {strides = array<i32>} : memref<80x128xf32, #tpu.memory_space<vmem>>, vector<1x16xf32>,
            %get3A_311 = vector.shape_cast %get3A_310 : vector<1x16xf32> to vector<16xf32>
            %mul3A_312 = arith.mulf %get3A_307, %get3A_311 : vector<16xf32>
            %swap3A_313 = arith.index_cast %scan3A_207 : i32 to index
            %swap3A_314 = arith.constant 112 : index
            %swap3A_315 = tpu.vector_load %arg21[%swap3A_313, %swap3A_314] {strides = array<i32>} : memref<80x128xf32, #tpu.memory_space<vmem>>, vector<1x16xf32>,
            %swap3A_316 = vector.shape_cast %swap3A_315 : vector<1x16xf32> to vector<16xf32>
            %swap3A_317 = vector.shape_cast %mul3A_312 : vector<16xf32> to vector<1x16xf32>
            tpu.vector_store %arg21[%swap3A_313, %swap3A_314], %swap3A_317 {strides = array<i32>} : memref<80x128xf32, #tpu.memory_space<vmem>>, vector<1x16xf32>,
          }
          %scan3A_206 = arith.constant 80 : i32
          "tpu.region"() ({
            %run_scoped3A = tpu.sem_alloc : memref<!tpu.dma_semaphore, #tpu.memory_space<semaphore_mem>>
            %dma_start3A_207 = arith.constant 0 : i32
            %dma_start3A_208 = tpu.memref_slice %arg17[%add3A_183, %dma_start3A_207] : memref<16x80xi32, #tpu.memory_space<vmem>> -> memref<1x80xi32, #tpu.memory_space<vmem>>
            %dma_start3A_209 = tpu.memref_squeeze %dma_start3A_208 : memref<1x80xi32, #tpu.memory_space<vmem>> -> memref<80xi32, #tpu.memory_space<vmem>>
            %dma_start3A_210 = arith.constant 0 : i32
            %dma_start3A_211 = arith.constant 0 : i32
            %dma_start3A_212 = tpu.memref_slice %arg13[%dma_start3A_210, %dma_start3A_211] : memref<10112x128xf32, #tpu.memory_space<vmem_shared>> -> memref<10112x128xf32, #tpu.memory_space<vmem_shared>>
            tpu.enqueue_indirect_dma source(%arg21 : memref<80x128xf32, #tpu.memory_space<vmem>>) target(%dma_start3A_212 : memref<10112x128xf32, #tpu.memory_space<vmem_shared>>) offsets(%dma_start3A_209 : memref<80xi32, #tpu.memory_space<vmem>>) semaphore(%run_scoped3A : memref<!tpu.dma_semaphore, #tpu.memory_space<semaphore_mem>>) {add = true}
            %dma_wait3A_213 = arith.constant 0 : i32
            %dma_wait3A_214 = tpu.memref_slice %arg17[%add3A_183, %dma_wait3A_213] : memref<16x80xi32, #tpu.memory_space<vmem>> -> memref<1x80xi32, #tpu.memory_space<vmem>>
            %dma_wait3A_215 = tpu.memref_squeeze %dma_wait3A_214 : memref<1x80xi32, #tpu.memory_space<vmem>> -> memref<80xi32, #tpu.memory_space<vmem>>
            %dma_wait3A_216 = arith.constant 0 : i32
            %dma_wait3A_217 = arith.constant 0 : i32
            %dma_wait3A_218 = tpu.memref_slice %arg13[%dma_wait3A_216, %dma_wait3A_217] : memref<10112x128xf32, #tpu.memory_space<vmem_shared>> -> memref<10112x128xf32, #tpu.memory_space<vmem_shared>>
            tpu.wait_indirect_dma semaphore(%run_scoped3A : memref<!tpu.dma_semaphore, #tpu.memory_space<semaphore_mem>>) src(%arg21 : memref<80x128xf32, #tpu.memory_space<vmem>>) dst(%dma_wait3A_218 : memref<10112x128xf32, #tpu.memory_space<vmem_shared>>)
            tpu.yield
          }) : () -> ()
        }
        %scan3A_122 = arith.constant 8 : i32
      }
      %scan3A_24 = arith.constant 8 : i32
      %barrier3A_25 = arith.constant 0 : index
      tpu.barrier barrier_id(%barrier3A_25)
      "tpu.region"() ({
        %run_scoped3A = tpu.sem_alloc : memref<!tpu.dma_semaphore, #tpu.memory_space<semaphore_mem>>
        %dma_start3A_26 = arith.constant 0 : i32
        %dma_start3A_27 = tpu.memref_slice %arg11[%mul3A_7, %dma_start3A_26] : memref<10112x128xf32, #tpu.memory_space<hbm>> -> memref<632x128xf32, #tpu.memory_space<hbm>>
        %dma_start3A_28 = arith.constant 0 : i32
        %dma_start3A_29 = tpu.memref_slice %arg13[%mul3A_7, %dma_start3A_28] : memref<10112x128xf32, #tpu.memory_space<vmem_shared>> -> memref<632x128xf32, #tpu.memory_space<vmem_shared>>
        tpu.enqueue_dma source(%dma_start3A_29 : memref<632x128xf32, #tpu.memory_space<vmem_shared>>) target(%dma_start3A_27 : memref<632x128xf32, #tpu.memory_space<hbm>>) target_semaphore(%run_scoped3A : memref<!tpu.dma_semaphore, #tpu.memory_space<semaphore_mem>>)
        %dma_wait3A = arith.constant 0 : i32
        %dma_wait3A_30 = tpu.memref_slice %arg11[%mul3A_7, %dma_wait3A] : memref<10112x128xf32, #tpu.memory_space<hbm>> -> memref<632x128xf32, #tpu.memory_space<hbm>>
        %dma_wait3A_31 = arith.constant 0 : i32
        %dma_wait3A_32 = tpu.memref_slice %arg13[%mul3A_7, %dma_wait3A_31] : memref<10112x128xf32, #tpu.memory_space<vmem_shared>> -> memref<632x128xf32, #tpu.memory_space<vmem_shared>>
        tpu.wait_dma2 semaphore(%run_scoped3A : memref<!tpu.dma_semaphore, #tpu.memory_space<semaphore_mem>>) src(%dma_wait3A_32 : memref<632x128xf32, #tpu.memory_space<vmem_shared>>) dst(%dma_wait3A_30 : memref<632x128xf32, #tpu.memory_space<hbm>>)
        tpu.yield
      }) : () -> ()
    } else {
    }
    %eq3A_2 = arith.constant 1 : i32
    %eq3A_3 = arith.cmpi eq, %arg0, %eq3A_2 : i32
    %convert_element_type3A_4 = arith.extui %eq3A_3 : i1 to i32
    %cond3A_5 = arith.constant 0 : i32
    %cond3A_6 = arith.cmpi ne, %convert_element_type3A_4, %cond3A_5 : i32
    scf.if %cond3A_6 {
      %mul3A = arith.constant 632 : i32
      %mul3A_7 = arith.muli %arg1, %mul3A : i32
      "tpu.region"() ({
        %run_scoped3A = tpu.sem_alloc : memref<!tpu.dma_semaphore, #tpu.memory_space<semaphore_mem>>
        %dma_start3A_26 = arith.constant 0 : i32
        %dma_start3A_27 = tpu.memref_slice %arg13[%mul3A_7, %dma_start3A_26] : memref<10112x128xf32, #tpu.memory_space<vmem_shared>> -> memref<632x128xf32, #tpu.memory_space<vmem_shared>>
        %dma_start3A_28 = arith.constant 0 : i32
        %dma_start3A_29 = tpu.memref_slice %arg10[%mul3A_7, %dma_start3A_28] : memref<10112x128xf32, #tpu.memory_space<hbm>> -> memref<632x128xf32, #tpu.memory_space<hbm>>
        tpu.enqueue_dma source(%dma_start3A_29 : memref<632x128xf32, #tpu.memory_space<hbm>>) target(%dma_start3A_27 : memref<632x128xf32, #tpu.memory_space<vmem_shared>>) target_semaphore(%run_scoped3A : memref<!tpu.dma_semaphore, #tpu.memory_space<semaphore_mem>>)
        %dma_wait3A = arith.constant 0 : i32
        %dma_wait3A_30 = tpu.memref_slice %arg13[%mul3A_7, %dma_wait3A] : memref<10112x128xf32, #tpu.memory_space<vmem_shared>> -> memref<632x128xf32, #tpu.memory_space<vmem_shared>>
        %dma_wait3A_31 = arith.constant 0 : i32
        %dma_wait3A_32 = tpu.memref_slice %arg10[%mul3A_7, %dma_wait3A_31] : memref<10112x128xf32, #tpu.memory_space<hbm>> -> memref<632x128xf32, #tpu.memory_space<hbm>>
        tpu.wait_dma2 semaphore(%run_scoped3A : memref<!tpu.dma_semaphore, #tpu.memory_space<semaphore_mem>>) src(%dma_wait3A_32 : memref<632x128xf32, #tpu.memory_space<hbm>>) dst(%dma_wait3A_30 : memref<632x128xf32, #tpu.memory_space<vmem_shared>>)
        tpu.yield
      }) : () -> ()
      %mul3A_8 = arith.constant 256 : i32
      %mul3A_9 = arith.muli %arg1, %mul3A_8 : i32
      %mul3A_10 = arith.constant 20000 : i32
      %mul3A_11 = arith.muli %arg1, %mul3A_10 : i32
      %add3A = arith.constant 0 : i32
      %add3A_12 = arith.addi %mul3A_9, %add3A : i32
      %dma_start3A = arith.constant 0 : i32
      %dma_start3A_13 = tpu.memref_slice %arg7[%add3A_12, %dma_start3A] : memref<4096x80xi32, #tpu.memory_space<hbm>> -> memref<16x80xi32, #tpu.memory_space<hbm>>
      %dma_start3A_14 = arith.constant 0 : i32
      %dma_start3A_15 = tpu.memref_slice %arg7[%add3A_12, %dma_start3A_14] : memref<4096x80xi32, #tpu.memory_space<hbm>> -> memref<16x80xi32, #tpu.memory_space<hbm>>
      tpu.enqueue_dma source(%dma_start3A_15 : memref<16x80xi32, #tpu.memory_space<hbm>>) target(%arg14 : memref<16x80xi32, #tpu.memory_space<vmem>>) target_semaphore(%arg22 : memref<!tpu.dma_semaphore, #tpu.memory_space<semaphore_mem>>)
      %dma_start3A_16 = arith.constant 0 : i32
      %dma_start3A_17 = tpu.memref_slice %arg8[%add3A_12, %dma_start3A_16] : memref<4096x80xi32, #tpu.memory_space<hbm>> -> memref<16x80xi32, #tpu.memory_space<hbm>>
      %dma_start3A_18 = arith.constant 0 : i32
      %dma_start3A_19 = tpu.memref_slice %arg8[%add3A_12, %dma_start3A_18] : memref<4096x80xi32, #tpu.memory_space<hbm>> -> memref<16x80xi32, #tpu.memory_space<hbm>>
      tpu.enqueue_dma source(%dma_start3A_19 : memref<16x80xi32, #tpu.memory_space<hbm>>) target(%arg15 : memref<16x80xi32, #tpu.memory_space<vmem>>) target_semaphore(%arg22 : memref<!tpu.dma_semaphore, #tpu.memory_space<semaphore_mem>>)
      %barrier3A = arith.constant 0 : index
      tpu.barrier barrier_id(%barrier3A)
      %scan3A = arith.constant 0 : i32
      %scan3A_20 = arith.constant 0 : i32
      %scan3A_21 = arith.constant 8 : i32
      %scan3A_22 = arith.addi %scan3A_20, %scan3A_21 : i32
      %scan3A_23 = arith.constant 1 : i32
      scf.for %scan3A_26 = %scan3A_20 to %scan3A_22 step %scan3A_23  : i32 {
        %mul3A_27 = arith.constant 2 : i32
        %mul3A_28 = arith.muli %mul3A_27, %scan3A_26 : i32
        %mul3A_29 = arith.constant 16 : i32
        %mul3A_30 = arith.muli %mul3A_28, %mul3A_29 : i32
        %add3A_31 = arith.addi %mul3A_9, %mul3A_30 : i32
        %dma_wait3A = arith.constant 0 : i32
        %dma_wait3A_32 = tpu.memref_slice %arg7[%add3A_31, %dma_wait3A] : memref<4096x80xi32, #tpu.memory_space<hbm>> -> memref<16x80xi32, #tpu.memory_space<hbm>>
        %dma_wait3A_33 = arith.constant 0 : i32
        %dma_wait3A_34 = tpu.memref_slice %arg7[%add3A_31, %dma_wait3A_33] : memref<4096x80xi32, #tpu.memory_space<hbm>> -> memref<16x80xi32, #tpu.memory_space<hbm>>
        tpu.wait_dma2 semaphore(%arg22 : memref<!tpu.dma_semaphore, #tpu.memory_space<semaphore_mem>>) src(%dma_wait3A_34 : memref<16x80xi32, #tpu.memory_space<hbm>>) dst(%arg14 : memref<16x80xi32, #tpu.memory_space<vmem>>)
        %dma_wait3A_35 = arith.constant 0 : i32
        %dma_wait3A_36 = tpu.memref_slice %arg8[%add3A_31, %dma_wait3A_35] : memref<4096x80xi32, #tpu.memory_space<hbm>> -> memref<16x80xi32, #tpu.memory_space<hbm>>
        %dma_wait3A_37 = arith.constant 0 : i32
        %dma_wait3A_38 = tpu.memref_slice %arg8[%add3A_31, %dma_wait3A_37] : memref<4096x80xi32, #tpu.memory_space<hbm>> -> memref<16x80xi32, #tpu.memory_space<hbm>>
        tpu.wait_dma2 semaphore(%arg22 : memref<!tpu.dma_semaphore, #tpu.memory_space<semaphore_mem>>) src(%dma_wait3A_38 : memref<16x80xi32, #tpu.memory_space<hbm>>) dst(%arg15 : memref<16x80xi32, #tpu.memory_space<vmem>>)
        %add3A_39 = arith.constant 1 : i32
        %add3A_40 = arith.addi %mul3A_28, %add3A_39 : i32
        %mul3A_41 = arith.constant 16 : i32
        %mul3A_42 = arith.muli %add3A_40, %mul3A_41 : i32
        %add3A_43 = arith.addi %mul3A_9, %mul3A_42 : i32
        %dma_start3A_44 = arith.constant 0 : i32
        %dma_start3A_45 = tpu.memref_slice %arg7[%add3A_43, %dma_start3A_44] : memref<4096x80xi32, #tpu.memory_space<hbm>> -> memref<16x80xi32, #tpu.memory_space<hbm>>
        %dma_start3A_46 = arith.constant 0 : i32
        %dma_start3A_47 = tpu.memref_slice %arg7[%add3A_43, %dma_start3A_46] : memref<4096x80xi32, #tpu.memory_space<hbm>> -> memref<16x80xi32, #tpu.memory_space<hbm>>
        tpu.enqueue_dma source(%dma_start3A_47 : memref<16x80xi32, #tpu.memory_space<hbm>>) target(%arg16 : memref<16x80xi32, #tpu.memory_space<vmem>>) target_semaphore(%arg23 : memref<!tpu.dma_semaphore, #tpu.memory_space<semaphore_mem>>)
        %dma_start3A_48 = arith.constant 0 : i32
        %dma_start3A_49 = tpu.memref_slice %arg8[%add3A_43, %dma_start3A_48] : memref<4096x80xi32, #tpu.memory_space<hbm>> -> memref<16x80xi32, #tpu.memory_space<hbm>>
        %dma_start3A_50 = arith.constant 0 : i32
        %dma_start3A_51 = tpu.memref_slice %arg8[%add3A_43, %dma_start3A_50] : memref<4096x80xi32, #tpu.memory_space<hbm>> -> memref<16x80xi32, #tpu.memory_space<hbm>>
        tpu.enqueue_dma source(%dma_start3A_51 : memref<16x80xi32, #tpu.memory_space<hbm>>) target(%arg17 : memref<16x80xi32, #tpu.memory_space<vmem>>) target_semaphore(%arg23 : memref<!tpu.dma_semaphore, #tpu.memory_space<semaphore_mem>>)
        %mul3A_52 = arith.constant 16 : i32
        %mul3A_53 = arith.muli %mul3A_28, %mul3A_52 : i32
        %dma_start3A_54 = arith.constant 0 : i32
        %dma_start3A_55 = arith.constant 0 : i32
        %dma_start3A_56 = tpu.memref_slice %arg14[%dma_start3A_54, %dma_start3A_55] : memref<16x80xi32, #tpu.memory_space<vmem>> -> memref<1x80xi32, #tpu.memory_space<vmem>>
        %dma_start3A_57 = tpu.memref_squeeze %dma_start3A_56 : memref<1x80xi32, #tpu.memory_space<vmem>> -> memref<80xi32, #tpu.memory_space<vmem>>
        %dma_start3A_58 = arith.constant 0 : i32
        %dma_start3A_59 = arith.constant 0 : i32
        %dma_start3A_60 = tpu.memref_slice %arg2[%dma_start3A_58, %dma_start3A_59] : memref<10000x128xf32, #tpu.memory_space<hbm>> -> memref<10000x128xf32, #tpu.memory_space<hbm>>
        tpu.enqueue_indirect_dma source(%dma_start3A_60 : memref<10000x128xf32, #tpu.memory_space<hbm>>) target(%arg18 : memref<80x128xf32, #tpu.memory_space<vmem>>) offsets(%dma_start3A_57 : memref<80xi32, #tpu.memory_space<vmem>>) semaphore(%arg24 : memref<!tpu.dma_semaphore, #tpu.memory_space<semaphore_mem>>)
        %lt3A = arith.constant 250 : i32
        %lt3A_61 = arith.cmpi slt, %mul3A_53, %lt3A : i32
        %mul3A_62 = arith.constant 80 : i32
        %mul3A_63 = arith.muli %mul3A_53, %mul3A_62 : i32
        %jit3A = arith.constant 0 : i32
        %select_n3A = arith.select %lt3A_61, %mul3A_63, %jit3A : i32
        %add3A_64 = arith.addi %mul3A_11, %select_n3A : i32
        %dma_start3A_65 = arith.constant 0 : i32
        %dma_start3A_66 = tpu.memref_slice %arg9[%add3A_64, %dma_start3A_65] : memref<320000x128xf32, #tpu.memory_space<hbm>> -> memref<80x128xf32, #tpu.memory_space<hbm>>
        %dma_start3A_67 = arith.constant 0 : i32
        %dma_start3A_68 = tpu.memref_slice %arg9[%add3A_64, %dma_start3A_67] : memref<320000x128xf32, #tpu.memory_space<hbm>> -> memref<80x128xf32, #tpu.memory_space<hbm>>
        tpu.enqueue_dma source(%dma_start3A_68 : memref<80x128xf32, #tpu.memory_space<hbm>>) target(%arg20 : memref<80x128xf32, #tpu.memory_space<vmem>>) target_semaphore(%arg24 : memref<!tpu.dma_semaphore, #tpu.memory_space<semaphore_mem>>)
        %scan3A_69 = arith.constant 0 : i32
        %scan3A_70 = arith.constant 0 : i32
        %scan3A_71 = arith.constant 8 : i32
        %scan3A_72 = arith.addi %scan3A_70, %scan3A_71 : i32
        %scan3A_73 = arith.constant 1 : i32
        scf.for %scan3A_123 = %scan3A_70 to %scan3A_72 step %scan3A_73  : i32 {
          %mul3A_124 = arith.constant 2 : i32
          %mul3A_125 = arith.muli %mul3A_124, %scan3A_123 : i32
          %add3A_126 = arith.addi %mul3A_53, %mul3A_125 : i32
          %add3A_127 = arith.constant 1 : i32
          %add3A_128 = arith.addi %add3A_126, %add3A_127 : i32
          %add3A_129 = arith.constant 1 : i32
          %add3A_130 = arith.addi %mul3A_125, %add3A_129 : i32
          %dma_start3A_131 = arith.constant 0 : i32
          %dma_start3A_132 = tpu.memref_slice %arg14[%add3A_130, %dma_start3A_131] : memref<16x80xi32, #tpu.memory_space<vmem>> -> memref<1x80xi32, #tpu.memory_space<vmem>>
          %dma_start3A_133 = tpu.memref_squeeze %dma_start3A_132 : memref<1x80xi32, #tpu.memory_space<vmem>> -> memref<80xi32, #tpu.memory_space<vmem>>
          %dma_start3A_134 = arith.constant 0 : i32
          %dma_start3A_135 = arith.constant 0 : i32
          %dma_start3A_136 = tpu.memref_slice %arg3[%dma_start3A_134, %dma_start3A_135] : memref<10000x128xf32, #tpu.memory_space<hbm>> -> memref<10000x128xf32, #tpu.memory_space<hbm>>
          tpu.enqueue_indirect_dma source(%dma_start3A_136 : memref<10000x128xf32, #tpu.memory_space<hbm>>) target(%arg19 : memref<80x128xf32, #tpu.memory_space<vmem>>) offsets(%dma_start3A_133 : memref<80xi32, #tpu.memory_space<vmem>>) semaphore(%arg25 : memref<!tpu.dma_semaphore, #tpu.memory_space<semaphore_mem>>)
          %lt3A_137 = arith.constant 250 : i32
          %lt3A_138 = arith.cmpi slt, %add3A_128, %lt3A_137 : i32
          %mul3A_139 = arith.constant 80 : i32
          %mul3A_140 = arith.muli %add3A_128, %mul3A_139 : i32
          %jit3A_141 = arith.constant 0 : i32
          %select_n3A_142 = arith.select %lt3A_138, %mul3A_140, %jit3A_141 : i32
          %add3A_143 = arith.addi %mul3A_11, %select_n3A_142 : i32
          %dma_start3A_144 = arith.constant 0 : i32
          %dma_start3A_145 = tpu.memref_slice %arg9[%add3A_143, %dma_start3A_144] : memref<320000x128xf32, #tpu.memory_space<hbm>> -> memref<80x128xf32, #tpu.memory_space<hbm>>
          %dma_start3A_146 = arith.constant 0 : i32
          %dma_start3A_147 = tpu.memref_slice %arg9[%add3A_143, %dma_start3A_146] : memref<320000x128xf32, #tpu.memory_space<hbm>> -> memref<80x128xf32, #tpu.memory_space<hbm>>
          tpu.enqueue_dma source(%dma_start3A_147 : memref<80x128xf32, #tpu.memory_space<hbm>>) target(%arg21 : memref<80x128xf32, #tpu.memory_space<vmem>>) target_semaphore(%arg25 : memref<!tpu.dma_semaphore, #tpu.memory_space<semaphore_mem>>)
          %add3A_148 = arith.addi %mul3A_53, %mul3A_125 : i32
          %dma_wait3A_149 = arith.constant 0 : i32
          %dma_wait3A_150 = tpu.memref_slice %arg14[%mul3A_125, %dma_wait3A_149] : memref<16x80xi32, #tpu.memory_space<vmem>> -> memref<1x80xi32, #tpu.memory_space<vmem>>
          %dma_wait3A_151 = tpu.memref_squeeze %dma_wait3A_150 : memref<1x80xi32, #tpu.memory_space<vmem>> -> memref<80xi32, #tpu.memory_space<vmem>>
          %dma_wait3A_152 = arith.constant 0 : i32
          %dma_wait3A_153 = arith.constant 0 : i32
          %dma_wait3A_154 = tpu.memref_slice %arg2[%dma_wait3A_152, %dma_wait3A_153] : memref<10000x128xf32, #tpu.memory_space<hbm>> -> memref<10000x128xf32, #tpu.memory_space<hbm>>
          tpu.wait_indirect_dma semaphore(%arg24 : memref<!tpu.dma_semaphore, #tpu.memory_space<semaphore_mem>>) src(%dma_wait3A_154 : memref<10000x128xf32, #tpu.memory_space<hbm>>) dst(%arg18 : memref<80x128xf32, #tpu.memory_space<vmem>>)
          %lt3A_155 = arith.constant 250 : i32
          %lt3A_156 = arith.cmpi slt, %add3A_148, %lt3A_155 : i32
          %mul3A_157 = arith.constant 80 : i32
          %mul3A_158 = arith.muli %add3A_148, %mul3A_157 : i32
          %jit3A_159 = arith.constant 0 : i32
          %select_n3A_160 = arith.select %lt3A_156, %mul3A_158, %jit3A_159 : i32
          %add3A_161 = arith.addi %mul3A_11, %select_n3A_160 : i32
          %dma_wait3A_162 = arith.constant 0 : i32
          %dma_wait3A_163 = tpu.memref_slice %arg9[%add3A_161, %dma_wait3A_162] : memref<320000x128xf32, #tpu.memory_space<hbm>> -> memref<80x128xf32, #tpu.memory_space<hbm>>
          %dma_wait3A_164 = arith.constant 0 : i32
          %dma_wait3A_165 = tpu.memref_slice %arg9[%add3A_161, %dma_wait3A_164] : memref<320000x128xf32, #tpu.memory_space<hbm>> -> memref<80x128xf32, #tpu.memory_space<hbm>>
          tpu.wait_dma2 semaphore(%arg24 : memref<!tpu.dma_semaphore, #tpu.memory_space<semaphore_mem>>) src(%dma_wait3A_165 : memref<80x128xf32, #tpu.memory_space<hbm>>) dst(%arg20 : memref<80x128xf32, #tpu.memory_space<vmem>>)
          %scan3A_166 = arith.constant 0 : i32
          %scan3A_167 = arith.constant 0 : i32
          %scan3A_168 = arith.constant 80 : i32
          %scan3A_169 = arith.addi %scan3A_167, %scan3A_168 : i32
          %scan3A_170 = arith.constant 1 : i32
          scf.for %scan3A_207 = %scan3A_167 to %scan3A_169 step %scan3A_170  : i32 {
            %get3A = arith.index_cast %scan3A_207 : i32 to index
            %get3A_208 = arith.constant 0 : index
            %get3A_209 = tpu.vector_load %arg20[%get3A, %get3A_208] {strides = array<i32>} : memref<80x128xf32, #tpu.memory_space<vmem>>, vector<1x16xf32>,
            %get3A_210 = vector.shape_cast %get3A_209 : vector<1x16xf32> to vector<16xf32>
            %get3A_211 = arith.index_cast %scan3A_207 : i32 to index
            %get3A_212 = arith.constant 0 : index
            %get3A_213 = tpu.vector_load %arg18[%get3A_211, %get3A_212] {strides = array<i32>} : memref<80x128xf32, #tpu.memory_space<vmem>>, vector<1x16xf32>,
            %get3A_214 = vector.shape_cast %get3A_213 : vector<1x16xf32> to vector<16xf32>
            %mul3A_215 = arith.mulf %get3A_210, %get3A_214 : vector<16xf32>
            %swap3A = arith.index_cast %scan3A_207 : i32 to index
            %swap3A_216 = arith.constant 0 : index
            %swap3A_217 = tpu.vector_load %arg20[%swap3A, %swap3A_216] {strides = array<i32>} : memref<80x128xf32, #tpu.memory_space<vmem>>, vector<1x16xf32>,
            %swap3A_218 = vector.shape_cast %swap3A_217 : vector<1x16xf32> to vector<16xf32>
            %swap3A_219 = vector.shape_cast %mul3A_215 : vector<16xf32> to vector<1x16xf32>
            tpu.vector_store %arg20[%swap3A, %swap3A_216], %swap3A_219 {strides = array<i32>} : memref<80x128xf32, #tpu.memory_space<vmem>>, vector<1x16xf32>,
            %get3A_220 = arith.index_cast %scan3A_207 : i32 to index
            %get3A_221 = arith.constant 16 : index
            %get3A_222 = tpu.vector_load %arg20[%get3A_220, %get3A_221] {strides = array<i32>} : memref<80x128xf32, #tpu.memory_space<vmem>>, vector<1x16xf32>,
            %get3A_223 = vector.shape_cast %get3A_222 : vector<1x16xf32> to vector<16xf32>
            %get3A_224 = arith.index_cast %scan3A_207 : i32 to index
            %get3A_225 = arith.constant 16 : index
            %get3A_226 = tpu.vector_load %arg18[%get3A_224, %get3A_225] {strides = array<i32>} : memref<80x128xf32, #tpu.memory_space<vmem>>, vector<1x16xf32>,
            %get3A_227 = vector.shape_cast %get3A_226 : vector<1x16xf32> to vector<16xf32>
            %mul3A_228 = arith.mulf %get3A_223, %get3A_227 : vector<16xf32>
            %swap3A_229 = arith.index_cast %scan3A_207 : i32 to index
            %swap3A_230 = arith.constant 16 : index
            %swap3A_231 = tpu.vector_load %arg20[%swap3A_229, %swap3A_230] {strides = array<i32>} : memref<80x128xf32, #tpu.memory_space<vmem>>, vector<1x16xf32>,
            %swap3A_232 = vector.shape_cast %swap3A_231 : vector<1x16xf32> to vector<16xf32>
            %swap3A_233 = vector.shape_cast %mul3A_228 : vector<16xf32> to vector<1x16xf32>
            tpu.vector_store %arg20[%swap3A_229, %swap3A_230], %swap3A_233 {strides = array<i32>} : memref<80x128xf32, #tpu.memory_space<vmem>>, vector<1x16xf32>,
            %get3A_234 = arith.index_cast %scan3A_207 : i32 to index
            %get3A_235 = arith.constant 32 : index
            %get3A_236 = tpu.vector_load %arg20[%get3A_234, %get3A_235] {strides = array<i32>} : memref<80x128xf32, #tpu.memory_space<vmem>>, vector<1x16xf32>,
            %get3A_237 = vector.shape_cast %get3A_236 : vector<1x16xf32> to vector<16xf32>
            %get3A_238 = arith.index_cast %scan3A_207 : i32 to index
            %get3A_239 = arith.constant 32 : index
            %get3A_240 = tpu.vector_load %arg18[%get3A_238, %get3A_239] {strides = array<i32>} : memref<80x128xf32, #tpu.memory_space<vmem>>, vector<1x16xf32>,
            %get3A_241 = vector.shape_cast %get3A_240 : vector<1x16xf32> to vector<16xf32>
            %mul3A_242 = arith.mulf %get3A_237, %get3A_241 : vector<16xf32>
            %swap3A_243 = arith.index_cast %scan3A_207 : i32 to index
            %swap3A_244 = arith.constant 32 : index
            %swap3A_245 = tpu.vector_load %arg20[%swap3A_243, %swap3A_244] {strides = array<i32>} : memref<80x128xf32, #tpu.memory_space<vmem>>, vector<1x16xf32>,
            %swap3A_246 = vector.shape_cast %swap3A_245 : vector<1x16xf32> to vector<16xf32>
            %swap3A_247 = vector.shape_cast %mul3A_242 : vector<16xf32> to vector<1x16xf32>
            tpu.vector_store %arg20[%swap3A_243, %swap3A_244], %swap3A_247 {strides = array<i32>} : memref<80x128xf32, #tpu.memory_space<vmem>>, vector<1x16xf32>,
            %get3A_248 = arith.index_cast %scan3A_207 : i32 to index
            %get3A_249 = arith.constant 48 : index
            %get3A_250 = tpu.vector_load %arg20[%get3A_248, %get3A_249] {strides = array<i32>} : memref<80x128xf32, #tpu.memory_space<vmem>>, vector<1x16xf32>,
            %get3A_251 = vector.shape_cast %get3A_250 : vector<1x16xf32> to vector<16xf32>
            %get3A_252 = arith.index_cast %scan3A_207 : i32 to index
            %get3A_253 = arith.constant 48 : index
            %get3A_254 = tpu.vector_load %arg18[%get3A_252, %get3A_253] {strides = array<i32>} : memref<80x128xf32, #tpu.memory_space<vmem>>, vector<1x16xf32>,
            %get3A_255 = vector.shape_cast %get3A_254 : vector<1x16xf32> to vector<16xf32>
            %mul3A_256 = arith.mulf %get3A_251, %get3A_255 : vector<16xf32>
            %swap3A_257 = arith.index_cast %scan3A_207 : i32 to index
            %swap3A_258 = arith.constant 48 : index
            %swap3A_259 = tpu.vector_load %arg20[%swap3A_257, %swap3A_258] {strides = array<i32>} : memref<80x128xf32, #tpu.memory_space<vmem>>, vector<1x16xf32>,
            %swap3A_260 = vector.shape_cast %swap3A_259 : vector<1x16xf32> to vector<16xf32>
            %swap3A_261 = vector.shape_cast %mul3A_256 : vector<16xf32> to vector<1x16xf32>
            tpu.vector_store %arg20[%swap3A_257, %swap3A_258], %swap3A_261 {strides = array<i32>} : memref<80x128xf32, #tpu.memory_space<vmem>>, vector<1x16xf32>,
            %get3A_262 = arith.index_cast %scan3A_207 : i32 to index
            %get3A_263 = arith.constant 64 : index
            %get3A_264 = tpu.vector_load %arg20[%get3A_262, %get3A_263] {strides = array<i32>} : memref<80x128xf32, #tpu.memory_space<vmem>>, vector<1x16xf32>,
            %get3A_265 = vector.shape_cast %get3A_264 : vector<1x16xf32> to vector<16xf32>
            %get3A_266 = arith.index_cast %scan3A_207 : i32 to index
            %get3A_267 = arith.constant 64 : index
            %get3A_268 = tpu.vector_load %arg18[%get3A_266, %get3A_267] {strides = array<i32>} : memref<80x128xf32, #tpu.memory_space<vmem>>, vector<1x16xf32>,
            %get3A_269 = vector.shape_cast %get3A_268 : vector<1x16xf32> to vector<16xf32>
            %mul3A_270 = arith.mulf %get3A_265, %get3A_269 : vector<16xf32>
            %swap3A_271 = arith.index_cast %scan3A_207 : i32 to index
            %swap3A_272 = arith.constant 64 : index
            %swap3A_273 = tpu.vector_load %arg20[%swap3A_271, %swap3A_272] {strides = array<i32>} : memref<80x128xf32, #tpu.memory_space<vmem>>, vector<1x16xf32>,
            %swap3A_274 = vector.shape_cast %swap3A_273 : vector<1x16xf32> to vector<16xf32>
            %swap3A_275 = vector.shape_cast %mul3A_270 : vector<16xf32> to vector<1x16xf32>
            tpu.vector_store %arg20[%swap3A_271, %swap3A_272], %swap3A_275 {strides = array<i32>} : memref<80x128xf32, #tpu.memory_space<vmem>>, vector<1x16xf32>,
            %get3A_276 = arith.index_cast %scan3A_207 : i32 to index
            %get3A_277 = arith.constant 80 : index
            %get3A_278 = tpu.vector_load %arg20[%get3A_276, %get3A_277] {strides = array<i32>} : memref<80x128xf32, #tpu.memory_space<vmem>>, vector<1x16xf32>,
            %get3A_279 = vector.shape_cast %get3A_278 : vector<1x16xf32> to vector<16xf32>
            %get3A_280 = arith.index_cast %scan3A_207 : i32 to index
            %get3A_281 = arith.constant 80 : index
            %get3A_282 = tpu.vector_load %arg18[%get3A_280, %get3A_281] {strides = array<i32>} : memref<80x128xf32, #tpu.memory_space<vmem>>, vector<1x16xf32>,
            %get3A_283 = vector.shape_cast %get3A_282 : vector<1x16xf32> to vector<16xf32>
            %mul3A_284 = arith.mulf %get3A_279, %get3A_283 : vector<16xf32>
            %swap3A_285 = arith.index_cast %scan3A_207 : i32 to index
            %swap3A_286 = arith.constant 80 : index
            %swap3A_287 = tpu.vector_load %arg20[%swap3A_285, %swap3A_286] {strides = array<i32>} : memref<80x128xf32, #tpu.memory_space<vmem>>, vector<1x16xf32>,
            %swap3A_288 = vector.shape_cast %swap3A_287 : vector<1x16xf32> to vector<16xf32>
            %swap3A_289 = vector.shape_cast %mul3A_284 : vector<16xf32> to vector<1x16xf32>
            tpu.vector_store %arg20[%swap3A_285, %swap3A_286], %swap3A_289 {strides = array<i32>} : memref<80x128xf32, #tpu.memory_space<vmem>>, vector<1x16xf32>,
            %get3A_290 = arith.index_cast %scan3A_207 : i32 to index
            %get3A_291 = arith.constant 96 : index
            %get3A_292 = tpu.vector_load %arg20[%get3A_290, %get3A_291] {strides = array<i32>} : memref<80x128xf32, #tpu.memory_space<vmem>>, vector<1x16xf32>,
            %get3A_293 = vector.shape_cast %get3A_292 : vector<1x16xf32> to vector<16xf32>
            %get3A_294 = arith.index_cast %scan3A_207 : i32 to index
            %get3A_295 = arith.constant 96 : index
            %get3A_296 = tpu.vector_load %arg18[%get3A_294, %get3A_295] {strides = array<i32>} : memref<80x128xf32, #tpu.memory_space<vmem>>, vector<1x16xf32>,
            %get3A_297 = vector.shape_cast %get3A_296 : vector<1x16xf32> to vector<16xf32>
            %mul3A_298 = arith.mulf %get3A_293, %get3A_297 : vector<16xf32>
            %swap3A_299 = arith.index_cast %scan3A_207 : i32 to index
            %swap3A_300 = arith.constant 96 : index
            %swap3A_301 = tpu.vector_load %arg20[%swap3A_299, %swap3A_300] {strides = array<i32>} : memref<80x128xf32, #tpu.memory_space<vmem>>, vector<1x16xf32>,
            %swap3A_302 = vector.shape_cast %swap3A_301 : vector<1x16xf32> to vector<16xf32>
            %swap3A_303 = vector.shape_cast %mul3A_298 : vector<16xf32> to vector<1x16xf32>
            tpu.vector_store %arg20[%swap3A_299, %swap3A_300], %swap3A_303 {strides = array<i32>} : memref<80x128xf32, #tpu.memory_space<vmem>>, vector<1x16xf32>,
            %get3A_304 = arith.index_cast %scan3A_207 : i32 to index
            %get3A_305 = arith.constant 112 : index
            %get3A_306 = tpu.vector_load %arg20[%get3A_304, %get3A_305] {strides = array<i32>} : memref<80x128xf32, #tpu.memory_space<vmem>>, vector<1x16xf32>,
            %get3A_307 = vector.shape_cast %get3A_306 : vector<1x16xf32> to vector<16xf32>
            %get3A_308 = arith.index_cast %scan3A_207 : i32 to index
            %get3A_309 = arith.constant 112 : index
            %get3A_310 = tpu.vector_load %arg18[%get3A_308, %get3A_309] {strides = array<i32>} : memref<80x128xf32, #tpu.memory_space<vmem>>, vector<1x16xf32>,
            %get3A_311 = vector.shape_cast %get3A_310 : vector<1x16xf32> to vector<16xf32>
            %mul3A_312 = arith.mulf %get3A_307, %get3A_311 : vector<16xf32>
            %swap3A_313 = arith.index_cast %scan3A_207 : i32 to index
            %swap3A_314 = arith.constant 112 : index
            %swap3A_315 = tpu.vector_load %arg20[%swap3A_313, %swap3A_314] {strides = array<i32>} : memref<80x128xf32, #tpu.memory_space<vmem>>, vector<1x16xf32>,
            %swap3A_316 = vector.shape_cast %swap3A_315 : vector<1x16xf32> to vector<16xf32>
            %swap3A_317 = vector.shape_cast %mul3A_312 : vector<16xf32> to vector<1x16xf32>
            tpu.vector_store %arg20[%swap3A_313, %swap3A_314], %swap3A_317 {strides = array<i32>} : memref<80x128xf32, #tpu.memory_space<vmem>>, vector<1x16xf32>,
          }
          %scan3A_171 = arith.constant 80 : i32
          "tpu.region"() ({
            %run_scoped3A = tpu.sem_alloc : memref<!tpu.dma_semaphore, #tpu.memory_space<semaphore_mem>>
            %dma_start3A_207 = arith.constant 0 : i32
            %dma_start3A_208 = tpu.memref_slice %arg15[%mul3A_125, %dma_start3A_207] : memref<16x80xi32, #tpu.memory_space<vmem>> -> memref<1x80xi32, #tpu.memory_space<vmem>>
            %dma_start3A_209 = tpu.memref_squeeze %dma_start3A_208 : memref<1x80xi32, #tpu.memory_space<vmem>> -> memref<80xi32, #tpu.memory_space<vmem>>
            %dma_start3A_210 = arith.constant 0 : i32
            %dma_start3A_211 = arith.constant 0 : i32
            %dma_start3A_212 = tpu.memref_slice %arg13[%dma_start3A_210, %dma_start3A_211] : memref<10112x128xf32, #tpu.memory_space<vmem_shared>> -> memref<10112x128xf32, #tpu.memory_space<vmem_shared>>
            tpu.enqueue_indirect_dma source(%arg20 : memref<80x128xf32, #tpu.memory_space<vmem>>) target(%dma_start3A_212 : memref<10112x128xf32, #tpu.memory_space<vmem_shared>>) offsets(%dma_start3A_209 : memref<80xi32, #tpu.memory_space<vmem>>) semaphore(%run_scoped3A : memref<!tpu.dma_semaphore, #tpu.memory_space<semaphore_mem>>) {add = true}
            %dma_wait3A_213 = arith.constant 0 : i32
            %dma_wait3A_214 = tpu.memref_slice %arg15[%mul3A_125, %dma_wait3A_213] : memref<16x80xi32, #tpu.memory_space<vmem>> -> memref<1x80xi32, #tpu.memory_space<vmem>>
            %dma_wait3A_215 = tpu.memref_squeeze %dma_wait3A_214 : memref<1x80xi32, #tpu.memory_space<vmem>> -> memref<80xi32, #tpu.memory_space<vmem>>
            %dma_wait3A_216 = arith.constant 0 : i32
            %dma_wait3A_217 = arith.constant 0 : i32
            %dma_wait3A_218 = tpu.memref_slice %arg13[%dma_wait3A_216, %dma_wait3A_217] : memref<10112x128xf32, #tpu.memory_space<vmem_shared>> -> memref<10112x128xf32, #tpu.memory_space<vmem_shared>>
            tpu.wait_indirect_dma semaphore(%run_scoped3A : memref<!tpu.dma_semaphore, #tpu.memory_space<semaphore_mem>>) src(%arg20 : memref<80x128xf32, #tpu.memory_space<vmem>>) dst(%dma_wait3A_218 : memref<10112x128xf32, #tpu.memory_space<vmem_shared>>)
            tpu.yield
          }) : () -> ()
          %add3A_172 = arith.constant 2 : i32
          %add3A_173 = arith.addi %mul3A_125, %add3A_172 : i32
          %lt3A_174 = arith.constant 16 : i32
          %lt3A_175 = arith.cmpi slt, %add3A_173, %lt3A_174 : i32
          %convert_element_type3A_176 = arith.extui %lt3A_175 : i1 to i32
          %cond3A_177 = arith.constant 0 : i32
          %cond3A_178 = arith.cmpi ne, %convert_element_type3A_176, %cond3A_177 : i32
          scf.if %cond3A_178 {
            %add3A_207 = arith.addi %mul3A_53, %mul3A_125 : i32
            %add3A_208 = arith.constant 2 : i32
            %add3A_209 = arith.addi %add3A_207, %add3A_208 : i32
            %add3A_210 = arith.constant 2 : i32
            %add3A_211 = arith.addi %mul3A_125, %add3A_210 : i32
            %dma_start3A_212 = arith.constant 0 : i32
            %dma_start3A_213 = tpu.memref_slice %arg14[%add3A_211, %dma_start3A_212] : memref<16x80xi32, #tpu.memory_space<vmem>> -> memref<1x80xi32, #tpu.memory_space<vmem>>
            %dma_start3A_214 = tpu.memref_squeeze %dma_start3A_213 : memref<1x80xi32, #tpu.memory_space<vmem>> -> memref<80xi32, #tpu.memory_space<vmem>>
            %dma_start3A_215 = arith.constant 0 : i32
            %dma_start3A_216 = arith.constant 0 : i32
            %dma_start3A_217 = tpu.memref_slice %arg2[%dma_start3A_215, %dma_start3A_216] : memref<10000x128xf32, #tpu.memory_space<hbm>> -> memref<10000x128xf32, #tpu.memory_space<hbm>>
            tpu.enqueue_indirect_dma source(%dma_start3A_217 : memref<10000x128xf32, #tpu.memory_space<hbm>>) target(%arg18 : memref<80x128xf32, #tpu.memory_space<vmem>>) offsets(%dma_start3A_214 : memref<80xi32, #tpu.memory_space<vmem>>) semaphore(%arg24 : memref<!tpu.dma_semaphore, #tpu.memory_space<semaphore_mem>>)
            %lt3A_218 = arith.constant 250 : i32
            %lt3A_219 = arith.cmpi slt, %add3A_209, %lt3A_218 : i32
            %mul3A_220 = arith.constant 80 : i32
            %mul3A_221 = arith.muli %add3A_209, %mul3A_220 : i32
            %jit3A_222 = arith.constant 0 : i32
            %select_n3A_223 = arith.select %lt3A_219, %mul3A_221, %jit3A_222 : i32
            %add3A_224 = arith.addi %mul3A_11, %select_n3A_223 : i32
            %dma_start3A_225 = arith.constant 0 : i32
            %dma_start3A_226 = tpu.memref_slice %arg9[%add3A_224, %dma_start3A_225] : memref<320000x128xf32, #tpu.memory_space<hbm>> -> memref<80x128xf32, #tpu.memory_space<hbm>>
            %dma_start3A_227 = arith.constant 0 : i32
            %dma_start3A_228 = tpu.memref_slice %arg9[%add3A_224, %dma_start3A_227] : memref<320000x128xf32, #tpu.memory_space<hbm>> -> memref<80x128xf32, #tpu.memory_space<hbm>>
            tpu.enqueue_dma source(%dma_start3A_228 : memref<80x128xf32, #tpu.memory_space<hbm>>) target(%arg20 : memref<80x128xf32, #tpu.memory_space<vmem>>) target_semaphore(%arg24 : memref<!tpu.dma_semaphore, #tpu.memory_space<semaphore_mem>>)
          } else {
          }
          %add3A_179 = arith.addi %mul3A_53, %mul3A_125 : i32
          %add3A_180 = arith.constant 1 : i32
          %add3A_181 = arith.addi %add3A_179, %add3A_180 : i32
          %add3A_182 = arith.constant 1 : i32
          %add3A_183 = arith.addi %mul3A_125, %add3A_182 : i32
          %dma_wait3A_184 = arith.constant 0 : i32
          %dma_wait3A_185 = tpu.memref_slice %arg14[%add3A_183, %dma_wait3A_184] : memref<16x80xi32, #tpu.memory_space<vmem>> -> memref<1x80xi32, #tpu.memory_space<vmem>>
          %dma_wait3A_186 = tpu.memref_squeeze %dma_wait3A_185 : memref<1x80xi32, #tpu.memory_space<vmem>> -> memref<80xi32, #tpu.memory_space<vmem>>
          %dma_wait3A_187 = arith.constant 0 : i32
          %dma_wait3A_188 = arith.constant 0 : i32
          %dma_wait3A_189 = tpu.memref_slice %arg3[%dma_wait3A_187, %dma_wait3A_188] : memref<10000x128xf32, #tpu.memory_space<hbm>> -> memref<10000x128xf32, #tpu.memory_space<hbm>>
          tpu.wait_indirect_dma semaphore(%arg25 : memref<!tpu.dma_semaphore, #tpu.memory_space<semaphore_mem>>) src(%dma_wait3A_189 : memref<10000x128xf32, #tpu.memory_space<hbm>>) dst(%arg19 : memref<80x128xf32, #tpu.memory_space<vmem>>)
          %lt3A_190 = arith.constant 250 : i32
          %lt3A_191 = arith.cmpi slt, %add3A_181, %lt3A_190 : i32
          %mul3A_192 = arith.constant 80 : i32
          %mul3A_193 = arith.muli %add3A_181, %mul3A_192 : i32
          %jit3A_194 = arith.constant 0 : i32
          %select_n3A_195 = arith.select %lt3A_191, %mul3A_193, %jit3A_194 : i32
          %add3A_196 = arith.addi %mul3A_11, %select_n3A_195 : i32
          %dma_wait3A_197 = arith.constant 0 : i32
          %dma_wait3A_198 = tpu.memref_slice %arg9[%add3A_196, %dma_wait3A_197] : memref<320000x128xf32, #tpu.memory_space<hbm>> -> memref<80x128xf32, #tpu.memory_space<hbm>>
          %dma_wait3A_199 = arith.constant 0 : i32
          %dma_wait3A_200 = tpu.memref_slice %arg9[%add3A_196, %dma_wait3A_199] : memref<320000x128xf32, #tpu.memory_space<hbm>> -> memref<80x128xf32, #tpu.memory_space<hbm>>
          tpu.wait_dma2 semaphore(%arg25 : memref<!tpu.dma_semaphore, #tpu.memory_space<semaphore_mem>>) src(%dma_wait3A_200 : memref<80x128xf32, #tpu.memory_space<hbm>>) dst(%arg21 : memref<80x128xf32, #tpu.memory_space<vmem>>)
          %scan3A_201 = arith.constant 0 : i32
          %scan3A_202 = arith.constant 0 : i32
          %scan3A_203 = arith.constant 80 : i32
          %scan3A_204 = arith.addi %scan3A_202, %scan3A_203 : i32
          %scan3A_205 = arith.constant 1 : i32
          scf.for %scan3A_207 = %scan3A_202 to %scan3A_204 step %scan3A_205  : i32 {
            %get3A = arith.index_cast %scan3A_207 : i32 to index
            %get3A_208 = arith.constant 0 : index
            %get3A_209 = tpu.vector_load %arg21[%get3A, %get3A_208] {strides = array<i32>} : memref<80x128xf32, #tpu.memory_space<vmem>>, vector<1x16xf32>,
            %get3A_210 = vector.shape_cast %get3A_209 : vector<1x16xf32> to vector<16xf32>
            %get3A_211 = arith.index_cast %scan3A_207 : i32 to index
            %get3A_212 = arith.constant 0 : index
            %get3A_213 = tpu.vector_load %arg19[%get3A_211, %get3A_212] {strides = array<i32>} : memref<80x128xf32, #tpu.memory_space<vmem>>, vector<1x16xf32>,
            %get3A_214 = vector.shape_cast %get3A_213 : vector<1x16xf32> to vector<16xf32>
            %mul3A_215 = arith.mulf %get3A_210, %get3A_214 : vector<16xf32>
            %swap3A = arith.index_cast %scan3A_207 : i32 to index
            %swap3A_216 = arith.constant 0 : index
            %swap3A_217 = tpu.vector_load %arg21[%swap3A, %swap3A_216] {strides = array<i32>} : memref<80x128xf32, #tpu.memory_space<vmem>>, vector<1x16xf32>,
            %swap3A_218 = vector.shape_cast %swap3A_217 : vector<1x16xf32> to vector<16xf32>
            %swap3A_219 = vector.shape_cast %mul3A_215 : vector<16xf32> to vector<1x16xf32>
            tpu.vector_store %arg21[%swap3A, %swap3A_216], %swap3A_219 {strides = array<i32>} : memref<80x128xf32, #tpu.memory_space<vmem>>, vector<1x16xf32>,
            %get3A_220 = arith.index_cast %scan3A_207 : i32 to index
            %get3A_221 = arith.constant 16 : index
            %get3A_222 = tpu.vector_load %arg21[%get3A_220, %get3A_221] {strides = array<i32>} : memref<80x128xf32, #tpu.memory_space<vmem>>, vector<1x16xf32>,
            %get3A_223 = vector.shape_cast %get3A_222 : vector<1x16xf32> to vector<16xf32>
            %get3A_224 = arith.index_cast %scan3A_207 : i32 to index
            %get3A_225 = arith.constant 16 : index
            %get3A_226 = tpu.vector_load %arg19[%get3A_224, %get3A_225] {strides = array<i32>} : memref<80x128xf32, #tpu.memory_space<vmem>>, vector<1x16xf32>,
            %get3A_227 = vector.shape_cast %get3A_226 : vector<1x16xf32> to vector<16xf32>
            %mul3A_228 = arith.mulf %get3A_223, %get3A_227 : vector<16xf32>
            %swap3A_229 = arith.index_cast %scan3A_207 : i32 to index
            %swap3A_230 = arith.constant 16 : index
            %swap3A_231 = tpu.vector_load %arg21[%swap3A_229, %swap3A_230] {strides = array<i32>} : memref<80x128xf32, #tpu.memory_space<vmem>>, vector<1x16xf32>,
            %swap3A_232 = vector.shape_cast %swap3A_231 : vector<1x16xf32> to vector<16xf32>
            %swap3A_233 = vector.shape_cast %mul3A_228 : vector<16xf32> to vector<1x16xf32>
            tpu.vector_store %arg21[%swap3A_229, %swap3A_230], %swap3A_233 {strides = array<i32>} : memref<80x128xf32, #tpu.memory_space<vmem>>, vector<1x16xf32>,
            %get3A_234 = arith.index_cast %scan3A_207 : i32 to index
            %get3A_235 = arith.constant 32 : index
            %get3A_236 = tpu.vector_load %arg21[%get3A_234, %get3A_235] {strides = array<i32>} : memref<80x128xf32, #tpu.memory_space<vmem>>, vector<1x16xf32>,
            %get3A_237 = vector.shape_cast %get3A_236 : vector<1x16xf32> to vector<16xf32>
            %get3A_238 = arith.index_cast %scan3A_207 : i32 to index
            %get3A_239 = arith.constant 32 : index
            %get3A_240 = tpu.vector_load %arg19[%get3A_238, %get3A_239] {strides = array<i32>} : memref<80x128xf32, #tpu.memory_space<vmem>>, vector<1x16xf32>,
            %get3A_241 = vector.shape_cast %get3A_240 : vector<1x16xf32> to vector<16xf32>
            %mul3A_242 = arith.mulf %get3A_237, %get3A_241 : vector<16xf32>
            %swap3A_243 = arith.index_cast %scan3A_207 : i32 to index
            %swap3A_244 = arith.constant 32 : index
            %swap3A_245 = tpu.vector_load %arg21[%swap3A_243, %swap3A_244] {strides = array<i32>} : memref<80x128xf32, #tpu.memory_space<vmem>>, vector<1x16xf32>,
            %swap3A_246 = vector.shape_cast %swap3A_245 : vector<1x16xf32> to vector<16xf32>
            %swap3A_247 = vector.shape_cast %mul3A_242 : vector<16xf32> to vector<1x16xf32>
            tpu.vector_store %arg21[%swap3A_243, %swap3A_244], %swap3A_247 {strides = array<i32>} : memref<80x128xf32, #tpu.memory_space<vmem>>, vector<1x16xf32>,
            %get3A_248 = arith.index_cast %scan3A_207 : i32 to index
            %get3A_249 = arith.constant 48 : index
            %get3A_250 = tpu.vector_load %arg21[%get3A_248, %get3A_249] {strides = array<i32>} : memref<80x128xf32, #tpu.memory_space<vmem>>, vector<1x16xf32>,
            %get3A_251 = vector.shape_cast %get3A_250 : vector<1x16xf32> to vector<16xf32>
            %get3A_252 = arith.index_cast %scan3A_207 : i32 to index
            %get3A_253 = arith.constant 48 : index
            %get3A_254 = tpu.vector_load %arg19[%get3A_252, %get3A_253] {strides = array<i32>} : memref<80x128xf32, #tpu.memory_space<vmem>>, vector<1x16xf32>,
            %get3A_255 = vector.shape_cast %get3A_254 : vector<1x16xf32> to vector<16xf32>
            %mul3A_256 = arith.mulf %get3A_251, %get3A_255 : vector<16xf32>
            %swap3A_257 = arith.index_cast %scan3A_207 : i32 to index
            %swap3A_258 = arith.constant 48 : index
            %swap3A_259 = tpu.vector_load %arg21[%swap3A_257, %swap3A_258] {strides = array<i32>} : memref<80x128xf32, #tpu.memory_space<vmem>>, vector<1x16xf32>,
            %swap3A_260 = vector.shape_cast %swap3A_259 : vector<1x16xf32> to vector<16xf32>
            %swap3A_261 = vector.shape_cast %mul3A_256 : vector<16xf32> to vector<1x16xf32>
            tpu.vector_store %arg21[%swap3A_257, %swap3A_258], %swap3A_261 {strides = array<i32>} : memref<80x128xf32, #tpu.memory_space<vmem>>, vector<1x16xf32>,
            %get3A_262 = arith.index_cast %scan3A_207 : i32 to index
            %get3A_263 = arith.constant 64 : index
            %get3A_264 = tpu.vector_load %arg21[%get3A_262, %get3A_263] {strides = array<i32>} : memref<80x128xf32, #tpu.memory_space<vmem>>, vector<1x16xf32>,
            %get3A_265 = vector.shape_cast %get3A_264 : vector<1x16xf32> to vector<16xf32>
            %get3A_266 = arith.index_cast %scan3A_207 : i32 to index
            %get3A_267 = arith.constant 64 : index
            %get3A_268 = tpu.vector_load %arg19[%get3A_266, %get3A_267] {strides = array<i32>} : memref<80x128xf32, #tpu.memory_space<vmem>>, vector<1x16xf32>,
            %get3A_269 = vector.shape_cast %get3A_268 : vector<1x16xf32> to vector<16xf32>
            %mul3A_270 = arith.mulf %get3A_265, %get3A_269 : vector<16xf32>
            %swap3A_271 = arith.index_cast %scan3A_207 : i32 to index
            %swap3A_272 = arith.constant 64 : index
            %swap3A_273 = tpu.vector_load %arg21[%swap3A_271, %swap3A_272] {strides = array<i32>} : memref<80x128xf32, #tpu.memory_space<vmem>>, vector<1x16xf32>,
            %swap3A_274 = vector.shape_cast %swap3A_273 : vector<1x16xf32> to vector<16xf32>
            %swap3A_275 = vector.shape_cast %mul3A_270 : vector<16xf32> to vector<1x16xf32>
            tpu.vector_store %arg21[%swap3A_271, %swap3A_272], %swap3A_275 {strides = array<i32>} : memref<80x128xf32, #tpu.memory_space<vmem>>, vector<1x16xf32>,
            %get3A_276 = arith.index_cast %scan3A_207 : i32 to index
            %get3A_277 = arith.constant 80 : index
            %get3A_278 = tpu.vector_load %arg21[%get3A_276, %get3A_277] {strides = array<i32>} : memref<80x128xf32, #tpu.memory_space<vmem>>, vector<1x16xf32>,
            %get3A_279 = vector.shape_cast %get3A_278 : vector<1x16xf32> to vector<16xf32>
            %get3A_280 = arith.index_cast %scan3A_207 : i32 to index
            %get3A_281 = arith.constant 80 : index
            %get3A_282 = tpu.vector_load %arg19[%get3A_280, %get3A_281] {strides = array<i32>} : memref<80x128xf32, #tpu.memory_space<vmem>>, vector<1x16xf32>,
            %get3A_283 = vector.shape_cast %get3A_282 : vector<1x16xf32> to vector<16xf32>
            %mul3A_284 = arith.mulf %get3A_279, %get3A_283 : vector<16xf32>
            %swap3A_285 = arith.index_cast %scan3A_207 : i32 to index
            %swap3A_286 = arith.constant 80 : index
            %swap3A_287 = tpu.vector_load %arg21[%swap3A_285, %swap3A_286] {strides = array<i32>} : memref<80x128xf32, #tpu.memory_space<vmem>>, vector<1x16xf32>,
            %swap3A_288 = vector.shape_cast %swap3A_287 : vector<1x16xf32> to vector<16xf32>
            %swap3A_289 = vector.shape_cast %mul3A_284 : vector<16xf32> to vector<1x16xf32>
            tpu.vector_store %arg21[%swap3A_285, %swap3A_286], %swap3A_289 {strides = array<i32>} : memref<80x128xf32, #tpu.memory_space<vmem>>, vector<1x16xf32>,
            %get3A_290 = arith.index_cast %scan3A_207 : i32 to index
            %get3A_291 = arith.constant 96 : index
            %get3A_292 = tpu.vector_load %arg21[%get3A_290, %get3A_291] {strides = array<i32>} : memref<80x128xf32, #tpu.memory_space<vmem>>, vector<1x16xf32>,
            %get3A_293 = vector.shape_cast %get3A_292 : vector<1x16xf32> to vector<16xf32>
            %get3A_294 = arith.index_cast %scan3A_207 : i32 to index
            %get3A_295 = arith.constant 96 : index
            %get3A_296 = tpu.vector_load %arg19[%get3A_294, %get3A_295] {strides = array<i32>} : memref<80x128xf32, #tpu.memory_space<vmem>>, vector<1x16xf32>,
            %get3A_297 = vector.shape_cast %get3A_296 : vector<1x16xf32> to vector<16xf32>
            %mul3A_298 = arith.mulf %get3A_293, %get3A_297 : vector<16xf32>
            %swap3A_299 = arith.index_cast %scan3A_207 : i32 to index
            %swap3A_300 = arith.constant 96 : index
            %swap3A_301 = tpu.vector_load %arg21[%swap3A_299, %swap3A_300] {strides = array<i32>} : memref<80x128xf32, #tpu.memory_space<vmem>>, vector<1x16xf32>,
            %swap3A_302 = vector.shape_cast %swap3A_301 : vector<1x16xf32> to vector<16xf32>
            %swap3A_303 = vector.shape_cast %mul3A_298 : vector<16xf32> to vector<1x16xf32>
            tpu.vector_store %arg21[%swap3A_299, %swap3A_300], %swap3A_303 {strides = array<i32>} : memref<80x128xf32, #tpu.memory_space<vmem>>, vector<1x16xf32>,
            %get3A_304 = arith.index_cast %scan3A_207 : i32 to index
            %get3A_305 = arith.constant 112 : index
            %get3A_306 = tpu.vector_load %arg21[%get3A_304, %get3A_305] {strides = array<i32>} : memref<80x128xf32, #tpu.memory_space<vmem>>, vector<1x16xf32>,
            %get3A_307 = vector.shape_cast %get3A_306 : vector<1x16xf32> to vector<16xf32>
            %get3A_308 = arith.index_cast %scan3A_207 : i32 to index
            %get3A_309 = arith.constant 112 : index
            %get3A_310 = tpu.vector_load %arg19[%get3A_308, %get3A_309] {strides = array<i32>} : memref<80x128xf32, #tpu.memory_space<vmem>>, vector<1x16xf32>,
            %get3A_311 = vector.shape_cast %get3A_310 : vector<1x16xf32> to vector<16xf32>
            %mul3A_312 = arith.mulf %get3A_307, %get3A_311 : vector<16xf32>
            %swap3A_313 = arith.index_cast %scan3A_207 : i32 to index
            %swap3A_314 = arith.constant 112 : index
            %swap3A_315 = tpu.vector_load %arg21[%swap3A_313, %swap3A_314] {strides = array<i32>} : memref<80x128xf32, #tpu.memory_space<vmem>>, vector<1x16xf32>,
            %swap3A_316 = vector.shape_cast %swap3A_315 : vector<1x16xf32> to vector<16xf32>
            %swap3A_317 = vector.shape_cast %mul3A_312 : vector<16xf32> to vector<1x16xf32>
            tpu.vector_store %arg21[%swap3A_313, %swap3A_314], %swap3A_317 {strides = array<i32>} : memref<80x128xf32, #tpu.memory_space<vmem>>, vector<1x16xf32>,
          }
          %scan3A_206 = arith.constant 80 : i32
          "tpu.region"() ({
            %run_scoped3A = tpu.sem_alloc : memref<!tpu.dma_semaphore, #tpu.memory_space<semaphore_mem>>
            %dma_start3A_207 = arith.constant 0 : i32
            %dma_start3A_208 = tpu.memref_slice %arg15[%add3A_183, %dma_start3A_207] : memref<16x80xi32, #tpu.memory_space<vmem>> -> memref<1x80xi32, #tpu.memory_space<vmem>>
            %dma_start3A_209 = tpu.memref_squeeze %dma_start3A_208 : memref<1x80xi32, #tpu.memory_space<vmem>> -> memref<80xi32, #tpu.memory_space<vmem>>
            %dma_start3A_210 = arith.constant 0 : i32
            %dma_start3A_211 = arith.constant 0 : i32
            %dma_start3A_212 = tpu.memref_slice %arg13[%dma_start3A_210, %dma_start3A_211] : memref<10112x128xf32, #tpu.memory_space<vmem_shared>> -> memref<10112x128xf32, #tpu.memory_space<vmem_shared>>
            tpu.enqueue_indirect_dma source(%arg21 : memref<80x128xf32, #tpu.memory_space<vmem>>) target(%dma_start3A_212 : memref<10112x128xf32, #tpu.memory_space<vmem_shared>>) offsets(%dma_start3A_209 : memref<80xi32, #tpu.memory_space<vmem>>) semaphore(%run_scoped3A : memref<!tpu.dma_semaphore, #tpu.memory_space<semaphore_mem>>) {add = true}
            %dma_wait3A_213 = arith.constant 0 : i32
            %dma_wait3A_214 = tpu.memref_slice %arg15[%add3A_183, %dma_wait3A_213] : memref<16x80xi32, #tpu.memory_space<vmem>> -> memref<1x80xi32, #tpu.memory_space<vmem>>
            %dma_wait3A_215 = tpu.memref_squeeze %dma_wait3A_214 : memref<1x80xi32, #tpu.memory_space<vmem>> -> memref<80xi32, #tpu.memory_space<vmem>>
            %dma_wait3A_216 = arith.constant 0 : i32
            %dma_wait3A_217 = arith.constant 0 : i32
            %dma_wait3A_218 = tpu.memref_slice %arg13[%dma_wait3A_216, %dma_wait3A_217] : memref<10112x128xf32, #tpu.memory_space<vmem_shared>> -> memref<10112x128xf32, #tpu.memory_space<vmem_shared>>
            tpu.wait_indirect_dma semaphore(%run_scoped3A : memref<!tpu.dma_semaphore, #tpu.memory_space<semaphore_mem>>) src(%arg21 : memref<80x128xf32, #tpu.memory_space<vmem>>) dst(%dma_wait3A_218 : memref<10112x128xf32, #tpu.memory_space<vmem_shared>>)
            tpu.yield
          }) : () -> ()
        }
        %scan3A_74 = arith.constant 8 : i32
        %add3A_75 = arith.constant 1 : i32
        %add3A_76 = arith.addi %mul3A_28, %add3A_75 : i32
        %mul3A_77 = arith.constant 16 : i32
        %mul3A_78 = arith.muli %add3A_76, %mul3A_77 : i32
        %add3A_79 = arith.addi %mul3A_9, %mul3A_78 : i32
        %dma_wait3A_80 = arith.constant 0 : i32
        %dma_wait3A_81 = tpu.memref_slice %arg7[%add3A_79, %dma_wait3A_80] : memref<4096x80xi32, #tpu.memory_space<hbm>> -> memref<16x80xi32, #tpu.memory_space<hbm>>
        %dma_wait3A_82 = arith.constant 0 : i32
        %dma_wait3A_83 = tpu.memref_slice %arg7[%add3A_79, %dma_wait3A_82] : memref<4096x80xi32, #tpu.memory_space<hbm>> -> memref<16x80xi32, #tpu.memory_space<hbm>>
        tpu.wait_dma2 semaphore(%arg23 : memref<!tpu.dma_semaphore, #tpu.memory_space<semaphore_mem>>) src(%dma_wait3A_83 : memref<16x80xi32, #tpu.memory_space<hbm>>) dst(%arg16 : memref<16x80xi32, #tpu.memory_space<vmem>>)
        %dma_wait3A_84 = arith.constant 0 : i32
        %dma_wait3A_85 = tpu.memref_slice %arg8[%add3A_79, %dma_wait3A_84] : memref<4096x80xi32, #tpu.memory_space<hbm>> -> memref<16x80xi32, #tpu.memory_space<hbm>>
        %dma_wait3A_86 = arith.constant 0 : i32
        %dma_wait3A_87 = tpu.memref_slice %arg8[%add3A_79, %dma_wait3A_86] : memref<4096x80xi32, #tpu.memory_space<hbm>> -> memref<16x80xi32, #tpu.memory_space<hbm>>
        tpu.wait_dma2 semaphore(%arg23 : memref<!tpu.dma_semaphore, #tpu.memory_space<semaphore_mem>>) src(%dma_wait3A_87 : memref<16x80xi32, #tpu.memory_space<hbm>>) dst(%arg17 : memref<16x80xi32, #tpu.memory_space<vmem>>)
        %add3A_88 = arith.constant 2 : i32
        %add3A_89 = arith.addi %mul3A_28, %add3A_88 : i32
        %lt3A_90 = arith.constant 16 : i32
        %lt3A_91 = arith.cmpi slt, %add3A_89, %lt3A_90 : i32
        %convert_element_type3A_92 = arith.extui %lt3A_91 : i1 to i32
        %cond3A_93 = arith.constant 0 : i32
        %cond3A_94 = arith.cmpi ne, %convert_element_type3A_92, %cond3A_93 : i32
        scf.if %cond3A_94 {
          %add3A_123 = arith.constant 2 : i32
          %add3A_124 = arith.addi %mul3A_28, %add3A_123 : i32
          %mul3A_125 = arith.constant 16 : i32
          %mul3A_126 = arith.muli %add3A_124, %mul3A_125 : i32
          %add3A_127 = arith.addi %mul3A_9, %mul3A_126 : i32
          %dma_start3A_128 = arith.constant 0 : i32
          %dma_start3A_129 = tpu.memref_slice %arg7[%add3A_127, %dma_start3A_128] : memref<4096x80xi32, #tpu.memory_space<hbm>> -> memref<16x80xi32, #tpu.memory_space<hbm>>
          %dma_start3A_130 = arith.constant 0 : i32
          %dma_start3A_131 = tpu.memref_slice %arg7[%add3A_127, %dma_start3A_130] : memref<4096x80xi32, #tpu.memory_space<hbm>> -> memref<16x80xi32, #tpu.memory_space<hbm>>
          tpu.enqueue_dma source(%dma_start3A_131 : memref<16x80xi32, #tpu.memory_space<hbm>>) target(%arg14 : memref<16x80xi32, #tpu.memory_space<vmem>>) target_semaphore(%arg22 : memref<!tpu.dma_semaphore, #tpu.memory_space<semaphore_mem>>)
          %dma_start3A_132 = arith.constant 0 : i32
          %dma_start3A_133 = tpu.memref_slice %arg8[%add3A_127, %dma_start3A_132] : memref<4096x80xi32, #tpu.memory_space<hbm>> -> memref<16x80xi32, #tpu.memory_space<hbm>>
          %dma_start3A_134 = arith.constant 0 : i32
          %dma_start3A_135 = tpu.memref_slice %arg8[%add3A_127, %dma_start3A_134] : memref<4096x80xi32, #tpu.memory_space<hbm>> -> memref<16x80xi32, #tpu.memory_space<hbm>>
          tpu.enqueue_dma source(%dma_start3A_135 : memref<16x80xi32, #tpu.memory_space<hbm>>) target(%arg15 : memref<16x80xi32, #tpu.memory_space<vmem>>) target_semaphore(%arg22 : memref<!tpu.dma_semaphore, #tpu.memory_space<semaphore_mem>>)
        } else {
        }
        %add3A_95 = arith.constant 1 : i32
        %add3A_96 = arith.addi %mul3A_28, %add3A_95 : i32
        %mul3A_97 = arith.constant 16 : i32
        %mul3A_98 = arith.muli %add3A_96, %mul3A_97 : i32
        %dma_start3A_99 = arith.constant 0 : i32
        %dma_start3A_100 = arith.constant 0 : i32
        %dma_start3A_101 = tpu.memref_slice %arg16[%dma_start3A_99, %dma_start3A_100] : memref<16x80xi32, #tpu.memory_space<vmem>> -> memref<1x80xi32, #tpu.memory_space<vmem>>
        %dma_start3A_102 = tpu.memref_squeeze %dma_start3A_101 : memref<1x80xi32, #tpu.memory_space<vmem>> -> memref<80xi32, #tpu.memory_space<vmem>>
        %dma_start3A_103 = arith.constant 0 : i32
        %dma_start3A_104 = arith.constant 0 : i32
        %dma_start3A_105 = tpu.memref_slice %arg2[%dma_start3A_103, %dma_start3A_104] : memref<10000x128xf32, #tpu.memory_space<hbm>> -> memref<10000x128xf32, #tpu.memory_space<hbm>>
        tpu.enqueue_indirect_dma source(%dma_start3A_105 : memref<10000x128xf32, #tpu.memory_space<hbm>>) target(%arg18 : memref<80x128xf32, #tpu.memory_space<vmem>>) offsets(%dma_start3A_102 : memref<80xi32, #tpu.memory_space<vmem>>) semaphore(%arg24 : memref<!tpu.dma_semaphore, #tpu.memory_space<semaphore_mem>>)
        %lt3A_106 = arith.constant 250 : i32
        %lt3A_107 = arith.cmpi slt, %mul3A_98, %lt3A_106 : i32
        %mul3A_108 = arith.constant 80 : i32
        %mul3A_109 = arith.muli %mul3A_98, %mul3A_108 : i32
        %jit3A_110 = arith.constant 0 : i32
        %select_n3A_111 = arith.select %lt3A_107, %mul3A_109, %jit3A_110 : i32
        %add3A_112 = arith.addi %mul3A_11, %select_n3A_111 : i32
        %dma_start3A_113 = arith.constant 0 : i32
        %dma_start3A_114 = tpu.memref_slice %arg9[%add3A_112, %dma_start3A_113] : memref<320000x128xf32, #tpu.memory_space<hbm>> -> memref<80x128xf32, #tpu.memory_space<hbm>>
        %dma_start3A_115 = arith.constant 0 : i32
        %dma_start3A_116 = tpu.memref_slice %arg9[%add3A_112, %dma_start3A_115] : memref<320000x128xf32, #tpu.memory_space<hbm>> -> memref<80x128xf32, #tpu.memory_space<hbm>>
        tpu.enqueue_dma source(%dma_start3A_116 : memref<80x128xf32, #tpu.memory_space<hbm>>) target(%arg20 : memref<80x128xf32, #tpu.memory_space<vmem>>) target_semaphore(%arg24 : memref<!tpu.dma_semaphore, #tpu.memory_space<semaphore_mem>>)
        %scan3A_117 = arith.constant 0 : i32
        %scan3A_118 = arith.constant 0 : i32
        %scan3A_119 = arith.constant 8 : i32
        %scan3A_120 = arith.addi %scan3A_118, %scan3A_119 : i32
        %scan3A_121 = arith.constant 1 : i32
        scf.for %scan3A_123 = %scan3A_118 to %scan3A_120 step %scan3A_121  : i32 {
          %mul3A_124 = arith.constant 2 : i32
          %mul3A_125 = arith.muli %mul3A_124, %scan3A_123 : i32
          %add3A_126 = arith.addi %mul3A_98, %mul3A_125 : i32
          %add3A_127 = arith.constant 1 : i32
          %add3A_128 = arith.addi %add3A_126, %add3A_127 : i32
          %add3A_129 = arith.constant 1 : i32
          %add3A_130 = arith.addi %mul3A_125, %add3A_129 : i32
          %dma_start3A_131 = arith.constant 0 : i32
          %dma_start3A_132 = tpu.memref_slice %arg16[%add3A_130, %dma_start3A_131] : memref<16x80xi32, #tpu.memory_space<vmem>> -> memref<1x80xi32, #tpu.memory_space<vmem>>
          %dma_start3A_133 = tpu.memref_squeeze %dma_start3A_132 : memref<1x80xi32, #tpu.memory_space<vmem>> -> memref<80xi32, #tpu.memory_space<vmem>>
          %dma_start3A_134 = arith.constant 0 : i32
          %dma_start3A_135 = arith.constant 0 : i32
          %dma_start3A_136 = tpu.memref_slice %arg3[%dma_start3A_134, %dma_start3A_135] : memref<10000x128xf32, #tpu.memory_space<hbm>> -> memref<10000x128xf32, #tpu.memory_space<hbm>>
          tpu.enqueue_indirect_dma source(%dma_start3A_136 : memref<10000x128xf32, #tpu.memory_space<hbm>>) target(%arg19 : memref<80x128xf32, #tpu.memory_space<vmem>>) offsets(%dma_start3A_133 : memref<80xi32, #tpu.memory_space<vmem>>) semaphore(%arg25 : memref<!tpu.dma_semaphore, #tpu.memory_space<semaphore_mem>>)
          %lt3A_137 = arith.constant 250 : i32
          %lt3A_138 = arith.cmpi slt, %add3A_128, %lt3A_137 : i32
          %mul3A_139 = arith.constant 80 : i32
          %mul3A_140 = arith.muli %add3A_128, %mul3A_139 : i32
          %jit3A_141 = arith.constant 0 : i32
          %select_n3A_142 = arith.select %lt3A_138, %mul3A_140, %jit3A_141 : i32
          %add3A_143 = arith.addi %mul3A_11, %select_n3A_142 : i32
          %dma_start3A_144 = arith.constant 0 : i32
          %dma_start3A_145 = tpu.memref_slice %arg9[%add3A_143, %dma_start3A_144] : memref<320000x128xf32, #tpu.memory_space<hbm>> -> memref<80x128xf32, #tpu.memory_space<hbm>>
          %dma_start3A_146 = arith.constant 0 : i32
          %dma_start3A_147 = tpu.memref_slice %arg9[%add3A_143, %dma_start3A_146] : memref<320000x128xf32, #tpu.memory_space<hbm>> -> memref<80x128xf32, #tpu.memory_space<hbm>>
          tpu.enqueue_dma source(%dma_start3A_147 : memref<80x128xf32, #tpu.memory_space<hbm>>) target(%arg21 : memref<80x128xf32, #tpu.memory_space<vmem>>) target_semaphore(%arg25 : memref<!tpu.dma_semaphore, #tpu.memory_space<semaphore_mem>>)
          %add3A_148 = arith.addi %mul3A_98, %mul3A_125 : i32
          %dma_wait3A_149 = arith.constant 0 : i32
          %dma_wait3A_150 = tpu.memref_slice %arg16[%mul3A_125, %dma_wait3A_149] : memref<16x80xi32, #tpu.memory_space<vmem>> -> memref<1x80xi32, #tpu.memory_space<vmem>>
          %dma_wait3A_151 = tpu.memref_squeeze %dma_wait3A_150 : memref<1x80xi32, #tpu.memory_space<vmem>> -> memref<80xi32, #tpu.memory_space<vmem>>
          %dma_wait3A_152 = arith.constant 0 : i32
          %dma_wait3A_153 = arith.constant 0 : i32
          %dma_wait3A_154 = tpu.memref_slice %arg2[%dma_wait3A_152, %dma_wait3A_153] : memref<10000x128xf32, #tpu.memory_space<hbm>> -> memref<10000x128xf32, #tpu.memory_space<hbm>>
          tpu.wait_indirect_dma semaphore(%arg24 : memref<!tpu.dma_semaphore, #tpu.memory_space<semaphore_mem>>) src(%dma_wait3A_154 : memref<10000x128xf32, #tpu.memory_space<hbm>>) dst(%arg18 : memref<80x128xf32, #tpu.memory_space<vmem>>)
          %lt3A_155 = arith.constant 250 : i32
          %lt3A_156 = arith.cmpi slt, %add3A_148, %lt3A_155 : i32
          %mul3A_157 = arith.constant 80 : i32
          %mul3A_158 = arith.muli %add3A_148, %mul3A_157 : i32
          %jit3A_159 = arith.constant 0 : i32
          %select_n3A_160 = arith.select %lt3A_156, %mul3A_158, %jit3A_159 : i32
          %add3A_161 = arith.addi %mul3A_11, %select_n3A_160 : i32
          %dma_wait3A_162 = arith.constant 0 : i32
          %dma_wait3A_163 = tpu.memref_slice %arg9[%add3A_161, %dma_wait3A_162] : memref<320000x128xf32, #tpu.memory_space<hbm>> -> memref<80x128xf32, #tpu.memory_space<hbm>>
          %dma_wait3A_164 = arith.constant 0 : i32
          %dma_wait3A_165 = tpu.memref_slice %arg9[%add3A_161, %dma_wait3A_164] : memref<320000x128xf32, #tpu.memory_space<hbm>> -> memref<80x128xf32, #tpu.memory_space<hbm>>
          tpu.wait_dma2 semaphore(%arg24 : memref<!tpu.dma_semaphore, #tpu.memory_space<semaphore_mem>>) src(%dma_wait3A_165 : memref<80x128xf32, #tpu.memory_space<hbm>>) dst(%arg20 : memref<80x128xf32, #tpu.memory_space<vmem>>)
          %scan3A_166 = arith.constant 0 : i32
          %scan3A_167 = arith.constant 0 : i32
          %scan3A_168 = arith.constant 80 : i32
          %scan3A_169 = arith.addi %scan3A_167, %scan3A_168 : i32
          %scan3A_170 = arith.constant 1 : i32
          scf.for %scan3A_207 = %scan3A_167 to %scan3A_169 step %scan3A_170  : i32 {
            %get3A = arith.index_cast %scan3A_207 : i32 to index
            %get3A_208 = arith.constant 0 : index
            %get3A_209 = tpu.vector_load %arg20[%get3A, %get3A_208] {strides = array<i32>} : memref<80x128xf32, #tpu.memory_space<vmem>>, vector<1x16xf32>,
            %get3A_210 = vector.shape_cast %get3A_209 : vector<1x16xf32> to vector<16xf32>
            %get3A_211 = arith.index_cast %scan3A_207 : i32 to index
            %get3A_212 = arith.constant 0 : index
            %get3A_213 = tpu.vector_load %arg18[%get3A_211, %get3A_212] {strides = array<i32>} : memref<80x128xf32, #tpu.memory_space<vmem>>, vector<1x16xf32>,
            %get3A_214 = vector.shape_cast %get3A_213 : vector<1x16xf32> to vector<16xf32>
            %mul3A_215 = arith.mulf %get3A_210, %get3A_214 : vector<16xf32>
            %swap3A = arith.index_cast %scan3A_207 : i32 to index
            %swap3A_216 = arith.constant 0 : index
            %swap3A_217 = tpu.vector_load %arg20[%swap3A, %swap3A_216] {strides = array<i32>} : memref<80x128xf32, #tpu.memory_space<vmem>>, vector<1x16xf32>,
            %swap3A_218 = vector.shape_cast %swap3A_217 : vector<1x16xf32> to vector<16xf32>
            %swap3A_219 = vector.shape_cast %mul3A_215 : vector<16xf32> to vector<1x16xf32>
            tpu.vector_store %arg20[%swap3A, %swap3A_216], %swap3A_219 {strides = array<i32>} : memref<80x128xf32, #tpu.memory_space<vmem>>, vector<1x16xf32>,
            %get3A_220 = arith.index_cast %scan3A_207 : i32 to index
            %get3A_221 = arith.constant 16 : index
            %get3A_222 = tpu.vector_load %arg20[%get3A_220, %get3A_221] {strides = array<i32>} : memref<80x128xf32, #tpu.memory_space<vmem>>, vector<1x16xf32>,
            %get3A_223 = vector.shape_cast %get3A_222 : vector<1x16xf32> to vector<16xf32>
            %get3A_224 = arith.index_cast %scan3A_207 : i32 to index
            %get3A_225 = arith.constant 16 : index
            %get3A_226 = tpu.vector_load %arg18[%get3A_224, %get3A_225] {strides = array<i32>} : memref<80x128xf32, #tpu.memory_space<vmem>>, vector<1x16xf32>,
            %get3A_227 = vector.shape_cast %get3A_226 : vector<1x16xf32> to vector<16xf32>
            %mul3A_228 = arith.mulf %get3A_223, %get3A_227 : vector<16xf32>
            %swap3A_229 = arith.index_cast %scan3A_207 : i32 to index
            %swap3A_230 = arith.constant 16 : index
            %swap3A_231 = tpu.vector_load %arg20[%swap3A_229, %swap3A_230] {strides = array<i32>} : memref<80x128xf32, #tpu.memory_space<vmem>>, vector<1x16xf32>,
            %swap3A_232 = vector.shape_cast %swap3A_231 : vector<1x16xf32> to vector<16xf32>
            %swap3A_233 = vector.shape_cast %mul3A_228 : vector<16xf32> to vector<1x16xf32>
            tpu.vector_store %arg20[%swap3A_229, %swap3A_230], %swap3A_233 {strides = array<i32>} : memref<80x128xf32, #tpu.memory_space<vmem>>, vector<1x16xf32>,
            %get3A_234 = arith.index_cast %scan3A_207 : i32 to index
            %get3A_235 = arith.constant 32 : index
            %get3A_236 = tpu.vector_load %arg20[%get3A_234, %get3A_235] {strides = array<i32>} : memref<80x128xf32, #tpu.memory_space<vmem>>, vector<1x16xf32>,
            %get3A_237 = vector.shape_cast %get3A_236 : vector<1x16xf32> to vector<16xf32>
            %get3A_238 = arith.index_cast %scan3A_207 : i32 to index
            %get3A_239 = arith.constant 32 : index
            %get3A_240 = tpu.vector_load %arg18[%get3A_238, %get3A_239] {strides = array<i32>} : memref<80x128xf32, #tpu.memory_space<vmem>>, vector<1x16xf32>,
            %get3A_241 = vector.shape_cast %get3A_240 : vector<1x16xf32> to vector<16xf32>
            %mul3A_242 = arith.mulf %get3A_237, %get3A_241 : vector<16xf32>
            %swap3A_243 = arith.index_cast %scan3A_207 : i32 to index
            %swap3A_244 = arith.constant 32 : index
            %swap3A_245 = tpu.vector_load %arg20[%swap3A_243, %swap3A_244] {strides = array<i32>} : memref<80x128xf32, #tpu.memory_space<vmem>>, vector<1x16xf32>,
            %swap3A_246 = vector.shape_cast %swap3A_245 : vector<1x16xf32> to vector<16xf32>
            %swap3A_247 = vector.shape_cast %mul3A_242 : vector<16xf32> to vector<1x16xf32>
            tpu.vector_store %arg20[%swap3A_243, %swap3A_244], %swap3A_247 {strides = array<i32>} : memref<80x128xf32, #tpu.memory_space<vmem>>, vector<1x16xf32>,
            %get3A_248 = arith.index_cast %scan3A_207 : i32 to index
            %get3A_249 = arith.constant 48 : index
            %get3A_250 = tpu.vector_load %arg20[%get3A_248, %get3A_249] {strides = array<i32>} : memref<80x128xf32, #tpu.memory_space<vmem>>, vector<1x16xf32>,
            %get3A_251 = vector.shape_cast %get3A_250 : vector<1x16xf32> to vector<16xf32>
            %get3A_252 = arith.index_cast %scan3A_207 : i32 to index
            %get3A_253 = arith.constant 48 : index
            %get3A_254 = tpu.vector_load %arg18[%get3A_252, %get3A_253] {strides = array<i32>} : memref<80x128xf32, #tpu.memory_space<vmem>>, vector<1x16xf32>,
            %get3A_255 = vector.shape_cast %get3A_254 : vector<1x16xf32> to vector<16xf32>
            %mul3A_256 = arith.mulf %get3A_251, %get3A_255 : vector<16xf32>
            %swap3A_257 = arith.index_cast %scan3A_207 : i32 to index
            %swap3A_258 = arith.constant 48 : index
            %swap3A_259 = tpu.vector_load %arg20[%swap3A_257, %swap3A_258] {strides = array<i32>} : memref<80x128xf32, #tpu.memory_space<vmem>>, vector<1x16xf32>,
            %swap3A_260 = vector.shape_cast %swap3A_259 : vector<1x16xf32> to vector<16xf32>
            %swap3A_261 = vector.shape_cast %mul3A_256 : vector<16xf32> to vector<1x16xf32>
            tpu.vector_store %arg20[%swap3A_257, %swap3A_258], %swap3A_261 {strides = array<i32>} : memref<80x128xf32, #tpu.memory_space<vmem>>, vector<1x16xf32>,
            %get3A_262 = arith.index_cast %scan3A_207 : i32 to index
            %get3A_263 = arith.constant 64 : index
            %get3A_264 = tpu.vector_load %arg20[%get3A_262, %get3A_263] {strides = array<i32>} : memref<80x128xf32, #tpu.memory_space<vmem>>, vector<1x16xf32>,
            %get3A_265 = vector.shape_cast %get3A_264 : vector<1x16xf32> to vector<16xf32>
            %get3A_266 = arith.index_cast %scan3A_207 : i32 to index
            %get3A_267 = arith.constant 64 : index
            %get3A_268 = tpu.vector_load %arg18[%get3A_266, %get3A_267] {strides = array<i32>} : memref<80x128xf32, #tpu.memory_space<vmem>>, vector<1x16xf32>,
            %get3A_269 = vector.shape_cast %get3A_268 : vector<1x16xf32> to vector<16xf32>
            %mul3A_270 = arith.mulf %get3A_265, %get3A_269 : vector<16xf32>
            %swap3A_271 = arith.index_cast %scan3A_207 : i32 to index
            %swap3A_272 = arith.constant 64 : index
            %swap3A_273 = tpu.vector_load %arg20[%swap3A_271, %swap3A_272] {strides = array<i32>} : memref<80x128xf32, #tpu.memory_space<vmem>>, vector<1x16xf32>,
            %swap3A_274 = vector.shape_cast %swap3A_273 : vector<1x16xf32> to vector<16xf32>
            %swap3A_275 = vector.shape_cast %mul3A_270 : vector<16xf32> to vector<1x16xf32>
            tpu.vector_store %arg20[%swap3A_271, %swap3A_272], %swap3A_275 {strides = array<i32>} : memref<80x128xf32, #tpu.memory_space<vmem>>, vector<1x16xf32>,
            %get3A_276 = arith.index_cast %scan3A_207 : i32 to index
            %get3A_277 = arith.constant 80 : index
            %get3A_278 = tpu.vector_load %arg20[%get3A_276, %get3A_277] {strides = array<i32>} : memref<80x128xf32, #tpu.memory_space<vmem>>, vector<1x16xf32>,
            %get3A_279 = vector.shape_cast %get3A_278 : vector<1x16xf32> to vector<16xf32>
            %get3A_280 = arith.index_cast %scan3A_207 : i32 to index
            %get3A_281 = arith.constant 80 : index
            %get3A_282 = tpu.vector_load %arg18[%get3A_280, %get3A_281] {strides = array<i32>} : memref<80x128xf32, #tpu.memory_space<vmem>>, vector<1x16xf32>,
            %get3A_283 = vector.shape_cast %get3A_282 : vector<1x16xf32> to vector<16xf32>
            %mul3A_284 = arith.mulf %get3A_279, %get3A_283 : vector<16xf32>
            %swap3A_285 = arith.index_cast %scan3A_207 : i32 to index
            %swap3A_286 = arith.constant 80 : index
            %swap3A_287 = tpu.vector_load %arg20[%swap3A_285, %swap3A_286] {strides = array<i32>} : memref<80x128xf32, #tpu.memory_space<vmem>>, vector<1x16xf32>,
            %swap3A_288 = vector.shape_cast %swap3A_287 : vector<1x16xf32> to vector<16xf32>
            %swap3A_289 = vector.shape_cast %mul3A_284 : vector<16xf32> to vector<1x16xf32>
            tpu.vector_store %arg20[%swap3A_285, %swap3A_286], %swap3A_289 {strides = array<i32>} : memref<80x128xf32, #tpu.memory_space<vmem>>, vector<1x16xf32>,
            %get3A_290 = arith.index_cast %scan3A_207 : i32 to index
            %get3A_291 = arith.constant 96 : index
            %get3A_292 = tpu.vector_load %arg20[%get3A_290, %get3A_291] {strides = array<i32>} : memref<80x128xf32, #tpu.memory_space<vmem>>, vector<1x16xf32>,
            %get3A_293 = vector.shape_cast %get3A_292 : vector<1x16xf32> to vector<16xf32>
            %get3A_294 = arith.index_cast %scan3A_207 : i32 to index
            %get3A_295 = arith.constant 96 : index
            %get3A_296 = tpu.vector_load %arg18[%get3A_294, %get3A_295] {strides = array<i32>} : memref<80x128xf32, #tpu.memory_space<vmem>>, vector<1x16xf32>,
            %get3A_297 = vector.shape_cast %get3A_296 : vector<1x16xf32> to vector<16xf32>
            %mul3A_298 = arith.mulf %get3A_293, %get3A_297 : vector<16xf32>
            %swap3A_299 = arith.index_cast %scan3A_207 : i32 to index
            %swap3A_300 = arith.constant 96 : index
            %swap3A_301 = tpu.vector_load %arg20[%swap3A_299, %swap3A_300] {strides = array<i32>} : memref<80x128xf32, #tpu.memory_space<vmem>>, vector<1x16xf32>,
            %swap3A_302 = vector.shape_cast %swap3A_301 : vector<1x16xf32> to vector<16xf32>
            %swap3A_303 = vector.shape_cast %mul3A_298 : vector<16xf32> to vector<1x16xf32>
            tpu.vector_store %arg20[%swap3A_299, %swap3A_300], %swap3A_303 {strides = array<i32>} : memref<80x128xf32, #tpu.memory_space<vmem>>, vector<1x16xf32>,
            %get3A_304 = arith.index_cast %scan3A_207 : i32 to index
            %get3A_305 = arith.constant 112 : index
            %get3A_306 = tpu.vector_load %arg20[%get3A_304, %get3A_305] {strides = array<i32>} : memref<80x128xf32, #tpu.memory_space<vmem>>, vector<1x16xf32>,
            %get3A_307 = vector.shape_cast %get3A_306 : vector<1x16xf32> to vector<16xf32>
            %get3A_308 = arith.index_cast %scan3A_207 : i32 to index
            %get3A_309 = arith.constant 112 : index
            %get3A_310 = tpu.vector_load %arg18[%get3A_308, %get3A_309] {strides = array<i32>} : memref<80x128xf32, #tpu.memory_space<vmem>>, vector<1x16xf32>,
            %get3A_311 = vector.shape_cast %get3A_310 : vector<1x16xf32> to vector<16xf32>
            %mul3A_312 = arith.mulf %get3A_307, %get3A_311 : vector<16xf32>
            %swap3A_313 = arith.index_cast %scan3A_207 : i32 to index
            %swap3A_314 = arith.constant 112 : index
            %swap3A_315 = tpu.vector_load %arg20[%swap3A_313, %swap3A_314] {strides = array<i32>} : memref<80x128xf32, #tpu.memory_space<vmem>>, vector<1x16xf32>,
            %swap3A_316 = vector.shape_cast %swap3A_315 : vector<1x16xf32> to vector<16xf32>
            %swap3A_317 = vector.shape_cast %mul3A_312 : vector<16xf32> to vector<1x16xf32>
            tpu.vector_store %arg20[%swap3A_313, %swap3A_314], %swap3A_317 {strides = array<i32>} : memref<80x128xf32, #tpu.memory_space<vmem>>, vector<1x16xf32>,
          }
          %scan3A_171 = arith.constant 80 : i32
          "tpu.region"() ({
            %run_scoped3A = tpu.sem_alloc : memref<!tpu.dma_semaphore, #tpu.memory_space<semaphore_mem>>
            %dma_start3A_207 = arith.constant 0 : i32
            %dma_start3A_208 = tpu.memref_slice %arg17[%mul3A_125, %dma_start3A_207] : memref<16x80xi32, #tpu.memory_space<vmem>> -> memref<1x80xi32, #tpu.memory_space<vmem>>
            %dma_start3A_209 = tpu.memref_squeeze %dma_start3A_208 : memref<1x80xi32, #tpu.memory_space<vmem>> -> memref<80xi32, #tpu.memory_space<vmem>>
            %dma_start3A_210 = arith.constant 0 : i32
            %dma_start3A_211 = arith.constant 0 : i32
            %dma_start3A_212 = tpu.memref_slice %arg13[%dma_start3A_210, %dma_start3A_211] : memref<10112x128xf32, #tpu.memory_space<vmem_shared>> -> memref<10112x128xf32, #tpu.memory_space<vmem_shared>>
            tpu.enqueue_indirect_dma source(%arg20 : memref<80x128xf32, #tpu.memory_space<vmem>>) target(%dma_start3A_212 : memref<10112x128xf32, #tpu.memory_space<vmem_shared>>) offsets(%dma_start3A_209 : memref<80xi32, #tpu.memory_space<vmem>>) semaphore(%run_scoped3A : memref<!tpu.dma_semaphore, #tpu.memory_space<semaphore_mem>>) {add = true}
            %dma_wait3A_213 = arith.constant 0 : i32
            %dma_wait3A_214 = tpu.memref_slice %arg17[%mul3A_125, %dma_wait3A_213] : memref<16x80xi32, #tpu.memory_space<vmem>> -> memref<1x80xi32, #tpu.memory_space<vmem>>
            %dma_wait3A_215 = tpu.memref_squeeze %dma_wait3A_214 : memref<1x80xi32, #tpu.memory_space<vmem>> -> memref<80xi32, #tpu.memory_space<vmem>>
            %dma_wait3A_216 = arith.constant 0 : i32
            %dma_wait3A_217 = arith.constant 0 : i32
            %dma_wait3A_218 = tpu.memref_slice %arg13[%dma_wait3A_216, %dma_wait3A_217] : memref<10112x128xf32, #tpu.memory_space<vmem_shared>> -> memref<10112x128xf32, #tpu.memory_space<vmem_shared>>
            tpu.wait_indirect_dma semaphore(%run_scoped3A : memref<!tpu.dma_semaphore, #tpu.memory_space<semaphore_mem>>) src(%arg20 : memref<80x128xf32, #tpu.memory_space<vmem>>) dst(%dma_wait3A_218 : memref<10112x128xf32, #tpu.memory_space<vmem_shared>>)
            tpu.yield
          }) : () -> ()
          %add3A_172 = arith.constant 2 : i32
          %add3A_173 = arith.addi %mul3A_125, %add3A_172 : i32
          %lt3A_174 = arith.constant 16 : i32
          %lt3A_175 = arith.cmpi slt, %add3A_173, %lt3A_174 : i32
          %convert_element_type3A_176 = arith.extui %lt3A_175 : i1 to i32
          %cond3A_177 = arith.constant 0 : i32
          %cond3A_178 = arith.cmpi ne, %convert_element_type3A_176, %cond3A_177 : i32
          scf.if %cond3A_178 {
            %add3A_207 = arith.addi %mul3A_98, %mul3A_125 : i32
            %add3A_208 = arith.constant 2 : i32
            %add3A_209 = arith.addi %add3A_207, %add3A_208 : i32
            %add3A_210 = arith.constant 2 : i32
            %add3A_211 = arith.addi %mul3A_125, %add3A_210 : i32
            %dma_start3A_212 = arith.constant 0 : i32
            %dma_start3A_213 = tpu.memref_slice %arg16[%add3A_211, %dma_start3A_212] : memref<16x80xi32, #tpu.memory_space<vmem>> -> memref<1x80xi32, #tpu.memory_space<vmem>>
            %dma_start3A_214 = tpu.memref_squeeze %dma_start3A_213 : memref<1x80xi32, #tpu.memory_space<vmem>> -> memref<80xi32, #tpu.memory_space<vmem>>
            %dma_start3A_215 = arith.constant 0 : i32
            %dma_start3A_216 = arith.constant 0 : i32
            %dma_start3A_217 = tpu.memref_slice %arg2[%dma_start3A_215, %dma_start3A_216] : memref<10000x128xf32, #tpu.memory_space<hbm>> -> memref<10000x128xf32, #tpu.memory_space<hbm>>
            tpu.enqueue_indirect_dma source(%dma_start3A_217 : memref<10000x128xf32, #tpu.memory_space<hbm>>) target(%arg18 : memref<80x128xf32, #tpu.memory_space<vmem>>) offsets(%dma_start3A_214 : memref<80xi32, #tpu.memory_space<vmem>>) semaphore(%arg24 : memref<!tpu.dma_semaphore, #tpu.memory_space<semaphore_mem>>)
            %lt3A_218 = arith.constant 250 : i32
            %lt3A_219 = arith.cmpi slt, %add3A_209, %lt3A_218 : i32
            %mul3A_220 = arith.constant 80 : i32
            %mul3A_221 = arith.muli %add3A_209, %mul3A_220 : i32
            %jit3A_222 = arith.constant 0 : i32
            %select_n3A_223 = arith.select %lt3A_219, %mul3A_221, %jit3A_222 : i32
            %add3A_224 = arith.addi %mul3A_11, %select_n3A_223 : i32
            %dma_start3A_225 = arith.constant 0 : i32
            %dma_start3A_226 = tpu.memref_slice %arg9[%add3A_224, %dma_start3A_225] : memref<320000x128xf32, #tpu.memory_space<hbm>> -> memref<80x128xf32, #tpu.memory_space<hbm>>
            %dma_start3A_227 = arith.constant 0 : i32
            %dma_start3A_228 = tpu.memref_slice %arg9[%add3A_224, %dma_start3A_227] : memref<320000x128xf32, #tpu.memory_space<hbm>> -> memref<80x128xf32, #tpu.memory_space<hbm>>
            tpu.enqueue_dma source(%dma_start3A_228 : memref<80x128xf32, #tpu.memory_space<hbm>>) target(%arg20 : memref<80x128xf32, #tpu.memory_space<vmem>>) target_semaphore(%arg24 : memref<!tpu.dma_semaphore, #tpu.memory_space<semaphore_mem>>)
          } else {
          }
          %add3A_179 = arith.addi %mul3A_98, %mul3A_125 : i32
          %add3A_180 = arith.constant 1 : i32
          %add3A_181 = arith.addi %add3A_179, %add3A_180 : i32
          %add3A_182 = arith.constant 1 : i32
          %add3A_183 = arith.addi %mul3A_125, %add3A_182 : i32
          %dma_wait3A_184 = arith.constant 0 : i32
          %dma_wait3A_185 = tpu.memref_slice %arg16[%add3A_183, %dma_wait3A_184] : memref<16x80xi32, #tpu.memory_space<vmem>> -> memref<1x80xi32, #tpu.memory_space<vmem>>
          %dma_wait3A_186 = tpu.memref_squeeze %dma_wait3A_185 : memref<1x80xi32, #tpu.memory_space<vmem>> -> memref<80xi32, #tpu.memory_space<vmem>>
          %dma_wait3A_187 = arith.constant 0 : i32
          %dma_wait3A_188 = arith.constant 0 : i32
          %dma_wait3A_189 = tpu.memref_slice %arg3[%dma_wait3A_187, %dma_wait3A_188] : memref<10000x128xf32, #tpu.memory_space<hbm>> -> memref<10000x128xf32, #tpu.memory_space<hbm>>
          tpu.wait_indirect_dma semaphore(%arg25 : memref<!tpu.dma_semaphore, #tpu.memory_space<semaphore_mem>>) src(%dma_wait3A_189 : memref<10000x128xf32, #tpu.memory_space<hbm>>) dst(%arg19 : memref<80x128xf32, #tpu.memory_space<vmem>>)
          %lt3A_190 = arith.constant 250 : i32
          %lt3A_191 = arith.cmpi slt, %add3A_181, %lt3A_190 : i32
          %mul3A_192 = arith.constant 80 : i32
          %mul3A_193 = arith.muli %add3A_181, %mul3A_192 : i32
          %jit3A_194 = arith.constant 0 : i32
          %select_n3A_195 = arith.select %lt3A_191, %mul3A_193, %jit3A_194 : i32
          %add3A_196 = arith.addi %mul3A_11, %select_n3A_195 : i32
          %dma_wait3A_197 = arith.constant 0 : i32
          %dma_wait3A_198 = tpu.memref_slice %arg9[%add3A_196, %dma_wait3A_197] : memref<320000x128xf32, #tpu.memory_space<hbm>> -> memref<80x128xf32, #tpu.memory_space<hbm>>
          %dma_wait3A_199 = arith.constant 0 : i32
          %dma_wait3A_200 = tpu.memref_slice %arg9[%add3A_196, %dma_wait3A_199] : memref<320000x128xf32, #tpu.memory_space<hbm>> -> memref<80x128xf32, #tpu.memory_space<hbm>>
          tpu.wait_dma2 semaphore(%arg25 : memref<!tpu.dma_semaphore, #tpu.memory_space<semaphore_mem>>) src(%dma_wait3A_200 : memref<80x128xf32, #tpu.memory_space<hbm>>) dst(%arg21 : memref<80x128xf32, #tpu.memory_space<vmem>>)
          %scan3A_201 = arith.constant 0 : i32
          %scan3A_202 = arith.constant 0 : i32
          %scan3A_203 = arith.constant 80 : i32
          %scan3A_204 = arith.addi %scan3A_202, %scan3A_203 : i32
          %scan3A_205 = arith.constant 1 : i32
          scf.for %scan3A_207 = %scan3A_202 to %scan3A_204 step %scan3A_205  : i32 {
            %get3A = arith.index_cast %scan3A_207 : i32 to index
            %get3A_208 = arith.constant 0 : index
            %get3A_209 = tpu.vector_load %arg21[%get3A, %get3A_208] {strides = array<i32>} : memref<80x128xf32, #tpu.memory_space<vmem>>, vector<1x16xf32>,
            %get3A_210 = vector.shape_cast %get3A_209 : vector<1x16xf32> to vector<16xf32>
            %get3A_211 = arith.index_cast %scan3A_207 : i32 to index
            %get3A_212 = arith.constant 0 : index
            %get3A_213 = tpu.vector_load %arg19[%get3A_211, %get3A_212] {strides = array<i32>} : memref<80x128xf32, #tpu.memory_space<vmem>>, vector<1x16xf32>,
            %get3A_214 = vector.shape_cast %get3A_213 : vector<1x16xf32> to vector<16xf32>
            %mul3A_215 = arith.mulf %get3A_210, %get3A_214 : vector<16xf32>
            %swap3A = arith.index_cast %scan3A_207 : i32 to index
            %swap3A_216 = arith.constant 0 : index
            %swap3A_217 = tpu.vector_load %arg21[%swap3A, %swap3A_216] {strides = array<i32>} : memref<80x128xf32, #tpu.memory_space<vmem>>, vector<1x16xf32>,
            %swap3A_218 = vector.shape_cast %swap3A_217 : vector<1x16xf32> to vector<16xf32>
            %swap3A_219 = vector.shape_cast %mul3A_215 : vector<16xf32> to vector<1x16xf32>
            tpu.vector_store %arg21[%swap3A, %swap3A_216], %swap3A_219 {strides = array<i32>} : memref<80x128xf32, #tpu.memory_space<vmem>>, vector<1x16xf32>,
            %get3A_220 = arith.index_cast %scan3A_207 : i32 to index
            %get3A_221 = arith.constant 16 : index
            %get3A_222 = tpu.vector_load %arg21[%get3A_220, %get3A_221] {strides = array<i32>} : memref<80x128xf32, #tpu.memory_space<vmem>>, vector<1x16xf32>,
            %get3A_223 = vector.shape_cast %get3A_222 : vector<1x16xf32> to vector<16xf32>
            %get3A_224 = arith.index_cast %scan3A_207 : i32 to index
            %get3A_225 = arith.constant 16 : index
            %get3A_226 = tpu.vector_load %arg19[%get3A_224, %get3A_225] {strides = array<i32>} : memref<80x128xf32, #tpu.memory_space<vmem>>, vector<1x16xf32>,
            %get3A_227 = vector.shape_cast %get3A_226 : vector<1x16xf32> to vector<16xf32>
            %mul3A_228 = arith.mulf %get3A_223, %get3A_227 : vector<16xf32>
            %swap3A_229 = arith.index_cast %scan3A_207 : i32 to index
            %swap3A_230 = arith.constant 16 : index
            %swap3A_231 = tpu.vector_load %arg21[%swap3A_229, %swap3A_230] {strides = array<i32>} : memref<80x128xf32, #tpu.memory_space<vmem>>, vector<1x16xf32>,
            %swap3A_232 = vector.shape_cast %swap3A_231 : vector<1x16xf32> to vector<16xf32>
            %swap3A_233 = vector.shape_cast %mul3A_228 : vector<16xf32> to vector<1x16xf32>
            tpu.vector_store %arg21[%swap3A_229, %swap3A_230], %swap3A_233 {strides = array<i32>} : memref<80x128xf32, #tpu.memory_space<vmem>>, vector<1x16xf32>,
            %get3A_234 = arith.index_cast %scan3A_207 : i32 to index
            %get3A_235 = arith.constant 32 : index
            %get3A_236 = tpu.vector_load %arg21[%get3A_234, %get3A_235] {strides = array<i32>} : memref<80x128xf32, #tpu.memory_space<vmem>>, vector<1x16xf32>,
            %get3A_237 = vector.shape_cast %get3A_236 : vector<1x16xf32> to vector<16xf32>
            %get3A_238 = arith.index_cast %scan3A_207 : i32 to index
            %get3A_239 = arith.constant 32 : index
            %get3A_240 = tpu.vector_load %arg19[%get3A_238, %get3A_239] {strides = array<i32>} : memref<80x128xf32, #tpu.memory_space<vmem>>, vector<1x16xf32>,
            %get3A_241 = vector.shape_cast %get3A_240 : vector<1x16xf32> to vector<16xf32>
            %mul3A_242 = arith.mulf %get3A_237, %get3A_241 : vector<16xf32>
            %swap3A_243 = arith.index_cast %scan3A_207 : i32 to index
            %swap3A_244 = arith.constant 32 : index
            %swap3A_245 = tpu.vector_load %arg21[%swap3A_243, %swap3A_244] {strides = array<i32>} : memref<80x128xf32, #tpu.memory_space<vmem>>, vector<1x16xf32>,
            %swap3A_246 = vector.shape_cast %swap3A_245 : vector<1x16xf32> to vector<16xf32>
            %swap3A_247 = vector.shape_cast %mul3A_242 : vector<16xf32> to vector<1x16xf32>
            tpu.vector_store %arg21[%swap3A_243, %swap3A_244], %swap3A_247 {strides = array<i32>} : memref<80x128xf32, #tpu.memory_space<vmem>>, vector<1x16xf32>,
            %get3A_248 = arith.index_cast %scan3A_207 : i32 to index
            %get3A_249 = arith.constant 48 : index
            %get3A_250 = tpu.vector_load %arg21[%get3A_248, %get3A_249] {strides = array<i32>} : memref<80x128xf32, #tpu.memory_space<vmem>>, vector<1x16xf32>,
            %get3A_251 = vector.shape_cast %get3A_250 : vector<1x16xf32> to vector<16xf32>
            %get3A_252 = arith.index_cast %scan3A_207 : i32 to index
            %get3A_253 = arith.constant 48 : index
            %get3A_254 = tpu.vector_load %arg19[%get3A_252, %get3A_253] {strides = array<i32>} : memref<80x128xf32, #tpu.memory_space<vmem>>, vector<1x16xf32>,
            %get3A_255 = vector.shape_cast %get3A_254 : vector<1x16xf32> to vector<16xf32>
            %mul3A_256 = arith.mulf %get3A_251, %get3A_255 : vector<16xf32>
            %swap3A_257 = arith.index_cast %scan3A_207 : i32 to index
            %swap3A_258 = arith.constant 48 : index
            %swap3A_259 = tpu.vector_load %arg21[%swap3A_257, %swap3A_258] {strides = array<i32>} : memref<80x128xf32, #tpu.memory_space<vmem>>, vector<1x16xf32>,
            %swap3A_260 = vector.shape_cast %swap3A_259 : vector<1x16xf32> to vector<16xf32>
            %swap3A_261 = vector.shape_cast %mul3A_256 : vector<16xf32> to vector<1x16xf32>
            tpu.vector_store %arg21[%swap3A_257, %swap3A_258], %swap3A_261 {strides = array<i32>} : memref<80x128xf32, #tpu.memory_space<vmem>>, vector<1x16xf32>,
            %get3A_262 = arith.index_cast %scan3A_207 : i32 to index
            %get3A_263 = arith.constant 64 : index
            %get3A_264 = tpu.vector_load %arg21[%get3A_262, %get3A_263] {strides = array<i32>} : memref<80x128xf32, #tpu.memory_space<vmem>>, vector<1x16xf32>,
            %get3A_265 = vector.shape_cast %get3A_264 : vector<1x16xf32> to vector<16xf32>
            %get3A_266 = arith.index_cast %scan3A_207 : i32 to index
            %get3A_267 = arith.constant 64 : index
            %get3A_268 = tpu.vector_load %arg19[%get3A_266, %get3A_267] {strides = array<i32>} : memref<80x128xf32, #tpu.memory_space<vmem>>, vector<1x16xf32>,
            %get3A_269 = vector.shape_cast %get3A_268 : vector<1x16xf32> to vector<16xf32>
            %mul3A_270 = arith.mulf %get3A_265, %get3A_269 : vector<16xf32>
            %swap3A_271 = arith.index_cast %scan3A_207 : i32 to index
            %swap3A_272 = arith.constant 64 : index
            %swap3A_273 = tpu.vector_load %arg21[%swap3A_271, %swap3A_272] {strides = array<i32>} : memref<80x128xf32, #tpu.memory_space<vmem>>, vector<1x16xf32>,
            %swap3A_274 = vector.shape_cast %swap3A_273 : vector<1x16xf32> to vector<16xf32>
            %swap3A_275 = vector.shape_cast %mul3A_270 : vector<16xf32> to vector<1x16xf32>
            tpu.vector_store %arg21[%swap3A_271, %swap3A_272], %swap3A_275 {strides = array<i32>} : memref<80x128xf32, #tpu.memory_space<vmem>>, vector<1x16xf32>,
            %get3A_276 = arith.index_cast %scan3A_207 : i32 to index
            %get3A_277 = arith.constant 80 : index
            %get3A_278 = tpu.vector_load %arg21[%get3A_276, %get3A_277] {strides = array<i32>} : memref<80x128xf32, #tpu.memory_space<vmem>>, vector<1x16xf32>,
            %get3A_279 = vector.shape_cast %get3A_278 : vector<1x16xf32> to vector<16xf32>
            %get3A_280 = arith.index_cast %scan3A_207 : i32 to index
            %get3A_281 = arith.constant 80 : index
            %get3A_282 = tpu.vector_load %arg19[%get3A_280, %get3A_281] {strides = array<i32>} : memref<80x128xf32, #tpu.memory_space<vmem>>, vector<1x16xf32>,
            %get3A_283 = vector.shape_cast %get3A_282 : vector<1x16xf32> to vector<16xf32>
            %mul3A_284 = arith.mulf %get3A_279, %get3A_283 : vector<16xf32>
            %swap3A_285 = arith.index_cast %scan3A_207 : i32 to index
            %swap3A_286 = arith.constant 80 : index
            %swap3A_287 = tpu.vector_load %arg21[%swap3A_285, %swap3A_286] {strides = array<i32>} : memref<80x128xf32, #tpu.memory_space<vmem>>, vector<1x16xf32>,
            %swap3A_288 = vector.shape_cast %swap3A_287 : vector<1x16xf32> to vector<16xf32>
            %swap3A_289 = vector.shape_cast %mul3A_284 : vector<16xf32> to vector<1x16xf32>
            tpu.vector_store %arg21[%swap3A_285, %swap3A_286], %swap3A_289 {strides = array<i32>} : memref<80x128xf32, #tpu.memory_space<vmem>>, vector<1x16xf32>,
            %get3A_290 = arith.index_cast %scan3A_207 : i32 to index
            %get3A_291 = arith.constant 96 : index
            %get3A_292 = tpu.vector_load %arg21[%get3A_290, %get3A_291] {strides = array<i32>} : memref<80x128xf32, #tpu.memory_space<vmem>>, vector<1x16xf32>,
            %get3A_293 = vector.shape_cast %get3A_292 : vector<1x16xf32> to vector<16xf32>
            %get3A_294 = arith.index_cast %scan3A_207 : i32 to index
            %get3A_295 = arith.constant 96 : index
            %get3A_296 = tpu.vector_load %arg19[%get3A_294, %get3A_295] {strides = array<i32>} : memref<80x128xf32, #tpu.memory_space<vmem>>, vector<1x16xf32>,
            %get3A_297 = vector.shape_cast %get3A_296 : vector<1x16xf32> to vector<16xf32>
            %mul3A_298 = arith.mulf %get3A_293, %get3A_297 : vector<16xf32>
            %swap3A_299 = arith.index_cast %scan3A_207 : i32 to index
            %swap3A_300 = arith.constant 96 : index
            %swap3A_301 = tpu.vector_load %arg21[%swap3A_299, %swap3A_300] {strides = array<i32>} : memref<80x128xf32, #tpu.memory_space<vmem>>, vector<1x16xf32>,
            %swap3A_302 = vector.shape_cast %swap3A_301 : vector<1x16xf32> to vector<16xf32>
            %swap3A_303 = vector.shape_cast %mul3A_298 : vector<16xf32> to vector<1x16xf32>
            tpu.vector_store %arg21[%swap3A_299, %swap3A_300], %swap3A_303 {strides = array<i32>} : memref<80x128xf32, #tpu.memory_space<vmem>>, vector<1x16xf32>,
            %get3A_304 = arith.index_cast %scan3A_207 : i32 to index
            %get3A_305 = arith.constant 112 : index
            %get3A_306 = tpu.vector_load %arg21[%get3A_304, %get3A_305] {strides = array<i32>} : memref<80x128xf32, #tpu.memory_space<vmem>>, vector<1x16xf32>,
            %get3A_307 = vector.shape_cast %get3A_306 : vector<1x16xf32> to vector<16xf32>
            %get3A_308 = arith.index_cast %scan3A_207 : i32 to index
            %get3A_309 = arith.constant 112 : index
            %get3A_310 = tpu.vector_load %arg19[%get3A_308, %get3A_309] {strides = array<i32>} : memref<80x128xf32, #tpu.memory_space<vmem>>, vector<1x16xf32>,
            %get3A_311 = vector.shape_cast %get3A_310 : vector<1x16xf32> to vector<16xf32>
            %mul3A_312 = arith.mulf %get3A_307, %get3A_311 : vector<16xf32>
            %swap3A_313 = arith.index_cast %scan3A_207 : i32 to index
            %swap3A_314 = arith.constant 112 : index
            %swap3A_315 = tpu.vector_load %arg21[%swap3A_313, %swap3A_314] {strides = array<i32>} : memref<80x128xf32, #tpu.memory_space<vmem>>, vector<1x16xf32>,
            %swap3A_316 = vector.shape_cast %swap3A_315 : vector<1x16xf32> to vector<16xf32>
            %swap3A_317 = vector.shape_cast %mul3A_312 : vector<16xf32> to vector<1x16xf32>
            tpu.vector_store %arg21[%swap3A_313, %swap3A_314], %swap3A_317 {strides = array<i32>} : memref<80x128xf32, #tpu.memory_space<vmem>>, vector<1x16xf32>,
          }
          %scan3A_206 = arith.constant 80 : i32
          "tpu.region"() ({
            %run_scoped3A = tpu.sem_alloc : memref<!tpu.dma_semaphore, #tpu.memory_space<semaphore_mem>>
            %dma_start3A_207 = arith.constant 0 : i32
            %dma_start3A_208 = tpu.memref_slice %arg17[%add3A_183, %dma_start3A_207] : memref<16x80xi32, #tpu.memory_space<vmem>> -> memref<1x80xi32, #tpu.memory_space<vmem>>
            %dma_start3A_209 = tpu.memref_squeeze %dma_start3A_208 : memref<1x80xi32, #tpu.memory_space<vmem>> -> memref<80xi32, #tpu.memory_space<vmem>>
            %dma_start3A_210 = arith.constant 0 : i32
            %dma_start3A_211 = arith.constant 0 : i32
            %dma_start3A_212 = tpu.memref_slice %arg13[%dma_start3A_210, %dma_start3A_211] : memref<10112x128xf32, #tpu.memory_space<vmem_shared>> -> memref<10112x128xf32, #tpu.memory_space<vmem_shared>>
            tpu.enqueue_indirect_dma source(%arg21 : memref<80x128xf32, #tpu.memory_space<vmem>>) target(%dma_start3A_212 : memref<10112x128xf32, #tpu.memory_space<vmem_shared>>) offsets(%dma_start3A_209 : memref<80xi32, #tpu.memory_space<vmem>>) semaphore(%run_scoped3A : memref<!tpu.dma_semaphore, #tpu.memory_space<semaphore_mem>>) {add = true}
            %dma_wait3A_213 = arith.constant 0 : i32
            %dma_wait3A_214 = tpu.memref_slice %arg17[%add3A_183, %dma_wait3A_213] : memref<16x80xi32, #tpu.memory_space<vmem>> -> memref<1x80xi32, #tpu.memory_space<vmem>>
            %dma_wait3A_215 = tpu.memref_squeeze %dma_wait3A_214 : memref<1x80xi32, #tpu.memory_space<vmem>> -> memref<80xi32, #tpu.memory_space<vmem>>
            %dma_wait3A_216 = arith.constant 0 : i32
            %dma_wait3A_217 = arith.constant 0 : i32
            %dma_wait3A_218 = tpu.memref_slice %arg13[%dma_wait3A_216, %dma_wait3A_217] : memref<10112x128xf32, #tpu.memory_space<vmem_shared>> -> memref<10112x128xf32, #tpu.memory_space<vmem_shared>>
            tpu.wait_indirect_dma semaphore(%run_scoped3A : memref<!tpu.dma_semaphore, #tpu.memory_space<semaphore_mem>>) src(%arg21 : memref<80x128xf32, #tpu.memory_space<vmem>>) dst(%dma_wait3A_218 : memref<10112x128xf32, #tpu.memory_space<vmem_shared>>)
            tpu.yield
          }) : () -> ()
        }
        %scan3A_122 = arith.constant 8 : i32
      }
      %scan3A_24 = arith.constant 8 : i32
      %barrier3A_25 = arith.constant 0 : index
      tpu.barrier barrier_id(%barrier3A_25)
      "tpu.region"() ({
        %run_scoped3A = tpu.sem_alloc : memref<!tpu.dma_semaphore, #tpu.memory_space<semaphore_mem>>
        %dma_start3A_26 = arith.constant 0 : i32
        %dma_start3A_27 = tpu.memref_slice %arg12[%mul3A_7, %dma_start3A_26] : memref<10112x128xf32, #tpu.memory_space<hbm>> -> memref<632x128xf32, #tpu.memory_space<hbm>>
        %dma_start3A_28 = arith.constant 0 : i32
        %dma_start3A_29 = tpu.memref_slice %arg13[%mul3A_7, %dma_start3A_28] : memref<10112x128xf32, #tpu.memory_space<vmem_shared>> -> memref<632x128xf32, #tpu.memory_space<vmem_shared>>
        tpu.enqueue_dma source(%dma_start3A_29 : memref<632x128xf32, #tpu.memory_space<vmem_shared>>) target(%dma_start3A_27 : memref<632x128xf32, #tpu.memory_space<hbm>>) target_semaphore(%run_scoped3A : memref<!tpu.dma_semaphore, #tpu.memory_space<semaphore_mem>>)
        %dma_wait3A = arith.constant 0 : i32
        %dma_wait3A_30 = tpu.memref_slice %arg12[%mul3A_7, %dma_wait3A] : memref<10112x128xf32, #tpu.memory_space<hbm>> -> memref<632x128xf32, #tpu.memory_space<hbm>>
        %dma_wait3A_31 = arith.constant 0 : i32
        %dma_wait3A_32 = tpu.memref_slice %arg13[%mul3A_7, %dma_wait3A_31] : memref<10112x128xf32, #tpu.memory_space<vmem_shared>> -> memref<632x128xf32, #tpu.memory_space<vmem_shared>>
        tpu.wait_dma2 semaphore(%run_scoped3A : memref<!tpu.dma_semaphore, #tpu.memory_space<semaphore_mem>>) src(%dma_wait3A_32 : memref<632x128xf32, #tpu.memory_space<vmem_shared>>) dst(%dma_wait3A_30 : memref<632x128xf32, #tpu.memory_space<hbm>>)
        tpu.yield
      }) : () -> ()
    } else {
    }
    return
  }
}

#map = affine_map<(d0, d1) -> (0, 0)>
module attributes {stable_mosaic.version = 14 : i64} {
  func.func @_sc_body(%arg0: i32, %arg1: i32, %arg2: memref<10000x128xf32, #tpu.memory_space<hbm>>, %arg3: memref<10000x128xf32, #tpu.memory_space<hbm>>, %arg4: memref<4096x80xi32, #tpu.memory_space<hbm>>, %arg5: memref<4096x80xi32, #tpu.memory_space<hbm>>, %arg6: memref<320000x128xf32, #tpu.memory_space<hbm>>, %arg7: memref<4096x80xi32, #tpu.memory_space<hbm>>, %arg8: memref<4096x80xi32, #tpu.memory_space<hbm>>, %arg9: memref<320000x128xf32, #tpu.memory_space<hbm>>, %arg10: memref<10112x128xf32, #tpu.memory_space<hbm>>, %arg11: memref<10112x128xf32, #tpu.memory_space<hbm>>, %arg12: memref<10112x128xf32, #tpu.memory_space<hbm>>, %arg13: memref<10112x128xf32, #tpu.memory_space<vmem_shared>>, %arg14: memref<16x80xi32, #tpu.memory_space<vmem>>, %arg15: memref<16x80xi32, #tpu.memory_space<vmem>>, %arg16: memref<16x80xi32, #tpu.memory_space<vmem>>, %arg17: memref<16x80xi32, #tpu.memory_space<vmem>>, %arg18: memref<80x128xf32, #tpu.memory_space<vmem>>, %arg19: memref<80x128xf32, #tpu.memory_space<vmem>>, %arg20: memref<80x128xf32, #tpu.memory_space<vmem>>, %arg21: memref<80x128xf32, #tpu.memory_space<vmem>>, %arg22: memref<!tpu.dma_semaphore, #tpu.memory_space<semaphore_mem>>, %arg23: memref<!tpu.dma_semaphore, #tpu.memory_space<semaphore_mem>>, %arg24: memref<!tpu.dma_semaphore, #tpu.memory_space<semaphore_mem>>, %arg25: memref<!tpu.dma_semaphore, #tpu.memory_space<semaphore_mem>>) attributes {dimension_semantics = [#tpu.dimension_semantics<core_parallel>, #tpu.dimension_semantics<subcore_parallel>], iteration_bounds = array<i64: 2, 16>, scalar_prefetch = 0 : i64, scratch_operands = 13 : i64, tpu.core_type = #tpu.core_type<sc_vector_subcore>, window_params = [{transform_indices = #map}, {transform_indices = #map}, {transform_indices = #map}, {transform_indices = #map}, {transform_indices = #map}, {transform_indices = #map}, {transform_indices = #map}, {transform_indices = #map}, {transform_indices = #map}, {transform_indices = #map}, {transform_indices = #map}]} {
    %eq3A = arith.constant 0 : i32
    %eq3A_0 = arith.cmpi eq, %arg0, %eq3A : i32
    %convert_element_type3A = arith.extui %eq3A_0 : i1 to i32
    %cond3A = arith.constant 0 : i32
    %cond3A_1 = arith.cmpi ne, %convert_element_type3A, %cond3A : i32
    scf.if %cond3A_1 {
      %mul3A = arith.constant 632 : i32
      %mul3A_7 = arith.muli %arg1, %mul3A : i32
      "tpu.region"() ({
        %run_scoped3A = tpu.sem_alloc : memref<!tpu.dma_semaphore, #tpu.memory_space<semaphore_mem>>
        %dma_start3A_26 = arith.constant 0 : i32
        %dma_start3A_27 = tpu.memref_slice %arg13[%mul3A_7, %dma_start3A_26] : memref<10112x128xf32, #tpu.memory_space<vmem_shared>> -> memref<632x128xf32, #tpu.memory_space<vmem_shared>>
        %dma_start3A_28 = arith.constant 0 : i32
        %dma_start3A_29 = tpu.memref_slice %arg10[%mul3A_7, %dma_start3A_28] : memref<10112x128xf32, #tpu.memory_space<hbm>> -> memref<632x128xf32, #tpu.memory_space<hbm>>
        tpu.enqueue_dma source(%dma_start3A_29 : memref<632x128xf32, #tpu.memory_space<hbm>>) target(%dma_start3A_27 : memref<632x128xf32, #tpu.memory_space<vmem_shared>>) target_semaphore(%run_scoped3A : memref<!tpu.dma_semaphore, #tpu.memory_space<semaphore_mem>>)
        %dma_wait3A = arith.constant 0 : i32
        %dma_wait3A_30 = tpu.memref_slice %arg13[%mul3A_7, %dma_wait3A] : memref<10112x128xf32, #tpu.memory_space<vmem_shared>> -> memref<632x128xf32, #tpu.memory_space<vmem_shared>>
        %dma_wait3A_31 = arith.constant 0 : i32
        %dma_wait3A_32 = tpu.memref_slice %arg10[%mul3A_7, %dma_wait3A_31] : memref<10112x128xf32, #tpu.memory_space<hbm>> -> memref<632x128xf32, #tpu.memory_space<hbm>>
        tpu.wait_dma2 semaphore(%run_scoped3A : memref<!tpu.dma_semaphore, #tpu.memory_space<semaphore_mem>>) src(%dma_wait3A_32 : memref<632x128xf32, #tpu.memory_space<hbm>>) dst(%dma_wait3A_30 : memref<632x128xf32, #tpu.memory_space<vmem_shared>>)
        tpu.yield
      }) : () -> ()
      %mul3A_8 = arith.constant 256 : i32
      %mul3A_9 = arith.muli %arg1, %mul3A_8 : i32
      %mul3A_10 = arith.constant 20000 : i32
      %mul3A_11 = arith.muli %arg1, %mul3A_10 : i32
      %add3A = arith.constant 0 : i32
      %add3A_12 = arith.addi %mul3A_9, %add3A : i32
      %dma_start3A = arith.constant 0 : i32
      %dma_start3A_13 = tpu.memref_slice %arg4[%add3A_12, %dma_start3A] : memref<4096x80xi32, #tpu.memory_space<hbm>> -> memref<16x80xi32, #tpu.memory_space<hbm>>
      %dma_start3A_14 = arith.constant 0 : i32
      %dma_start3A_15 = tpu.memref_slice %arg4[%add3A_12, %dma_start3A_14] : memref<4096x80xi32, #tpu.memory_space<hbm>> -> memref<16x80xi32, #tpu.memory_space<hbm>>
      tpu.enqueue_dma source(%dma_start3A_15 : memref<16x80xi32, #tpu.memory_space<hbm>>) target(%arg14 : memref<16x80xi32, #tpu.memory_space<vmem>>) target_semaphore(%arg22 : memref<!tpu.dma_semaphore, #tpu.memory_space<semaphore_mem>>)
      %dma_start3A_16 = arith.constant 0 : i32
      %dma_start3A_17 = tpu.memref_slice %arg5[%add3A_12, %dma_start3A_16] : memref<4096x80xi32, #tpu.memory_space<hbm>> -> memref<16x80xi32, #tpu.memory_space<hbm>>
      %dma_start3A_18 = arith.constant 0 : i32
      %dma_start3A_19 = tpu.memref_slice %arg5[%add3A_12, %dma_start3A_18] : memref<4096x80xi32, #tpu.memory_space<hbm>> -> memref<16x80xi32, #tpu.memory_space<hbm>>
      tpu.enqueue_dma source(%dma_start3A_19 : memref<16x80xi32, #tpu.memory_space<hbm>>) target(%arg15 : memref<16x80xi32, #tpu.memory_space<vmem>>) target_semaphore(%arg22 : memref<!tpu.dma_semaphore, #tpu.memory_space<semaphore_mem>>)
      %barrier3A = arith.constant 0 : index
      tpu.barrier barrier_id(%barrier3A)
      %scan3A = arith.constant 0 : i32
      %scan3A_20 = arith.constant 0 : i32
      %scan3A_21 = arith.constant 8 : i32
      %scan3A_22 = arith.addi %scan3A_20, %scan3A_21 : i32
      %scan3A_23 = arith.constant 1 : i32
      scf.for %scan3A_26 = %scan3A_20 to %scan3A_22 step %scan3A_23  : i32 {
        %mul3A_27 = arith.constant 2 : i32
        %mul3A_28 = arith.muli %mul3A_27, %scan3A_26 : i32
        %mul3A_29 = arith.constant 16 : i32
        %mul3A_30 = arith.muli %mul3A_28, %mul3A_29 : i32
        %add3A_31 = arith.addi %mul3A_9, %mul3A_30 : i32
        %dma_wait3A = arith.constant 0 : i32
        %dma_wait3A_32 = tpu.memref_slice %arg4[%add3A_31, %dma_wait3A] : memref<4096x80xi32, #tpu.memory_space<hbm>> -> memref<16x80xi32, #tpu.memory_space<hbm>>
        %dma_wait3A_33 = arith.constant 0 : i32
        %dma_wait3A_34 = tpu.memref_slice %arg4[%add3A_31, %dma_wait3A_33] : memref<4096x80xi32, #tpu.memory_space<hbm>> -> memref<16x80xi32, #tpu.memory_space<hbm>>
        tpu.wait_dma2 semaphore(%arg22 : memref<!tpu.dma_semaphore, #tpu.memory_space<semaphore_mem>>) src(%dma_wait3A_34 : memref<16x80xi32, #tpu.memory_space<hbm>>) dst(%arg14 : memref<16x80xi32, #tpu.memory_space<vmem>>)
        %dma_wait3A_35 = arith.constant 0 : i32
        %dma_wait3A_36 = tpu.memref_slice %arg5[%add3A_31, %dma_wait3A_35] : memref<4096x80xi32, #tpu.memory_space<hbm>> -> memref<16x80xi32, #tpu.memory_space<hbm>>
        %dma_wait3A_37 = arith.constant 0 : i32
        %dma_wait3A_38 = tpu.memref_slice %arg5[%add3A_31, %dma_wait3A_37] : memref<4096x80xi32, #tpu.memory_space<hbm>> -> memref<16x80xi32, #tpu.memory_space<hbm>>
        tpu.wait_dma2 semaphore(%arg22 : memref<!tpu.dma_semaphore, #tpu.memory_space<semaphore_mem>>) src(%dma_wait3A_38 : memref<16x80xi32, #tpu.memory_space<hbm>>) dst(%arg15 : memref<16x80xi32, #tpu.memory_space<vmem>>)
        %add3A_39 = arith.constant 1 : i32
        %add3A_40 = arith.addi %mul3A_28, %add3A_39 : i32
        %mul3A_41 = arith.constant 16 : i32
        %mul3A_42 = arith.muli %add3A_40, %mul3A_41 : i32
        %add3A_43 = arith.addi %mul3A_9, %mul3A_42 : i32
        %dma_start3A_44 = arith.constant 0 : i32
        %dma_start3A_45 = tpu.memref_slice %arg4[%add3A_43, %dma_start3A_44] : memref<4096x80xi32, #tpu.memory_space<hbm>> -> memref<16x80xi32, #tpu.memory_space<hbm>>
        %dma_start3A_46 = arith.constant 0 : i32
        %dma_start3A_47 = tpu.memref_slice %arg4[%add3A_43, %dma_start3A_46] : memref<4096x80xi32, #tpu.memory_space<hbm>> -> memref<16x80xi32, #tpu.memory_space<hbm>>
        tpu.enqueue_dma source(%dma_start3A_47 : memref<16x80xi32, #tpu.memory_space<hbm>>) target(%arg16 : memref<16x80xi32, #tpu.memory_space<vmem>>) target_semaphore(%arg23 : memref<!tpu.dma_semaphore, #tpu.memory_space<semaphore_mem>>)
        %dma_start3A_48 = arith.constant 0 : i32
        %dma_start3A_49 = tpu.memref_slice %arg5[%add3A_43, %dma_start3A_48] : memref<4096x80xi32, #tpu.memory_space<hbm>> -> memref<16x80xi32, #tpu.memory_space<hbm>>
        %dma_start3A_50 = arith.constant 0 : i32
        %dma_start3A_51 = tpu.memref_slice %arg5[%add3A_43, %dma_start3A_50] : memref<4096x80xi32, #tpu.memory_space<hbm>> -> memref<16x80xi32, #tpu.memory_space<hbm>>
        tpu.enqueue_dma source(%dma_start3A_51 : memref<16x80xi32, #tpu.memory_space<hbm>>) target(%arg17 : memref<16x80xi32, #tpu.memory_space<vmem>>) target_semaphore(%arg23 : memref<!tpu.dma_semaphore, #tpu.memory_space<semaphore_mem>>)
        %mul3A_52 = arith.constant 16 : i32
        %mul3A_53 = arith.muli %mul3A_28, %mul3A_52 : i32
        %dma_start3A_54 = arith.constant 0 : i32
        %dma_start3A_55 = arith.constant 0 : i32
        %dma_start3A_56 = tpu.memref_slice %arg14[%dma_start3A_54, %dma_start3A_55] : memref<16x80xi32, #tpu.memory_space<vmem>> -> memref<1x80xi32, #tpu.memory_space<vmem>>
        %dma_start3A_57 = tpu.memref_squeeze %dma_start3A_56 : memref<1x80xi32, #tpu.memory_space<vmem>> -> memref<80xi32, #tpu.memory_space<vmem>>
        %dma_start3A_58 = arith.constant 0 : i32
        %dma_start3A_59 = arith.constant 0 : i32
        %dma_start3A_60 = tpu.memref_slice %arg2[%dma_start3A_58, %dma_start3A_59] : memref<10000x128xf32, #tpu.memory_space<hbm>> -> memref<10000x128xf32, #tpu.memory_space<hbm>>
        tpu.enqueue_indirect_dma source(%dma_start3A_60 : memref<10000x128xf32, #tpu.memory_space<hbm>>) target(%arg18 : memref<80x128xf32, #tpu.memory_space<vmem>>) offsets(%dma_start3A_57 : memref<80xi32, #tpu.memory_space<vmem>>) semaphore(%arg24 : memref<!tpu.dma_semaphore, #tpu.memory_space<semaphore_mem>>)
        %lt3A = arith.constant 250 : i32
        %lt3A_61 = arith.cmpi slt, %mul3A_53, %lt3A : i32
        %mul3A_62 = arith.constant 80 : i32
        %mul3A_63 = arith.muli %mul3A_53, %mul3A_62 : i32
        %jit3A = arith.constant 0 : i32
        %select_n3A = arith.select %lt3A_61, %mul3A_63, %jit3A : i32
        %add3A_64 = arith.addi %mul3A_11, %select_n3A : i32
        %dma_start3A_65 = arith.constant 0 : i32
        %dma_start3A_66 = tpu.memref_slice %arg6[%add3A_64, %dma_start3A_65] : memref<320000x128xf32, #tpu.memory_space<hbm>> -> memref<80x128xf32, #tpu.memory_space<hbm>>
        %dma_start3A_67 = arith.constant 0 : i32
        %dma_start3A_68 = tpu.memref_slice %arg6[%add3A_64, %dma_start3A_67] : memref<320000x128xf32, #tpu.memory_space<hbm>> -> memref<80x128xf32, #tpu.memory_space<hbm>>
        tpu.enqueue_dma source(%dma_start3A_68 : memref<80x128xf32, #tpu.memory_space<hbm>>) target(%arg20 : memref<80x128xf32, #tpu.memory_space<vmem>>) target_semaphore(%arg24 : memref<!tpu.dma_semaphore, #tpu.memory_space<semaphore_mem>>)
        %scan3A_69 = arith.constant 0 : i32
        %scan3A_70 = arith.constant 0 : i32
        %scan3A_71 = arith.constant 8 : i32
        %scan3A_72 = arith.addi %scan3A_70, %scan3A_71 : i32
        %scan3A_73 = arith.constant 1 : i32
        scf.for %scan3A_123 = %scan3A_70 to %scan3A_72 step %scan3A_73  : i32 {
          %mul3A_124 = arith.constant 2 : i32
          %mul3A_125 = arith.muli %mul3A_124, %scan3A_123 : i32
          %add3A_126 = arith.addi %mul3A_53, %mul3A_125 : i32
          %add3A_127 = arith.constant 1 : i32
          %add3A_128 = arith.addi %add3A_126, %add3A_127 : i32
          %add3A_129 = arith.constant 1 : i32
          %add3A_130 = arith.addi %mul3A_125, %add3A_129 : i32
          %dma_start3A_131 = arith.constant 0 : i32
          %dma_start3A_132 = tpu.memref_slice %arg14[%add3A_130, %dma_start3A_131] : memref<16x80xi32, #tpu.memory_space<vmem>> -> memref<1x80xi32, #tpu.memory_space<vmem>>
          %dma_start3A_133 = tpu.memref_squeeze %dma_start3A_132 : memref<1x80xi32, #tpu.memory_space<vmem>> -> memref<80xi32, #tpu.memory_space<vmem>>
          %dma_start3A_134 = arith.constant 0 : i32
          %dma_start3A_135 = arith.constant 0 : i32
          %dma_start3A_136 = tpu.memref_slice %arg3[%dma_start3A_134, %dma_start3A_135] : memref<10000x128xf32, #tpu.memory_space<hbm>> -> memref<10000x128xf32, #tpu.memory_space<hbm>>
          tpu.enqueue_indirect_dma source(%dma_start3A_136 : memref<10000x128xf32, #tpu.memory_space<hbm>>) target(%arg19 : memref<80x128xf32, #tpu.memory_space<vmem>>) offsets(%dma_start3A_133 : memref<80xi32, #tpu.memory_space<vmem>>) semaphore(%arg25 : memref<!tpu.dma_semaphore, #tpu.memory_space<semaphore_mem>>)
          %lt3A_137 = arith.constant 250 : i32
          %lt3A_138 = arith.cmpi slt, %add3A_128, %lt3A_137 : i32
          %mul3A_139 = arith.constant 80 : i32
          %mul3A_140 = arith.muli %add3A_128, %mul3A_139 : i32
          %jit3A_141 = arith.constant 0 : i32
          %select_n3A_142 = arith.select %lt3A_138, %mul3A_140, %jit3A_141 : i32
          %add3A_143 = arith.addi %mul3A_11, %select_n3A_142 : i32
          %dma_start3A_144 = arith.constant 0 : i32
          %dma_start3A_145 = tpu.memref_slice %arg6[%add3A_143, %dma_start3A_144] : memref<320000x128xf32, #tpu.memory_space<hbm>> -> memref<80x128xf32, #tpu.memory_space<hbm>>
          %dma_start3A_146 = arith.constant 0 : i32
          %dma_start3A_147 = tpu.memref_slice %arg6[%add3A_143, %dma_start3A_146] : memref<320000x128xf32, #tpu.memory_space<hbm>> -> memref<80x128xf32, #tpu.memory_space<hbm>>
          tpu.enqueue_dma source(%dma_start3A_147 : memref<80x128xf32, #tpu.memory_space<hbm>>) target(%arg21 : memref<80x128xf32, #tpu.memory_space<vmem>>) target_semaphore(%arg25 : memref<!tpu.dma_semaphore, #tpu.memory_space<semaphore_mem>>)
          %add3A_148 = arith.addi %mul3A_53, %mul3A_125 : i32
          %dma_wait3A_149 = arith.constant 0 : i32
          %dma_wait3A_150 = tpu.memref_slice %arg14[%mul3A_125, %dma_wait3A_149] : memref<16x80xi32, #tpu.memory_space<vmem>> -> memref<1x80xi32, #tpu.memory_space<vmem>>
          %dma_wait3A_151 = tpu.memref_squeeze %dma_wait3A_150 : memref<1x80xi32, #tpu.memory_space<vmem>> -> memref<80xi32, #tpu.memory_space<vmem>>
          %dma_wait3A_152 = arith.constant 0 : i32
          %dma_wait3A_153 = arith.constant 0 : i32
          %dma_wait3A_154 = tpu.memref_slice %arg2[%dma_wait3A_152, %dma_wait3A_153] : memref<10000x128xf32, #tpu.memory_space<hbm>> -> memref<10000x128xf32, #tpu.memory_space<hbm>>
          tpu.wait_indirect_dma semaphore(%arg24 : memref<!tpu.dma_semaphore, #tpu.memory_space<semaphore_mem>>) src(%dma_wait3A_154 : memref<10000x128xf32, #tpu.memory_space<hbm>>) dst(%arg18 : memref<80x128xf32, #tpu.memory_space<vmem>>)
          %lt3A_155 = arith.constant 250 : i32
          %lt3A_156 = arith.cmpi slt, %add3A_148, %lt3A_155 : i32
          %mul3A_157 = arith.constant 80 : i32
          %mul3A_158 = arith.muli %add3A_148, %mul3A_157 : i32
          %jit3A_159 = arith.constant 0 : i32
          %select_n3A_160 = arith.select %lt3A_156, %mul3A_158, %jit3A_159 : i32
          %add3A_161 = arith.addi %mul3A_11, %select_n3A_160 : i32
          %dma_wait3A_162 = arith.constant 0 : i32
          %dma_wait3A_163 = tpu.memref_slice %arg6[%add3A_161, %dma_wait3A_162] : memref<320000x128xf32, #tpu.memory_space<hbm>> -> memref<80x128xf32, #tpu.memory_space<hbm>>
          %dma_wait3A_164 = arith.constant 0 : i32
          %dma_wait3A_165 = tpu.memref_slice %arg6[%add3A_161, %dma_wait3A_164] : memref<320000x128xf32, #tpu.memory_space<hbm>> -> memref<80x128xf32, #tpu.memory_space<hbm>>
          tpu.wait_dma2 semaphore(%arg24 : memref<!tpu.dma_semaphore, #tpu.memory_space<semaphore_mem>>) src(%dma_wait3A_165 : memref<80x128xf32, #tpu.memory_space<hbm>>) dst(%arg20 : memref<80x128xf32, #tpu.memory_space<vmem>>)
          %scan3A_166 = arith.constant 0 : i32
          %scan3A_167 = arith.constant 0 : i32
          %scan3A_168 = arith.constant 80 : i32
          %scan3A_169 = arith.addi %scan3A_167, %scan3A_168 : i32
          %scan3A_170 = arith.constant 1 : i32
          scf.for %scan3A_207 = %scan3A_167 to %scan3A_169 step %scan3A_170  : i32 {
            %get3A = arith.index_cast %scan3A_207 : i32 to index
            %get3A_208 = arith.constant 0 : index
            %get3A_209 = tpu.vector_load %arg20[%get3A, %get3A_208] {strides = array<i32>} : memref<80x128xf32, #tpu.memory_space<vmem>>, vector<1x16xf32>,
            %get3A_210 = vector.shape_cast %get3A_209 : vector<1x16xf32> to vector<16xf32>
            %get3A_211 = arith.index_cast %scan3A_207 : i32 to index
            %get3A_212 = arith.constant 0 : index
            %get3A_213 = tpu.vector_load %arg18[%get3A_211, %get3A_212] {strides = array<i32>} : memref<80x128xf32, #tpu.memory_space<vmem>>, vector<1x16xf32>,
            %get3A_214 = vector.shape_cast %get3A_213 : vector<1x16xf32> to vector<16xf32>
            %mul3A_215 = arith.mulf %get3A_210, %get3A_214 : vector<16xf32>
            %swap3A = arith.index_cast %scan3A_207 : i32 to index
            %swap3A_216 = arith.constant 0 : index
            %swap3A_217 = tpu.vector_load %arg20[%swap3A, %swap3A_216] {strides = array<i32>} : memref<80x128xf32, #tpu.memory_space<vmem>>, vector<1x16xf32>,
            %swap3A_218 = vector.shape_cast %swap3A_217 : vector<1x16xf32> to vector<16xf32>
            %swap3A_219 = vector.shape_cast %mul3A_215 : vector<16xf32> to vector<1x16xf32>
            tpu.vector_store %arg20[%swap3A, %swap3A_216], %swap3A_219 {strides = array<i32>} : memref<80x128xf32, #tpu.memory_space<vmem>>, vector<1x16xf32>,
            %get3A_220 = arith.index_cast %scan3A_207 : i32 to index
            %get3A_221 = arith.constant 16 : index
            %get3A_222 = tpu.vector_load %arg20[%get3A_220, %get3A_221] {strides = array<i32>} : memref<80x128xf32, #tpu.memory_space<vmem>>, vector<1x16xf32>,
            %get3A_223 = vector.shape_cast %get3A_222 : vector<1x16xf32> to vector<16xf32>
            %get3A_224 = arith.index_cast %scan3A_207 : i32 to index
            %get3A_225 = arith.constant 16 : index
            %get3A_226 = tpu.vector_load %arg18[%get3A_224, %get3A_225] {strides = array<i32>} : memref<80x128xf32, #tpu.memory_space<vmem>>, vector<1x16xf32>,
            %get3A_227 = vector.shape_cast %get3A_226 : vector<1x16xf32> to vector<16xf32>
            %mul3A_228 = arith.mulf %get3A_223, %get3A_227 : vector<16xf32>
            %swap3A_229 = arith.index_cast %scan3A_207 : i32 to index
            %swap3A_230 = arith.constant 16 : index
            %swap3A_231 = tpu.vector_load %arg20[%swap3A_229, %swap3A_230] {strides = array<i32>} : memref<80x128xf32, #tpu.memory_space<vmem>>, vector<1x16xf32>,
            %swap3A_232 = vector.shape_cast %swap3A_231 : vector<1x16xf32> to vector<16xf32>
            %swap3A_233 = vector.shape_cast %mul3A_228 : vector<16xf32> to vector<1x16xf32>
            tpu.vector_store %arg20[%swap3A_229, %swap3A_230], %swap3A_233 {strides = array<i32>} : memref<80x128xf32, #tpu.memory_space<vmem>>, vector<1x16xf32>,
            %get3A_234 = arith.index_cast %scan3A_207 : i32 to index
            %get3A_235 = arith.constant 32 : index
            %get3A_236 = tpu.vector_load %arg20[%get3A_234, %get3A_235] {strides = array<i32>} : memref<80x128xf32, #tpu.memory_space<vmem>>, vector<1x16xf32>,
            %get3A_237 = vector.shape_cast %get3A_236 : vector<1x16xf32> to vector<16xf32>
            %get3A_238 = arith.index_cast %scan3A_207 : i32 to index
            %get3A_239 = arith.constant 32 : index
            %get3A_240 = tpu.vector_load %arg18[%get3A_238, %get3A_239] {strides = array<i32>} : memref<80x128xf32, #tpu.memory_space<vmem>>, vector<1x16xf32>,
            %get3A_241 = vector.shape_cast %get3A_240 : vector<1x16xf32> to vector<16xf32>
            %mul3A_242 = arith.mulf %get3A_237, %get3A_241 : vector<16xf32>
            %swap3A_243 = arith.index_cast %scan3A_207 : i32 to index
            %swap3A_244 = arith.constant 32 : index
            %swap3A_245 = tpu.vector_load %arg20[%swap3A_243, %swap3A_244] {strides = array<i32>} : memref<80x128xf32, #tpu.memory_space<vmem>>, vector<1x16xf32>,
            %swap3A_246 = vector.shape_cast %swap3A_245 : vector<1x16xf32> to vector<16xf32>
            %swap3A_247 = vector.shape_cast %mul3A_242 : vector<16xf32> to vector<1x16xf32>
            tpu.vector_store %arg20[%swap3A_243, %swap3A_244], %swap3A_247 {strides = array<i32>} : memref<80x128xf32, #tpu.memory_space<vmem>>, vector<1x16xf32>,
            %get3A_248 = arith.index_cast %scan3A_207 : i32 to index
            %get3A_249 = arith.constant 48 : index
            %get3A_250 = tpu.vector_load %arg20[%get3A_248, %get3A_249] {strides = array<i32>} : memref<80x128xf32, #tpu.memory_space<vmem>>, vector<1x16xf32>,
            %get3A_251 = vector.shape_cast %get3A_250 : vector<1x16xf32> to vector<16xf32>
            %get3A_252 = arith.index_cast %scan3A_207 : i32 to index
            %get3A_253 = arith.constant 48 : index
            %get3A_254 = tpu.vector_load %arg18[%get3A_252, %get3A_253] {strides = array<i32>} : memref<80x128xf32, #tpu.memory_space<vmem>>, vector<1x16xf32>,
            %get3A_255 = vector.shape_cast %get3A_254 : vector<1x16xf32> to vector<16xf32>
            %mul3A_256 = arith.mulf %get3A_251, %get3A_255 : vector<16xf32>
            %swap3A_257 = arith.index_cast %scan3A_207 : i32 to index
            %swap3A_258 = arith.constant 48 : index
            %swap3A_259 = tpu.vector_load %arg20[%swap3A_257, %swap3A_258] {strides = array<i32>} : memref<80x128xf32, #tpu.memory_space<vmem>>, vector<1x16xf32>,
            %swap3A_260 = vector.shape_cast %swap3A_259 : vector<1x16xf32> to vector<16xf32>
            %swap3A_261 = vector.shape_cast %mul3A_256 : vector<16xf32> to vector<1x16xf32>
            tpu.vector_store %arg20[%swap3A_257, %swap3A_258], %swap3A_261 {strides = array<i32>} : memref<80x128xf32, #tpu.memory_space<vmem>>, vector<1x16xf32>,
            %get3A_262 = arith.index_cast %scan3A_207 : i32 to index
            %get3A_263 = arith.constant 64 : index
            %get3A_264 = tpu.vector_load %arg20[%get3A_262, %get3A_263] {strides = array<i32>} : memref<80x128xf32, #tpu.memory_space<vmem>>, vector<1x16xf32>,
            %get3A_265 = vector.shape_cast %get3A_264 : vector<1x16xf32> to vector<16xf32>
            %get3A_266 = arith.index_cast %scan3A_207 : i32 to index
            %get3A_267 = arith.constant 64 : index
            %get3A_268 = tpu.vector_load %arg18[%get3A_266, %get3A_267] {strides = array<i32>} : memref<80x128xf32, #tpu.memory_space<vmem>>, vector<1x16xf32>,
            %get3A_269 = vector.shape_cast %get3A_268 : vector<1x16xf32> to vector<16xf32>
            %mul3A_270 = arith.mulf %get3A_265, %get3A_269 : vector<16xf32>
            %swap3A_271 = arith.index_cast %scan3A_207 : i32 to index
            %swap3A_272 = arith.constant 64 : index
            %swap3A_273 = tpu.vector_load %arg20[%swap3A_271, %swap3A_272] {strides = array<i32>} : memref<80x128xf32, #tpu.memory_space<vmem>>, vector<1x16xf32>,
            %swap3A_274 = vector.shape_cast %swap3A_273 : vector<1x16xf32> to vector<16xf32>
            %swap3A_275 = vector.shape_cast %mul3A_270 : vector<16xf32> to vector<1x16xf32>
            tpu.vector_store %arg20[%swap3A_271, %swap3A_272], %swap3A_275 {strides = array<i32>} : memref<80x128xf32, #tpu.memory_space<vmem>>, vector<1x16xf32>,
            %get3A_276 = arith.index_cast %scan3A_207 : i32 to index
            %get3A_277 = arith.constant 80 : index
            %get3A_278 = tpu.vector_load %arg20[%get3A_276, %get3A_277] {strides = array<i32>} : memref<80x128xf32, #tpu.memory_space<vmem>>, vector<1x16xf32>,
            %get3A_279 = vector.shape_cast %get3A_278 : vector<1x16xf32> to vector<16xf32>
            %get3A_280 = arith.index_cast %scan3A_207 : i32 to index
            %get3A_281 = arith.constant 80 : index
            %get3A_282 = tpu.vector_load %arg18[%get3A_280, %get3A_281] {strides = array<i32>} : memref<80x128xf32, #tpu.memory_space<vmem>>, vector<1x16xf32>,
            %get3A_283 = vector.shape_cast %get3A_282 : vector<1x16xf32> to vector<16xf32>
            %mul3A_284 = arith.mulf %get3A_279, %get3A_283 : vector<16xf32>
            %swap3A_285 = arith.index_cast %scan3A_207 : i32 to index
            %swap3A_286 = arith.constant 80 : index
            %swap3A_287 = tpu.vector_load %arg20[%swap3A_285, %swap3A_286] {strides = array<i32>} : memref<80x128xf32, #tpu.memory_space<vmem>>, vector<1x16xf32>,
            %swap3A_288 = vector.shape_cast %swap3A_287 : vector<1x16xf32> to vector<16xf32>
            %swap3A_289 = vector.shape_cast %mul3A_284 : vector<16xf32> to vector<1x16xf32>
            tpu.vector_store %arg20[%swap3A_285, %swap3A_286], %swap3A_289 {strides = array<i32>} : memref<80x128xf32, #tpu.memory_space<vmem>>, vector<1x16xf32>,
            %get3A_290 = arith.index_cast %scan3A_207 : i32 to index
            %get3A_291 = arith.constant 96 : index
            %get3A_292 = tpu.vector_load %arg20[%get3A_290, %get3A_291] {strides = array<i32>} : memref<80x128xf32, #tpu.memory_space<vmem>>, vector<1x16xf32>,
            %get3A_293 = vector.shape_cast %get3A_292 : vector<1x16xf32> to vector<16xf32>
            %get3A_294 = arith.index_cast %scan3A_207 : i32 to index
            %get3A_295 = arith.constant 96 : index
            %get3A_296 = tpu.vector_load %arg18[%get3A_294, %get3A_295] {strides = array<i32>} : memref<80x128xf32, #tpu.memory_space<vmem>>, vector<1x16xf32>,
            %get3A_297 = vector.shape_cast %get3A_296 : vector<1x16xf32> to vector<16xf32>
            %mul3A_298 = arith.mulf %get3A_293, %get3A_297 : vector<16xf32>
            %swap3A_299 = arith.index_cast %scan3A_207 : i32 to index
            %swap3A_300 = arith.constant 96 : index
            %swap3A_301 = tpu.vector_load %arg20[%swap3A_299, %swap3A_300] {strides = array<i32>} : memref<80x128xf32, #tpu.memory_space<vmem>>, vector<1x16xf32>,
            %swap3A_302 = vector.shape_cast %swap3A_301 : vector<1x16xf32> to vector<16xf32>
            %swap3A_303 = vector.shape_cast %mul3A_298 : vector<16xf32> to vector<1x16xf32>
            tpu.vector_store %arg20[%swap3A_299, %swap3A_300], %swap3A_303 {strides = array<i32>} : memref<80x128xf32, #tpu.memory_space<vmem>>, vector<1x16xf32>,
            %get3A_304 = arith.index_cast %scan3A_207 : i32 to index
            %get3A_305 = arith.constant 112 : index
            %get3A_306 = tpu.vector_load %arg20[%get3A_304, %get3A_305] {strides = array<i32>} : memref<80x128xf32, #tpu.memory_space<vmem>>, vector<1x16xf32>,
            %get3A_307 = vector.shape_cast %get3A_306 : vector<1x16xf32> to vector<16xf32>
            %get3A_308 = arith.index_cast %scan3A_207 : i32 to index
            %get3A_309 = arith.constant 112 : index
            %get3A_310 = tpu.vector_load %arg18[%get3A_308, %get3A_309] {strides = array<i32>} : memref<80x128xf32, #tpu.memory_space<vmem>>, vector<1x16xf32>,
            %get3A_311 = vector.shape_cast %get3A_310 : vector<1x16xf32> to vector<16xf32>
            %mul3A_312 = arith.mulf %get3A_307, %get3A_311 : vector<16xf32>
            %swap3A_313 = arith.index_cast %scan3A_207 : i32 to index
            %swap3A_314 = arith.constant 112 : index
            %swap3A_315 = tpu.vector_load %arg20[%swap3A_313, %swap3A_314] {strides = array<i32>} : memref<80x128xf32, #tpu.memory_space<vmem>>, vector<1x16xf32>,
            %swap3A_316 = vector.shape_cast %swap3A_315 : vector<1x16xf32> to vector<16xf32>
            %swap3A_317 = vector.shape_cast %mul3A_312 : vector<16xf32> to vector<1x16xf32>
            tpu.vector_store %arg20[%swap3A_313, %swap3A_314], %swap3A_317 {strides = array<i32>} : memref<80x128xf32, #tpu.memory_space<vmem>>, vector<1x16xf32>,
          }
          %scan3A_171 = arith.constant 80 : i32
          "tpu.region"() ({
            %run_scoped3A = tpu.sem_alloc : memref<!tpu.dma_semaphore, #tpu.memory_space<semaphore_mem>>
            %dma_start3A_207 = arith.constant 0 : i32
            %dma_start3A_208 = tpu.memref_slice %arg15[%mul3A_125, %dma_start3A_207] : memref<16x80xi32, #tpu.memory_space<vmem>> -> memref<1x80xi32, #tpu.memory_space<vmem>>
            %dma_start3A_209 = tpu.memref_squeeze %dma_start3A_208 : memref<1x80xi32, #tpu.memory_space<vmem>> -> memref<80xi32, #tpu.memory_space<vmem>>
            %dma_start3A_210 = arith.constant 0 : i32
            %dma_start3A_211 = arith.constant 0 : i32
            %dma_start3A_212 = tpu.memref_slice %arg13[%dma_start3A_210, %dma_start3A_211] : memref<10112x128xf32, #tpu.memory_space<vmem_shared>> -> memref<10112x128xf32, #tpu.memory_space<vmem_shared>>
            tpu.enqueue_indirect_dma source(%arg20 : memref<80x128xf32, #tpu.memory_space<vmem>>) target(%dma_start3A_212 : memref<10112x128xf32, #tpu.memory_space<vmem_shared>>) offsets(%dma_start3A_209 : memref<80xi32, #tpu.memory_space<vmem>>) semaphore(%run_scoped3A : memref<!tpu.dma_semaphore, #tpu.memory_space<semaphore_mem>>) {add = true}
            %dma_wait3A_213 = arith.constant 0 : i32
            %dma_wait3A_214 = tpu.memref_slice %arg15[%mul3A_125, %dma_wait3A_213] : memref<16x80xi32, #tpu.memory_space<vmem>> -> memref<1x80xi32, #tpu.memory_space<vmem>>
            %dma_wait3A_215 = tpu.memref_squeeze %dma_wait3A_214 : memref<1x80xi32, #tpu.memory_space<vmem>> -> memref<80xi32, #tpu.memory_space<vmem>>
            %dma_wait3A_216 = arith.constant 0 : i32
            %dma_wait3A_217 = arith.constant 0 : i32
            %dma_wait3A_218 = tpu.memref_slice %arg13[%dma_wait3A_216, %dma_wait3A_217] : memref<10112x128xf32, #tpu.memory_space<vmem_shared>> -> memref<10112x128xf32, #tpu.memory_space<vmem_shared>>
            tpu.wait_indirect_dma semaphore(%run_scoped3A : memref<!tpu.dma_semaphore, #tpu.memory_space<semaphore_mem>>) src(%arg20 : memref<80x128xf32, #tpu.memory_space<vmem>>) dst(%dma_wait3A_218 : memref<10112x128xf32, #tpu.memory_space<vmem_shared>>)
            tpu.yield
          }) : () -> ()
          %add3A_172 = arith.constant 2 : i32
          %add3A_173 = arith.addi %mul3A_125, %add3A_172 : i32
          %lt3A_174 = arith.constant 16 : i32
          %lt3A_175 = arith.cmpi slt, %add3A_173, %lt3A_174 : i32
          %convert_element_type3A_176 = arith.extui %lt3A_175 : i1 to i32
          %cond3A_177 = arith.constant 0 : i32
          %cond3A_178 = arith.cmpi ne, %convert_element_type3A_176, %cond3A_177 : i32
          scf.if %cond3A_178 {
            %add3A_207 = arith.addi %mul3A_53, %mul3A_125 : i32
            %add3A_208 = arith.constant 2 : i32
            %add3A_209 = arith.addi %add3A_207, %add3A_208 : i32
            %add3A_210 = arith.constant 2 : i32
            %add3A_211 = arith.addi %mul3A_125, %add3A_210 : i32
            %dma_start3A_212 = arith.constant 0 : i32
            %dma_start3A_213 = tpu.memref_slice %arg14[%add3A_211, %dma_start3A_212] : memref<16x80xi32, #tpu.memory_space<vmem>> -> memref<1x80xi32, #tpu.memory_space<vmem>>
            %dma_start3A_214 = tpu.memref_squeeze %dma_start3A_213 : memref<1x80xi32, #tpu.memory_space<vmem>> -> memref<80xi32, #tpu.memory_space<vmem>>
            %dma_start3A_215 = arith.constant 0 : i32
            %dma_start3A_216 = arith.constant 0 : i32
            %dma_start3A_217 = tpu.memref_slice %arg2[%dma_start3A_215, %dma_start3A_216] : memref<10000x128xf32, #tpu.memory_space<hbm>> -> memref<10000x128xf32, #tpu.memory_space<hbm>>
            tpu.enqueue_indirect_dma source(%dma_start3A_217 : memref<10000x128xf32, #tpu.memory_space<hbm>>) target(%arg18 : memref<80x128xf32, #tpu.memory_space<vmem>>) offsets(%dma_start3A_214 : memref<80xi32, #tpu.memory_space<vmem>>) semaphore(%arg24 : memref<!tpu.dma_semaphore, #tpu.memory_space<semaphore_mem>>)
            %lt3A_218 = arith.constant 250 : i32
            %lt3A_219 = arith.cmpi slt, %add3A_209, %lt3A_218 : i32
            %mul3A_220 = arith.constant 80 : i32
            %mul3A_221 = arith.muli %add3A_209, %mul3A_220 : i32
            %jit3A_222 = arith.constant 0 : i32
            %select_n3A_223 = arith.select %lt3A_219, %mul3A_221, %jit3A_222 : i32
            %add3A_224 = arith.addi %mul3A_11, %select_n3A_223 : i32
            %dma_start3A_225 = arith.constant 0 : i32
            %dma_start3A_226 = tpu.memref_slice %arg6[%add3A_224, %dma_start3A_225] : memref<320000x128xf32, #tpu.memory_space<hbm>> -> memref<80x128xf32, #tpu.memory_space<hbm>>
            %dma_start3A_227 = arith.constant 0 : i32
            %dma_start3A_228 = tpu.memref_slice %arg6[%add3A_224, %dma_start3A_227] : memref<320000x128xf32, #tpu.memory_space<hbm>> -> memref<80x128xf32, #tpu.memory_space<hbm>>
            tpu.enqueue_dma source(%dma_start3A_228 : memref<80x128xf32, #tpu.memory_space<hbm>>) target(%arg20 : memref<80x128xf32, #tpu.memory_space<vmem>>) target_semaphore(%arg24 : memref<!tpu.dma_semaphore, #tpu.memory_space<semaphore_mem>>)
          } else {
          }
          %add3A_179 = arith.addi %mul3A_53, %mul3A_125 : i32
          %add3A_180 = arith.constant 1 : i32
          %add3A_181 = arith.addi %add3A_179, %add3A_180 : i32
          %add3A_182 = arith.constant 1 : i32
          %add3A_183 = arith.addi %mul3A_125, %add3A_182 : i32
          %dma_wait3A_184 = arith.constant 0 : i32
          %dma_wait3A_185 = tpu.memref_slice %arg14[%add3A_183, %dma_wait3A_184] : memref<16x80xi32, #tpu.memory_space<vmem>> -> memref<1x80xi32, #tpu.memory_space<vmem>>
          %dma_wait3A_186 = tpu.memref_squeeze %dma_wait3A_185 : memref<1x80xi32, #tpu.memory_space<vmem>> -> memref<80xi32, #tpu.memory_space<vmem>>
          %dma_wait3A_187 = arith.constant 0 : i32
          %dma_wait3A_188 = arith.constant 0 : i32
          %dma_wait3A_189 = tpu.memref_slice %arg3[%dma_wait3A_187, %dma_wait3A_188] : memref<10000x128xf32, #tpu.memory_space<hbm>> -> memref<10000x128xf32, #tpu.memory_space<hbm>>
          tpu.wait_indirect_dma semaphore(%arg25 : memref<!tpu.dma_semaphore, #tpu.memory_space<semaphore_mem>>) src(%dma_wait3A_189 : memref<10000x128xf32, #tpu.memory_space<hbm>>) dst(%arg19 : memref<80x128xf32, #tpu.memory_space<vmem>>)
          %lt3A_190 = arith.constant 250 : i32
          %lt3A_191 = arith.cmpi slt, %add3A_181, %lt3A_190 : i32
          %mul3A_192 = arith.constant 80 : i32
          %mul3A_193 = arith.muli %add3A_181, %mul3A_192 : i32
          %jit3A_194 = arith.constant 0 : i32
          %select_n3A_195 = arith.select %lt3A_191, %mul3A_193, %jit3A_194 : i32
          %add3A_196 = arith.addi %mul3A_11, %select_n3A_195 : i32
          %dma_wait3A_197 = arith.constant 0 : i32
          %dma_wait3A_198 = tpu.memref_slice %arg6[%add3A_196, %dma_wait3A_197] : memref<320000x128xf32, #tpu.memory_space<hbm>> -> memref<80x128xf32, #tpu.memory_space<hbm>>
          %dma_wait3A_199 = arith.constant 0 : i32
          %dma_wait3A_200 = tpu.memref_slice %arg6[%add3A_196, %dma_wait3A_199] : memref<320000x128xf32, #tpu.memory_space<hbm>> -> memref<80x128xf32, #tpu.memory_space<hbm>>
          tpu.wait_dma2 semaphore(%arg25 : memref<!tpu.dma_semaphore, #tpu.memory_space<semaphore_mem>>) src(%dma_wait3A_200 : memref<80x128xf32, #tpu.memory_space<hbm>>) dst(%arg21 : memref<80x128xf32, #tpu.memory_space<vmem>>)
          %scan3A_201 = arith.constant 0 : i32
          %scan3A_202 = arith.constant 0 : i32
          %scan3A_203 = arith.constant 80 : i32
          %scan3A_204 = arith.addi %scan3A_202, %scan3A_203 : i32
          %scan3A_205 = arith.constant 1 : i32
          scf.for %scan3A_207 = %scan3A_202 to %scan3A_204 step %scan3A_205  : i32 {
            %get3A = arith.index_cast %scan3A_207 : i32 to index
            %get3A_208 = arith.constant 0 : index
            %get3A_209 = tpu.vector_load %arg21[%get3A, %get3A_208] {strides = array<i32>} : memref<80x128xf32, #tpu.memory_space<vmem>>, vector<1x16xf32>,
            %get3A_210 = vector.shape_cast %get3A_209 : vector<1x16xf32> to vector<16xf32>
            %get3A_211 = arith.index_cast %scan3A_207 : i32 to index
            %get3A_212 = arith.constant 0 : index
            %get3A_213 = tpu.vector_load %arg19[%get3A_211, %get3A_212] {strides = array<i32>} : memref<80x128xf32, #tpu.memory_space<vmem>>, vector<1x16xf32>,
            %get3A_214 = vector.shape_cast %get3A_213 : vector<1x16xf32> to vector<16xf32>
            %mul3A_215 = arith.mulf %get3A_210, %get3A_214 : vector<16xf32>
            %swap3A = arith.index_cast %scan3A_207 : i32 to index
            %swap3A_216 = arith.constant 0 : index
            %swap3A_217 = tpu.vector_load %arg21[%swap3A, %swap3A_216] {strides = array<i32>} : memref<80x128xf32, #tpu.memory_space<vmem>>, vector<1x16xf32>,
            %swap3A_218 = vector.shape_cast %swap3A_217 : vector<1x16xf32> to vector<16xf32>
            %swap3A_219 = vector.shape_cast %mul3A_215 : vector<16xf32> to vector<1x16xf32>
            tpu.vector_store %arg21[%swap3A, %swap3A_216], %swap3A_219 {strides = array<i32>} : memref<80x128xf32, #tpu.memory_space<vmem>>, vector<1x16xf32>,
            %get3A_220 = arith.index_cast %scan3A_207 : i32 to index
            %get3A_221 = arith.constant 16 : index
            %get3A_222 = tpu.vector_load %arg21[%get3A_220, %get3A_221] {strides = array<i32>} : memref<80x128xf32, #tpu.memory_space<vmem>>, vector<1x16xf32>,
            %get3A_223 = vector.shape_cast %get3A_222 : vector<1x16xf32> to vector<16xf32>
            %get3A_224 = arith.index_cast %scan3A_207 : i32 to index
            %get3A_225 = arith.constant 16 : index
            %get3A_226 = tpu.vector_load %arg19[%get3A_224, %get3A_225] {strides = array<i32>} : memref<80x128xf32, #tpu.memory_space<vmem>>, vector<1x16xf32>,
            %get3A_227 = vector.shape_cast %get3A_226 : vector<1x16xf32> to vector<16xf32>
            %mul3A_228 = arith.mulf %get3A_223, %get3A_227 : vector<16xf32>
            %swap3A_229 = arith.index_cast %scan3A_207 : i32 to index
            %swap3A_230 = arith.constant 16 : index
            %swap3A_231 = tpu.vector_load %arg21[%swap3A_229, %swap3A_230] {strides = array<i32>} : memref<80x128xf32, #tpu.memory_space<vmem>>, vector<1x16xf32>,
            %swap3A_232 = vector.shape_cast %swap3A_231 : vector<1x16xf32> to vector<16xf32>
            %swap3A_233 = vector.shape_cast %mul3A_228 : vector<16xf32> to vector<1x16xf32>
            tpu.vector_store %arg21[%swap3A_229, %swap3A_230], %swap3A_233 {strides = array<i32>} : memref<80x128xf32, #tpu.memory_space<vmem>>, vector<1x16xf32>,
            %get3A_234 = arith.index_cast %scan3A_207 : i32 to index
            %get3A_235 = arith.constant 32 : index
            %get3A_236 = tpu.vector_load %arg21[%get3A_234, %get3A_235] {strides = array<i32>} : memref<80x128xf32, #tpu.memory_space<vmem>>, vector<1x16xf32>,
            %get3A_237 = vector.shape_cast %get3A_236 : vector<1x16xf32> to vector<16xf32>
            %get3A_238 = arith.index_cast %scan3A_207 : i32 to index
            %get3A_239 = arith.constant 32 : index
            %get3A_240 = tpu.vector_load %arg19[%get3A_238, %get3A_239] {strides = array<i32>} : memref<80x128xf32, #tpu.memory_space<vmem>>, vector<1x16xf32>,
            %get3A_241 = vector.shape_cast %get3A_240 : vector<1x16xf32> to vector<16xf32>
            %mul3A_242 = arith.mulf %get3A_237, %get3A_241 : vector<16xf32>
            %swap3A_243 = arith.index_cast %scan3A_207 : i32 to index
            %swap3A_244 = arith.constant 32 : index
            %swap3A_245 = tpu.vector_load %arg21[%swap3A_243, %swap3A_244] {strides = array<i32>} : memref<80x128xf32, #tpu.memory_space<vmem>>, vector<1x16xf32>,
            %swap3A_246 = vector.shape_cast %swap3A_245 : vector<1x16xf32> to vector<16xf32>
            %swap3A_247 = vector.shape_cast %mul3A_242 : vector<16xf32> to vector<1x16xf32>
            tpu.vector_store %arg21[%swap3A_243, %swap3A_244], %swap3A_247 {strides = array<i32>} : memref<80x128xf32, #tpu.memory_space<vmem>>, vector<1x16xf32>,
            %get3A_248 = arith.index_cast %scan3A_207 : i32 to index
            %get3A_249 = arith.constant 48 : index
            %get3A_250 = tpu.vector_load %arg21[%get3A_248, %get3A_249] {strides = array<i32>} : memref<80x128xf32, #tpu.memory_space<vmem>>, vector<1x16xf32>,
            %get3A_251 = vector.shape_cast %get3A_250 : vector<1x16xf32> to vector<16xf32>
            %get3A_252 = arith.index_cast %scan3A_207 : i32 to index
            %get3A_253 = arith.constant 48 : index
            %get3A_254 = tpu.vector_load %arg19[%get3A_252, %get3A_253] {strides = array<i32>} : memref<80x128xf32, #tpu.memory_space<vmem>>, vector<1x16xf32>,
            %get3A_255 = vector.shape_cast %get3A_254 : vector<1x16xf32> to vector<16xf32>
            %mul3A_256 = arith.mulf %get3A_251, %get3A_255 : vector<16xf32>
            %swap3A_257 = arith.index_cast %scan3A_207 : i32 to index
            %swap3A_258 = arith.constant 48 : index
            %swap3A_259 = tpu.vector_load %arg21[%swap3A_257, %swap3A_258] {strides = array<i32>} : memref<80x128xf32, #tpu.memory_space<vmem>>, vector<1x16xf32>,
            %swap3A_260 = vector.shape_cast %swap3A_259 : vector<1x16xf32> to vector<16xf32>
            %swap3A_261 = vector.shape_cast %mul3A_256 : vector<16xf32> to vector<1x16xf32>
            tpu.vector_store %arg21[%swap3A_257, %swap3A_258], %swap3A_261 {strides = array<i32>} : memref<80x128xf32, #tpu.memory_space<vmem>>, vector<1x16xf32>,
            %get3A_262 = arith.index_cast %scan3A_207 : i32 to index
            %get3A_263 = arith.constant 64 : index
            %get3A_264 = tpu.vector_load %arg21[%get3A_262, %get3A_263] {strides = array<i32>} : memref<80x128xf32, #tpu.memory_space<vmem>>, vector<1x16xf32>,
            %get3A_265 = vector.shape_cast %get3A_264 : vector<1x16xf32> to vector<16xf32>
            %get3A_266 = arith.index_cast %scan3A_207 : i32 to index
            %get3A_267 = arith.constant 64 : index
            %get3A_268 = tpu.vector_load %arg19[%get3A_266, %get3A_267] {strides = array<i32>} : memref<80x128xf32, #tpu.memory_space<vmem>>, vector<1x16xf32>,
            %get3A_269 = vector.shape_cast %get3A_268 : vector<1x16xf32> to vector<16xf32>
            %mul3A_270 = arith.mulf %get3A_265, %get3A_269 : vector<16xf32>
            %swap3A_271 = arith.index_cast %scan3A_207 : i32 to index
            %swap3A_272 = arith.constant 64 : index
            %swap3A_273 = tpu.vector_load %arg21[%swap3A_271, %swap3A_272] {strides = array<i32>} : memref<80x128xf32, #tpu.memory_space<vmem>>, vector<1x16xf32>,
            %swap3A_274 = vector.shape_cast %swap3A_273 : vector<1x16xf32> to vector<16xf32>
            %swap3A_275 = vector.shape_cast %mul3A_270 : vector<16xf32> to vector<1x16xf32>
            tpu.vector_store %arg21[%swap3A_271, %swap3A_272], %swap3A_275 {strides = array<i32>} : memref<80x128xf32, #tpu.memory_space<vmem>>, vector<1x16xf32>,
            %get3A_276 = arith.index_cast %scan3A_207 : i32 to index
            %get3A_277 = arith.constant 80 : index
            %get3A_278 = tpu.vector_load %arg21[%get3A_276, %get3A_277] {strides = array<i32>} : memref<80x128xf32, #tpu.memory_space<vmem>>, vector<1x16xf32>,
            %get3A_279 = vector.shape_cast %get3A_278 : vector<1x16xf32> to vector<16xf32>
            %get3A_280 = arith.index_cast %scan3A_207 : i32 to index
            %get3A_281 = arith.constant 80 : index
            %get3A_282 = tpu.vector_load %arg19[%get3A_280, %get3A_281] {strides = array<i32>} : memref<80x128xf32, #tpu.memory_space<vmem>>, vector<1x16xf32>,
            %get3A_283 = vector.shape_cast %get3A_282 : vector<1x16xf32> to vector<16xf32>
            %mul3A_284 = arith.mulf %get3A_279, %get3A_283 : vector<16xf32>
            %swap3A_285 = arith.index_cast %scan3A_207 : i32 to index
            %swap3A_286 = arith.constant 80 : index
            %swap3A_287 = tpu.vector_load %arg21[%swap3A_285, %swap3A_286] {strides = array<i32>} : memref<80x128xf32, #tpu.memory_space<vmem>>, vector<1x16xf32>,
            %swap3A_288 = vector.shape_cast %swap3A_287 : vector<1x16xf32> to vector<16xf32>
            %swap3A_289 = vector.shape_cast %mul3A_284 : vector<16xf32> to vector<1x16xf32>
            tpu.vector_store %arg21[%swap3A_285, %swap3A_286], %swap3A_289 {strides = array<i32>} : memref<80x128xf32, #tpu.memory_space<vmem>>, vector<1x16xf32>,
            %get3A_290 = arith.index_cast %scan3A_207 : i32 to index
            %get3A_291 = arith.constant 96 : index
            %get3A_292 = tpu.vector_load %arg21[%get3A_290, %get3A_291] {strides = array<i32>} : memref<80x128xf32, #tpu.memory_space<vmem>>, vector<1x16xf32>,
            %get3A_293 = vector.shape_cast %get3A_292 : vector<1x16xf32> to vector<16xf32>
            %get3A_294 = arith.index_cast %scan3A_207 : i32 to index
            %get3A_295 = arith.constant 96 : index
            %get3A_296 = tpu.vector_load %arg19[%get3A_294, %get3A_295] {strides = array<i32>} : memref<80x128xf32, #tpu.memory_space<vmem>>, vector<1x16xf32>,
            %get3A_297 = vector.shape_cast %get3A_296 : vector<1x16xf32> to vector<16xf32>
            %mul3A_298 = arith.mulf %get3A_293, %get3A_297 : vector<16xf32>
            %swap3A_299 = arith.index_cast %scan3A_207 : i32 to index
            %swap3A_300 = arith.constant 96 : index
            %swap3A_301 = tpu.vector_load %arg21[%swap3A_299, %swap3A_300] {strides = array<i32>} : memref<80x128xf32, #tpu.memory_space<vmem>>, vector<1x16xf32>,
            %swap3A_302 = vector.shape_cast %swap3A_301 : vector<1x16xf32> to vector<16xf32>
            %swap3A_303 = vector.shape_cast %mul3A_298 : vector<16xf32> to vector<1x16xf32>
            tpu.vector_store %arg21[%swap3A_299, %swap3A_300], %swap3A_303 {strides = array<i32>} : memref<80x128xf32, #tpu.memory_space<vmem>>, vector<1x16xf32>,
            %get3A_304 = arith.index_cast %scan3A_207 : i32 to index
            %get3A_305 = arith.constant 112 : index
            %get3A_306 = tpu.vector_load %arg21[%get3A_304, %get3A_305] {strides = array<i32>} : memref<80x128xf32, #tpu.memory_space<vmem>>, vector<1x16xf32>,
            %get3A_307 = vector.shape_cast %get3A_306 : vector<1x16xf32> to vector<16xf32>
            %get3A_308 = arith.index_cast %scan3A_207 : i32 to index
            %get3A_309 = arith.constant 112 : index
            %get3A_310 = tpu.vector_load %arg19[%get3A_308, %get3A_309] {strides = array<i32>} : memref<80x128xf32, #tpu.memory_space<vmem>>, vector<1x16xf32>,
            %get3A_311 = vector.shape_cast %get3A_310 : vector<1x16xf32> to vector<16xf32>
            %mul3A_312 = arith.mulf %get3A_307, %get3A_311 : vector<16xf32>
            %swap3A_313 = arith.index_cast %scan3A_207 : i32 to index
            %swap3A_314 = arith.constant 112 : index
            %swap3A_315 = tpu.vector_load %arg21[%swap3A_313, %swap3A_314] {strides = array<i32>} : memref<80x128xf32, #tpu.memory_space<vmem>>, vector<1x16xf32>,
            %swap3A_316 = vector.shape_cast %swap3A_315 : vector<1x16xf32> to vector<16xf32>
            %swap3A_317 = vector.shape_cast %mul3A_312 : vector<16xf32> to vector<1x16xf32>
            tpu.vector_store %arg21[%swap3A_313, %swap3A_314], %swap3A_317 {strides = array<i32>} : memref<80x128xf32, #tpu.memory_space<vmem>>, vector<1x16xf32>,
          }
          %scan3A_206 = arith.constant 80 : i32
          "tpu.region"() ({
            %run_scoped3A = tpu.sem_alloc : memref<!tpu.dma_semaphore, #tpu.memory_space<semaphore_mem>>
            %dma_start3A_207 = arith.constant 0 : i32
            %dma_start3A_208 = tpu.memref_slice %arg15[%add3A_183, %dma_start3A_207] : memref<16x80xi32, #tpu.memory_space<vmem>> -> memref<1x80xi32, #tpu.memory_space<vmem>>
            %dma_start3A_209 = tpu.memref_squeeze %dma_start3A_208 : memref<1x80xi32, #tpu.memory_space<vmem>> -> memref<80xi32, #tpu.memory_space<vmem>>
            %dma_start3A_210 = arith.constant 0 : i32
            %dma_start3A_211 = arith.constant 0 : i32
            %dma_start3A_212 = tpu.memref_slice %arg13[%dma_start3A_210, %dma_start3A_211] : memref<10112x128xf32, #tpu.memory_space<vmem_shared>> -> memref<10112x128xf32, #tpu.memory_space<vmem_shared>>
            tpu.enqueue_indirect_dma source(%arg21 : memref<80x128xf32, #tpu.memory_space<vmem>>) target(%dma_start3A_212 : memref<10112x128xf32, #tpu.memory_space<vmem_shared>>) offsets(%dma_start3A_209 : memref<80xi32, #tpu.memory_space<vmem>>) semaphore(%run_scoped3A : memref<!tpu.dma_semaphore, #tpu.memory_space<semaphore_mem>>) {add = true}
            %dma_wait3A_213 = arith.constant 0 : i32
            %dma_wait3A_214 = tpu.memref_slice %arg15[%add3A_183, %dma_wait3A_213] : memref<16x80xi32, #tpu.memory_space<vmem>> -> memref<1x80xi32, #tpu.memory_space<vmem>>
            %dma_wait3A_215 = tpu.memref_squeeze %dma_wait3A_214 : memref<1x80xi32, #tpu.memory_space<vmem>> -> memref<80xi32, #tpu.memory_space<vmem>>
            %dma_wait3A_216 = arith.constant 0 : i32
            %dma_wait3A_217 = arith.constant 0 : i32
            %dma_wait3A_218 = tpu.memref_slice %arg13[%dma_wait3A_216, %dma_wait3A_217] : memref<10112x128xf32, #tpu.memory_space<vmem_shared>> -> memref<10112x128xf32, #tpu.memory_space<vmem_shared>>
            tpu.wait_indirect_dma semaphore(%run_scoped3A : memref<!tpu.dma_semaphore, #tpu.memory_space<semaphore_mem>>) src(%arg21 : memref<80x128xf32, #tpu.memory_space<vmem>>) dst(%dma_wait3A_218 : memref<10112x128xf32, #tpu.memory_space<vmem_shared>>)
            tpu.yield
          }) : () -> ()
        }
        %scan3A_74 = arith.constant 8 : i32
        %add3A_75 = arith.constant 1 : i32
        %add3A_76 = arith.addi %mul3A_28, %add3A_75 : i32
        %mul3A_77 = arith.constant 16 : i32
        %mul3A_78 = arith.muli %add3A_76, %mul3A_77 : i32
        %add3A_79 = arith.addi %mul3A_9, %mul3A_78 : i32
        %dma_wait3A_80 = arith.constant 0 : i32
        %dma_wait3A_81 = tpu.memref_slice %arg4[%add3A_79, %dma_wait3A_80] : memref<4096x80xi32, #tpu.memory_space<hbm>> -> memref<16x80xi32, #tpu.memory_space<hbm>>
        %dma_wait3A_82 = arith.constant 0 : i32
        %dma_wait3A_83 = tpu.memref_slice %arg4[%add3A_79, %dma_wait3A_82] : memref<4096x80xi32, #tpu.memory_space<hbm>> -> memref<16x80xi32, #tpu.memory_space<hbm>>
        tpu.wait_dma2 semaphore(%arg23 : memref<!tpu.dma_semaphore, #tpu.memory_space<semaphore_mem>>) src(%dma_wait3A_83 : memref<16x80xi32, #tpu.memory_space<hbm>>) dst(%arg16 : memref<16x80xi32, #tpu.memory_space<vmem>>)
        %dma_wait3A_84 = arith.constant 0 : i32
        %dma_wait3A_85 = tpu.memref_slice %arg5[%add3A_79, %dma_wait3A_84] : memref<4096x80xi32, #tpu.memory_space<hbm>> -> memref<16x80xi32, #tpu.memory_space<hbm>>
        %dma_wait3A_86 = arith.constant 0 : i32
        %dma_wait3A_87 = tpu.memref_slice %arg5[%add3A_79, %dma_wait3A_86] : memref<4096x80xi32, #tpu.memory_space<hbm>> -> memref<16x80xi32, #tpu.memory_space<hbm>>
        tpu.wait_dma2 semaphore(%arg23 : memref<!tpu.dma_semaphore, #tpu.memory_space<semaphore_mem>>) src(%dma_wait3A_87 : memref<16x80xi32, #tpu.memory_space<hbm>>) dst(%arg17 : memref<16x80xi32, #tpu.memory_space<vmem>>)
        %add3A_88 = arith.constant 2 : i32
        %add3A_89 = arith.addi %mul3A_28, %add3A_88 : i32
        %lt3A_90 = arith.constant 16 : i32
        %lt3A_91 = arith.cmpi slt, %add3A_89, %lt3A_90 : i32
        %convert_element_type3A_92 = arith.extui %lt3A_91 : i1 to i32
        %cond3A_93 = arith.constant 0 : i32
        %cond3A_94 = arith.cmpi ne, %convert_element_type3A_92, %cond3A_93 : i32
        scf.if %cond3A_94 {
          %add3A_123 = arith.constant 2 : i32
          %add3A_124 = arith.addi %mul3A_28, %add3A_123 : i32
          %mul3A_125 = arith.constant 16 : i32
          %mul3A_126 = arith.muli %add3A_124, %mul3A_125 : i32
          %add3A_127 = arith.addi %mul3A_9, %mul3A_126 : i32
          %dma_start3A_128 = arith.constant 0 : i32
          %dma_start3A_129 = tpu.memref_slice %arg4[%add3A_127, %dma_start3A_128] : memref<4096x80xi32, #tpu.memory_space<hbm>> -> memref<16x80xi32, #tpu.memory_space<hbm>>
          %dma_start3A_130 = arith.constant 0 : i32
          %dma_start3A_131 = tpu.memref_slice %arg4[%add3A_127, %dma_start3A_130] : memref<4096x80xi32, #tpu.memory_space<hbm>> -> memref<16x80xi32, #tpu.memory_space<hbm>>
          tpu.enqueue_dma source(%dma_start3A_131 : memref<16x80xi32, #tpu.memory_space<hbm>>) target(%arg14 : memref<16x80xi32, #tpu.memory_space<vmem>>) target_semaphore(%arg22 : memref<!tpu.dma_semaphore, #tpu.memory_space<semaphore_mem>>)
          %dma_start3A_132 = arith.constant 0 : i32
          %dma_start3A_133 = tpu.memref_slice %arg5[%add3A_127, %dma_start3A_132] : memref<4096x80xi32, #tpu.memory_space<hbm>> -> memref<16x80xi32, #tpu.memory_space<hbm>>
          %dma_start3A_134 = arith.constant 0 : i32
          %dma_start3A_135 = tpu.memref_slice %arg5[%add3A_127, %dma_start3A_134] : memref<4096x80xi32, #tpu.memory_space<hbm>> -> memref<16x80xi32, #tpu.memory_space<hbm>>
          tpu.enqueue_dma source(%dma_start3A_135 : memref<16x80xi32, #tpu.memory_space<hbm>>) target(%arg15 : memref<16x80xi32, #tpu.memory_space<vmem>>) target_semaphore(%arg22 : memref<!tpu.dma_semaphore, #tpu.memory_space<semaphore_mem>>)
        } else {
        }
        %add3A_95 = arith.constant 1 : i32
        %add3A_96 = arith.addi %mul3A_28, %add3A_95 : i32
        %mul3A_97 = arith.constant 16 : i32
        %mul3A_98 = arith.muli %add3A_96, %mul3A_97 : i32
        %dma_start3A_99 = arith.constant 0 : i32
        %dma_start3A_100 = arith.constant 0 : i32
        %dma_start3A_101 = tpu.memref_slice %arg16[%dma_start3A_99, %dma_start3A_100] : memref<16x80xi32, #tpu.memory_space<vmem>> -> memref<1x80xi32, #tpu.memory_space<vmem>>
        %dma_start3A_102 = tpu.memref_squeeze %dma_start3A_101 : memref<1x80xi32, #tpu.memory_space<vmem>> -> memref<80xi32, #tpu.memory_space<vmem>>
        %dma_start3A_103 = arith.constant 0 : i32
        %dma_start3A_104 = arith.constant 0 : i32
        %dma_start3A_105 = tpu.memref_slice %arg2[%dma_start3A_103, %dma_start3A_104] : memref<10000x128xf32, #tpu.memory_space<hbm>> -> memref<10000x128xf32, #tpu.memory_space<hbm>>
        tpu.enqueue_indirect_dma source(%dma_start3A_105 : memref<10000x128xf32, #tpu.memory_space<hbm>>) target(%arg18 : memref<80x128xf32, #tpu.memory_space<vmem>>) offsets(%dma_start3A_102 : memref<80xi32, #tpu.memory_space<vmem>>) semaphore(%arg24 : memref<!tpu.dma_semaphore, #tpu.memory_space<semaphore_mem>>)
        %lt3A_106 = arith.constant 250 : i32
        %lt3A_107 = arith.cmpi slt, %mul3A_98, %lt3A_106 : i32
        %mul3A_108 = arith.constant 80 : i32
        %mul3A_109 = arith.muli %mul3A_98, %mul3A_108 : i32
        %jit3A_110 = arith.constant 0 : i32
        %select_n3A_111 = arith.select %lt3A_107, %mul3A_109, %jit3A_110 : i32
        %add3A_112 = arith.addi %mul3A_11, %select_n3A_111 : i32
        %dma_start3A_113 = arith.constant 0 : i32
        %dma_start3A_114 = tpu.memref_slice %arg6[%add3A_112, %dma_start3A_113] : memref<320000x128xf32, #tpu.memory_space<hbm>> -> memref<80x128xf32, #tpu.memory_space<hbm>>
        %dma_start3A_115 = arith.constant 0 : i32
        %dma_start3A_116 = tpu.memref_slice %arg6[%add3A_112, %dma_start3A_115] : memref<320000x128xf32, #tpu.memory_space<hbm>> -> memref<80x128xf32, #tpu.memory_space<hbm>>
        tpu.enqueue_dma source(%dma_start3A_116 : memref<80x128xf32, #tpu.memory_space<hbm>>) target(%arg20 : memref<80x128xf32, #tpu.memory_space<vmem>>) target_semaphore(%arg24 : memref<!tpu.dma_semaphore, #tpu.memory_space<semaphore_mem>>)
        %scan3A_117 = arith.constant 0 : i32
        %scan3A_118 = arith.constant 0 : i32
        %scan3A_119 = arith.constant 8 : i32
        %scan3A_120 = arith.addi %scan3A_118, %scan3A_119 : i32
        %scan3A_121 = arith.constant 1 : i32
        scf.for %scan3A_123 = %scan3A_118 to %scan3A_120 step %scan3A_121  : i32 {
          %mul3A_124 = arith.constant 2 : i32
          %mul3A_125 = arith.muli %mul3A_124, %scan3A_123 : i32
          %add3A_126 = arith.addi %mul3A_98, %mul3A_125 : i32
          %add3A_127 = arith.constant 1 : i32
          %add3A_128 = arith.addi %add3A_126, %add3A_127 : i32
          %add3A_129 = arith.constant 1 : i32
          %add3A_130 = arith.addi %mul3A_125, %add3A_129 : i32
          %dma_start3A_131 = arith.constant 0 : i32
          %dma_start3A_132 = tpu.memref_slice %arg16[%add3A_130, %dma_start3A_131] : memref<16x80xi32, #tpu.memory_space<vmem>> -> memref<1x80xi32, #tpu.memory_space<vmem>>
          %dma_start3A_133 = tpu.memref_squeeze %dma_start3A_132 : memref<1x80xi32, #tpu.memory_space<vmem>> -> memref<80xi32, #tpu.memory_space<vmem>>
          %dma_start3A_134 = arith.constant 0 : i32
          %dma_start3A_135 = arith.constant 0 : i32
          %dma_start3A_136 = tpu.memref_slice %arg3[%dma_start3A_134, %dma_start3A_135] : memref<10000x128xf32, #tpu.memory_space<hbm>> -> memref<10000x128xf32, #tpu.memory_space<hbm>>
          tpu.enqueue_indirect_dma source(%dma_start3A_136 : memref<10000x128xf32, #tpu.memory_space<hbm>>) target(%arg19 : memref<80x128xf32, #tpu.memory_space<vmem>>) offsets(%dma_start3A_133 : memref<80xi32, #tpu.memory_space<vmem>>) semaphore(%arg25 : memref<!tpu.dma_semaphore, #tpu.memory_space<semaphore_mem>>)
          %lt3A_137 = arith.constant 250 : i32
          %lt3A_138 = arith.cmpi slt, %add3A_128, %lt3A_137 : i32
          %mul3A_139 = arith.constant 80 : i32
          %mul3A_140 = arith.muli %add3A_128, %mul3A_139 : i32
          %jit3A_141 = arith.constant 0 : i32
          %select_n3A_142 = arith.select %lt3A_138, %mul3A_140, %jit3A_141 : i32
          %add3A_143 = arith.addi %mul3A_11, %select_n3A_142 : i32
          %dma_start3A_144 = arith.constant 0 : i32
          %dma_start3A_145 = tpu.memref_slice %arg6[%add3A_143, %dma_start3A_144] : memref<320000x128xf32, #tpu.memory_space<hbm>> -> memref<80x128xf32, #tpu.memory_space<hbm>>
          %dma_start3A_146 = arith.constant 0 : i32
          %dma_start3A_147 = tpu.memref_slice %arg6[%add3A_143, %dma_start3A_146] : memref<320000x128xf32, #tpu.memory_space<hbm>> -> memref<80x128xf32, #tpu.memory_space<hbm>>
          tpu.enqueue_dma source(%dma_start3A_147 : memref<80x128xf32, #tpu.memory_space<hbm>>) target(%arg21 : memref<80x128xf32, #tpu.memory_space<vmem>>) target_semaphore(%arg25 : memref<!tpu.dma_semaphore, #tpu.memory_space<semaphore_mem>>)
          %add3A_148 = arith.addi %mul3A_98, %mul3A_125 : i32
          %dma_wait3A_149 = arith.constant 0 : i32
          %dma_wait3A_150 = tpu.memref_slice %arg16[%mul3A_125, %dma_wait3A_149] : memref<16x80xi32, #tpu.memory_space<vmem>> -> memref<1x80xi32, #tpu.memory_space<vmem>>
          %dma_wait3A_151 = tpu.memref_squeeze %dma_wait3A_150 : memref<1x80xi32, #tpu.memory_space<vmem>> -> memref<80xi32, #tpu.memory_space<vmem>>
          %dma_wait3A_152 = arith.constant 0 : i32
          %dma_wait3A_153 = arith.constant 0 : i32
          %dma_wait3A_154 = tpu.memref_slice %arg2[%dma_wait3A_152, %dma_wait3A_153] : memref<10000x128xf32, #tpu.memory_space<hbm>> -> memref<10000x128xf32, #tpu.memory_space<hbm>>
          tpu.wait_indirect_dma semaphore(%arg24 : memref<!tpu.dma_semaphore, #tpu.memory_space<semaphore_mem>>) src(%dma_wait3A_154 : memref<10000x128xf32, #tpu.memory_space<hbm>>) dst(%arg18 : memref<80x128xf32, #tpu.memory_space<vmem>>)
          %lt3A_155 = arith.constant 250 : i32
          %lt3A_156 = arith.cmpi slt, %add3A_148, %lt3A_155 : i32
          %mul3A_157 = arith.constant 80 : i32
          %mul3A_158 = arith.muli %add3A_148, %mul3A_157 : i32
          %jit3A_159 = arith.constant 0 : i32
          %select_n3A_160 = arith.select %lt3A_156, %mul3A_158, %jit3A_159 : i32
          %add3A_161 = arith.addi %mul3A_11, %select_n3A_160 : i32
          %dma_wait3A_162 = arith.constant 0 : i32
          %dma_wait3A_163 = tpu.memref_slice %arg6[%add3A_161, %dma_wait3A_162] : memref<320000x128xf32, #tpu.memory_space<hbm>> -> memref<80x128xf32, #tpu.memory_space<hbm>>
          %dma_wait3A_164 = arith.constant 0 : i32
          %dma_wait3A_165 = tpu.memref_slice %arg6[%add3A_161, %dma_wait3A_164] : memref<320000x128xf32, #tpu.memory_space<hbm>> -> memref<80x128xf32, #tpu.memory_space<hbm>>
          tpu.wait_dma2 semaphore(%arg24 : memref<!tpu.dma_semaphore, #tpu.memory_space<semaphore_mem>>) src(%dma_wait3A_165 : memref<80x128xf32, #tpu.memory_space<hbm>>) dst(%arg20 : memref<80x128xf32, #tpu.memory_space<vmem>>)
          %scan3A_166 = arith.constant 0 : i32
          %scan3A_167 = arith.constant 0 : i32
          %scan3A_168 = arith.constant 80 : i32
          %scan3A_169 = arith.addi %scan3A_167, %scan3A_168 : i32
          %scan3A_170 = arith.constant 1 : i32
          scf.for %scan3A_207 = %scan3A_167 to %scan3A_169 step %scan3A_170  : i32 {
            %get3A = arith.index_cast %scan3A_207 : i32 to index
            %get3A_208 = arith.constant 0 : index
            %get3A_209 = tpu.vector_load %arg20[%get3A, %get3A_208] {strides = array<i32>} : memref<80x128xf32, #tpu.memory_space<vmem>>, vector<1x16xf32>,
            %get3A_210 = vector.shape_cast %get3A_209 : vector<1x16xf32> to vector<16xf32>
            %get3A_211 = arith.index_cast %scan3A_207 : i32 to index
            %get3A_212 = arith.constant 0 : index
            %get3A_213 = tpu.vector_load %arg18[%get3A_211, %get3A_212] {strides = array<i32>} : memref<80x128xf32, #tpu.memory_space<vmem>>, vector<1x16xf32>,
            %get3A_214 = vector.shape_cast %get3A_213 : vector<1x16xf32> to vector<16xf32>
            %mul3A_215 = arith.mulf %get3A_210, %get3A_214 : vector<16xf32>
            %swap3A = arith.index_cast %scan3A_207 : i32 to index
            %swap3A_216 = arith.constant 0 : index
            %swap3A_217 = tpu.vector_load %arg20[%swap3A, %swap3A_216] {strides = array<i32>} : memref<80x128xf32, #tpu.memory_space<vmem>>, vector<1x16xf32>,
            %swap3A_218 = vector.shape_cast %swap3A_217 : vector<1x16xf32> to vector<16xf32>
            %swap3A_219 = vector.shape_cast %mul3A_215 : vector<16xf32> to vector<1x16xf32>
            tpu.vector_store %arg20[%swap3A, %swap3A_216], %swap3A_219 {strides = array<i32>} : memref<80x128xf32, #tpu.memory_space<vmem>>, vector<1x16xf32>,
            %get3A_220 = arith.index_cast %scan3A_207 : i32 to index
            %get3A_221 = arith.constant 16 : index
            %get3A_222 = tpu.vector_load %arg20[%get3A_220, %get3A_221] {strides = array<i32>} : memref<80x128xf32, #tpu.memory_space<vmem>>, vector<1x16xf32>,
            %get3A_223 = vector.shape_cast %get3A_222 : vector<1x16xf32> to vector<16xf32>
            %get3A_224 = arith.index_cast %scan3A_207 : i32 to index
            %get3A_225 = arith.constant 16 : index
            %get3A_226 = tpu.vector_load %arg18[%get3A_224, %get3A_225] {strides = array<i32>} : memref<80x128xf32, #tpu.memory_space<vmem>>, vector<1x16xf32>,
            %get3A_227 = vector.shape_cast %get3A_226 : vector<1x16xf32> to vector<16xf32>
            %mul3A_228 = arith.mulf %get3A_223, %get3A_227 : vector<16xf32>
            %swap3A_229 = arith.index_cast %scan3A_207 : i32 to index
            %swap3A_230 = arith.constant 16 : index
            %swap3A_231 = tpu.vector_load %arg20[%swap3A_229, %swap3A_230] {strides = array<i32>} : memref<80x128xf32, #tpu.memory_space<vmem>>, vector<1x16xf32>,
            %swap3A_232 = vector.shape_cast %swap3A_231 : vector<1x16xf32> to vector<16xf32>
            %swap3A_233 = vector.shape_cast %mul3A_228 : vector<16xf32> to vector<1x16xf32>
            tpu.vector_store %arg20[%swap3A_229, %swap3A_230], %swap3A_233 {strides = array<i32>} : memref<80x128xf32, #tpu.memory_space<vmem>>, vector<1x16xf32>,
            %get3A_234 = arith.index_cast %scan3A_207 : i32 to index
            %get3A_235 = arith.constant 32 : index
            %get3A_236 = tpu.vector_load %arg20[%get3A_234, %get3A_235] {strides = array<i32>} : memref<80x128xf32, #tpu.memory_space<vmem>>, vector<1x16xf32>,
            %get3A_237 = vector.shape_cast %get3A_236 : vector<1x16xf32> to vector<16xf32>
            %get3A_238 = arith.index_cast %scan3A_207 : i32 to index
            %get3A_239 = arith.constant 32 : index
            %get3A_240 = tpu.vector_load %arg18[%get3A_238, %get3A_239] {strides = array<i32>} : memref<80x128xf32, #tpu.memory_space<vmem>>, vector<1x16xf32>,
            %get3A_241 = vector.shape_cast %get3A_240 : vector<1x16xf32> to vector<16xf32>
            %mul3A_242 = arith.mulf %get3A_237, %get3A_241 : vector<16xf32>
            %swap3A_243 = arith.index_cast %scan3A_207 : i32 to index
            %swap3A_244 = arith.constant 32 : index
            %swap3A_245 = tpu.vector_load %arg20[%swap3A_243, %swap3A_244] {strides = array<i32>} : memref<80x128xf32, #tpu.memory_space<vmem>>, vector<1x16xf32>,
            %swap3A_246 = vector.shape_cast %swap3A_245 : vector<1x16xf32> to vector<16xf32>
            %swap3A_247 = vector.shape_cast %mul3A_242 : vector<16xf32> to vector<1x16xf32>
            tpu.vector_store %arg20[%swap3A_243, %swap3A_244], %swap3A_247 {strides = array<i32>} : memref<80x128xf32, #tpu.memory_space<vmem>>, vector<1x16xf32>,
            %get3A_248 = arith.index_cast %scan3A_207 : i32 to index
            %get3A_249 = arith.constant 48 : index
            %get3A_250 = tpu.vector_load %arg20[%get3A_248, %get3A_249] {strides = array<i32>} : memref<80x128xf32, #tpu.memory_space<vmem>>, vector<1x16xf32>,
            %get3A_251 = vector.shape_cast %get3A_250 : vector<1x16xf32> to vector<16xf32>
            %get3A_252 = arith.index_cast %scan3A_207 : i32 to index
            %get3A_253 = arith.constant 48 : index
            %get3A_254 = tpu.vector_load %arg18[%get3A_252, %get3A_253] {strides = array<i32>} : memref<80x128xf32, #tpu.memory_space<vmem>>, vector<1x16xf32>,
            %get3A_255 = vector.shape_cast %get3A_254 : vector<1x16xf32> to vector<16xf32>
            %mul3A_256 = arith.mulf %get3A_251, %get3A_255 : vector<16xf32>
            %swap3A_257 = arith.index_cast %scan3A_207 : i32 to index
            %swap3A_258 = arith.constant 48 : index
            %swap3A_259 = tpu.vector_load %arg20[%swap3A_257, %swap3A_258] {strides = array<i32>} : memref<80x128xf32, #tpu.memory_space<vmem>>, vector<1x16xf32>,
            %swap3A_260 = vector.shape_cast %swap3A_259 : vector<1x16xf32> to vector<16xf32>
            %swap3A_261 = vector.shape_cast %mul3A_256 : vector<16xf32> to vector<1x16xf32>
            tpu.vector_store %arg20[%swap3A_257, %swap3A_258], %swap3A_261 {strides = array<i32>} : memref<80x128xf32, #tpu.memory_space<vmem>>, vector<1x16xf32>,
            %get3A_262 = arith.index_cast %scan3A_207 : i32 to index
            %get3A_263 = arith.constant 64 : index
            %get3A_264 = tpu.vector_load %arg20[%get3A_262, %get3A_263] {strides = array<i32>} : memref<80x128xf32, #tpu.memory_space<vmem>>, vector<1x16xf32>,
            %get3A_265 = vector.shape_cast %get3A_264 : vector<1x16xf32> to vector<16xf32>
            %get3A_266 = arith.index_cast %scan3A_207 : i32 to index
            %get3A_267 = arith.constant 64 : index
            %get3A_268 = tpu.vector_load %arg18[%get3A_266, %get3A_267] {strides = array<i32>} : memref<80x128xf32, #tpu.memory_space<vmem>>, vector<1x16xf32>,
            %get3A_269 = vector.shape_cast %get3A_268 : vector<1x16xf32> to vector<16xf32>
            %mul3A_270 = arith.mulf %get3A_265, %get3A_269 : vector<16xf32>
            %swap3A_271 = arith.index_cast %scan3A_207 : i32 to index
            %swap3A_272 = arith.constant 64 : index
            %swap3A_273 = tpu.vector_load %arg20[%swap3A_271, %swap3A_272] {strides = array<i32>} : memref<80x128xf32, #tpu.memory_space<vmem>>, vector<1x16xf32>,
            %swap3A_274 = vector.shape_cast %swap3A_273 : vector<1x16xf32> to vector<16xf32>
            %swap3A_275 = vector.shape_cast %mul3A_270 : vector<16xf32> to vector<1x16xf32>
            tpu.vector_store %arg20[%swap3A_271, %swap3A_272], %swap3A_275 {strides = array<i32>} : memref<80x128xf32, #tpu.memory_space<vmem>>, vector<1x16xf32>,
            %get3A_276 = arith.index_cast %scan3A_207 : i32 to index
            %get3A_277 = arith.constant 80 : index
            %get3A_278 = tpu.vector_load %arg20[%get3A_276, %get3A_277] {strides = array<i32>} : memref<80x128xf32, #tpu.memory_space<vmem>>, vector<1x16xf32>,
            %get3A_279 = vector.shape_cast %get3A_278 : vector<1x16xf32> to vector<16xf32>
            %get3A_280 = arith.index_cast %scan3A_207 : i32 to index
            %get3A_281 = arith.constant 80 : index
            %get3A_282 = tpu.vector_load %arg18[%get3A_280, %get3A_281] {strides = array<i32>} : memref<80x128xf32, #tpu.memory_space<vmem>>, vector<1x16xf32>,
            %get3A_283 = vector.shape_cast %get3A_282 : vector<1x16xf32> to vector<16xf32>
            %mul3A_284 = arith.mulf %get3A_279, %get3A_283 : vector<16xf32>
            %swap3A_285 = arith.index_cast %scan3A_207 : i32 to index
            %swap3A_286 = arith.constant 80 : index
            %swap3A_287 = tpu.vector_load %arg20[%swap3A_285, %swap3A_286] {strides = array<i32>} : memref<80x128xf32, #tpu.memory_space<vmem>>, vector<1x16xf32>,
            %swap3A_288 = vector.shape_cast %swap3A_287 : vector<1x16xf32> to vector<16xf32>
            %swap3A_289 = vector.shape_cast %mul3A_284 : vector<16xf32> to vector<1x16xf32>
            tpu.vector_store %arg20[%swap3A_285, %swap3A_286], %swap3A_289 {strides = array<i32>} : memref<80x128xf32, #tpu.memory_space<vmem>>, vector<1x16xf32>,
            %get3A_290 = arith.index_cast %scan3A_207 : i32 to index
            %get3A_291 = arith.constant 96 : index
            %get3A_292 = tpu.vector_load %arg20[%get3A_290, %get3A_291] {strides = array<i32>} : memref<80x128xf32, #tpu.memory_space<vmem>>, vector<1x16xf32>,
            %get3A_293 = vector.shape_cast %get3A_292 : vector<1x16xf32> to vector<16xf32>
            %get3A_294 = arith.index_cast %scan3A_207 : i32 to index
            %get3A_295 = arith.constant 96 : index
            %get3A_296 = tpu.vector_load %arg18[%get3A_294, %get3A_295] {strides = array<i32>} : memref<80x128xf32, #tpu.memory_space<vmem>>, vector<1x16xf32>,
            %get3A_297 = vector.shape_cast %get3A_296 : vector<1x16xf32> to vector<16xf32>
            %mul3A_298 = arith.mulf %get3A_293, %get3A_297 : vector<16xf32>
            %swap3A_299 = arith.index_cast %scan3A_207 : i32 to index
            %swap3A_300 = arith.constant 96 : index
            %swap3A_301 = tpu.vector_load %arg20[%swap3A_299, %swap3A_300] {strides = array<i32>} : memref<80x128xf32, #tpu.memory_space<vmem>>, vector<1x16xf32>,
            %swap3A_302 = vector.shape_cast %swap3A_301 : vector<1x16xf32> to vector<16xf32>
            %swap3A_303 = vector.shape_cast %mul3A_298 : vector<16xf32> to vector<1x16xf32>
            tpu.vector_store %arg20[%swap3A_299, %swap3A_300], %swap3A_303 {strides = array<i32>} : memref<80x128xf32, #tpu.memory_space<vmem>>, vector<1x16xf32>,
            %get3A_304 = arith.index_cast %scan3A_207 : i32 to index
            %get3A_305 = arith.constant 112 : index
            %get3A_306 = tpu.vector_load %arg20[%get3A_304, %get3A_305] {strides = array<i32>} : memref<80x128xf32, #tpu.memory_space<vmem>>, vector<1x16xf32>,
            %get3A_307 = vector.shape_cast %get3A_306 : vector<1x16xf32> to vector<16xf32>
            %get3A_308 = arith.index_cast %scan3A_207 : i32 to index
            %get3A_309 = arith.constant 112 : index
            %get3A_310 = tpu.vector_load %arg18[%get3A_308, %get3A_309] {strides = array<i32>} : memref<80x128xf32, #tpu.memory_space<vmem>>, vector<1x16xf32>,
            %get3A_311 = vector.shape_cast %get3A_310 : vector<1x16xf32> to vector<16xf32>
            %mul3A_312 = arith.mulf %get3A_307, %get3A_311 : vector<16xf32>
            %swap3A_313 = arith.index_cast %scan3A_207 : i32 to index
            %swap3A_314 = arith.constant 112 : index
            %swap3A_315 = tpu.vector_load %arg20[%swap3A_313, %swap3A_314] {strides = array<i32>} : memref<80x128xf32, #tpu.memory_space<vmem>>, vector<1x16xf32>,
            %swap3A_316 = vector.shape_cast %swap3A_315 : vector<1x16xf32> to vector<16xf32>
            %swap3A_317 = vector.shape_cast %mul3A_312 : vector<16xf32> to vector<1x16xf32>
            tpu.vector_store %arg20[%swap3A_313, %swap3A_314], %swap3A_317 {strides = array<i32>} : memref<80x128xf32, #tpu.memory_space<vmem>>, vector<1x16xf32>,
          }
          %scan3A_171 = arith.constant 80 : i32
          "tpu.region"() ({
            %run_scoped3A = tpu.sem_alloc : memref<!tpu.dma_semaphore, #tpu.memory_space<semaphore_mem>>
            %dma_start3A_207 = arith.constant 0 : i32
            %dma_start3A_208 = tpu.memref_slice %arg17[%mul3A_125, %dma_start3A_207] : memref<16x80xi32, #tpu.memory_space<vmem>> -> memref<1x80xi32, #tpu.memory_space<vmem>>
            %dma_start3A_209 = tpu.memref_squeeze %dma_start3A_208 : memref<1x80xi32, #tpu.memory_space<vmem>> -> memref<80xi32, #tpu.memory_space<vmem>>
            %dma_start3A_210 = arith.constant 0 : i32
            %dma_start3A_211 = arith.constant 0 : i32
            %dma_start3A_212 = tpu.memref_slice %arg13[%dma_start3A_210, %dma_start3A_211] : memref<10112x128xf32, #tpu.memory_space<vmem_shared>> -> memref<10112x128xf32, #tpu.memory_space<vmem_shared>>
            tpu.enqueue_indirect_dma source(%arg20 : memref<80x128xf32, #tpu.memory_space<vmem>>) target(%dma_start3A_212 : memref<10112x128xf32, #tpu.memory_space<vmem_shared>>) offsets(%dma_start3A_209 : memref<80xi32, #tpu.memory_space<vmem>>) semaphore(%run_scoped3A : memref<!tpu.dma_semaphore, #tpu.memory_space<semaphore_mem>>) {add = true}
            %dma_wait3A_213 = arith.constant 0 : i32
            %dma_wait3A_214 = tpu.memref_slice %arg17[%mul3A_125, %dma_wait3A_213] : memref<16x80xi32, #tpu.memory_space<vmem>> -> memref<1x80xi32, #tpu.memory_space<vmem>>
            %dma_wait3A_215 = tpu.memref_squeeze %dma_wait3A_214 : memref<1x80xi32, #tpu.memory_space<vmem>> -> memref<80xi32, #tpu.memory_space<vmem>>
            %dma_wait3A_216 = arith.constant 0 : i32
            %dma_wait3A_217 = arith.constant 0 : i32
            %dma_wait3A_218 = tpu.memref_slice %arg13[%dma_wait3A_216, %dma_wait3A_217] : memref<10112x128xf32, #tpu.memory_space<vmem_shared>> -> memref<10112x128xf32, #tpu.memory_space<vmem_shared>>
            tpu.wait_indirect_dma semaphore(%run_scoped3A : memref<!tpu.dma_semaphore, #tpu.memory_space<semaphore_mem>>) src(%arg20 : memref<80x128xf32, #tpu.memory_space<vmem>>) dst(%dma_wait3A_218 : memref<10112x128xf32, #tpu.memory_space<vmem_shared>>)
            tpu.yield
          }) : () -> ()
          %add3A_172 = arith.constant 2 : i32
          %add3A_173 = arith.addi %mul3A_125, %add3A_172 : i32
          %lt3A_174 = arith.constant 16 : i32
          %lt3A_175 = arith.cmpi slt, %add3A_173, %lt3A_174 : i32
          %convert_element_type3A_176 = arith.extui %lt3A_175 : i1 to i32
          %cond3A_177 = arith.constant 0 : i32
          %cond3A_178 = arith.cmpi ne, %convert_element_type3A_176, %cond3A_177 : i32
          scf.if %cond3A_178 {
            %add3A_207 = arith.addi %mul3A_98, %mul3A_125 : i32
            %add3A_208 = arith.constant 2 : i32
            %add3A_209 = arith.addi %add3A_207, %add3A_208 : i32
            %add3A_210 = arith.constant 2 : i32
            %add3A_211 = arith.addi %mul3A_125, %add3A_210 : i32
            %dma_start3A_212 = arith.constant 0 : i32
            %dma_start3A_213 = tpu.memref_slice %arg16[%add3A_211, %dma_start3A_212] : memref<16x80xi32, #tpu.memory_space<vmem>> -> memref<1x80xi32, #tpu.memory_space<vmem>>
            %dma_start3A_214 = tpu.memref_squeeze %dma_start3A_213 : memref<1x80xi32, #tpu.memory_space<vmem>> -> memref<80xi32, #tpu.memory_space<vmem>>
            %dma_start3A_215 = arith.constant 0 : i32
            %dma_start3A_216 = arith.constant 0 : i32
            %dma_start3A_217 = tpu.memref_slice %arg2[%dma_start3A_215, %dma_start3A_216] : memref<10000x128xf32, #tpu.memory_space<hbm>> -> memref<10000x128xf32, #tpu.memory_space<hbm>>
            tpu.enqueue_indirect_dma source(%dma_start3A_217 : memref<10000x128xf32, #tpu.memory_space<hbm>>) target(%arg18 : memref<80x128xf32, #tpu.memory_space<vmem>>) offsets(%dma_start3A_214 : memref<80xi32, #tpu.memory_space<vmem>>) semaphore(%arg24 : memref<!tpu.dma_semaphore, #tpu.memory_space<semaphore_mem>>)
            %lt3A_218 = arith.constant 250 : i32
            %lt3A_219 = arith.cmpi slt, %add3A_209, %lt3A_218 : i32
            %mul3A_220 = arith.constant 80 : i32
            %mul3A_221 = arith.muli %add3A_209, %mul3A_220 : i32
            %jit3A_222 = arith.constant 0 : i32
            %select_n3A_223 = arith.select %lt3A_219, %mul3A_221, %jit3A_222 : i32
            %add3A_224 = arith.addi %mul3A_11, %select_n3A_223 : i32
            %dma_start3A_225 = arith.constant 0 : i32
            %dma_start3A_226 = tpu.memref_slice %arg6[%add3A_224, %dma_start3A_225] : memref<320000x128xf32, #tpu.memory_space<hbm>> -> memref<80x128xf32, #tpu.memory_space<hbm>>
            %dma_start3A_227 = arith.constant 0 : i32
            %dma_start3A_228 = tpu.memref_slice %arg6[%add3A_224, %dma_start3A_227] : memref<320000x128xf32, #tpu.memory_space<hbm>> -> memref<80x128xf32, #tpu.memory_space<hbm>>
            tpu.enqueue_dma source(%dma_start3A_228 : memref<80x128xf32, #tpu.memory_space<hbm>>) target(%arg20 : memref<80x128xf32, #tpu.memory_space<vmem>>) target_semaphore(%arg24 : memref<!tpu.dma_semaphore, #tpu.memory_space<semaphore_mem>>)
          } else {
          }
          %add3A_179 = arith.addi %mul3A_98, %mul3A_125 : i32
          %add3A_180 = arith.constant 1 : i32
          %add3A_181 = arith.addi %add3A_179, %add3A_180 : i32
          %add3A_182 = arith.constant 1 : i32
          %add3A_183 = arith.addi %mul3A_125, %add3A_182 : i32
          %dma_wait3A_184 = arith.constant 0 : i32
          %dma_wait3A_185 = tpu.memref_slice %arg16[%add3A_183, %dma_wait3A_184] : memref<16x80xi32, #tpu.memory_space<vmem>> -> memref<1x80xi32, #tpu.memory_space<vmem>>
          %dma_wait3A_186 = tpu.memref_squeeze %dma_wait3A_185 : memref<1x80xi32, #tpu.memory_space<vmem>> -> memref<80xi32, #tpu.memory_space<vmem>>
          %dma_wait3A_187 = arith.constant 0 : i32
          %dma_wait3A_188 = arith.constant 0 : i32
          %dma_wait3A_189 = tpu.memref_slice %arg3[%dma_wait3A_187, %dma_wait3A_188] : memref<10000x128xf32, #tpu.memory_space<hbm>> -> memref<10000x128xf32, #tpu.memory_space<hbm>>
          tpu.wait_indirect_dma semaphore(%arg25 : memref<!tpu.dma_semaphore, #tpu.memory_space<semaphore_mem>>) src(%dma_wait3A_189 : memref<10000x128xf32, #tpu.memory_space<hbm>>) dst(%arg19 : memref<80x128xf32, #tpu.memory_space<vmem>>)
          %lt3A_190 = arith.constant 250 : i32
          %lt3A_191 = arith.cmpi slt, %add3A_181, %lt3A_190 : i32
          %mul3A_192 = arith.constant 80 : i32
          %mul3A_193 = arith.muli %add3A_181, %mul3A_192 : i32
          %jit3A_194 = arith.constant 0 : i32
          %select_n3A_195 = arith.select %lt3A_191, %mul3A_193, %jit3A_194 : i32
          %add3A_196 = arith.addi %mul3A_11, %select_n3A_195 : i32
          %dma_wait3A_197 = arith.constant 0 : i32
          %dma_wait3A_198 = tpu.memref_slice %arg6[%add3A_196, %dma_wait3A_197] : memref<320000x128xf32, #tpu.memory_space<hbm>> -> memref<80x128xf32, #tpu.memory_space<hbm>>
          %dma_wait3A_199 = arith.constant 0 : i32
          %dma_wait3A_200 = tpu.memref_slice %arg6[%add3A_196, %dma_wait3A_199] : memref<320000x128xf32, #tpu.memory_space<hbm>> -> memref<80x128xf32, #tpu.memory_space<hbm>>
          tpu.wait_dma2 semaphore(%arg25 : memref<!tpu.dma_semaphore, #tpu.memory_space<semaphore_mem>>) src(%dma_wait3A_200 : memref<80x128xf32, #tpu.memory_space<hbm>>) dst(%arg21 : memref<80x128xf32, #tpu.memory_space<vmem>>)
          %scan3A_201 = arith.constant 0 : i32
          %scan3A_202 = arith.constant 0 : i32
          %scan3A_203 = arith.constant 80 : i32
          %scan3A_204 = arith.addi %scan3A_202, %scan3A_203 : i32
          %scan3A_205 = arith.constant 1 : i32
          scf.for %scan3A_207 = %scan3A_202 to %scan3A_204 step %scan3A_205  : i32 {
            %get3A = arith.index_cast %scan3A_207 : i32 to index
            %get3A_208 = arith.constant 0 : index
            %get3A_209 = tpu.vector_load %arg21[%get3A, %get3A_208] {strides = array<i32>} : memref<80x128xf32, #tpu.memory_space<vmem>>, vector<1x16xf32>,
            %get3A_210 = vector.shape_cast %get3A_209 : vector<1x16xf32> to vector<16xf32>
            %get3A_211 = arith.index_cast %scan3A_207 : i32 to index
            %get3A_212 = arith.constant 0 : index
            %get3A_213 = tpu.vector_load %arg19[%get3A_211, %get3A_212] {strides = array<i32>} : memref<80x128xf32, #tpu.memory_space<vmem>>, vector<1x16xf32>,
            %get3A_214 = vector.shape_cast %get3A_213 : vector<1x16xf32> to vector<16xf32>
            %mul3A_215 = arith.mulf %get3A_210, %get3A_214 : vector<16xf32>
            %swap3A = arith.index_cast %scan3A_207 : i32 to index
            %swap3A_216 = arith.constant 0 : index
            %swap3A_217 = tpu.vector_load %arg21[%swap3A, %swap3A_216] {strides = array<i32>} : memref<80x128xf32, #tpu.memory_space<vmem>>, vector<1x16xf32>,
            %swap3A_218 = vector.shape_cast %swap3A_217 : vector<1x16xf32> to vector<16xf32>
            %swap3A_219 = vector.shape_cast %mul3A_215 : vector<16xf32> to vector<1x16xf32>
            tpu.vector_store %arg21[%swap3A, %swap3A_216], %swap3A_219 {strides = array<i32>} : memref<80x128xf32, #tpu.memory_space<vmem>>, vector<1x16xf32>,
            %get3A_220 = arith.index_cast %scan3A_207 : i32 to index
            %get3A_221 = arith.constant 16 : index
            %get3A_222 = tpu.vector_load %arg21[%get3A_220, %get3A_221] {strides = array<i32>} : memref<80x128xf32, #tpu.memory_space<vmem>>, vector<1x16xf32>,
            %get3A_223 = vector.shape_cast %get3A_222 : vector<1x16xf32> to vector<16xf32>
            %get3A_224 = arith.index_cast %scan3A_207 : i32 to index
            %get3A_225 = arith.constant 16 : index
            %get3A_226 = tpu.vector_load %arg19[%get3A_224, %get3A_225] {strides = array<i32>} : memref<80x128xf32, #tpu.memory_space<vmem>>, vector<1x16xf32>,
            %get3A_227 = vector.shape_cast %get3A_226 : vector<1x16xf32> to vector<16xf32>
            %mul3A_228 = arith.mulf %get3A_223, %get3A_227 : vector<16xf32>
            %swap3A_229 = arith.index_cast %scan3A_207 : i32 to index
            %swap3A_230 = arith.constant 16 : index
            %swap3A_231 = tpu.vector_load %arg21[%swap3A_229, %swap3A_230] {strides = array<i32>} : memref<80x128xf32, #tpu.memory_space<vmem>>, vector<1x16xf32>,
            %swap3A_232 = vector.shape_cast %swap3A_231 : vector<1x16xf32> to vector<16xf32>
            %swap3A_233 = vector.shape_cast %mul3A_228 : vector<16xf32> to vector<1x16xf32>
            tpu.vector_store %arg21[%swap3A_229, %swap3A_230], %swap3A_233 {strides = array<i32>} : memref<80x128xf32, #tpu.memory_space<vmem>>, vector<1x16xf32>,
            %get3A_234 = arith.index_cast %scan3A_207 : i32 to index
            %get3A_235 = arith.constant 32 : index
            %get3A_236 = tpu.vector_load %arg21[%get3A_234, %get3A_235] {strides = array<i32>} : memref<80x128xf32, #tpu.memory_space<vmem>>, vector<1x16xf32>,
            %get3A_237 = vector.shape_cast %get3A_236 : vector<1x16xf32> to vector<16xf32>
            %get3A_238 = arith.index_cast %scan3A_207 : i32 to index
            %get3A_239 = arith.constant 32 : index
            %get3A_240 = tpu.vector_load %arg19[%get3A_238, %get3A_239] {strides = array<i32>} : memref<80x128xf32, #tpu.memory_space<vmem>>, vector<1x16xf32>,
            %get3A_241 = vector.shape_cast %get3A_240 : vector<1x16xf32> to vector<16xf32>
            %mul3A_242 = arith.mulf %get3A_237, %get3A_241 : vector<16xf32>
            %swap3A_243 = arith.index_cast %scan3A_207 : i32 to index
            %swap3A_244 = arith.constant 32 : index
            %swap3A_245 = tpu.vector_load %arg21[%swap3A_243, %swap3A_244] {strides = array<i32>} : memref<80x128xf32, #tpu.memory_space<vmem>>, vector<1x16xf32>,
            %swap3A_246 = vector.shape_cast %swap3A_245 : vector<1x16xf32> to vector<16xf32>
            %swap3A_247 = vector.shape_cast %mul3A_242 : vector<16xf32> to vector<1x16xf32>
            tpu.vector_store %arg21[%swap3A_243, %swap3A_244], %swap3A_247 {strides = array<i32>} : memref<80x128xf32, #tpu.memory_space<vmem>>, vector<1x16xf32>,
            %get3A_248 = arith.index_cast %scan3A_207 : i32 to index
            %get3A_249 = arith.constant 48 : index
            %get3A_250 = tpu.vector_load %arg21[%get3A_248, %get3A_249] {strides = array<i32>} : memref<80x128xf32, #tpu.memory_space<vmem>>, vector<1x16xf32>,
            %get3A_251 = vector.shape_cast %get3A_250 : vector<1x16xf32> to vector<16xf32>
            %get3A_252 = arith.index_cast %scan3A_207 : i32 to index
            %get3A_253 = arith.constant 48 : index
            %get3A_254 = tpu.vector_load %arg19[%get3A_252, %get3A_253] {strides = array<i32>} : memref<80x128xf32, #tpu.memory_space<vmem>>, vector<1x16xf32>,
            %get3A_255 = vector.shape_cast %get3A_254 : vector<1x16xf32> to vector<16xf32>
            %mul3A_256 = arith.mulf %get3A_251, %get3A_255 : vector<16xf32>
            %swap3A_257 = arith.index_cast %scan3A_207 : i32 to index
            %swap3A_258 = arith.constant 48 : index
            %swap3A_259 = tpu.vector_load %arg21[%swap3A_257, %swap3A_258] {strides = array<i32>} : memref<80x128xf32, #tpu.memory_space<vmem>>, vector<1x16xf32>,
            %swap3A_260 = vector.shape_cast %swap3A_259 : vector<1x16xf32> to vector<16xf32>
            %swap3A_261 = vector.shape_cast %mul3A_256 : vector<16xf32> to vector<1x16xf32>
            tpu.vector_store %arg21[%swap3A_257, %swap3A_258], %swap3A_261 {strides = array<i32>} : memref<80x128xf32, #tpu.memory_space<vmem>>, vector<1x16xf32>,
            %get3A_262 = arith.index_cast %scan3A_207 : i32 to index
            %get3A_263 = arith.constant 64 : index
            %get3A_264 = tpu.vector_load %arg21[%get3A_262, %get3A_263] {strides = array<i32>} : memref<80x128xf32, #tpu.memory_space<vmem>>, vector<1x16xf32>,
            %get3A_265 = vector.shape_cast %get3A_264 : vector<1x16xf32> to vector<16xf32>
            %get3A_266 = arith.index_cast %scan3A_207 : i32 to index
            %get3A_267 = arith.constant 64 : index
            %get3A_268 = tpu.vector_load %arg19[%get3A_266, %get3A_267] {strides = array<i32>} : memref<80x128xf32, #tpu.memory_space<vmem>>, vector<1x16xf32>,
            %get3A_269 = vector.shape_cast %get3A_268 : vector<1x16xf32> to vector<16xf32>
            %mul3A_270 = arith.mulf %get3A_265, %get3A_269 : vector<16xf32>
            %swap3A_271 = arith.index_cast %scan3A_207 : i32 to index
            %swap3A_272 = arith.constant 64 : index
            %swap3A_273 = tpu.vector_load %arg21[%swap3A_271, %swap3A_272] {strides = array<i32>} : memref<80x128xf32, #tpu.memory_space<vmem>>, vector<1x16xf32>,
            %swap3A_274 = vector.shape_cast %swap3A_273 : vector<1x16xf32> to vector<16xf32>
            %swap3A_275 = vector.shape_cast %mul3A_270 : vector<16xf32> to vector<1x16xf32>
            tpu.vector_store %arg21[%swap3A_271, %swap3A_272], %swap3A_275 {strides = array<i32>} : memref<80x128xf32, #tpu.memory_space<vmem>>, vector<1x16xf32>,
            %get3A_276 = arith.index_cast %scan3A_207 : i32 to index
            %get3A_277 = arith.constant 80 : index
            %get3A_278 = tpu.vector_load %arg21[%get3A_276, %get3A_277] {strides = array<i32>} : memref<80x128xf32, #tpu.memory_space<vmem>>, vector<1x16xf32>,
            %get3A_279 = vector.shape_cast %get3A_278 : vector<1x16xf32> to vector<16xf32>
            %get3A_280 = arith.index_cast %scan3A_207 : i32 to index
            %get3A_281 = arith.constant 80 : index
            %get3A_282 = tpu.vector_load %arg19[%get3A_280, %get3A_281] {strides = array<i32>} : memref<80x128xf32, #tpu.memory_space<vmem>>, vector<1x16xf32>,
            %get3A_283 = vector.shape_cast %get3A_282 : vector<1x16xf32> to vector<16xf32>
            %mul3A_284 = arith.mulf %get3A_279, %get3A_283 : vector<16xf32>
            %swap3A_285 = arith.index_cast %scan3A_207 : i32 to index
            %swap3A_286 = arith.constant 80 : index
            %swap3A_287 = tpu.vector_load %arg21[%swap3A_285, %swap3A_286] {strides = array<i32>} : memref<80x128xf32, #tpu.memory_space<vmem>>, vector<1x16xf32>,
            %swap3A_288 = vector.shape_cast %swap3A_287 : vector<1x16xf32> to vector<16xf32>
            %swap3A_289 = vector.shape_cast %mul3A_284 : vector<16xf32> to vector<1x16xf32>
            tpu.vector_store %arg21[%swap3A_285, %swap3A_286], %swap3A_289 {strides = array<i32>} : memref<80x128xf32, #tpu.memory_space<vmem>>, vector<1x16xf32>,
            %get3A_290 = arith.index_cast %scan3A_207 : i32 to index
            %get3A_291 = arith.constant 96 : index
            %get3A_292 = tpu.vector_load %arg21[%get3A_290, %get3A_291] {strides = array<i32>} : memref<80x128xf32, #tpu.memory_space<vmem>>, vector<1x16xf32>,
            %get3A_293 = vector.shape_cast %get3A_292 : vector<1x16xf32> to vector<16xf32>
            %get3A_294 = arith.index_cast %scan3A_207 : i32 to index
            %get3A_295 = arith.constant 96 : index
            %get3A_296 = tpu.vector_load %arg19[%get3A_294, %get3A_295] {strides = array<i32>} : memref<80x128xf32, #tpu.memory_space<vmem>>, vector<1x16xf32>,
            %get3A_297 = vector.shape_cast %get3A_296 : vector<1x16xf32> to vector<16xf32>
            %mul3A_298 = arith.mulf %get3A_293, %get3A_297 : vector<16xf32>
            %swap3A_299 = arith.index_cast %scan3A_207 : i32 to index
            %swap3A_300 = arith.constant 96 : index
            %swap3A_301 = tpu.vector_load %arg21[%swap3A_299, %swap3A_300] {strides = array<i32>} : memref<80x128xf32, #tpu.memory_space<vmem>>, vector<1x16xf32>,
            %swap3A_302 = vector.shape_cast %swap3A_301 : vector<1x16xf32> to vector<16xf32>
            %swap3A_303 = vector.shape_cast %mul3A_298 : vector<16xf32> to vector<1x16xf32>
            tpu.vector_store %arg21[%swap3A_299, %swap3A_300], %swap3A_303 {strides = array<i32>} : memref<80x128xf32, #tpu.memory_space<vmem>>, vector<1x16xf32>,
            %get3A_304 = arith.index_cast %scan3A_207 : i32 to index
            %get3A_305 = arith.constant 112 : index
            %get3A_306 = tpu.vector_load %arg21[%get3A_304, %get3A_305] {strides = array<i32>} : memref<80x128xf32, #tpu.memory_space<vmem>>, vector<1x16xf32>,
            %get3A_307 = vector.shape_cast %get3A_306 : vector<1x16xf32> to vector<16xf32>
            %get3A_308 = arith.index_cast %scan3A_207 : i32 to index
            %get3A_309 = arith.constant 112 : index
            %get3A_310 = tpu.vector_load %arg19[%get3A_308, %get3A_309] {strides = array<i32>} : memref<80x128xf32, #tpu.memory_space<vmem>>, vector<1x16xf32>,
            %get3A_311 = vector.shape_cast %get3A_310 : vector<1x16xf32> to vector<16xf32>
            %mul3A_312 = arith.mulf %get3A_307, %get3A_311 : vector<16xf32>
            %swap3A_313 = arith.index_cast %scan3A_207 : i32 to index
            %swap3A_314 = arith.constant 112 : index
            %swap3A_315 = tpu.vector_load %arg21[%swap3A_313, %swap3A_314] {strides = array<i32>} : memref<80x128xf32, #tpu.memory_space<vmem>>, vector<1x16xf32>,
            %swap3A_316 = vector.shape_cast %swap3A_315 : vector<1x16xf32> to vector<16xf32>
            %swap3A_317 = vector.shape_cast %mul3A_312 : vector<16xf32> to vector<1x16xf32>
            tpu.vector_store %arg21[%swap3A_313, %swap3A_314], %swap3A_317 {strides = array<i32>} : memref<80x128xf32, #tpu.memory_space<vmem>>, vector<1x16xf32>,
          }
          %scan3A_206 = arith.constant 80 : i32
          "tpu.region"() ({
            %run_scoped3A = tpu.sem_alloc : memref<!tpu.dma_semaphore, #tpu.memory_space<semaphore_mem>>
            %dma_start3A_207 = arith.constant 0 : i32
            %dma_start3A_208 = tpu.memref_slice %arg17[%add3A_183, %dma_start3A_207] : memref<16x80xi32, #tpu.memory_space<vmem>> -> memref<1x80xi32, #tpu.memory_space<vmem>>
            %dma_start3A_209 = tpu.memref_squeeze %dma_start3A_208 : memref<1x80xi32, #tpu.memory_space<vmem>> -> memref<80xi32, #tpu.memory_space<vmem>>
            %dma_start3A_210 = arith.constant 0 : i32
            %dma_start3A_211 = arith.constant 0 : i32
            %dma_start3A_212 = tpu.memref_slice %arg13[%dma_start3A_210, %dma_start3A_211] : memref<10112x128xf32, #tpu.memory_space<vmem_shared>> -> memref<10112x128xf32, #tpu.memory_space<vmem_shared>>
            tpu.enqueue_indirect_dma source(%arg21 : memref<80x128xf32, #tpu.memory_space<vmem>>) target(%dma_start3A_212 : memref<10112x128xf32, #tpu.memory_space<vmem_shared>>) offsets(%dma_start3A_209 : memref<80xi32, #tpu.memory_space<vmem>>) semaphore(%run_scoped3A : memref<!tpu.dma_semaphore, #tpu.memory_space<semaphore_mem>>) {add = true}
            %dma_wait3A_213 = arith.constant 0 : i32
            %dma_wait3A_214 = tpu.memref_slice %arg17[%add3A_183, %dma_wait3A_213] : memref<16x80xi32, #tpu.memory_space<vmem>> -> memref<1x80xi32, #tpu.memory_space<vmem>>
            %dma_wait3A_215 = tpu.memref_squeeze %dma_wait3A_214 : memref<1x80xi32, #tpu.memory_space<vmem>> -> memref<80xi32, #tpu.memory_space<vmem>>
            %dma_wait3A_216 = arith.constant 0 : i32
            %dma_wait3A_217 = arith.constant 0 : i32
            %dma_wait3A_218 = tpu.memref_slice %arg13[%dma_wait3A_216, %dma_wait3A_217] : memref<10112x128xf32, #tpu.memory_space<vmem_shared>> -> memref<10112x128xf32, #tpu.memory_space<vmem_shared>>
            tpu.wait_indirect_dma semaphore(%run_scoped3A : memref<!tpu.dma_semaphore, #tpu.memory_space<semaphore_mem>>) src(%arg21 : memref<80x128xf32, #tpu.memory_space<vmem>>) dst(%dma_wait3A_218 : memref<10112x128xf32, #tpu.memory_space<vmem_shared>>)
            tpu.yield
          }) : () -> ()
        }
        %scan3A_122 = arith.constant 8 : i32
      }
      %scan3A_24 = arith.constant 8 : i32
      %barrier3A_25 = arith.constant 0 : index
      tpu.barrier barrier_id(%barrier3A_25)
      "tpu.region"() ({
        %run_scoped3A = tpu.sem_alloc : memref<!tpu.dma_semaphore, #tpu.memory_space<semaphore_mem>>
        %dma_start3A_26 = arith.constant 0 : i32
        %dma_start3A_27 = tpu.memref_slice %arg11[%mul3A_7, %dma_start3A_26] : memref<10112x128xf32, #tpu.memory_space<hbm>> -> memref<632x128xf32, #tpu.memory_space<hbm>>
        %dma_start3A_28 = arith.constant 0 : i32
        %dma_start3A_29 = tpu.memref_slice %arg13[%mul3A_7, %dma_start3A_28] : memref<10112x128xf32, #tpu.memory_space<vmem_shared>> -> memref<632x128xf32, #tpu.memory_space<vmem_shared>>
        tpu.enqueue_dma source(%dma_start3A_29 : memref<632x128xf32, #tpu.memory_space<vmem_shared>>) target(%dma_start3A_27 : memref<632x128xf32, #tpu.memory_space<hbm>>) target_semaphore(%run_scoped3A : memref<!tpu.dma_semaphore, #tpu.memory_space<semaphore_mem>>)
        %dma_wait3A = arith.constant 0 : i32
        %dma_wait3A_30 = tpu.memref_slice %arg11[%mul3A_7, %dma_wait3A] : memref<10112x128xf32, #tpu.memory_space<hbm>> -> memref<632x128xf32, #tpu.memory_space<hbm>>
        %dma_wait3A_31 = arith.constant 0 : i32
        %dma_wait3A_32 = tpu.memref_slice %arg13[%mul3A_7, %dma_wait3A_31] : memref<10112x128xf32, #tpu.memory_space<vmem_shared>> -> memref<632x128xf32, #tpu.memory_space<vmem_shared>>
        tpu.wait_dma2 semaphore(%run_scoped3A : memref<!tpu.dma_semaphore, #tpu.memory_space<semaphore_mem>>) src(%dma_wait3A_32 : memref<632x128xf32, #tpu.memory_space<vmem_shared>>) dst(%dma_wait3A_30 : memref<632x128xf32, #tpu.memory_space<hbm>>)
        tpu.yield
      }) : () -> ()
    } else {
    }
    %eq3A_2 = arith.constant 1 : i32
    %eq3A_3 = arith.cmpi eq, %arg0, %eq3A_2 : i32
    %convert_element_type3A_4 = arith.extui %eq3A_3 : i1 to i32
    %cond3A_5 = arith.constant 0 : i32
    %cond3A_6 = arith.cmpi ne, %convert_element_type3A_4, %cond3A_5 : i32
    scf.if %cond3A_6 {
      %mul3A = arith.constant 632 : i32
      %mul3A_7 = arith.muli %arg1, %mul3A : i32
      "tpu.region"() ({
        %run_scoped3A = tpu.sem_alloc : memref<!tpu.dma_semaphore, #tpu.memory_space<semaphore_mem>>
        %dma_start3A_26 = arith.constant 0 : i32
        %dma_start3A_27 = tpu.memref_slice %arg13[%mul3A_7, %dma_start3A_26] : memref<10112x128xf32, #tpu.memory_space<vmem_shared>> -> memref<632x128xf32, #tpu.memory_space<vmem_shared>>
        %dma_start3A_28 = arith.constant 0 : i32
        %dma_start3A_29 = tpu.memref_slice %arg10[%mul3A_7, %dma_start3A_28] : memref<10112x128xf32, #tpu.memory_space<hbm>> -> memref<632x128xf32, #tpu.memory_space<hbm>>
        tpu.enqueue_dma source(%dma_start3A_29 : memref<632x128xf32, #tpu.memory_space<hbm>>) target(%dma_start3A_27 : memref<632x128xf32, #tpu.memory_space<vmem_shared>>) target_semaphore(%run_scoped3A : memref<!tpu.dma_semaphore, #tpu.memory_space<semaphore_mem>>)
        %dma_wait3A = arith.constant 0 : i32
        %dma_wait3A_30 = tpu.memref_slice %arg13[%mul3A_7, %dma_wait3A] : memref<10112x128xf32, #tpu.memory_space<vmem_shared>> -> memref<632x128xf32, #tpu.memory_space<vmem_shared>>
        %dma_wait3A_31 = arith.constant 0 : i32
        %dma_wait3A_32 = tpu.memref_slice %arg10[%mul3A_7, %dma_wait3A_31] : memref<10112x128xf32, #tpu.memory_space<hbm>> -> memref<632x128xf32, #tpu.memory_space<hbm>>
        tpu.wait_dma2 semaphore(%run_scoped3A : memref<!tpu.dma_semaphore, #tpu.memory_space<semaphore_mem>>) src(%dma_wait3A_32 : memref<632x128xf32, #tpu.memory_space<hbm>>) dst(%dma_wait3A_30 : memref<632x128xf32, #tpu.memory_space<vmem_shared>>)
        tpu.yield
      }) : () -> ()
      %mul3A_8 = arith.constant 256 : i32
      %mul3A_9 = arith.muli %arg1, %mul3A_8 : i32
      %mul3A_10 = arith.constant 20000 : i32
      %mul3A_11 = arith.muli %arg1, %mul3A_10 : i32
      %add3A = arith.constant 0 : i32
      %add3A_12 = arith.addi %mul3A_9, %add3A : i32
      %dma_start3A = arith.constant 0 : i32
      %dma_start3A_13 = tpu.memref_slice %arg7[%add3A_12, %dma_start3A] : memref<4096x80xi32, #tpu.memory_space<hbm>> -> memref<16x80xi32, #tpu.memory_space<hbm>>
      %dma_start3A_14 = arith.constant 0 : i32
      %dma_start3A_15 = tpu.memref_slice %arg7[%add3A_12, %dma_start3A_14] : memref<4096x80xi32, #tpu.memory_space<hbm>> -> memref<16x80xi32, #tpu.memory_space<hbm>>
      tpu.enqueue_dma source(%dma_start3A_15 : memref<16x80xi32, #tpu.memory_space<hbm>>) target(%arg14 : memref<16x80xi32, #tpu.memory_space<vmem>>) target_semaphore(%arg22 : memref<!tpu.dma_semaphore, #tpu.memory_space<semaphore_mem>>)
      %dma_start3A_16 = arith.constant 0 : i32
      %dma_start3A_17 = tpu.memref_slice %arg8[%add3A_12, %dma_start3A_16] : memref<4096x80xi32, #tpu.memory_space<hbm>> -> memref<16x80xi32, #tpu.memory_space<hbm>>
      %dma_start3A_18 = arith.constant 0 : i32
      %dma_start3A_19 = tpu.memref_slice %arg8[%add3A_12, %dma_start3A_18] : memref<4096x80xi32, #tpu.memory_space<hbm>> -> memref<16x80xi32, #tpu.memory_space<hbm>>
      tpu.enqueue_dma source(%dma_start3A_19 : memref<16x80xi32, #tpu.memory_space<hbm>>) target(%arg15 : memref<16x80xi32, #tpu.memory_space<vmem>>) target_semaphore(%arg22 : memref<!tpu.dma_semaphore, #tpu.memory_space<semaphore_mem>>)
      %barrier3A = arith.constant 0 : index
      tpu.barrier barrier_id(%barrier3A)
      %scan3A = arith.constant 0 : i32
      %scan3A_20 = arith.constant 0 : i32
      %scan3A_21 = arith.constant 8 : i32
      %scan3A_22 = arith.addi %scan3A_20, %scan3A_21 : i32
      %scan3A_23 = arith.constant 1 : i32
      scf.for %scan3A_26 = %scan3A_20 to %scan3A_22 step %scan3A_23  : i32 {
        %mul3A_27 = arith.constant 2 : i32
        %mul3A_28 = arith.muli %mul3A_27, %scan3A_26 : i32
        %mul3A_29 = arith.constant 16 : i32
        %mul3A_30 = arith.muli %mul3A_28, %mul3A_29 : i32
        %add3A_31 = arith.addi %mul3A_9, %mul3A_30 : i32
        %dma_wait3A = arith.constant 0 : i32
        %dma_wait3A_32 = tpu.memref_slice %arg7[%add3A_31, %dma_wait3A] : memref<4096x80xi32, #tpu.memory_space<hbm>> -> memref<16x80xi32, #tpu.memory_space<hbm>>
        %dma_wait3A_33 = arith.constant 0 : i32
        %dma_wait3A_34 = tpu.memref_slice %arg7[%add3A_31, %dma_wait3A_33] : memref<4096x80xi32, #tpu.memory_space<hbm>> -> memref<16x80xi32, #tpu.memory_space<hbm>>
        tpu.wait_dma2 semaphore(%arg22 : memref<!tpu.dma_semaphore, #tpu.memory_space<semaphore_mem>>) src(%dma_wait3A_34 : memref<16x80xi32, #tpu.memory_space<hbm>>) dst(%arg14 : memref<16x80xi32, #tpu.memory_space<vmem>>)
        %dma_wait3A_35 = arith.constant 0 : i32
        %dma_wait3A_36 = tpu.memref_slice %arg8[%add3A_31, %dma_wait3A_35] : memref<4096x80xi32, #tpu.memory_space<hbm>> -> memref<16x80xi32, #tpu.memory_space<hbm>>
        %dma_wait3A_37 = arith.constant 0 : i32
        %dma_wait3A_38 = tpu.memref_slice %arg8[%add3A_31, %dma_wait3A_37] : memref<4096x80xi32, #tpu.memory_space<hbm>> -> memref<16x80xi32, #tpu.memory_space<hbm>>
        tpu.wait_dma2 semaphore(%arg22 : memref<!tpu.dma_semaphore, #tpu.memory_space<semaphore_mem>>) src(%dma_wait3A_38 : memref<16x80xi32, #tpu.memory_space<hbm>>) dst(%arg15 : memref<16x80xi32, #tpu.memory_space<vmem>>)
        %add3A_39 = arith.constant 1 : i32
        %add3A_40 = arith.addi %mul3A_28, %add3A_39 : i32
        %mul3A_41 = arith.constant 16 : i32
        %mul3A_42 = arith.muli %add3A_40, %mul3A_41 : i32
        %add3A_43 = arith.addi %mul3A_9, %mul3A_42 : i32
        %dma_start3A_44 = arith.constant 0 : i32
        %dma_start3A_45 = tpu.memref_slice %arg7[%add3A_43, %dma_start3A_44] : memref<4096x80xi32, #tpu.memory_space<hbm>> -> memref<16x80xi32, #tpu.memory_space<hbm>>
        %dma_start3A_46 = arith.constant 0 : i32
        %dma_start3A_47 = tpu.memref_slice %arg7[%add3A_43, %dma_start3A_46] : memref<4096x80xi32, #tpu.memory_space<hbm>> -> memref<16x80xi32, #tpu.memory_space<hbm>>
        tpu.enqueue_dma source(%dma_start3A_47 : memref<16x80xi32, #tpu.memory_space<hbm>>) target(%arg16 : memref<16x80xi32, #tpu.memory_space<vmem>>) target_semaphore(%arg23 : memref<!tpu.dma_semaphore, #tpu.memory_space<semaphore_mem>>)
        %dma_start3A_48 = arith.constant 0 : i32
        %dma_start3A_49 = tpu.memref_slice %arg8[%add3A_43, %dma_start3A_48] : memref<4096x80xi32, #tpu.memory_space<hbm>> -> memref<16x80xi32, #tpu.memory_space<hbm>>
        %dma_start3A_50 = arith.constant 0 : i32
        %dma_start3A_51 = tpu.memref_slice %arg8[%add3A_43, %dma_start3A_50] : memref<4096x80xi32, #tpu.memory_space<hbm>> -> memref<16x80xi32, #tpu.memory_space<hbm>>
        tpu.enqueue_dma source(%dma_start3A_51 : memref<16x80xi32, #tpu.memory_space<hbm>>) target(%arg17 : memref<16x80xi32, #tpu.memory_space<vmem>>) target_semaphore(%arg23 : memref<!tpu.dma_semaphore, #tpu.memory_space<semaphore_mem>>)
        %mul3A_52 = arith.constant 16 : i32
        %mul3A_53 = arith.muli %mul3A_28, %mul3A_52 : i32
        %dma_start3A_54 = arith.constant 0 : i32
        %dma_start3A_55 = arith.constant 0 : i32
        %dma_start3A_56 = tpu.memref_slice %arg14[%dma_start3A_54, %dma_start3A_55] : memref<16x80xi32, #tpu.memory_space<vmem>> -> memref<1x80xi32, #tpu.memory_space<vmem>>
        %dma_start3A_57 = tpu.memref_squeeze %dma_start3A_56 : memref<1x80xi32, #tpu.memory_space<vmem>> -> memref<80xi32, #tpu.memory_space<vmem>>
        %dma_start3A_58 = arith.constant 0 : i32
        %dma_start3A_59 = arith.constant 0 : i32
        %dma_start3A_60 = tpu.memref_slice %arg2[%dma_start3A_58, %dma_start3A_59] : memref<10000x128xf32, #tpu.memory_space<hbm>> -> memref<10000x128xf32, #tpu.memory_space<hbm>>
        tpu.enqueue_indirect_dma source(%dma_start3A_60 : memref<10000x128xf32, #tpu.memory_space<hbm>>) target(%arg18 : memref<80x128xf32, #tpu.memory_space<vmem>>) offsets(%dma_start3A_57 : memref<80xi32, #tpu.memory_space<vmem>>) semaphore(%arg24 : memref<!tpu.dma_semaphore, #tpu.memory_space<semaphore_mem>>)
        %lt3A = arith.constant 250 : i32
        %lt3A_61 = arith.cmpi slt, %mul3A_53, %lt3A : i32
        %mul3A_62 = arith.constant 80 : i32
        %mul3A_63 = arith.muli %mul3A_53, %mul3A_62 : i32
        %jit3A = arith.constant 0 : i32
        %select_n3A = arith.select %lt3A_61, %mul3A_63, %jit3A : i32
        %add3A_64 = arith.addi %mul3A_11, %select_n3A : i32
        %dma_start3A_65 = arith.constant 0 : i32
        %dma_start3A_66 = tpu.memref_slice %arg9[%add3A_64, %dma_start3A_65] : memref<320000x128xf32, #tpu.memory_space<hbm>> -> memref<80x128xf32, #tpu.memory_space<hbm>>
        %dma_start3A_67 = arith.constant 0 : i32
        %dma_start3A_68 = tpu.memref_slice %arg9[%add3A_64, %dma_start3A_67] : memref<320000x128xf32, #tpu.memory_space<hbm>> -> memref<80x128xf32, #tpu.memory_space<hbm>>
        tpu.enqueue_dma source(%dma_start3A_68 : memref<80x128xf32, #tpu.memory_space<hbm>>) target(%arg20 : memref<80x128xf32, #tpu.memory_space<vmem>>) target_semaphore(%arg24 : memref<!tpu.dma_semaphore, #tpu.memory_space<semaphore_mem>>)
        %scan3A_69 = arith.constant 0 : i32
        %scan3A_70 = arith.constant 0 : i32
        %scan3A_71 = arith.constant 8 : i32
        %scan3A_72 = arith.addi %scan3A_70, %scan3A_71 : i32
        %scan3A_73 = arith.constant 1 : i32
        scf.for %scan3A_123 = %scan3A_70 to %scan3A_72 step %scan3A_73  : i32 {
          %mul3A_124 = arith.constant 2 : i32
          %mul3A_125 = arith.muli %mul3A_124, %scan3A_123 : i32
          %add3A_126 = arith.addi %mul3A_53, %mul3A_125 : i32
          %add3A_127 = arith.constant 1 : i32
          %add3A_128 = arith.addi %add3A_126, %add3A_127 : i32
          %add3A_129 = arith.constant 1 : i32
          %add3A_130 = arith.addi %mul3A_125, %add3A_129 : i32
          %dma_start3A_131 = arith.constant 0 : i32
          %dma_start3A_132 = tpu.memref_slice %arg14[%add3A_130, %dma_start3A_131] : memref<16x80xi32, #tpu.memory_space<vmem>> -> memref<1x80xi32, #tpu.memory_space<vmem>>
          %dma_start3A_133 = tpu.memref_squeeze %dma_start3A_132 : memref<1x80xi32, #tpu.memory_space<vmem>> -> memref<80xi32, #tpu.memory_space<vmem>>
          %dma_start3A_134 = arith.constant 0 : i32
          %dma_start3A_135 = arith.constant 0 : i32
          %dma_start3A_136 = tpu.memref_slice %arg3[%dma_start3A_134, %dma_start3A_135] : memref<10000x128xf32, #tpu.memory_space<hbm>> -> memref<10000x128xf32, #tpu.memory_space<hbm>>
          tpu.enqueue_indirect_dma source(%dma_start3A_136 : memref<10000x128xf32, #tpu.memory_space<hbm>>) target(%arg19 : memref<80x128xf32, #tpu.memory_space<vmem>>) offsets(%dma_start3A_133 : memref<80xi32, #tpu.memory_space<vmem>>) semaphore(%arg25 : memref<!tpu.dma_semaphore, #tpu.memory_space<semaphore_mem>>)
          %lt3A_137 = arith.constant 250 : i32
          %lt3A_138 = arith.cmpi slt, %add3A_128, %lt3A_137 : i32
          %mul3A_139 = arith.constant 80 : i32
          %mul3A_140 = arith.muli %add3A_128, %mul3A_139 : i32
          %jit3A_141 = arith.constant 0 : i32
          %select_n3A_142 = arith.select %lt3A_138, %mul3A_140, %jit3A_141 : i32
          %add3A_143 = arith.addi %mul3A_11, %select_n3A_142 : i32
          %dma_start3A_144 = arith.constant 0 : i32
          %dma_start3A_145 = tpu.memref_slice %arg9[%add3A_143, %dma_start3A_144] : memref<320000x128xf32, #tpu.memory_space<hbm>> -> memref<80x128xf32, #tpu.memory_space<hbm>>
          %dma_start3A_146 = arith.constant 0 : i32
          %dma_start3A_147 = tpu.memref_slice %arg9[%add3A_143, %dma_start3A_146] : memref<320000x128xf32, #tpu.memory_space<hbm>> -> memref<80x128xf32, #tpu.memory_space<hbm>>
          tpu.enqueue_dma source(%dma_start3A_147 : memref<80x128xf32, #tpu.memory_space<hbm>>) target(%arg21 : memref<80x128xf32, #tpu.memory_space<vmem>>) target_semaphore(%arg25 : memref<!tpu.dma_semaphore, #tpu.memory_space<semaphore_mem>>)
          %add3A_148 = arith.addi %mul3A_53, %mul3A_125 : i32
          %dma_wait3A_149 = arith.constant 0 : i32
          %dma_wait3A_150 = tpu.memref_slice %arg14[%mul3A_125, %dma_wait3A_149] : memref<16x80xi32, #tpu.memory_space<vmem>> -> memref<1x80xi32, #tpu.memory_space<vmem>>
          %dma_wait3A_151 = tpu.memref_squeeze %dma_wait3A_150 : memref<1x80xi32, #tpu.memory_space<vmem>> -> memref<80xi32, #tpu.memory_space<vmem>>
          %dma_wait3A_152 = arith.constant 0 : i32
          %dma_wait3A_153 = arith.constant 0 : i32
          %dma_wait3A_154 = tpu.memref_slice %arg2[%dma_wait3A_152, %dma_wait3A_153] : memref<10000x128xf32, #tpu.memory_space<hbm>> -> memref<10000x128xf32, #tpu.memory_space<hbm>>
          tpu.wait_indirect_dma semaphore(%arg24 : memref<!tpu.dma_semaphore, #tpu.memory_space<semaphore_mem>>) src(%dma_wait3A_154 : memref<10000x128xf32, #tpu.memory_space<hbm>>) dst(%arg18 : memref<80x128xf32, #tpu.memory_space<vmem>>)
          %lt3A_155 = arith.constant 250 : i32
          %lt3A_156 = arith.cmpi slt, %add3A_148, %lt3A_155 : i32
          %mul3A_157 = arith.constant 80 : i32
          %mul3A_158 = arith.muli %add3A_148, %mul3A_157 : i32
          %jit3A_159 = arith.constant 0 : i32
          %select_n3A_160 = arith.select %lt3A_156, %mul3A_158, %jit3A_159 : i32
          %add3A_161 = arith.addi %mul3A_11, %select_n3A_160 : i32
          %dma_wait3A_162 = arith.constant 0 : i32
          %dma_wait3A_163 = tpu.memref_slice %arg9[%add3A_161, %dma_wait3A_162] : memref<320000x128xf32, #tpu.memory_space<hbm>> -> memref<80x128xf32, #tpu.memory_space<hbm>>
          %dma_wait3A_164 = arith.constant 0 : i32
          %dma_wait3A_165 = tpu.memref_slice %arg9[%add3A_161, %dma_wait3A_164] : memref<320000x128xf32, #tpu.memory_space<hbm>> -> memref<80x128xf32, #tpu.memory_space<hbm>>
          tpu.wait_dma2 semaphore(%arg24 : memref<!tpu.dma_semaphore, #tpu.memory_space<semaphore_mem>>) src(%dma_wait3A_165 : memref<80x128xf32, #tpu.memory_space<hbm>>) dst(%arg20 : memref<80x128xf32, #tpu.memory_space<vmem>>)
          %scan3A_166 = arith.constant 0 : i32
          %scan3A_167 = arith.constant 0 : i32
          %scan3A_168 = arith.constant 80 : i32
          %scan3A_169 = arith.addi %scan3A_167, %scan3A_168 : i32
          %scan3A_170 = arith.constant 1 : i32
          scf.for %scan3A_207 = %scan3A_167 to %scan3A_169 step %scan3A_170  : i32 {
            %get3A = arith.index_cast %scan3A_207 : i32 to index
            %get3A_208 = arith.constant 0 : index
            %get3A_209 = tpu.vector_load %arg20[%get3A, %get3A_208] {strides = array<i32>} : memref<80x128xf32, #tpu.memory_space<vmem>>, vector<1x16xf32>,
            %get3A_210 = vector.shape_cast %get3A_209 : vector<1x16xf32> to vector<16xf32>
            %get3A_211 = arith.index_cast %scan3A_207 : i32 to index
            %get3A_212 = arith.constant 0 : index
            %get3A_213 = tpu.vector_load %arg18[%get3A_211, %get3A_212] {strides = array<i32>} : memref<80x128xf32, #tpu.memory_space<vmem>>, vector<1x16xf32>,
            %get3A_214 = vector.shape_cast %get3A_213 : vector<1x16xf32> to vector<16xf32>
            %mul3A_215 = arith.mulf %get3A_210, %get3A_214 : vector<16xf32>
            %swap3A = arith.index_cast %scan3A_207 : i32 to index
            %swap3A_216 = arith.constant 0 : index
            %swap3A_217 = tpu.vector_load %arg20[%swap3A, %swap3A_216] {strides = array<i32>} : memref<80x128xf32, #tpu.memory_space<vmem>>, vector<1x16xf32>,
            %swap3A_218 = vector.shape_cast %swap3A_217 : vector<1x16xf32> to vector<16xf32>
            %swap3A_219 = vector.shape_cast %mul3A_215 : vector<16xf32> to vector<1x16xf32>
            tpu.vector_store %arg20[%swap3A, %swap3A_216], %swap3A_219 {strides = array<i32>} : memref<80x128xf32, #tpu.memory_space<vmem>>, vector<1x16xf32>,
            %get3A_220 = arith.index_cast %scan3A_207 : i32 to index
            %get3A_221 = arith.constant 16 : index
            %get3A_222 = tpu.vector_load %arg20[%get3A_220, %get3A_221] {strides = array<i32>} : memref<80x128xf32, #tpu.memory_space<vmem>>, vector<1x16xf32>,
            %get3A_223 = vector.shape_cast %get3A_222 : vector<1x16xf32> to vector<16xf32>
            %get3A_224 = arith.index_cast %scan3A_207 : i32 to index
            %get3A_225 = arith.constant 16 : index
            %get3A_226 = tpu.vector_load %arg18[%get3A_224, %get3A_225] {strides = array<i32>} : memref<80x128xf32, #tpu.memory_space<vmem>>, vector<1x16xf32>,
            %get3A_227 = vector.shape_cast %get3A_226 : vector<1x16xf32> to vector<16xf32>
            %mul3A_228 = arith.mulf %get3A_223, %get3A_227 : vector<16xf32>
            %swap3A_229 = arith.index_cast %scan3A_207 : i32 to index
            %swap3A_230 = arith.constant 16 : index
            %swap3A_231 = tpu.vector_load %arg20[%swap3A_229, %swap3A_230] {strides = array<i32>} : memref<80x128xf32, #tpu.memory_space<vmem>>, vector<1x16xf32>,
            %swap3A_232 = vector.shape_cast %swap3A_231 : vector<1x16xf32> to vector<16xf32>
            %swap3A_233 = vector.shape_cast %mul3A_228 : vector<16xf32> to vector<1x16xf32>
            tpu.vector_store %arg20[%swap3A_229, %swap3A_230], %swap3A_233 {strides = array<i32>} : memref<80x128xf32, #tpu.memory_space<vmem>>, vector<1x16xf32>,
            %get3A_234 = arith.index_cast %scan3A_207 : i32 to index
            %get3A_235 = arith.constant 32 : index
            %get3A_236 = tpu.vector_load %arg20[%get3A_234, %get3A_235] {strides = array<i32>} : memref<80x128xf32, #tpu.memory_space<vmem>>, vector<1x16xf32>,
            %get3A_237 = vector.shape_cast %get3A_236 : vector<1x16xf32> to vector<16xf32>
            %get3A_238 = arith.index_cast %scan3A_207 : i32 to index
            %get3A_239 = arith.constant 32 : index
            %get3A_240 = tpu.vector_load %arg18[%get3A_238, %get3A_239] {strides = array<i32>} : memref<80x128xf32, #tpu.memory_space<vmem>>, vector<1x16xf32>,
            %get3A_241 = vector.shape_cast %get3A_240 : vector<1x16xf32> to vector<16xf32>
            %mul3A_242 = arith.mulf %get3A_237, %get3A_241 : vector<16xf32>
            %swap3A_243 = arith.index_cast %scan3A_207 : i32 to index
            %swap3A_244 = arith.constant 32 : index
            %swap3A_245 = tpu.vector_load %arg20[%swap3A_243, %swap3A_244] {strides = array<i32>} : memref<80x128xf32, #tpu.memory_space<vmem>>, vector<1x16xf32>,
            %swap3A_246 = vector.shape_cast %swap3A_245 : vector<1x16xf32> to vector<16xf32>
            %swap3A_247 = vector.shape_cast %mul3A_242 : vector<16xf32> to vector<1x16xf32>
            tpu.vector_store %arg20[%swap3A_243, %swap3A_244], %swap3A_247 {strides = array<i32>} : memref<80x128xf32, #tpu.memory_space<vmem>>, vector<1x16xf32>,
            %get3A_248 = arith.index_cast %scan3A_207 : i32 to index
            %get3A_249 = arith.constant 48 : index
            %get3A_250 = tpu.vector_load %arg20[%get3A_248, %get3A_249] {strides = array<i32>} : memref<80x128xf32, #tpu.memory_space<vmem>>, vector<1x16xf32>,
            %get3A_251 = vector.shape_cast %get3A_250 : vector<1x16xf32> to vector<16xf32>
            %get3A_252 = arith.index_cast %scan3A_207 : i32 to index
            %get3A_253 = arith.constant 48 : index
            %get3A_254 = tpu.vector_load %arg18[%get3A_252, %get3A_253] {strides = array<i32>} : memref<80x128xf32, #tpu.memory_space<vmem>>, vector<1x16xf32>,
            %get3A_255 = vector.shape_cast %get3A_254 : vector<1x16xf32> to vector<16xf32>
            %mul3A_256 = arith.mulf %get3A_251, %get3A_255 : vector<16xf32>
            %swap3A_257 = arith.index_cast %scan3A_207 : i32 to index
            %swap3A_258 = arith.constant 48 : index
            %swap3A_259 = tpu.vector_load %arg20[%swap3A_257, %swap3A_258] {strides = array<i32>} : memref<80x128xf32, #tpu.memory_space<vmem>>, vector<1x16xf32>,
            %swap3A_260 = vector.shape_cast %swap3A_259 : vector<1x16xf32> to vector<16xf32>
            %swap3A_261 = vector.shape_cast %mul3A_256 : vector<16xf32> to vector<1x16xf32>
            tpu.vector_store %arg20[%swap3A_257, %swap3A_258], %swap3A_261 {strides = array<i32>} : memref<80x128xf32, #tpu.memory_space<vmem>>, vector<1x16xf32>,
            %get3A_262 = arith.index_cast %scan3A_207 : i32 to index
            %get3A_263 = arith.constant 64 : index
            %get3A_264 = tpu.vector_load %arg20[%get3A_262, %get3A_263] {strides = array<i32>} : memref<80x128xf32, #tpu.memory_space<vmem>>, vector<1x16xf32>,
            %get3A_265 = vector.shape_cast %get3A_264 : vector<1x16xf32> to vector<16xf32>
            %get3A_266 = arith.index_cast %scan3A_207 : i32 to index
            %get3A_267 = arith.constant 64 : index
            %get3A_268 = tpu.vector_load %arg18[%get3A_266, %get3A_267] {strides = array<i32>} : memref<80x128xf32, #tpu.memory_space<vmem>>, vector<1x16xf32>,
            %get3A_269 = vector.shape_cast %get3A_268 : vector<1x16xf32> to vector<16xf32>
            %mul3A_270 = arith.mulf %get3A_265, %get3A_269 : vector<16xf32>
            %swap3A_271 = arith.index_cast %scan3A_207 : i32 to index
            %swap3A_272 = arith.constant 64 : index
            %swap3A_273 = tpu.vector_load %arg20[%swap3A_271, %swap3A_272] {strides = array<i32>} : memref<80x128xf32, #tpu.memory_space<vmem>>, vector<1x16xf32>,
            %swap3A_274 = vector.shape_cast %swap3A_273 : vector<1x16xf32> to vector<16xf32>
            %swap3A_275 = vector.shape_cast %mul3A_270 : vector<16xf32> to vector<1x16xf32>
            tpu.vector_store %arg20[%swap3A_271, %swap3A_272], %swap3A_275 {strides = array<i32>} : memref<80x128xf32, #tpu.memory_space<vmem>>, vector<1x16xf32>,
            %get3A_276 = arith.index_cast %scan3A_207 : i32 to index
            %get3A_277 = arith.constant 80 : index
            %get3A_278 = tpu.vector_load %arg20[%get3A_276, %get3A_277] {strides = array<i32>} : memref<80x128xf32, #tpu.memory_space<vmem>>, vector<1x16xf32>,
            %get3A_279 = vector.shape_cast %get3A_278 : vector<1x16xf32> to vector<16xf32>
            %get3A_280 = arith.index_cast %scan3A_207 : i32 to index
            %get3A_281 = arith.constant 80 : index
            %get3A_282 = tpu.vector_load %arg18[%get3A_280, %get3A_281] {strides = array<i32>} : memref<80x128xf32, #tpu.memory_space<vmem>>, vector<1x16xf32>,
            %get3A_283 = vector.shape_cast %get3A_282 : vector<1x16xf32> to vector<16xf32>
            %mul3A_284 = arith.mulf %get3A_279, %get3A_283 : vector<16xf32>
            %swap3A_285 = arith.index_cast %scan3A_207 : i32 to index
            %swap3A_286 = arith.constant 80 : index
            %swap3A_287 = tpu.vector_load %arg20[%swap3A_285, %swap3A_286] {strides = array<i32>} : memref<80x128xf32, #tpu.memory_space<vmem>>, vector<1x16xf32>,
            %swap3A_288 = vector.shape_cast %swap3A_287 : vector<1x16xf32> to vector<16xf32>
            %swap3A_289 = vector.shape_cast %mul3A_284 : vector<16xf32> to vector<1x16xf32>
            tpu.vector_store %arg20[%swap3A_285, %swap3A_286], %swap3A_289 {strides = array<i32>} : memref<80x128xf32, #tpu.memory_space<vmem>>, vector<1x16xf32>,
            %get3A_290 = arith.index_cast %scan3A_207 : i32 to index
            %get3A_291 = arith.constant 96 : index
            %get3A_292 = tpu.vector_load %arg20[%get3A_290, %get3A_291] {strides = array<i32>} : memref<80x128xf32, #tpu.memory_space<vmem>>, vector<1x16xf32>,
            %get3A_293 = vector.shape_cast %get3A_292 : vector<1x16xf32> to vector<16xf32>
            %get3A_294 = arith.index_cast %scan3A_207 : i32 to index
            %get3A_295 = arith.constant 96 : index
            %get3A_296 = tpu.vector_load %arg18[%get3A_294, %get3A_295] {strides = array<i32>} : memref<80x128xf32, #tpu.memory_space<vmem>>, vector<1x16xf32>,
            %get3A_297 = vector.shape_cast %get3A_296 : vector<1x16xf32> to vector<16xf32>
            %mul3A_298 = arith.mulf %get3A_293, %get3A_297 : vector<16xf32>
            %swap3A_299 = arith.index_cast %scan3A_207 : i32 to index
            %swap3A_300 = arith.constant 96 : index
            %swap3A_301 = tpu.vector_load %arg20[%swap3A_299, %swap3A_300] {strides = array<i32>} : memref<80x128xf32, #tpu.memory_space<vmem>>, vector<1x16xf32>,
            %swap3A_302 = vector.shape_cast %swap3A_301 : vector<1x16xf32> to vector<16xf32>
            %swap3A_303 = vector.shape_cast %mul3A_298 : vector<16xf32> to vector<1x16xf32>
            tpu.vector_store %arg20[%swap3A_299, %swap3A_300], %swap3A_303 {strides = array<i32>} : memref<80x128xf32, #tpu.memory_space<vmem>>, vector<1x16xf32>,
            %get3A_304 = arith.index_cast %scan3A_207 : i32 to index
            %get3A_305 = arith.constant 112 : index
            %get3A_306 = tpu.vector_load %arg20[%get3A_304, %get3A_305] {strides = array<i32>} : memref<80x128xf32, #tpu.memory_space<vmem>>, vector<1x16xf32>,
            %get3A_307 = vector.shape_cast %get3A_306 : vector<1x16xf32> to vector<16xf32>
            %get3A_308 = arith.index_cast %scan3A_207 : i32 to index
            %get3A_309 = arith.constant 112 : index
            %get3A_310 = tpu.vector_load %arg18[%get3A_308, %get3A_309] {strides = array<i32>} : memref<80x128xf32, #tpu.memory_space<vmem>>, vector<1x16xf32>,
            %get3A_311 = vector.shape_cast %get3A_310 : vector<1x16xf32> to vector<16xf32>
            %mul3A_312 = arith.mulf %get3A_307, %get3A_311 : vector<16xf32>
            %swap3A_313 = arith.index_cast %scan3A_207 : i32 to index
            %swap3A_314 = arith.constant 112 : index
            %swap3A_315 = tpu.vector_load %arg20[%swap3A_313, %swap3A_314] {strides = array<i32>} : memref<80x128xf32, #tpu.memory_space<vmem>>, vector<1x16xf32>,
            %swap3A_316 = vector.shape_cast %swap3A_315 : vector<1x16xf32> to vector<16xf32>
            %swap3A_317 = vector.shape_cast %mul3A_312 : vector<16xf32> to vector<1x16xf32>
            tpu.vector_store %arg20[%swap3A_313, %swap3A_314], %swap3A_317 {strides = array<i32>} : memref<80x128xf32, #tpu.memory_space<vmem>>, vector<1x16xf32>,
          }
          %scan3A_171 = arith.constant 80 : i32
          "tpu.region"() ({
            %run_scoped3A = tpu.sem_alloc : memref<!tpu.dma_semaphore, #tpu.memory_space<semaphore_mem>>
            %dma_start3A_207 = arith.constant 0 : i32
            %dma_start3A_208 = tpu.memref_slice %arg15[%mul3A_125, %dma_start3A_207] : memref<16x80xi32, #tpu.memory_space<vmem>> -> memref<1x80xi32, #tpu.memory_space<vmem>>
            %dma_start3A_209 = tpu.memref_squeeze %dma_start3A_208 : memref<1x80xi32, #tpu.memory_space<vmem>> -> memref<80xi32, #tpu.memory_space<vmem>>
            %dma_start3A_210 = arith.constant 0 : i32
            %dma_start3A_211 = arith.constant 0 : i32
            %dma_start3A_212 = tpu.memref_slice %arg13[%dma_start3A_210, %dma_start3A_211] : memref<10112x128xf32, #tpu.memory_space<vmem_shared>> -> memref<10112x128xf32, #tpu.memory_space<vmem_shared>>
            tpu.enqueue_indirect_dma source(%arg20 : memref<80x128xf32, #tpu.memory_space<vmem>>) target(%dma_start3A_212 : memref<10112x128xf32, #tpu.memory_space<vmem_shared>>) offsets(%dma_start3A_209 : memref<80xi32, #tpu.memory_space<vmem>>) semaphore(%run_scoped3A : memref<!tpu.dma_semaphore, #tpu.memory_space<semaphore_mem>>) {add = true}
            %dma_wait3A_213 = arith.constant 0 : i32
            %dma_wait3A_214 = tpu.memref_slice %arg15[%mul3A_125, %dma_wait3A_213] : memref<16x80xi32, #tpu.memory_space<vmem>> -> memref<1x80xi32, #tpu.memory_space<vmem>>
            %dma_wait3A_215 = tpu.memref_squeeze %dma_wait3A_214 : memref<1x80xi32, #tpu.memory_space<vmem>> -> memref<80xi32, #tpu.memory_space<vmem>>
            %dma_wait3A_216 = arith.constant 0 : i32
            %dma_wait3A_217 = arith.constant 0 : i32
            %dma_wait3A_218 = tpu.memref_slice %arg13[%dma_wait3A_216, %dma_wait3A_217] : memref<10112x128xf32, #tpu.memory_space<vmem_shared>> -> memref<10112x128xf32, #tpu.memory_space<vmem_shared>>
            tpu.wait_indirect_dma semaphore(%run_scoped3A : memref<!tpu.dma_semaphore, #tpu.memory_space<semaphore_mem>>) src(%arg20 : memref<80x128xf32, #tpu.memory_space<vmem>>) dst(%dma_wait3A_218 : memref<10112x128xf32, #tpu.memory_space<vmem_shared>>)
            tpu.yield
          }) : () -> ()
          %add3A_172 = arith.constant 2 : i32
          %add3A_173 = arith.addi %mul3A_125, %add3A_172 : i32
          %lt3A_174 = arith.constant 16 : i32
          %lt3A_175 = arith.cmpi slt, %add3A_173, %lt3A_174 : i32
          %convert_element_type3A_176 = arith.extui %lt3A_175 : i1 to i32
          %cond3A_177 = arith.constant 0 : i32
          %cond3A_178 = arith.cmpi ne, %convert_element_type3A_176, %cond3A_177 : i32
          scf.if %cond3A_178 {
            %add3A_207 = arith.addi %mul3A_53, %mul3A_125 : i32
            %add3A_208 = arith.constant 2 : i32
            %add3A_209 = arith.addi %add3A_207, %add3A_208 : i32
            %add3A_210 = arith.constant 2 : i32
            %add3A_211 = arith.addi %mul3A_125, %add3A_210 : i32
            %dma_start3A_212 = arith.constant 0 : i32
            %dma_start3A_213 = tpu.memref_slice %arg14[%add3A_211, %dma_start3A_212] : memref<16x80xi32, #tpu.memory_space<vmem>> -> memref<1x80xi32, #tpu.memory_space<vmem>>
            %dma_start3A_214 = tpu.memref_squeeze %dma_start3A_213 : memref<1x80xi32, #tpu.memory_space<vmem>> -> memref<80xi32, #tpu.memory_space<vmem>>
            %dma_start3A_215 = arith.constant 0 : i32
            %dma_start3A_216 = arith.constant 0 : i32
            %dma_start3A_217 = tpu.memref_slice %arg2[%dma_start3A_215, %dma_start3A_216] : memref<10000x128xf32, #tpu.memory_space<hbm>> -> memref<10000x128xf32, #tpu.memory_space<hbm>>
            tpu.enqueue_indirect_dma source(%dma_start3A_217 : memref<10000x128xf32, #tpu.memory_space<hbm>>) target(%arg18 : memref<80x128xf32, #tpu.memory_space<vmem>>) offsets(%dma_start3A_214 : memref<80xi32, #tpu.memory_space<vmem>>) semaphore(%arg24 : memref<!tpu.dma_semaphore, #tpu.memory_space<semaphore_mem>>)
            %lt3A_218 = arith.constant 250 : i32
            %lt3A_219 = arith.cmpi slt, %add3A_209, %lt3A_218 : i32
            %mul3A_220 = arith.constant 80 : i32
            %mul3A_221 = arith.muli %add3A_209, %mul3A_220 : i32
            %jit3A_222 = arith.constant 0 : i32
            %select_n3A_223 = arith.select %lt3A_219, %mul3A_221, %jit3A_222 : i32
            %add3A_224 = arith.addi %mul3A_11, %select_n3A_223 : i32
            %dma_start3A_225 = arith.constant 0 : i32
            %dma_start3A_226 = tpu.memref_slice %arg9[%add3A_224, %dma_start3A_225] : memref<320000x128xf32, #tpu.memory_space<hbm>> -> memref<80x128xf32, #tpu.memory_space<hbm>>
            %dma_start3A_227 = arith.constant 0 : i32
            %dma_start3A_228 = tpu.memref_slice %arg9[%add3A_224, %dma_start3A_227] : memref<320000x128xf32, #tpu.memory_space<hbm>> -> memref<80x128xf32, #tpu.memory_space<hbm>>
            tpu.enqueue_dma source(%dma_start3A_228 : memref<80x128xf32, #tpu.memory_space<hbm>>) target(%arg20 : memref<80x128xf32, #tpu.memory_space<vmem>>) target_semaphore(%arg24 : memref<!tpu.dma_semaphore, #tpu.memory_space<semaphore_mem>>)
          } else {
          }
          %add3A_179 = arith.addi %mul3A_53, %mul3A_125 : i32
          %add3A_180 = arith.constant 1 : i32
          %add3A_181 = arith.addi %add3A_179, %add3A_180 : i32
          %add3A_182 = arith.constant 1 : i32
          %add3A_183 = arith.addi %mul3A_125, %add3A_182 : i32
          %dma_wait3A_184 = arith.constant 0 : i32
          %dma_wait3A_185 = tpu.memref_slice %arg14[%add3A_183, %dma_wait3A_184] : memref<16x80xi32, #tpu.memory_space<vmem>> -> memref<1x80xi32, #tpu.memory_space<vmem>>
          %dma_wait3A_186 = tpu.memref_squeeze %dma_wait3A_185 : memref<1x80xi32, #tpu.memory_space<vmem>> -> memref<80xi32, #tpu.memory_space<vmem>>
          %dma_wait3A_187 = arith.constant 0 : i32
          %dma_wait3A_188 = arith.constant 0 : i32
          %dma_wait3A_189 = tpu.memref_slice %arg3[%dma_wait3A_187, %dma_wait3A_188] : memref<10000x128xf32, #tpu.memory_space<hbm>> -> memref<10000x128xf32, #tpu.memory_space<hbm>>
          tpu.wait_indirect_dma semaphore(%arg25 : memref<!tpu.dma_semaphore, #tpu.memory_space<semaphore_mem>>) src(%dma_wait3A_189 : memref<10000x128xf32, #tpu.memory_space<hbm>>) dst(%arg19 : memref<80x128xf32, #tpu.memory_space<vmem>>)
          %lt3A_190 = arith.constant 250 : i32
          %lt3A_191 = arith.cmpi slt, %add3A_181, %lt3A_190 : i32
          %mul3A_192 = arith.constant 80 : i32
          %mul3A_193 = arith.muli %add3A_181, %mul3A_192 : i32
          %jit3A_194 = arith.constant 0 : i32
          %select_n3A_195 = arith.select %lt3A_191, %mul3A_193, %jit3A_194 : i32
          %add3A_196 = arith.addi %mul3A_11, %select_n3A_195 : i32
          %dma_wait3A_197 = arith.constant 0 : i32
          %dma_wait3A_198 = tpu.memref_slice %arg9[%add3A_196, %dma_wait3A_197] : memref<320000x128xf32, #tpu.memory_space<hbm>> -> memref<80x128xf32, #tpu.memory_space<hbm>>
          %dma_wait3A_199 = arith.constant 0 : i32
          %dma_wait3A_200 = tpu.memref_slice %arg9[%add3A_196, %dma_wait3A_199] : memref<320000x128xf32, #tpu.memory_space<hbm>> -> memref<80x128xf32, #tpu.memory_space<hbm>>
          tpu.wait_dma2 semaphore(%arg25 : memref<!tpu.dma_semaphore, #tpu.memory_space<semaphore_mem>>) src(%dma_wait3A_200 : memref<80x128xf32, #tpu.memory_space<hbm>>) dst(%arg21 : memref<80x128xf32, #tpu.memory_space<vmem>>)
          %scan3A_201 = arith.constant 0 : i32
          %scan3A_202 = arith.constant 0 : i32
          %scan3A_203 = arith.constant 80 : i32
          %scan3A_204 = arith.addi %scan3A_202, %scan3A_203 : i32
          %scan3A_205 = arith.constant 1 : i32
          scf.for %scan3A_207 = %scan3A_202 to %scan3A_204 step %scan3A_205  : i32 {
            %get3A = arith.index_cast %scan3A_207 : i32 to index
            %get3A_208 = arith.constant 0 : index
            %get3A_209 = tpu.vector_load %arg21[%get3A, %get3A_208] {strides = array<i32>} : memref<80x128xf32, #tpu.memory_space<vmem>>, vector<1x16xf32>,
            %get3A_210 = vector.shape_cast %get3A_209 : vector<1x16xf32> to vector<16xf32>
            %get3A_211 = arith.index_cast %scan3A_207 : i32 to index
            %get3A_212 = arith.constant 0 : index
            %get3A_213 = tpu.vector_load %arg19[%get3A_211, %get3A_212] {strides = array<i32>} : memref<80x128xf32, #tpu.memory_space<vmem>>, vector<1x16xf32>,
            %get3A_214 = vector.shape_cast %get3A_213 : vector<1x16xf32> to vector<16xf32>
            %mul3A_215 = arith.mulf %get3A_210, %get3A_214 : vector<16xf32>
            %swap3A = arith.index_cast %scan3A_207 : i32 to index
            %swap3A_216 = arith.constant 0 : index
            %swap3A_217 = tpu.vector_load %arg21[%swap3A, %swap3A_216] {strides = array<i32>} : memref<80x128xf32, #tpu.memory_space<vmem>>, vector<1x16xf32>,
            %swap3A_218 = vector.shape_cast %swap3A_217 : vector<1x16xf32> to vector<16xf32>
            %swap3A_219 = vector.shape_cast %mul3A_215 : vector<16xf32> to vector<1x16xf32>
            tpu.vector_store %arg21[%swap3A, %swap3A_216], %swap3A_219 {strides = array<i32>} : memref<80x128xf32, #tpu.memory_space<vmem>>, vector<1x16xf32>,
            %get3A_220 = arith.index_cast %scan3A_207 : i32 to index
            %get3A_221 = arith.constant 16 : index
            %get3A_222 = tpu.vector_load %arg21[%get3A_220, %get3A_221] {strides = array<i32>} : memref<80x128xf32, #tpu.memory_space<vmem>>, vector<1x16xf32>,
            %get3A_223 = vector.shape_cast %get3A_222 : vector<1x16xf32> to vector<16xf32>
            %get3A_224 = arith.index_cast %scan3A_207 : i32 to index
            %get3A_225 = arith.constant 16 : index
            %get3A_226 = tpu.vector_load %arg19[%get3A_224, %get3A_225] {strides = array<i32>} : memref<80x128xf32, #tpu.memory_space<vmem>>, vector<1x16xf32>,
            %get3A_227 = vector.shape_cast %get3A_226 : vector<1x16xf32> to vector<16xf32>
            %mul3A_228 = arith.mulf %get3A_223, %get3A_227 : vector<16xf32>
            %swap3A_229 = arith.index_cast %scan3A_207 : i32 to index
            %swap3A_230 = arith.constant 16 : index
            %swap3A_231 = tpu.vector_load %arg21[%swap3A_229, %swap3A_230] {strides = array<i32>} : memref<80x128xf32, #tpu.memory_space<vmem>>, vector<1x16xf32>,
            %swap3A_232 = vector.shape_cast %swap3A_231 : vector<1x16xf32> to vector<16xf32>
            %swap3A_233 = vector.shape_cast %mul3A_228 : vector<16xf32> to vector<1x16xf32>
            tpu.vector_store %arg21[%swap3A_229, %swap3A_230], %swap3A_233 {strides = array<i32>} : memref<80x128xf32, #tpu.memory_space<vmem>>, vector<1x16xf32>,
            %get3A_234 = arith.index_cast %scan3A_207 : i32 to index
            %get3A_235 = arith.constant 32 : index
            %get3A_236 = tpu.vector_load %arg21[%get3A_234, %get3A_235] {strides = array<i32>} : memref<80x128xf32, #tpu.memory_space<vmem>>, vector<1x16xf32>,
            %get3A_237 = vector.shape_cast %get3A_236 : vector<1x16xf32> to vector<16xf32>
            %get3A_238 = arith.index_cast %scan3A_207 : i32 to index
            %get3A_239 = arith.constant 32 : index
            %get3A_240 = tpu.vector_load %arg19[%get3A_238, %get3A_239] {strides = array<i32>} : memref<80x128xf32, #tpu.memory_space<vmem>>, vector<1x16xf32>,
            %get3A_241 = vector.shape_cast %get3A_240 : vector<1x16xf32> to vector<16xf32>
            %mul3A_242 = arith.mulf %get3A_237, %get3A_241 : vector<16xf32>
            %swap3A_243 = arith.index_cast %scan3A_207 : i32 to index
            %swap3A_244 = arith.constant 32 : index
            %swap3A_245 = tpu.vector_load %arg21[%swap3A_243, %swap3A_244] {strides = array<i32>} : memref<80x128xf32, #tpu.memory_space<vmem>>, vector<1x16xf32>,
            %swap3A_246 = vector.shape_cast %swap3A_245 : vector<1x16xf32> to vector<16xf32>
            %swap3A_247 = vector.shape_cast %mul3A_242 : vector<16xf32> to vector<1x16xf32>
            tpu.vector_store %arg21[%swap3A_243, %swap3A_244], %swap3A_247 {strides = array<i32>} : memref<80x128xf32, #tpu.memory_space<vmem>>, vector<1x16xf32>,
            %get3A_248 = arith.index_cast %scan3A_207 : i32 to index
            %get3A_249 = arith.constant 48 : index
            %get3A_250 = tpu.vector_load %arg21[%get3A_248, %get3A_249] {strides = array<i32>} : memref<80x128xf32, #tpu.memory_space<vmem>>, vector<1x16xf32>,
            %get3A_251 = vector.shape_cast %get3A_250 : vector<1x16xf32> to vector<16xf32>
            %get3A_252 = arith.index_cast %scan3A_207 : i32 to index
            %get3A_253 = arith.constant 48 : index
            %get3A_254 = tpu.vector_load %arg19[%get3A_252, %get3A_253] {strides = array<i32>} : memref<80x128xf32, #tpu.memory_space<vmem>>, vector<1x16xf32>,
            %get3A_255 = vector.shape_cast %get3A_254 : vector<1x16xf32> to vector<16xf32>
            %mul3A_256 = arith.mulf %get3A_251, %get3A_255 : vector<16xf32>
            %swap3A_257 = arith.index_cast %scan3A_207 : i32 to index
            %swap3A_258 = arith.constant 48 : index
            %swap3A_259 = tpu.vector_load %arg21[%swap3A_257, %swap3A_258] {strides = array<i32>} : memref<80x128xf32, #tpu.memory_space<vmem>>, vector<1x16xf32>,
            %swap3A_260 = vector.shape_cast %swap3A_259 : vector<1x16xf32> to vector<16xf32>
            %swap3A_261 = vector.shape_cast %mul3A_256 : vector<16xf32> to vector<1x16xf32>
            tpu.vector_store %arg21[%swap3A_257, %swap3A_258], %swap3A_261 {strides = array<i32>} : memref<80x128xf32, #tpu.memory_space<vmem>>, vector<1x16xf32>,
            %get3A_262 = arith.index_cast %scan3A_207 : i32 to index
            %get3A_263 = arith.constant 64 : index
            %get3A_264 = tpu.vector_load %arg21[%get3A_262, %get3A_263] {strides = array<i32>} : memref<80x128xf32, #tpu.memory_space<vmem>>, vector<1x16xf32>,
            %get3A_265 = vector.shape_cast %get3A_264 : vector<1x16xf32> to vector<16xf32>
            %get3A_266 = arith.index_cast %scan3A_207 : i32 to index
            %get3A_267 = arith.constant 64 : index
            %get3A_268 = tpu.vector_load %arg19[%get3A_266, %get3A_267] {strides = array<i32>} : memref<80x128xf32, #tpu.memory_space<vmem>>, vector<1x16xf32>,
            %get3A_269 = vector.shape_cast %get3A_268 : vector<1x16xf32> to vector<16xf32>
            %mul3A_270 = arith.mulf %get3A_265, %get3A_269 : vector<16xf32>
            %swap3A_271 = arith.index_cast %scan3A_207 : i32 to index
            %swap3A_272 = arith.constant 64 : index
            %swap3A_273 = tpu.vector_load %arg21[%swap3A_271, %swap3A_272] {strides = array<i32>} : memref<80x128xf32, #tpu.memory_space<vmem>>, vector<1x16xf32>,
            %swap3A_274 = vector.shape_cast %swap3A_273 : vector<1x16xf32> to vector<16xf32>
            %swap3A_275 = vector.shape_cast %mul3A_270 : vector<16xf32> to vector<1x16xf32>
            tpu.vector_store %arg21[%swap3A_271, %swap3A_272], %swap3A_275 {strides = array<i32>} : memref<80x128xf32, #tpu.memory_space<vmem>>, vector<1x16xf32>,
            %get3A_276 = arith.index_cast %scan3A_207 : i32 to index
            %get3A_277 = arith.constant 80 : index
            %get3A_278 = tpu.vector_load %arg21[%get3A_276, %get3A_277] {strides = array<i32>} : memref<80x128xf32, #tpu.memory_space<vmem>>, vector<1x16xf32>,
            %get3A_279 = vector.shape_cast %get3A_278 : vector<1x16xf32> to vector<16xf32>
            %get3A_280 = arith.index_cast %scan3A_207 : i32 to index
            %get3A_281 = arith.constant 80 : index
            %get3A_282 = tpu.vector_load %arg19[%get3A_280, %get3A_281] {strides = array<i32>} : memref<80x128xf32, #tpu.memory_space<vmem>>, vector<1x16xf32>,
            %get3A_283 = vector.shape_cast %get3A_282 : vector<1x16xf32> to vector<16xf32>
            %mul3A_284 = arith.mulf %get3A_279, %get3A_283 : vector<16xf32>
            %swap3A_285 = arith.index_cast %scan3A_207 : i32 to index
            %swap3A_286 = arith.constant 80 : index
            %swap3A_287 = tpu.vector_load %arg21[%swap3A_285, %swap3A_286] {strides = array<i32>} : memref<80x128xf32, #tpu.memory_space<vmem>>, vector<1x16xf32>,
            %swap3A_288 = vector.shape_cast %swap3A_287 : vector<1x16xf32> to vector<16xf32>
            %swap3A_289 = vector.shape_cast %mul3A_284 : vector<16xf32> to vector<1x16xf32>
            tpu.vector_store %arg21[%swap3A_285, %swap3A_286], %swap3A_289 {strides = array<i32>} : memref<80x128xf32, #tpu.memory_space<vmem>>, vector<1x16xf32>,
            %get3A_290 = arith.index_cast %scan3A_207 : i32 to index
            %get3A_291 = arith.constant 96 : index
            %get3A_292 = tpu.vector_load %arg21[%get3A_290, %get3A_291] {strides = array<i32>} : memref<80x128xf32, #tpu.memory_space<vmem>>, vector<1x16xf32>,
            %get3A_293 = vector.shape_cast %get3A_292 : vector<1x16xf32> to vector<16xf32>
            %get3A_294 = arith.index_cast %scan3A_207 : i32 to index
            %get3A_295 = arith.constant 96 : index
            %get3A_296 = tpu.vector_load %arg19[%get3A_294, %get3A_295] {strides = array<i32>} : memref<80x128xf32, #tpu.memory_space<vmem>>, vector<1x16xf32>,
            %get3A_297 = vector.shape_cast %get3A_296 : vector<1x16xf32> to vector<16xf32>
            %mul3A_298 = arith.mulf %get3A_293, %get3A_297 : vector<16xf32>
            %swap3A_299 = arith.index_cast %scan3A_207 : i32 to index
            %swap3A_300 = arith.constant 96 : index
            %swap3A_301 = tpu.vector_load %arg21[%swap3A_299, %swap3A_300] {strides = array<i32>} : memref<80x128xf32, #tpu.memory_space<vmem>>, vector<1x16xf32>,
            %swap3A_302 = vector.shape_cast %swap3A_301 : vector<1x16xf32> to vector<16xf32>
            %swap3A_303 = vector.shape_cast %mul3A_298 : vector<16xf32> to vector<1x16xf32>
            tpu.vector_store %arg21[%swap3A_299, %swap3A_300], %swap3A_303 {strides = array<i32>} : memref<80x128xf32, #tpu.memory_space<vmem>>, vector<1x16xf32>,
            %get3A_304 = arith.index_cast %scan3A_207 : i32 to index
            %get3A_305 = arith.constant 112 : index
            %get3A_306 = tpu.vector_load %arg21[%get3A_304, %get3A_305] {strides = array<i32>} : memref<80x128xf32, #tpu.memory_space<vmem>>, vector<1x16xf32>,
            %get3A_307 = vector.shape_cast %get3A_306 : vector<1x16xf32> to vector<16xf32>
            %get3A_308 = arith.index_cast %scan3A_207 : i32 to index
            %get3A_309 = arith.constant 112 : index
            %get3A_310 = tpu.vector_load %arg19[%get3A_308, %get3A_309] {strides = array<i32>} : memref<80x128xf32, #tpu.memory_space<vmem>>, vector<1x16xf32>,
            %get3A_311 = vector.shape_cast %get3A_310 : vector<1x16xf32> to vector<16xf32>
            %mul3A_312 = arith.mulf %get3A_307, %get3A_311 : vector<16xf32>
            %swap3A_313 = arith.index_cast %scan3A_207 : i32 to index
            %swap3A_314 = arith.constant 112 : index
            %swap3A_315 = tpu.vector_load %arg21[%swap3A_313, %swap3A_314] {strides = array<i32>} : memref<80x128xf32, #tpu.memory_space<vmem>>, vector<1x16xf32>,
            %swap3A_316 = vector.shape_cast %swap3A_315 : vector<1x16xf32> to vector<16xf32>
            %swap3A_317 = vector.shape_cast %mul3A_312 : vector<16xf32> to vector<1x16xf32>
            tpu.vector_store %arg21[%swap3A_313, %swap3A_314], %swap3A_317 {strides = array<i32>} : memref<80x128xf32, #tpu.memory_space<vmem>>, vector<1x16xf32>,
          }
          %scan3A_206 = arith.constant 80 : i32
          "tpu.region"() ({
            %run_scoped3A = tpu.sem_alloc : memref<!tpu.dma_semaphore, #tpu.memory_space<semaphore_mem>>
            %dma_start3A_207 = arith.constant 0 : i32
            %dma_start3A_208 = tpu.memref_slice %arg15[%add3A_183, %dma_start3A_207] : memref<16x80xi32, #tpu.memory_space<vmem>> -> memref<1x80xi32, #tpu.memory_space<vmem>>
            %dma_start3A_209 = tpu.memref_squeeze %dma_start3A_208 : memref<1x80xi32, #tpu.memory_space<vmem>> -> memref<80xi32, #tpu.memory_space<vmem>>
            %dma_start3A_210 = arith.constant 0 : i32
            %dma_start3A_211 = arith.constant 0 : i32
            %dma_start3A_212 = tpu.memref_slice %arg13[%dma_start3A_210, %dma_start3A_211] : memref<10112x128xf32, #tpu.memory_space<vmem_shared>> -> memref<10112x128xf32, #tpu.memory_space<vmem_shared>>
            tpu.enqueue_indirect_dma source(%arg21 : memref<80x128xf32, #tpu.memory_space<vmem>>) target(%dma_start3A_212 : memref<10112x128xf32, #tpu.memory_space<vmem_shared>>) offsets(%dma_start3A_209 : memref<80xi32, #tpu.memory_space<vmem>>) semaphore(%run_scoped3A : memref<!tpu.dma_semaphore, #tpu.memory_space<semaphore_mem>>) {add = true}
            %dma_wait3A_213 = arith.constant 0 : i32
            %dma_wait3A_214 = tpu.memref_slice %arg15[%add3A_183, %dma_wait3A_213] : memref<16x80xi32, #tpu.memory_space<vmem>> -> memref<1x80xi32, #tpu.memory_space<vmem>>
            %dma_wait3A_215 = tpu.memref_squeeze %dma_wait3A_214 : memref<1x80xi32, #tpu.memory_space<vmem>> -> memref<80xi32, #tpu.memory_space<vmem>>
            %dma_wait3A_216 = arith.constant 0 : i32
            %dma_wait3A_217 = arith.constant 0 : i32
            %dma_wait3A_218 = tpu.memref_slice %arg13[%dma_wait3A_216, %dma_wait3A_217] : memref<10112x128xf32, #tpu.memory_space<vmem_shared>> -> memref<10112x128xf32, #tpu.memory_space<vmem_shared>>
            tpu.wait_indirect_dma semaphore(%run_scoped3A : memref<!tpu.dma_semaphore, #tpu.memory_space<semaphore_mem>>) src(%arg21 : memref<80x128xf32, #tpu.memory_space<vmem>>) dst(%dma_wait3A_218 : memref<10112x128xf32, #tpu.memory_space<vmem_shared>>)
            tpu.yield
          }) : () -> ()
        }
        %scan3A_74 = arith.constant 8 : i32
        %add3A_75 = arith.constant 1 : i32
        %add3A_76 = arith.addi %mul3A_28, %add3A_75 : i32
        %mul3A_77 = arith.constant 16 : i32
        %mul3A_78 = arith.muli %add3A_76, %mul3A_77 : i32
        %add3A_79 = arith.addi %mul3A_9, %mul3A_78 : i32
        %dma_wait3A_80 = arith.constant 0 : i32
        %dma_wait3A_81 = tpu.memref_slice %arg7[%add3A_79, %dma_wait3A_80] : memref<4096x80xi32, #tpu.memory_space<hbm>> -> memref<16x80xi32, #tpu.memory_space<hbm>>
        %dma_wait3A_82 = arith.constant 0 : i32
        %dma_wait3A_83 = tpu.memref_slice %arg7[%add3A_79, %dma_wait3A_82] : memref<4096x80xi32, #tpu.memory_space<hbm>> -> memref<16x80xi32, #tpu.memory_space<hbm>>
        tpu.wait_dma2 semaphore(%arg23 : memref<!tpu.dma_semaphore, #tpu.memory_space<semaphore_mem>>) src(%dma_wait3A_83 : memref<16x80xi32, #tpu.memory_space<hbm>>) dst(%arg16 : memref<16x80xi32, #tpu.memory_space<vmem>>)
        %dma_wait3A_84 = arith.constant 0 : i32
        %dma_wait3A_85 = tpu.memref_slice %arg8[%add3A_79, %dma_wait3A_84] : memref<4096x80xi32, #tpu.memory_space<hbm>> -> memref<16x80xi32, #tpu.memory_space<hbm>>
        %dma_wait3A_86 = arith.constant 0 : i32
        %dma_wait3A_87 = tpu.memref_slice %arg8[%add3A_79, %dma_wait3A_86] : memref<4096x80xi32, #tpu.memory_space<hbm>> -> memref<16x80xi32, #tpu.memory_space<hbm>>
        tpu.wait_dma2 semaphore(%arg23 : memref<!tpu.dma_semaphore, #tpu.memory_space<semaphore_mem>>) src(%dma_wait3A_87 : memref<16x80xi32, #tpu.memory_space<hbm>>) dst(%arg17 : memref<16x80xi32, #tpu.memory_space<vmem>>)
        %add3A_88 = arith.constant 2 : i32
        %add3A_89 = arith.addi %mul3A_28, %add3A_88 : i32
        %lt3A_90 = arith.constant 16 : i32
        %lt3A_91 = arith.cmpi slt, %add3A_89, %lt3A_90 : i32
        %convert_element_type3A_92 = arith.extui %lt3A_91 : i1 to i32
        %cond3A_93 = arith.constant 0 : i32
        %cond3A_94 = arith.cmpi ne, %convert_element_type3A_92, %cond3A_93 : i32
        scf.if %cond3A_94 {
          %add3A_123 = arith.constant 2 : i32
          %add3A_124 = arith.addi %mul3A_28, %add3A_123 : i32
          %mul3A_125 = arith.constant 16 : i32
          %mul3A_126 = arith.muli %add3A_124, %mul3A_125 : i32
          %add3A_127 = arith.addi %mul3A_9, %mul3A_126 : i32
          %dma_start3A_128 = arith.constant 0 : i32
          %dma_start3A_129 = tpu.memref_slice %arg7[%add3A_127, %dma_start3A_128] : memref<4096x80xi32, #tpu.memory_space<hbm>> -> memref<16x80xi32, #tpu.memory_space<hbm>>
          %dma_start3A_130 = arith.constant 0 : i32
          %dma_start3A_131 = tpu.memref_slice %arg7[%add3A_127, %dma_start3A_130] : memref<4096x80xi32, #tpu.memory_space<hbm>> -> memref<16x80xi32, #tpu.memory_space<hbm>>
          tpu.enqueue_dma source(%dma_start3A_131 : memref<16x80xi32, #tpu.memory_space<hbm>>) target(%arg14 : memref<16x80xi32, #tpu.memory_space<vmem>>) target_semaphore(%arg22 : memref<!tpu.dma_semaphore, #tpu.memory_space<semaphore_mem>>)
          %dma_start3A_132 = arith.constant 0 : i32
          %dma_start3A_133 = tpu.memref_slice %arg8[%add3A_127, %dma_start3A_132] : memref<4096x80xi32, #tpu.memory_space<hbm>> -> memref<16x80xi32, #tpu.memory_space<hbm>>
          %dma_start3A_134 = arith.constant 0 : i32
          %dma_start3A_135 = tpu.memref_slice %arg8[%add3A_127, %dma_start3A_134] : memref<4096x80xi32, #tpu.memory_space<hbm>> -> memref<16x80xi32, #tpu.memory_space<hbm>>
          tpu.enqueue_dma source(%dma_start3A_135 : memref<16x80xi32, #tpu.memory_space<hbm>>) target(%arg15 : memref<16x80xi32, #tpu.memory_space<vmem>>) target_semaphore(%arg22 : memref<!tpu.dma_semaphore, #tpu.memory_space<semaphore_mem>>)
        } else {
        }
        %add3A_95 = arith.constant 1 : i32
        %add3A_96 = arith.addi %mul3A_28, %add3A_95 : i32
        %mul3A_97 = arith.constant 16 : i32
        %mul3A_98 = arith.muli %add3A_96, %mul3A_97 : i32
        %dma_start3A_99 = arith.constant 0 : i32
        %dma_start3A_100 = arith.constant 0 : i32
        %dma_start3A_101 = tpu.memref_slice %arg16[%dma_start3A_99, %dma_start3A_100] : memref<16x80xi32, #tpu.memory_space<vmem>> -> memref<1x80xi32, #tpu.memory_space<vmem>>
        %dma_start3A_102 = tpu.memref_squeeze %dma_start3A_101 : memref<1x80xi32, #tpu.memory_space<vmem>> -> memref<80xi32, #tpu.memory_space<vmem>>
        %dma_start3A_103 = arith.constant 0 : i32
        %dma_start3A_104 = arith.constant 0 : i32
        %dma_start3A_105 = tpu.memref_slice %arg2[%dma_start3A_103, %dma_start3A_104] : memref<10000x128xf32, #tpu.memory_space<hbm>> -> memref<10000x128xf32, #tpu.memory_space<hbm>>
        tpu.enqueue_indirect_dma source(%dma_start3A_105 : memref<10000x128xf32, #tpu.memory_space<hbm>>) target(%arg18 : memref<80x128xf32, #tpu.memory_space<vmem>>) offsets(%dma_start3A_102 : memref<80xi32, #tpu.memory_space<vmem>>) semaphore(%arg24 : memref<!tpu.dma_semaphore, #tpu.memory_space<semaphore_mem>>)
        %lt3A_106 = arith.constant 250 : i32
        %lt3A_107 = arith.cmpi slt, %mul3A_98, %lt3A_106 : i32
        %mul3A_108 = arith.constant 80 : i32
        %mul3A_109 = arith.muli %mul3A_98, %mul3A_108 : i32
        %jit3A_110 = arith.constant 0 : i32
        %select_n3A_111 = arith.select %lt3A_107, %mul3A_109, %jit3A_110 : i32
        %add3A_112 = arith.addi %mul3A_11, %select_n3A_111 : i32
        %dma_start3A_113 = arith.constant 0 : i32
        %dma_start3A_114 = tpu.memref_slice %arg9[%add3A_112, %dma_start3A_113] : memref<320000x128xf32, #tpu.memory_space<hbm>> -> memref<80x128xf32, #tpu.memory_space<hbm>>
        %dma_start3A_115 = arith.constant 0 : i32
        %dma_start3A_116 = tpu.memref_slice %arg9[%add3A_112, %dma_start3A_115] : memref<320000x128xf32, #tpu.memory_space<hbm>> -> memref<80x128xf32, #tpu.memory_space<hbm>>
        tpu.enqueue_dma source(%dma_start3A_116 : memref<80x128xf32, #tpu.memory_space<hbm>>) target(%arg20 : memref<80x128xf32, #tpu.memory_space<vmem>>) target_semaphore(%arg24 : memref<!tpu.dma_semaphore, #tpu.memory_space<semaphore_mem>>)
        %scan3A_117 = arith.constant 0 : i32
        %scan3A_118 = arith.constant 0 : i32
        %scan3A_119 = arith.constant 8 : i32
        %scan3A_120 = arith.addi %scan3A_118, %scan3A_119 : i32
        %scan3A_121 = arith.constant 1 : i32
        scf.for %scan3A_123 = %scan3A_118 to %scan3A_120 step %scan3A_121  : i32 {
          %mul3A_124 = arith.constant 2 : i32
          %mul3A_125 = arith.muli %mul3A_124, %scan3A_123 : i32
          %add3A_126 = arith.addi %mul3A_98, %mul3A_125 : i32
          %add3A_127 = arith.constant 1 : i32
          %add3A_128 = arith.addi %add3A_126, %add3A_127 : i32
          %add3A_129 = arith.constant 1 : i32
          %add3A_130 = arith.addi %mul3A_125, %add3A_129 : i32
          %dma_start3A_131 = arith.constant 0 : i32
          %dma_start3A_132 = tpu.memref_slice %arg16[%add3A_130, %dma_start3A_131] : memref<16x80xi32, #tpu.memory_space<vmem>> -> memref<1x80xi32, #tpu.memory_space<vmem>>
          %dma_start3A_133 = tpu.memref_squeeze %dma_start3A_132 : memref<1x80xi32, #tpu.memory_space<vmem>> -> memref<80xi32, #tpu.memory_space<vmem>>
          %dma_start3A_134 = arith.constant 0 : i32
          %dma_start3A_135 = arith.constant 0 : i32
          %dma_start3A_136 = tpu.memref_slice %arg3[%dma_start3A_134, %dma_start3A_135] : memref<10000x128xf32, #tpu.memory_space<hbm>> -> memref<10000x128xf32, #tpu.memory_space<hbm>>
          tpu.enqueue_indirect_dma source(%dma_start3A_136 : memref<10000x128xf32, #tpu.memory_space<hbm>>) target(%arg19 : memref<80x128xf32, #tpu.memory_space<vmem>>) offsets(%dma_start3A_133 : memref<80xi32, #tpu.memory_space<vmem>>) semaphore(%arg25 : memref<!tpu.dma_semaphore, #tpu.memory_space<semaphore_mem>>)
          %lt3A_137 = arith.constant 250 : i32
          %lt3A_138 = arith.cmpi slt, %add3A_128, %lt3A_137 : i32
          %mul3A_139 = arith.constant 80 : i32
          %mul3A_140 = arith.muli %add3A_128, %mul3A_139 : i32
          %jit3A_141 = arith.constant 0 : i32
          %select_n3A_142 = arith.select %lt3A_138, %mul3A_140, %jit3A_141 : i32
          %add3A_143 = arith.addi %mul3A_11, %select_n3A_142 : i32
          %dma_start3A_144 = arith.constant 0 : i32
          %dma_start3A_145 = tpu.memref_slice %arg9[%add3A_143, %dma_start3A_144] : memref<320000x128xf32, #tpu.memory_space<hbm>> -> memref<80x128xf32, #tpu.memory_space<hbm>>
          %dma_start3A_146 = arith.constant 0 : i32
          %dma_start3A_147 = tpu.memref_slice %arg9[%add3A_143, %dma_start3A_146] : memref<320000x128xf32, #tpu.memory_space<hbm>> -> memref<80x128xf32, #tpu.memory_space<hbm>>
          tpu.enqueue_dma source(%dma_start3A_147 : memref<80x128xf32, #tpu.memory_space<hbm>>) target(%arg21 : memref<80x128xf32, #tpu.memory_space<vmem>>) target_semaphore(%arg25 : memref<!tpu.dma_semaphore, #tpu.memory_space<semaphore_mem>>)
          %add3A_148 = arith.addi %mul3A_98, %mul3A_125 : i32
          %dma_wait3A_149 = arith.constant 0 : i32
          %dma_wait3A_150 = tpu.memref_slice %arg16[%mul3A_125, %dma_wait3A_149] : memref<16x80xi32, #tpu.memory_space<vmem>> -> memref<1x80xi32, #tpu.memory_space<vmem>>
          %dma_wait3A_151 = tpu.memref_squeeze %dma_wait3A_150 : memref<1x80xi32, #tpu.memory_space<vmem>> -> memref<80xi32, #tpu.memory_space<vmem>>
          %dma_wait3A_152 = arith.constant 0 : i32
          %dma_wait3A_153 = arith.constant 0 : i32
          %dma_wait3A_154 = tpu.memref_slice %arg2[%dma_wait3A_152, %dma_wait3A_153] : memref<10000x128xf32, #tpu.memory_space<hbm>> -> memref<10000x128xf32, #tpu.memory_space<hbm>>
          tpu.wait_indirect_dma semaphore(%arg24 : memref<!tpu.dma_semaphore, #tpu.memory_space<semaphore_mem>>) src(%dma_wait3A_154 : memref<10000x128xf32, #tpu.memory_space<hbm>>) dst(%arg18 : memref<80x128xf32, #tpu.memory_space<vmem>>)
          %lt3A_155 = arith.constant 250 : i32
          %lt3A_156 = arith.cmpi slt, %add3A_148, %lt3A_155 : i32
          %mul3A_157 = arith.constant 80 : i32
          %mul3A_158 = arith.muli %add3A_148, %mul3A_157 : i32
          %jit3A_159 = arith.constant 0 : i32
          %select_n3A_160 = arith.select %lt3A_156, %mul3A_158, %jit3A_159 : i32
          %add3A_161 = arith.addi %mul3A_11, %select_n3A_160 : i32
          %dma_wait3A_162 = arith.constant 0 : i32
          %dma_wait3A_163 = tpu.memref_slice %arg9[%add3A_161, %dma_wait3A_162] : memref<320000x128xf32, #tpu.memory_space<hbm>> -> memref<80x128xf32, #tpu.memory_space<hbm>>
          %dma_wait3A_164 = arith.constant 0 : i32
          %dma_wait3A_165 = tpu.memref_slice %arg9[%add3A_161, %dma_wait3A_164] : memref<320000x128xf32, #tpu.memory_space<hbm>> -> memref<80x128xf32, #tpu.memory_space<hbm>>
          tpu.wait_dma2 semaphore(%arg24 : memref<!tpu.dma_semaphore, #tpu.memory_space<semaphore_mem>>) src(%dma_wait3A_165 : memref<80x128xf32, #tpu.memory_space<hbm>>) dst(%arg20 : memref<80x128xf32, #tpu.memory_space<vmem>>)
          %scan3A_166 = arith.constant 0 : i32
          %scan3A_167 = arith.constant 0 : i32
          %scan3A_168 = arith.constant 80 : i32
          %scan3A_169 = arith.addi %scan3A_167, %scan3A_168 : i32
          %scan3A_170 = arith.constant 1 : i32
          scf.for %scan3A_207 = %scan3A_167 to %scan3A_169 step %scan3A_170  : i32 {
            %get3A = arith.index_cast %scan3A_207 : i32 to index
            %get3A_208 = arith.constant 0 : index
            %get3A_209 = tpu.vector_load %arg20[%get3A, %get3A_208] {strides = array<i32>} : memref<80x128xf32, #tpu.memory_space<vmem>>, vector<1x16xf32>,
            %get3A_210 = vector.shape_cast %get3A_209 : vector<1x16xf32> to vector<16xf32>
            %get3A_211 = arith.index_cast %scan3A_207 : i32 to index
            %get3A_212 = arith.constant 0 : index
            %get3A_213 = tpu.vector_load %arg18[%get3A_211, %get3A_212] {strides = array<i32>} : memref<80x128xf32, #tpu.memory_space<vmem>>, vector<1x16xf32>,
            %get3A_214 = vector.shape_cast %get3A_213 : vector<1x16xf32> to vector<16xf32>
            %mul3A_215 = arith.mulf %get3A_210, %get3A_214 : vector<16xf32>
            %swap3A = arith.index_cast %scan3A_207 : i32 to index
            %swap3A_216 = arith.constant 0 : index
            %swap3A_217 = tpu.vector_load %arg20[%swap3A, %swap3A_216] {strides = array<i32>} : memref<80x128xf32, #tpu.memory_space<vmem>>, vector<1x16xf32>,
            %swap3A_218 = vector.shape_cast %swap3A_217 : vector<1x16xf32> to vector<16xf32>
            %swap3A_219 = vector.shape_cast %mul3A_215 : vector<16xf32> to vector<1x16xf32>
            tpu.vector_store %arg20[%swap3A, %swap3A_216], %swap3A_219 {strides = array<i32>} : memref<80x128xf32, #tpu.memory_space<vmem>>, vector<1x16xf32>,
            %get3A_220 = arith.index_cast %scan3A_207 : i32 to index
            %get3A_221 = arith.constant 16 : index
            %get3A_222 = tpu.vector_load %arg20[%get3A_220, %get3A_221] {strides = array<i32>} : memref<80x128xf32, #tpu.memory_space<vmem>>, vector<1x16xf32>,
            %get3A_223 = vector.shape_cast %get3A_222 : vector<1x16xf32> to vector<16xf32>
            %get3A_224 = arith.index_cast %scan3A_207 : i32 to index
            %get3A_225 = arith.constant 16 : index
            %get3A_226 = tpu.vector_load %arg18[%get3A_224, %get3A_225] {strides = array<i32>} : memref<80x128xf32, #tpu.memory_space<vmem>>, vector<1x16xf32>,
            %get3A_227 = vector.shape_cast %get3A_226 : vector<1x16xf32> to vector<16xf32>
            %mul3A_228 = arith.mulf %get3A_223, %get3A_227 : vector<16xf32>
            %swap3A_229 = arith.index_cast %scan3A_207 : i32 to index
            %swap3A_230 = arith.constant 16 : index
            %swap3A_231 = tpu.vector_load %arg20[%swap3A_229, %swap3A_230] {strides = array<i32>} : memref<80x128xf32, #tpu.memory_space<vmem>>, vector<1x16xf32>,
            %swap3A_232 = vector.shape_cast %swap3A_231 : vector<1x16xf32> to vector<16xf32>
            %swap3A_233 = vector.shape_cast %mul3A_228 : vector<16xf32> to vector<1x16xf32>
            tpu.vector_store %arg20[%swap3A_229, %swap3A_230], %swap3A_233 {strides = array<i32>} : memref<80x128xf32, #tpu.memory_space<vmem>>, vector<1x16xf32>,
            %get3A_234 = arith.index_cast %scan3A_207 : i32 to index
            %get3A_235 = arith.constant 32 : index
            %get3A_236 = tpu.vector_load %arg20[%get3A_234, %get3A_235] {strides = array<i32>} : memref<80x128xf32, #tpu.memory_space<vmem>>, vector<1x16xf32>,
            %get3A_237 = vector.shape_cast %get3A_236 : vector<1x16xf32> to vector<16xf32>
            %get3A_238 = arith.index_cast %scan3A_207 : i32 to index
            %get3A_239 = arith.constant 32 : index
            %get3A_240 = tpu.vector_load %arg18[%get3A_238, %get3A_239] {strides = array<i32>} : memref<80x128xf32, #tpu.memory_space<vmem>>, vector<1x16xf32>,
            %get3A_241 = vector.shape_cast %get3A_240 : vector<1x16xf32> to vector<16xf32>
            %mul3A_242 = arith.mulf %get3A_237, %get3A_241 : vector<16xf32>
            %swap3A_243 = arith.index_cast %scan3A_207 : i32 to index
            %swap3A_244 = arith.constant 32 : index
            %swap3A_245 = tpu.vector_load %arg20[%swap3A_243, %swap3A_244] {strides = array<i32>} : memref<80x128xf32, #tpu.memory_space<vmem>>, vector<1x16xf32>,
            %swap3A_246 = vector.shape_cast %swap3A_245 : vector<1x16xf32> to vector<16xf32>
            %swap3A_247 = vector.shape_cast %mul3A_242 : vector<16xf32> to vector<1x16xf32>
            tpu.vector_store %arg20[%swap3A_243, %swap3A_244], %swap3A_247 {strides = array<i32>} : memref<80x128xf32, #tpu.memory_space<vmem>>, vector<1x16xf32>,
            %get3A_248 = arith.index_cast %scan3A_207 : i32 to index
            %get3A_249 = arith.constant 48 : index
            %get3A_250 = tpu.vector_load %arg20[%get3A_248, %get3A_249] {strides = array<i32>} : memref<80x128xf32, #tpu.memory_space<vmem>>, vector<1x16xf32>,
            %get3A_251 = vector.shape_cast %get3A_250 : vector<1x16xf32> to vector<16xf32>
            %get3A_252 = arith.index_cast %scan3A_207 : i32 to index
            %get3A_253 = arith.constant 48 : index
            %get3A_254 = tpu.vector_load %arg18[%get3A_252, %get3A_253] {strides = array<i32>} : memref<80x128xf32, #tpu.memory_space<vmem>>, vector<1x16xf32>,
            %get3A_255 = vector.shape_cast %get3A_254 : vector<1x16xf32> to vector<16xf32>
            %mul3A_256 = arith.mulf %get3A_251, %get3A_255 : vector<16xf32>
            %swap3A_257 = arith.index_cast %scan3A_207 : i32 to index
            %swap3A_258 = arith.constant 48 : index
            %swap3A_259 = tpu.vector_load %arg20[%swap3A_257, %swap3A_258] {strides = array<i32>} : memref<80x128xf32, #tpu.memory_space<vmem>>, vector<1x16xf32>,
            %swap3A_260 = vector.shape_cast %swap3A_259 : vector<1x16xf32> to vector<16xf32>
            %swap3A_261 = vector.shape_cast %mul3A_256 : vector<16xf32> to vector<1x16xf32>
            tpu.vector_store %arg20[%swap3A_257, %swap3A_258], %swap3A_261 {strides = array<i32>} : memref<80x128xf32, #tpu.memory_space<vmem>>, vector<1x16xf32>,
            %get3A_262 = arith.index_cast %scan3A_207 : i32 to index
            %get3A_263 = arith.constant 64 : index
            %get3A_264 = tpu.vector_load %arg20[%get3A_262, %get3A_263] {strides = array<i32>} : memref<80x128xf32, #tpu.memory_space<vmem>>, vector<1x16xf32>,
            %get3A_265 = vector.shape_cast %get3A_264 : vector<1x16xf32> to vector<16xf32>
            %get3A_266 = arith.index_cast %scan3A_207 : i32 to index
            %get3A_267 = arith.constant 64 : index
            %get3A_268 = tpu.vector_load %arg18[%get3A_266, %get3A_267] {strides = array<i32>} : memref<80x128xf32, #tpu.memory_space<vmem>>, vector<1x16xf32>,
            %get3A_269 = vector.shape_cast %get3A_268 : vector<1x16xf32> to vector<16xf32>
            %mul3A_270 = arith.mulf %get3A_265, %get3A_269 : vector<16xf32>
            %swap3A_271 = arith.index_cast %scan3A_207 : i32 to index
            %swap3A_272 = arith.constant 64 : index
            %swap3A_273 = tpu.vector_load %arg20[%swap3A_271, %swap3A_272] {strides = array<i32>} : memref<80x128xf32, #tpu.memory_space<vmem>>, vector<1x16xf32>,
            %swap3A_274 = vector.shape_cast %swap3A_273 : vector<1x16xf32> to vector<16xf32>
            %swap3A_275 = vector.shape_cast %mul3A_270 : vector<16xf32> to vector<1x16xf32>
            tpu.vector_store %arg20[%swap3A_271, %swap3A_272], %swap3A_275 {strides = array<i32>} : memref<80x128xf32, #tpu.memory_space<vmem>>, vector<1x16xf32>,
            %get3A_276 = arith.index_cast %scan3A_207 : i32 to index
            %get3A_277 = arith.constant 80 : index
            %get3A_278 = tpu.vector_load %arg20[%get3A_276, %get3A_277] {strides = array<i32>} : memref<80x128xf32, #tpu.memory_space<vmem>>, vector<1x16xf32>,
            %get3A_279 = vector.shape_cast %get3A_278 : vector<1x16xf32> to vector<16xf32>
            %get3A_280 = arith.index_cast %scan3A_207 : i32 to index
            %get3A_281 = arith.constant 80 : index
            %get3A_282 = tpu.vector_load %arg18[%get3A_280, %get3A_281] {strides = array<i32>} : memref<80x128xf32, #tpu.memory_space<vmem>>, vector<1x16xf32>,
            %get3A_283 = vector.shape_cast %get3A_282 : vector<1x16xf32> to vector<16xf32>
            %mul3A_284 = arith.mulf %get3A_279, %get3A_283 : vector<16xf32>
            %swap3A_285 = arith.index_cast %scan3A_207 : i32 to index
            %swap3A_286 = arith.constant 80 : index
            %swap3A_287 = tpu.vector_load %arg20[%swap3A_285, %swap3A_286] {strides = array<i32>} : memref<80x128xf32, #tpu.memory_space<vmem>>, vector<1x16xf32>,
            %swap3A_288 = vector.shape_cast %swap3A_287 : vector<1x16xf32> to vector<16xf32>
            %swap3A_289 = vector.shape_cast %mul3A_284 : vector<16xf32> to vector<1x16xf32>
            tpu.vector_store %arg20[%swap3A_285, %swap3A_286], %swap3A_289 {strides = array<i32>} : memref<80x128xf32, #tpu.memory_space<vmem>>, vector<1x16xf32>,
            %get3A_290 = arith.index_cast %scan3A_207 : i32 to index
            %get3A_291 = arith.constant 96 : index
            %get3A_292 = tpu.vector_load %arg20[%get3A_290, %get3A_291] {strides = array<i32>} : memref<80x128xf32, #tpu.memory_space<vmem>>, vector<1x16xf32>,
            %get3A_293 = vector.shape_cast %get3A_292 : vector<1x16xf32> to vector<16xf32>
            %get3A_294 = arith.index_cast %scan3A_207 : i32 to index
            %get3A_295 = arith.constant 96 : index
            %get3A_296 = tpu.vector_load %arg18[%get3A_294, %get3A_295] {strides = array<i32>} : memref<80x128xf32, #tpu.memory_space<vmem>>, vector<1x16xf32>,
            %get3A_297 = vector.shape_cast %get3A_296 : vector<1x16xf32> to vector<16xf32>
            %mul3A_298 = arith.mulf %get3A_293, %get3A_297 : vector<16xf32>
            %swap3A_299 = arith.index_cast %scan3A_207 : i32 to index
            %swap3A_300 = arith.constant 96 : index
            %swap3A_301 = tpu.vector_load %arg20[%swap3A_299, %swap3A_300] {strides = array<i32>} : memref<80x128xf32, #tpu.memory_space<vmem>>, vector<1x16xf32>,
            %swap3A_302 = vector.shape_cast %swap3A_301 : vector<1x16xf32> to vector<16xf32>
            %swap3A_303 = vector.shape_cast %mul3A_298 : vector<16xf32> to vector<1x16xf32>
            tpu.vector_store %arg20[%swap3A_299, %swap3A_300], %swap3A_303 {strides = array<i32>} : memref<80x128xf32, #tpu.memory_space<vmem>>, vector<1x16xf32>,
            %get3A_304 = arith.index_cast %scan3A_207 : i32 to index
            %get3A_305 = arith.constant 112 : index
            %get3A_306 = tpu.vector_load %arg20[%get3A_304, %get3A_305] {strides = array<i32>} : memref<80x128xf32, #tpu.memory_space<vmem>>, vector<1x16xf32>,
            %get3A_307 = vector.shape_cast %get3A_306 : vector<1x16xf32> to vector<16xf32>
            %get3A_308 = arith.index_cast %scan3A_207 : i32 to index
            %get3A_309 = arith.constant 112 : index
            %get3A_310 = tpu.vector_load %arg18[%get3A_308, %get3A_309] {strides = array<i32>} : memref<80x128xf32, #tpu.memory_space<vmem>>, vector<1x16xf32>,
            %get3A_311 = vector.shape_cast %get3A_310 : vector<1x16xf32> to vector<16xf32>
            %mul3A_312 = arith.mulf %get3A_307, %get3A_311 : vector<16xf32>
            %swap3A_313 = arith.index_cast %scan3A_207 : i32 to index
            %swap3A_314 = arith.constant 112 : index
            %swap3A_315 = tpu.vector_load %arg20[%swap3A_313, %swap3A_314] {strides = array<i32>} : memref<80x128xf32, #tpu.memory_space<vmem>>, vector<1x16xf32>,
            %swap3A_316 = vector.shape_cast %swap3A_315 : vector<1x16xf32> to vector<16xf32>
            %swap3A_317 = vector.shape_cast %mul3A_312 : vector<16xf32> to vector<1x16xf32>
            tpu.vector_store %arg20[%swap3A_313, %swap3A_314], %swap3A_317 {strides = array<i32>} : memref<80x128xf32, #tpu.memory_space<vmem>>, vector<1x16xf32>,
          }
          %scan3A_171 = arith.constant 80 : i32
          "tpu.region"() ({
            %run_scoped3A = tpu.sem_alloc : memref<!tpu.dma_semaphore, #tpu.memory_space<semaphore_mem>>
            %dma_start3A_207 = arith.constant 0 : i32
            %dma_start3A_208 = tpu.memref_slice %arg17[%mul3A_125, %dma_start3A_207] : memref<16x80xi32, #tpu.memory_space<vmem>> -> memref<1x80xi32, #tpu.memory_space<vmem>>
            %dma_start3A_209 = tpu.memref_squeeze %dma_start3A_208 : memref<1x80xi32, #tpu.memory_space<vmem>> -> memref<80xi32, #tpu.memory_space<vmem>>
            %dma_start3A_210 = arith.constant 0 : i32
            %dma_start3A_211 = arith.constant 0 : i32
            %dma_start3A_212 = tpu.memref_slice %arg13[%dma_start3A_210, %dma_start3A_211] : memref<10112x128xf32, #tpu.memory_space<vmem_shared>> -> memref<10112x128xf32, #tpu.memory_space<vmem_shared>>
            tpu.enqueue_indirect_dma source(%arg20 : memref<80x128xf32, #tpu.memory_space<vmem>>) target(%dma_start3A_212 : memref<10112x128xf32, #tpu.memory_space<vmem_shared>>) offsets(%dma_start3A_209 : memref<80xi32, #tpu.memory_space<vmem>>) semaphore(%run_scoped3A : memref<!tpu.dma_semaphore, #tpu.memory_space<semaphore_mem>>) {add = true}
            %dma_wait3A_213 = arith.constant 0 : i32
            %dma_wait3A_214 = tpu.memref_slice %arg17[%mul3A_125, %dma_wait3A_213] : memref<16x80xi32, #tpu.memory_space<vmem>> -> memref<1x80xi32, #tpu.memory_space<vmem>>
            %dma_wait3A_215 = tpu.memref_squeeze %dma_wait3A_214 : memref<1x80xi32, #tpu.memory_space<vmem>> -> memref<80xi32, #tpu.memory_space<vmem>>
            %dma_wait3A_216 = arith.constant 0 : i32
            %dma_wait3A_217 = arith.constant 0 : i32
            %dma_wait3A_218 = tpu.memref_slice %arg13[%dma_wait3A_216, %dma_wait3A_217] : memref<10112x128xf32, #tpu.memory_space<vmem_shared>> -> memref<10112x128xf32, #tpu.memory_space<vmem_shared>>
            tpu.wait_indirect_dma semaphore(%run_scoped3A : memref<!tpu.dma_semaphore, #tpu.memory_space<semaphore_mem>>) src(%arg20 : memref<80x128xf32, #tpu.memory_space<vmem>>) dst(%dma_wait3A_218 : memref<10112x128xf32, #tpu.memory_space<vmem_shared>>)
            tpu.yield
          }) : () -> ()
          %add3A_172 = arith.constant 2 : i32
          %add3A_173 = arith.addi %mul3A_125, %add3A_172 : i32
          %lt3A_174 = arith.constant 16 : i32
          %lt3A_175 = arith.cmpi slt, %add3A_173, %lt3A_174 : i32
          %convert_element_type3A_176 = arith.extui %lt3A_175 : i1 to i32
          %cond3A_177 = arith.constant 0 : i32
          %cond3A_178 = arith.cmpi ne, %convert_element_type3A_176, %cond3A_177 : i32
          scf.if %cond3A_178 {
            %add3A_207 = arith.addi %mul3A_98, %mul3A_125 : i32
            %add3A_208 = arith.constant 2 : i32
            %add3A_209 = arith.addi %add3A_207, %add3A_208 : i32
            %add3A_210 = arith.constant 2 : i32
            %add3A_211 = arith.addi %mul3A_125, %add3A_210 : i32
            %dma_start3A_212 = arith.constant 0 : i32
            %dma_start3A_213 = tpu.memref_slice %arg16[%add3A_211, %dma_start3A_212] : memref<16x80xi32, #tpu.memory_space<vmem>> -> memref<1x80xi32, #tpu.memory_space<vmem>>
            %dma_start3A_214 = tpu.memref_squeeze %dma_start3A_213 : memref<1x80xi32, #tpu.memory_space<vmem>> -> memref<80xi32, #tpu.memory_space<vmem>>
            %dma_start3A_215 = arith.constant 0 : i32
            %dma_start3A_216 = arith.constant 0 : i32
            %dma_start3A_217 = tpu.memref_slice %arg2[%dma_start3A_215, %dma_start3A_216] : memref<10000x128xf32, #tpu.memory_space<hbm>> -> memref<10000x128xf32, #tpu.memory_space<hbm>>
            tpu.enqueue_indirect_dma source(%dma_start3A_217 : memref<10000x128xf32, #tpu.memory_space<hbm>>) target(%arg18 : memref<80x128xf32, #tpu.memory_space<vmem>>) offsets(%dma_start3A_214 : memref<80xi32, #tpu.memory_space<vmem>>) semaphore(%arg24 : memref<!tpu.dma_semaphore, #tpu.memory_space<semaphore_mem>>)
            %lt3A_218 = arith.constant 250 : i32
            %lt3A_219 = arith.cmpi slt, %add3A_209, %lt3A_218 : i32
            %mul3A_220 = arith.constant 80 : i32
            %mul3A_221 = arith.muli %add3A_209, %mul3A_220 : i32
            %jit3A_222 = arith.constant 0 : i32
            %select_n3A_223 = arith.select %lt3A_219, %mul3A_221, %jit3A_222 : i32
            %add3A_224 = arith.addi %mul3A_11, %select_n3A_223 : i32
            %dma_start3A_225 = arith.constant 0 : i32
            %dma_start3A_226 = tpu.memref_slice %arg9[%add3A_224, %dma_start3A_225] : memref<320000x128xf32, #tpu.memory_space<hbm>> -> memref<80x128xf32, #tpu.memory_space<hbm>>
            %dma_start3A_227 = arith.constant 0 : i32
            %dma_start3A_228 = tpu.memref_slice %arg9[%add3A_224, %dma_start3A_227] : memref<320000x128xf32, #tpu.memory_space<hbm>> -> memref<80x128xf32, #tpu.memory_space<hbm>>
            tpu.enqueue_dma source(%dma_start3A_228 : memref<80x128xf32, #tpu.memory_space<hbm>>) target(%arg20 : memref<80x128xf32, #tpu.memory_space<vmem>>) target_semaphore(%arg24 : memref<!tpu.dma_semaphore, #tpu.memory_space<semaphore_mem>>)
          } else {
          }
          %add3A_179 = arith.addi %mul3A_98, %mul3A_125 : i32
          %add3A_180 = arith.constant 1 : i32
          %add3A_181 = arith.addi %add3A_179, %add3A_180 : i32
          %add3A_182 = arith.constant 1 : i32
          %add3A_183 = arith.addi %mul3A_125, %add3A_182 : i32
          %dma_wait3A_184 = arith.constant 0 : i32
          %dma_wait3A_185 = tpu.memref_slice %arg16[%add3A_183, %dma_wait3A_184] : memref<16x80xi32, #tpu.memory_space<vmem>> -> memref<1x80xi32, #tpu.memory_space<vmem>>
          %dma_wait3A_186 = tpu.memref_squeeze %dma_wait3A_185 : memref<1x80xi32, #tpu.memory_space<vmem>> -> memref<80xi32, #tpu.memory_space<vmem>>
          %dma_wait3A_187 = arith.constant 0 : i32
          %dma_wait3A_188 = arith.constant 0 : i32
          %dma_wait3A_189 = tpu.memref_slice %arg3[%dma_wait3A_187, %dma_wait3A_188] : memref<10000x128xf32, #tpu.memory_space<hbm>> -> memref<10000x128xf32, #tpu.memory_space<hbm>>
          tpu.wait_indirect_dma semaphore(%arg25 : memref<!tpu.dma_semaphore, #tpu.memory_space<semaphore_mem>>) src(%dma_wait3A_189 : memref<10000x128xf32, #tpu.memory_space<hbm>>) dst(%arg19 : memref<80x128xf32, #tpu.memory_space<vmem>>)
          %lt3A_190 = arith.constant 250 : i32
          %lt3A_191 = arith.cmpi slt, %add3A_181, %lt3A_190 : i32
          %mul3A_192 = arith.constant 80 : i32
          %mul3A_193 = arith.muli %add3A_181, %mul3A_192 : i32
          %jit3A_194 = arith.constant 0 : i32
          %select_n3A_195 = arith.select %lt3A_191, %mul3A_193, %jit3A_194 : i32
          %add3A_196 = arith.addi %mul3A_11, %select_n3A_195 : i32
          %dma_wait3A_197 = arith.constant 0 : i32
          %dma_wait3A_198 = tpu.memref_slice %arg9[%add3A_196, %dma_wait3A_197] : memref<320000x128xf32, #tpu.memory_space<hbm>> -> memref<80x128xf32, #tpu.memory_space<hbm>>
          %dma_wait3A_199 = arith.constant 0 : i32
          %dma_wait3A_200 = tpu.memref_slice %arg9[%add3A_196, %dma_wait3A_199] : memref<320000x128xf32, #tpu.memory_space<hbm>> -> memref<80x128xf32, #tpu.memory_space<hbm>>
          tpu.wait_dma2 semaphore(%arg25 : memref<!tpu.dma_semaphore, #tpu.memory_space<semaphore_mem>>) src(%dma_wait3A_200 : memref<80x128xf32, #tpu.memory_space<hbm>>) dst(%arg21 : memref<80x128xf32, #tpu.memory_space<vmem>>)
          %scan3A_201 = arith.constant 0 : i32
          %scan3A_202 = arith.constant 0 : i32
          %scan3A_203 = arith.constant 80 : i32
          %scan3A_204 = arith.addi %scan3A_202, %scan3A_203 : i32
          %scan3A_205 = arith.constant 1 : i32
          scf.for %scan3A_207 = %scan3A_202 to %scan3A_204 step %scan3A_205  : i32 {
            %get3A = arith.index_cast %scan3A_207 : i32 to index
            %get3A_208 = arith.constant 0 : index
            %get3A_209 = tpu.vector_load %arg21[%get3A, %get3A_208] {strides = array<i32>} : memref<80x128xf32, #tpu.memory_space<vmem>>, vector<1x16xf32>,
            %get3A_210 = vector.shape_cast %get3A_209 : vector<1x16xf32> to vector<16xf32>
            %get3A_211 = arith.index_cast %scan3A_207 : i32 to index
            %get3A_212 = arith.constant 0 : index
            %get3A_213 = tpu.vector_load %arg19[%get3A_211, %get3A_212] {strides = array<i32>} : memref<80x128xf32, #tpu.memory_space<vmem>>, vector<1x16xf32>,
            %get3A_214 = vector.shape_cast %get3A_213 : vector<1x16xf32> to vector<16xf32>
            %mul3A_215 = arith.mulf %get3A_210, %get3A_214 : vector<16xf32>
            %swap3A = arith.index_cast %scan3A_207 : i32 to index
            %swap3A_216 = arith.constant 0 : index
            %swap3A_217 = tpu.vector_load %arg21[%swap3A, %swap3A_216] {strides = array<i32>} : memref<80x128xf32, #tpu.memory_space<vmem>>, vector<1x16xf32>,
            %swap3A_218 = vector.shape_cast %swap3A_217 : vector<1x16xf32> to vector<16xf32>
            %swap3A_219 = vector.shape_cast %mul3A_215 : vector<16xf32> to vector<1x16xf32>
            tpu.vector_store %arg21[%swap3A, %swap3A_216], %swap3A_219 {strides = array<i32>} : memref<80x128xf32, #tpu.memory_space<vmem>>, vector<1x16xf32>,
            %get3A_220 = arith.index_cast %scan3A_207 : i32 to index
            %get3A_221 = arith.constant 16 : index
            %get3A_222 = tpu.vector_load %arg21[%get3A_220, %get3A_221] {strides = array<i32>} : memref<80x128xf32, #tpu.memory_space<vmem>>, vector<1x16xf32>,
            %get3A_223 = vector.shape_cast %get3A_222 : vector<1x16xf32> to vector<16xf32>
            %get3A_224 = arith.index_cast %scan3A_207 : i32 to index
            %get3A_225 = arith.constant 16 : index
            %get3A_226 = tpu.vector_load %arg19[%get3A_224, %get3A_225] {strides = array<i32>} : memref<80x128xf32, #tpu.memory_space<vmem>>, vector<1x16xf32>,
            %get3A_227 = vector.shape_cast %get3A_226 : vector<1x16xf32> to vector<16xf32>
            %mul3A_228 = arith.mulf %get3A_223, %get3A_227 : vector<16xf32>
            %swap3A_229 = arith.index_cast %scan3A_207 : i32 to index
            %swap3A_230 = arith.constant 16 : index
            %swap3A_231 = tpu.vector_load %arg21[%swap3A_229, %swap3A_230] {strides = array<i32>} : memref<80x128xf32, #tpu.memory_space<vmem>>, vector<1x16xf32>,
            %swap3A_232 = vector.shape_cast %swap3A_231 : vector<1x16xf32> to vector<16xf32>
            %swap3A_233 = vector.shape_cast %mul3A_228 : vector<16xf32> to vector<1x16xf32>
            tpu.vector_store %arg21[%swap3A_229, %swap3A_230], %swap3A_233 {strides = array<i32>} : memref<80x128xf32, #tpu.memory_space<vmem>>, vector<1x16xf32>,
            %get3A_234 = arith.index_cast %scan3A_207 : i32 to index
            %get3A_235 = arith.constant 32 : index
            %get3A_236 = tpu.vector_load %arg21[%get3A_234, %get3A_235] {strides = array<i32>} : memref<80x128xf32, #tpu.memory_space<vmem>>, vector<1x16xf32>,
            %get3A_237 = vector.shape_cast %get3A_236 : vector<1x16xf32> to vector<16xf32>
            %get3A_238 = arith.index_cast %scan3A_207 : i32 to index
            %get3A_239 = arith.constant 32 : index
            %get3A_240 = tpu.vector_load %arg19[%get3A_238, %get3A_239] {strides = array<i32>} : memref<80x128xf32, #tpu.memory_space<vmem>>, vector<1x16xf32>,
            %get3A_241 = vector.shape_cast %get3A_240 : vector<1x16xf32> to vector<16xf32>
            %mul3A_242 = arith.mulf %get3A_237, %get3A_241 : vector<16xf32>
            %swap3A_243 = arith.index_cast %scan3A_207 : i32 to index
            %swap3A_244 = arith.constant 32 : index
            %swap3A_245 = tpu.vector_load %arg21[%swap3A_243, %swap3A_244] {strides = array<i32>} : memref<80x128xf32, #tpu.memory_space<vmem>>, vector<1x16xf32>,
            %swap3A_246 = vector.shape_cast %swap3A_245 : vector<1x16xf32> to vector<16xf32>
            %swap3A_247 = vector.shape_cast %mul3A_242 : vector<16xf32> to vector<1x16xf32>
            tpu.vector_store %arg21[%swap3A_243, %swap3A_244], %swap3A_247 {strides = array<i32>} : memref<80x128xf32, #tpu.memory_space<vmem>>, vector<1x16xf32>,
            %get3A_248 = arith.index_cast %scan3A_207 : i32 to index
            %get3A_249 = arith.constant 48 : index
            %get3A_250 = tpu.vector_load %arg21[%get3A_248, %get3A_249] {strides = array<i32>} : memref<80x128xf32, #tpu.memory_space<vmem>>, vector<1x16xf32>,
            %get3A_251 = vector.shape_cast %get3A_250 : vector<1x16xf32> to vector<16xf32>
            %get3A_252 = arith.index_cast %scan3A_207 : i32 to index
            %get3A_253 = arith.constant 48 : index
            %get3A_254 = tpu.vector_load %arg19[%get3A_252, %get3A_253] {strides = array<i32>} : memref<80x128xf32, #tpu.memory_space<vmem>>, vector<1x16xf32>,
            %get3A_255 = vector.shape_cast %get3A_254 : vector<1x16xf32> to vector<16xf32>
            %mul3A_256 = arith.mulf %get3A_251, %get3A_255 : vector<16xf32>
            %swap3A_257 = arith.index_cast %scan3A_207 : i32 to index
            %swap3A_258 = arith.constant 48 : index
            %swap3A_259 = tpu.vector_load %arg21[%swap3A_257, %swap3A_258] {strides = array<i32>} : memref<80x128xf32, #tpu.memory_space<vmem>>, vector<1x16xf32>,
            %swap3A_260 = vector.shape_cast %swap3A_259 : vector<1x16xf32> to vector<16xf32>
            %swap3A_261 = vector.shape_cast %mul3A_256 : vector<16xf32> to vector<1x16xf32>
            tpu.vector_store %arg21[%swap3A_257, %swap3A_258], %swap3A_261 {strides = array<i32>} : memref<80x128xf32, #tpu.memory_space<vmem>>, vector<1x16xf32>,
            %get3A_262 = arith.index_cast %scan3A_207 : i32 to index
            %get3A_263 = arith.constant 64 : index
            %get3A_264 = tpu.vector_load %arg21[%get3A_262, %get3A_263] {strides = array<i32>} : memref<80x128xf32, #tpu.memory_space<vmem>>, vector<1x16xf32>,
            %get3A_265 = vector.shape_cast %get3A_264 : vector<1x16xf32> to vector<16xf32>
            %get3A_266 = arith.index_cast %scan3A_207 : i32 to index
            %get3A_267 = arith.constant 64 : index
            %get3A_268 = tpu.vector_load %arg19[%get3A_266, %get3A_267] {strides = array<i32>} : memref<80x128xf32, #tpu.memory_space<vmem>>, vector<1x16xf32>,
            %get3A_269 = vector.shape_cast %get3A_268 : vector<1x16xf32> to vector<16xf32>
            %mul3A_270 = arith.mulf %get3A_265, %get3A_269 : vector<16xf32>
            %swap3A_271 = arith.index_cast %scan3A_207 : i32 to index
            %swap3A_272 = arith.constant 64 : index
            %swap3A_273 = tpu.vector_load %arg21[%swap3A_271, %swap3A_272] {strides = array<i32>} : memref<80x128xf32, #tpu.memory_space<vmem>>, vector<1x16xf32>,
            %swap3A_274 = vector.shape_cast %swap3A_273 : vector<1x16xf32> to vector<16xf32>
            %swap3A_275 = vector.shape_cast %mul3A_270 : vector<16xf32> to vector<1x16xf32>
            tpu.vector_store %arg21[%swap3A_271, %swap3A_272], %swap3A_275 {strides = array<i32>} : memref<80x128xf32, #tpu.memory_space<vmem>>, vector<1x16xf32>,
            %get3A_276 = arith.index_cast %scan3A_207 : i32 to index
            %get3A_277 = arith.constant 80 : index
            %get3A_278 = tpu.vector_load %arg21[%get3A_276, %get3A_277] {strides = array<i32>} : memref<80x128xf32, #tpu.memory_space<vmem>>, vector<1x16xf32>,
            %get3A_279 = vector.shape_cast %get3A_278 : vector<1x16xf32> to vector<16xf32>
            %get3A_280 = arith.index_cast %scan3A_207 : i32 to index
            %get3A_281 = arith.constant 80 : index
            %get3A_282 = tpu.vector_load %arg19[%get3A_280, %get3A_281] {strides = array<i32>} : memref<80x128xf32, #tpu.memory_space<vmem>>, vector<1x16xf32>,
            %get3A_283 = vector.shape_cast %get3A_282 : vector<1x16xf32> to vector<16xf32>
            %mul3A_284 = arith.mulf %get3A_279, %get3A_283 : vector<16xf32>
            %swap3A_285 = arith.index_cast %scan3A_207 : i32 to index
            %swap3A_286 = arith.constant 80 : index
            %swap3A_287 = tpu.vector_load %arg21[%swap3A_285, %swap3A_286] {strides = array<i32>} : memref<80x128xf32, #tpu.memory_space<vmem>>, vector<1x16xf32>,
            %swap3A_288 = vector.shape_cast %swap3A_287 : vector<1x16xf32> to vector<16xf32>
            %swap3A_289 = vector.shape_cast %mul3A_284 : vector<16xf32> to vector<1x16xf32>
            tpu.vector_store %arg21[%swap3A_285, %swap3A_286], %swap3A_289 {strides = array<i32>} : memref<80x128xf32, #tpu.memory_space<vmem>>, vector<1x16xf32>,
            %get3A_290 = arith.index_cast %scan3A_207 : i32 to index
            %get3A_291 = arith.constant 96 : index
            %get3A_292 = tpu.vector_load %arg21[%get3A_290, %get3A_291] {strides = array<i32>} : memref<80x128xf32, #tpu.memory_space<vmem>>, vector<1x16xf32>,
            %get3A_293 = vector.shape_cast %get3A_292 : vector<1x16xf32> to vector<16xf32>
            %get3A_294 = arith.index_cast %scan3A_207 : i32 to index
            %get3A_295 = arith.constant 96 : index
            %get3A_296 = tpu.vector_load %arg19[%get3A_294, %get3A_295] {strides = array<i32>} : memref<80x128xf32, #tpu.memory_space<vmem>>, vector<1x16xf32>,
            %get3A_297 = vector.shape_cast %get3A_296 : vector<1x16xf32> to vector<16xf32>
            %mul3A_298 = arith.mulf %get3A_293, %get3A_297 : vector<16xf32>
            %swap3A_299 = arith.index_cast %scan3A_207 : i32 to index
            %swap3A_300 = arith.constant 96 : index
            %swap3A_301 = tpu.vector_load %arg21[%swap3A_299, %swap3A_300] {strides = array<i32>} : memref<80x128xf32, #tpu.memory_space<vmem>>, vector<1x16xf32>,
            %swap3A_302 = vector.shape_cast %swap3A_301 : vector<1x16xf32> to vector<16xf32>
            %swap3A_303 = vector.shape_cast %mul3A_298 : vector<16xf32> to vector<1x16xf32>
            tpu.vector_store %arg21[%swap3A_299, %swap3A_300], %swap3A_303 {strides = array<i32>} : memref<80x128xf32, #tpu.memory_space<vmem>>, vector<1x16xf32>,
            %get3A_304 = arith.index_cast %scan3A_207 : i32 to index
            %get3A_305 = arith.constant 112 : index
            %get3A_306 = tpu.vector_load %arg21[%get3A_304, %get3A_305] {strides = array<i32>} : memref<80x128xf32, #tpu.memory_space<vmem>>, vector<1x16xf32>,
            %get3A_307 = vector.shape_cast %get3A_306 : vector<1x16xf32> to vector<16xf32>
            %get3A_308 = arith.index_cast %scan3A_207 : i32 to index
            %get3A_309 = arith.constant 112 : index
            %get3A_310 = tpu.vector_load %arg19[%get3A_308, %get3A_309] {strides = array<i32>} : memref<80x128xf32, #tpu.memory_space<vmem>>, vector<1x16xf32>,
            %get3A_311 = vector.shape_cast %get3A_310 : vector<1x16xf32> to vector<16xf32>
            %mul3A_312 = arith.mulf %get3A_307, %get3A_311 : vector<16xf32>
            %swap3A_313 = arith.index_cast %scan3A_207 : i32 to index
            %swap3A_314 = arith.constant 112 : index
            %swap3A_315 = tpu.vector_load %arg21[%swap3A_313, %swap3A_314] {strides = array<i32>} : memref<80x128xf32, #tpu.memory_space<vmem>>, vector<1x16xf32>,
            %swap3A_316 = vector.shape_cast %swap3A_315 : vector<1x16xf32> to vector<16xf32>
            %swap3A_317 = vector.shape_cast %mul3A_312 : vector<16xf32> to vector<1x16xf32>
            tpu.vector_store %arg21[%swap3A_313, %swap3A_314], %swap3A_317 {strides = array<i32>} : memref<80x128xf32, #tpu.memory_space<vmem>>, vector<1x16xf32>,
          }
          %scan3A_206 = arith.constant 80 : i32
          "tpu.region"() ({
            %run_scoped3A = tpu.sem_alloc : memref<!tpu.dma_semaphore, #tpu.memory_space<semaphore_mem>>
            %dma_start3A_207 = arith.constant 0 : i32
            %dma_start3A_208 = tpu.memref_slice %arg17[%add3A_183, %dma_start3A_207] : memref<16x80xi32, #tpu.memory_space<vmem>> -> memref<1x80xi32, #tpu.memory_space<vmem>>
            %dma_start3A_209 = tpu.memref_squeeze %dma_start3A_208 : memref<1x80xi32, #tpu.memory_space<vmem>> -> memref<80xi32, #tpu.memory_space<vmem>>
            %dma_start3A_210 = arith.constant 0 : i32
            %dma_start3A_211 = arith.constant 0 : i32
            %dma_start3A_212 = tpu.memref_slice %arg13[%dma_start3A_210, %dma_start3A_211] : memref<10112x128xf32, #tpu.memory_space<vmem_shared>> -> memref<10112x128xf32, #tpu.memory_space<vmem_shared>>
            tpu.enqueue_indirect_dma source(%arg21 : memref<80x128xf32, #tpu.memory_space<vmem>>) target(%dma_start3A_212 : memref<10112x128xf32, #tpu.memory_space<vmem_shared>>) offsets(%dma_start3A_209 : memref<80xi32, #tpu.memory_space<vmem>>) semaphore(%run_scoped3A : memref<!tpu.dma_semaphore, #tpu.memory_space<semaphore_mem>>) {add = true}
            %dma_wait3A_213 = arith.constant 0 : i32
            %dma_wait3A_214 = tpu.memref_slice %arg17[%add3A_183, %dma_wait3A_213] : memref<16x80xi32, #tpu.memory_space<vmem>> -> memref<1x80xi32, #tpu.memory_space<vmem>>
            %dma_wait3A_215 = tpu.memref_squeeze %dma_wait3A_214 : memref<1x80xi32, #tpu.memory_space<vmem>> -> memref<80xi32, #tpu.memory_space<vmem>>
            %dma_wait3A_216 = arith.constant 0 : i32
            %dma_wait3A_217 = arith.constant 0 : i32
            %dma_wait3A_218 = tpu.memref_slice %arg13[%dma_wait3A_216, %dma_wait3A_217] : memref<10112x128xf32, #tpu.memory_space<vmem_shared>> -> memref<10112x128xf32, #tpu.memory_space<vmem_shared>>
            tpu.wait_indirect_dma semaphore(%run_scoped3A : memref<!tpu.dma_semaphore, #tpu.memory_space<semaphore_mem>>) src(%arg21 : memref<80x128xf32, #tpu.memory_space<vmem>>) dst(%dma_wait3A_218 : memref<10112x128xf32, #tpu.memory_space<vmem_shared>>)
            tpu.yield
          }) : () -> ()
        }
        %scan3A_122 = arith.constant 8 : i32
      }
      %scan3A_24 = arith.constant 8 : i32
      %barrier3A_25 = arith.constant 0 : index
      tpu.barrier barrier_id(%barrier3A_25)
      "tpu.region"() ({
        %run_scoped3A = tpu.sem_alloc : memref<!tpu.dma_semaphore, #tpu.memory_space<semaphore_mem>>
        %dma_start3A_26 = arith.constant 0 : i32
        %dma_start3A_27 = tpu.memref_slice %arg12[%mul3A_7, %dma_start3A_26] : memref<10112x128xf32, #tpu.memory_space<hbm>> -> memref<632x128xf32, #tpu.memory_space<hbm>>
        %dma_start3A_28 = arith.constant 0 : i32
        %dma_start3A_29 = tpu.memref_slice %arg13[%mul3A_7, %dma_start3A_28] : memref<10112x128xf32, #tpu.memory_space<vmem_shared>> -> memref<632x128xf32, #tpu.memory_space<vmem_shared>>
        tpu.enqueue_dma source(%dma_start3A_29 : memref<632x128xf32, #tpu.memory_space<vmem_shared>>) target(%dma_start3A_27 : memref<632x128xf32, #tpu.memory_space<hbm>>) target_semaphore(%run_scoped3A : memref<!tpu.dma_semaphore, #tpu.memory_space<semaphore_mem>>)
        %dma_wait3A = arith.constant 0 : i32
        %dma_wait3A_30 = tpu.memref_slice %arg12[%mul3A_7, %dma_wait3A] : memref<10112x128xf32, #tpu.memory_space<hbm>> -> memref<632x128xf32, #tpu.memory_space<hbm>>
        %dma_wait3A_31 = arith.constant 0 : i32
        %dma_wait3A_32 = tpu.memref_slice %arg13[%mul3A_7, %dma_wait3A_31] : memref<10112x128xf32, #tpu.memory_space<vmem_shared>> -> memref<632x128xf32, #tpu.memory_space<vmem_shared>>
        tpu.wait_dma2 semaphore(%run_scoped3A : memref<!tpu.dma_semaphore, #tpu.memory_space<semaphore_mem>>) src(%dma_wait3A_32 : memref<632x128xf32, #tpu.memory_space<vmem_shared>>) dst(%dma_wait3A_30 : memref<632x128xf32, #tpu.memory_space<hbm>>)
        tpu.yield
      }) : () -> ()
    } else {
    }
    return
  }
}

module attributes {stable_mosaic.version = 14 : i64} {
  func.func @_tc_body(%arg0: i32, %arg1: memref<2000x128xf32, #tpu.memory_space<vmem>>, %arg2: memref<2000x128xf32, #tpu.memory_space<vmem>>, %arg3: memref<2000x128xf32, #tpu.memory_space<vmem>>, %arg4: memref<128x128xf32, #tpu.memory_space<vmem>>, %arg5: memref<128x128xf32, #tpu.memory_space<vmem>>, %arg6: memref<1x128xf32, #tpu.memory_space<vmem>>, %arg7: memref<2000x128xf32, #tpu.memory_space<vmem>>) attributes {dimension_semantics = [#tpu.dimension_semantics<arbitrary>], iteration_bounds = array<i64: 5>, scalar_prefetch = 0 : i64, scratch_operands = 0 : i64, tpu.core_type = #tpu.core_type<tc>, window_params = [{transform_indices = @transform_0, window_bounds = array<i64: 2000, 128>}, {transform_indices = @transform_1, window_bounds = array<i64: 2000, 128>}, {transform_indices = @transform_2, window_bounds = array<i64: 2000, 128>}, {pipeline_mode = #tpu.pipeline_mode<synchronous>, transform_indices = @transform_3, window_bounds = array<i64: 128, 128>}, {pipeline_mode = #tpu.pipeline_mode<synchronous>, transform_indices = @transform_4, window_bounds = array<i64: 128, 128>}, {pipeline_mode = #tpu.pipeline_mode<synchronous>, transform_indices = @transform_5, window_bounds = array<i64: 1, 128>}, {transform_indices = @transform_6, window_bounds = array<i64: 2000, 128>}]} {
    %get3A = arith.constant 0 : index
    %get3A_0 = arith.constant 0 : index
    %get3A_1 = vector.load %arg2[%get3A, %get3A_0] : memref<2000x128xf32, #tpu.memory_space<vmem>>, vector<2000x128xf32>
    %get3A_2 = arith.constant 0 : index
    %get3A_3 = arith.constant 0 : index
    %get3A_4 = vector.load %arg4[%get3A_2, %get3A_3] : memref<128x128xf32, #tpu.memory_space<vmem>>, vector<128x128xf32>
    %dot_general3A = arith.constant dense<0.000000e+00> : vector<2000x128xf32>
    %dot_general3A_5 = tpu.matmul %get3A_1, %get3A_4, %dot_general3A {dimension_numbers = #tpu.dot_dimension_numbers<[1], [0], [0], [1], [0, 0, 1, 1], [], []>, transpose_lhs_hint = false} : vector<2000x128xf32>, vector<128x128xf32>, vector<2000x128xf32> -> vector<2000x128xf32>
    %get3A_6 = arith.constant 0 : index
    %get3A_7 = arith.constant 0 : index
    %get3A_8 = vector.load %arg3[%get3A_6, %get3A_7] : memref<2000x128xf32, #tpu.memory_space<vmem>>, vector<2000x128xf32>
    %get3A_9 = arith.constant 0 : index
    %get3A_10 = arith.constant 0 : index
    %get3A_11 = vector.load %arg5[%get3A_9, %get3A_10] : memref<128x128xf32, #tpu.memory_space<vmem>>, vector<128x128xf32>
    %dot_general3A_12 = arith.constant dense<0.000000e+00> : vector<2000x128xf32>
    %dot_general3A_13 = tpu.matmul %get3A_8, %get3A_11, %dot_general3A_12 {dimension_numbers = #tpu.dot_dimension_numbers<[1], [0], [0], [1], [0, 0, 1, 1], [], []>, transpose_lhs_hint = false} : vector<2000x128xf32>, vector<128x128xf32>, vector<2000x128xf32> -> vector<2000x128xf32>
    %add3A = arith.addf %dot_general3A_5, %dot_general3A_13 : vector<2000x128xf32>
    %get3A_14 = arith.constant 0 : index
    %get3A_15 = arith.constant 0 : index
    %get3A_16 = vector.load %arg6[%get3A_14, %get3A_15] : memref<1x128xf32, #tpu.memory_space<vmem>>, vector<1x128xf32>
    %add3A_17 = vector.broadcast %get3A_16 : vector<1x128xf32> to vector<2000x128xf32>
    %add3A_18 = arith.addf %add3A, %add3A_17 : vector<2000x128xf32>
    %mul3A = arith.constant 5.000000e-01 : f32
    %mul3A_19 = vector.broadcast %mul3A : f32 to vector<2000x128xf32>
    %mul3A_20 = arith.mulf %mul3A_19, %add3A_18 : vector<2000x128xf32>
    %mul3A_21 = arith.constant 0.707106769 : f32
    %mul3A_22 = vector.broadcast %mul3A_21 : f32 to vector<2000x128xf32>
    %mul3A_23 = arith.mulf %add3A_18, %mul3A_22 : vector<2000x128xf32>
    %erf3A = math.erf %mul3A_23 : vector<2000x128xf32>
    %add3A_24 = arith.constant 1.000000e+00 : f32
    %add3A_25 = vector.broadcast %add3A_24 : f32 to vector<2000x128xf32>
    %add3A_26 = arith.addf %add3A_25, %erf3A : vector<2000x128xf32>
    %mul3A_27 = arith.mulf %mul3A_20, %add3A_26 : vector<2000x128xf32>
    %get3A_28 = arith.constant 0 : index
    %get3A_29 = arith.constant 0 : index
    %get3A_30 = vector.load %arg1[%get3A_28, %get3A_29] : memref<2000x128xf32, #tpu.memory_space<vmem>>, vector<2000x128xf32>
    %add3A_31 = arith.addf %get3A_30, %mul3A_27 : vector<2000x128xf32>
    %swap3A = arith.constant 0 : index
    %swap3A_32 = arith.constant 0 : index
    %swap3A_33 = vector.load %arg7[%swap3A, %swap3A_32] : memref<2000x128xf32, #tpu.memory_space<vmem>>, vector<2000x128xf32>
    tpu.vector_store %arg7[%swap3A, %swap3A_32], %add3A_31 {strides = array<i32>} : memref<2000x128xf32, #tpu.memory_space<vmem>>, vector<2000x128xf32>,
    return
  }
  func.func @transform_0(%arg0: i32) -> (i32, i32) {
    %c0_i32 = arith.constant 0 : i32
    %c0_i32_0 = arith.constant 0 : i32
    return %arg0, %c0_i32 : i32, i32
  }
  func.func @transform_1(%arg0: i32) -> (i32, i32) {
    %c0_i32 = arith.constant 0 : i32
    %c0_i32_0 = arith.constant 0 : i32
    return %arg0, %c0_i32 : i32, i32
  }
  func.func @transform_2(%arg0: i32) -> (i32, i32) {
    %c0_i32 = arith.constant 0 : i32
    %c0_i32_0 = arith.constant 0 : i32
    return %arg0, %c0_i32 : i32, i32
  }
  func.func @transform_3(%arg0: i32) -> (i32, i32) {
    %c0_i32 = arith.constant 0 : i32
    %c0_i32_0 = arith.constant 0 : i32
    %c0_i32_1 = arith.constant 0 : i32
    return %c0_i32, %c0_i32_0 : i32, i32
  }
  func.func @transform_4(%arg0: i32) -> (i32, i32) {
    %c0_i32 = arith.constant 0 : i32
    %c0_i32_0 = arith.constant 0 : i32
    %c0_i32_1 = arith.constant 0 : i32
    return %c0_i32, %c0_i32_0 : i32, i32
  }
  func.func @transform_5(%arg0: i32) -> (i32, i32) {
    %c0_i32 = arith.constant 0 : i32
    %c0_i32_0 = arith.constant 0 : i32
    %c0_i32_1 = arith.constant 0 : i32
    return %c0_i32, %c0_i32_0 : i32, i32
  }
  func.func @transform_6(%arg0: i32) -> (i32, i32) {
    %c0_i32 = arith.constant 0 : i32
    %c0_i32_0 = arith.constant 0 : i32
    return %arg0, %c0_i32 : i32, i32
  }
}

module attributes {stable_mosaic.version = 14 : i64} {
  func.func @_tc_body(%arg0: i32, %arg1: memref<2000x128xf32, #tpu.memory_space<vmem>>, %arg2: memref<2000x128xf32, #tpu.memory_space<vmem>>, %arg3: memref<2000x128xf32, #tpu.memory_space<vmem>>, %arg4: memref<128x128xf32, #tpu.memory_space<vmem>>, %arg5: memref<128x128xf32, #tpu.memory_space<vmem>>, %arg6: memref<1x128xf32, #tpu.memory_space<vmem>>, %arg7: memref<2000x128xf32, #tpu.memory_space<vmem>>) attributes {dimension_semantics = [#tpu.dimension_semantics<arbitrary>], iteration_bounds = array<i64: 5>, scalar_prefetch = 0 : i64, scratch_operands = 0 : i64, tpu.core_type = #tpu.core_type<tc>, window_params = [{transform_indices = @transform_0, window_bounds = array<i64: 2000, 128>}, {transform_indices = @transform_1, window_bounds = array<i64: 2000, 128>}, {transform_indices = @transform_2, window_bounds = array<i64: 2000, 128>}, {pipeline_mode = #tpu.pipeline_mode<synchronous>, transform_indices = @transform_3, window_bounds = array<i64: 128, 128>}, {pipeline_mode = #tpu.pipeline_mode<synchronous>, transform_indices = @transform_4, window_bounds = array<i64: 128, 128>}, {pipeline_mode = #tpu.pipeline_mode<synchronous>, transform_indices = @transform_5, window_bounds = array<i64: 1, 128>}, {transform_indices = @transform_6, window_bounds = array<i64: 2000, 128>}]} {
    %get3A = arith.constant 0 : index
    %get3A_0 = arith.constant 0 : index
    %get3A_1 = vector.load %arg2[%get3A, %get3A_0] : memref<2000x128xf32, #tpu.memory_space<vmem>>, vector<2000x128xf32>
    %get3A_2 = arith.constant 0 : index
    %get3A_3 = arith.constant 0 : index
    %get3A_4 = vector.load %arg4[%get3A_2, %get3A_3] : memref<128x128xf32, #tpu.memory_space<vmem>>, vector<128x128xf32>
    %dot_general3A = arith.constant dense<0.000000e+00> : vector<2000x128xf32>
    %dot_general3A_5 = tpu.matmul %get3A_1, %get3A_4, %dot_general3A {dimension_numbers = #tpu.dot_dimension_numbers<[1], [0], [0], [1], [0, 0, 1, 1], [], []>, transpose_lhs_hint = false} : vector<2000x128xf32>, vector<128x128xf32>, vector<2000x128xf32> -> vector<2000x128xf32>
    %get3A_6 = arith.constant 0 : index
    %get3A_7 = arith.constant 0 : index
    %get3A_8 = vector.load %arg3[%get3A_6, %get3A_7] : memref<2000x128xf32, #tpu.memory_space<vmem>>, vector<2000x128xf32>
    %get3A_9 = arith.constant 0 : index
    %get3A_10 = arith.constant 0 : index
    %get3A_11 = vector.load %arg5[%get3A_9, %get3A_10] : memref<128x128xf32, #tpu.memory_space<vmem>>, vector<128x128xf32>
    %dot_general3A_12 = arith.constant dense<0.000000e+00> : vector<2000x128xf32>
    %dot_general3A_13 = tpu.matmul %get3A_8, %get3A_11, %dot_general3A_12 {dimension_numbers = #tpu.dot_dimension_numbers<[1], [0], [0], [1], [0, 0, 1, 1], [], []>, transpose_lhs_hint = false} : vector<2000x128xf32>, vector<128x128xf32>, vector<2000x128xf32> -> vector<2000x128xf32>
    %add3A = arith.addf %dot_general3A_5, %dot_general3A_13 : vector<2000x128xf32>
    %get3A_14 = arith.constant 0 : index
    %get3A_15 = arith.constant 0 : index
    %get3A_16 = vector.load %arg6[%get3A_14, %get3A_15] : memref<1x128xf32, #tpu.memory_space<vmem>>, vector<1x128xf32>
    %add3A_17 = vector.broadcast %get3A_16 : vector<1x128xf32> to vector<2000x128xf32>
    %add3A_18 = arith.addf %add3A, %add3A_17 : vector<2000x128xf32>
    %mul3A = arith.constant 5.000000e-01 : f32
    %mul3A_19 = vector.broadcast %mul3A : f32 to vector<2000x128xf32>
    %mul3A_20 = arith.mulf %mul3A_19, %add3A_18 : vector<2000x128xf32>
    %mul3A_21 = arith.constant 0.707106769 : f32
    %mul3A_22 = vector.broadcast %mul3A_21 : f32 to vector<2000x128xf32>
    %mul3A_23 = arith.mulf %add3A_18, %mul3A_22 : vector<2000x128xf32>
    %erf3A = math.erf %mul3A_23 : vector<2000x128xf32>
    %add3A_24 = arith.constant 1.000000e+00 : f32
    %add3A_25 = vector.broadcast %add3A_24 : f32 to vector<2000x128xf32>
    %add3A_26 = arith.addf %add3A_25, %erf3A : vector<2000x128xf32>
    %mul3A_27 = arith.mulf %mul3A_20, %add3A_26 : vector<2000x128xf32>
    %get3A_28 = arith.constant 0 : index
    %get3A_29 = arith.constant 0 : index
    %get3A_30 = vector.load %arg1[%get3A_28, %get3A_29] : memref<2000x128xf32, #tpu.memory_space<vmem>>, vector<2000x128xf32>
    %add3A_31 = arith.addf %get3A_30, %mul3A_27 : vector<2000x128xf32>
    %swap3A = arith.constant 0 : index
    %swap3A_32 = arith.constant 0 : index
    %swap3A_33 = vector.load %arg7[%swap3A, %swap3A_32] : memref<2000x128xf32, #tpu.memory_space<vmem>>, vector<2000x128xf32>
    tpu.vector_store %arg7[%swap3A, %swap3A_32], %add3A_31 {strides = array<i32>} : memref<2000x128xf32, #tpu.memory_space<vmem>>, vector<2000x128xf32>,
    return
  }
  func.func @transform_0(%arg0: i32) -> (i32, i32) {
    %c0_i32 = arith.constant 0 : i32
    %c0_i32_0 = arith.constant 0 : i32
    return %arg0, %c0_i32 : i32, i32
  }
  func.func @transform_1(%arg0: i32) -> (i32, i32) {
    %c0_i32 = arith.constant 0 : i32
    %c0_i32_0 = arith.constant 0 : i32
    return %arg0, %c0_i32 : i32, i32
  }
  func.func @transform_2(%arg0: i32) -> (i32, i32) {
    %c0_i32 = arith.constant 0 : i32
    %c0_i32_0 = arith.constant 0 : i32
    return %arg0, %c0_i32 : i32, i32
  }
  func.func @transform_3(%arg0: i32) -> (i32, i32) {
    %c0_i32 = arith.constant 0 : i32
    %c0_i32_0 = arith.constant 0 : i32
    %c0_i32_1 = arith.constant 0 : i32
    return %c0_i32, %c0_i32_0 : i32, i32
  }
  func.func @transform_4(%arg0: i32) -> (i32, i32) {
    %c0_i32 = arith.constant 0 : i32
    %c0_i32_0 = arith.constant 0 : i32
    %c0_i32_1 = arith.constant 0 : i32
    return %c0_i32, %c0_i32_0 : i32, i32
  }
  func.func @transform_5(%arg0: i32) -> (i32, i32) {
    %c0_i32 = arith.constant 0 : i32
    %c0_i32_0 = arith.constant 0 : i32
    %c0_i32_1 = arith.constant 0 : i32
    return %c0_i32, %c0_i32_0 : i32, i32
  }
  func.func @transform_6(%arg0: i32) -> (i32, i32) {
    %c0_i32 = arith.constant 0 : i32
    %c0_i32_0 = arith.constant 0 : i32
    return %arg0, %c0_i32 : i32, i32
  }
}

</mosaic_0001>

<sc_bundles>
// kernel: kernel.6.cloned.1.call-start
scs
__scs_entry_jumppad:
0x0: {  	(pc) =	sbr.rel $0x88, $3  }
0x1: {  	(tag) =	ssettag $0x0;
	lr =	simm.s32 $0x1  }
0x2: {  	[smem:$0x3F98] =	sst lr;
	_ =	strace $0xD0000000  }
0x3: {  	_ = 	snop  }
0x4: {  	_ = 	snop  }
0x5: {  	_ = 	snop  }
0x6: {  	_ = 	snop  }
0x7: {  	_ = 	snop  }
__scs_overlays_trampoline_lowered:
0x8: {  	[smem:$0x3FA7] =	sst s0  }
0x9: {  	[smem:$0x3FA8] =	sst s1  }
0xa: {  	[smem:$0x3FA9] =	sst s2  }
0xb: {  	[smem:$0x3FAA] =	sst s3  }
0xc: {  	[smem:$0x3FAB] =	sst s4  }
0xd: {  	[smem:$0x3FAC] =	sst s5  }
0xe: {  	[smem:$0x3FAD] =	sst s6  }
0xf: {  	[smem:$0x3FAE] =	sst s7  }
0x10: {  	[smem:$0x3FAF] =	sst s8  }
0x11: {  	[smem:$0x3FB0] =	sst s9;
	s0 =	simm.s32 @!p0 $0x0  }
0x12: {  	s1 =	sld [smem:$0x3F96];
	s0 =	simm.s32 @p0 $0x1  }
0x13: {  	[smem:$0x3FB1] =	sst s0;
	s0 =	simm.s32 @!p1 $0x0  }
0x14: {  	s2 =	sld [smem:$0x3F95];
	s0 =	simm.s32 @p1 $0x1  }
0x15: {  	[smem:$0x3FB2] =	sst s0;
	s0 =	simm.s32 @!p2 $0x0  }
0x16: {  	s3 =	sld [smem:$0x3FDB];
	s0 =	simm.s32 @p2 $0x1  }
0x17: {  	s4 =	simm.s32 $0x1BF5;
	[smem:$0x3FB4] =	sst s0  }
0x18: {  	s0 =	sld [smem:$0x3F97];
	_ =	swait.ge [sflag:s4], $0x0  }
0x19: {  	s7 =	sld [smem:$0x3F98]  }
0x1a: {  	s8 =	sadd.s32 $0xFFFFE003, lr  }
0x1b: {  	s9 =	sadd.s32 $0xFFFFFEF7, lr;
	s5 =	simm.s32 $0xFFFFFFFF;
	p2 =	slt.u32 s8, $0xFFFFF086  }
0x1c: {  	p1 =	slt.u32 s9, $0xF7A;
	s5 =	simm.s32 @!p2 $0x0  }
0x1d: {  	s5 =	simm.s32 @p1 $0x1;
	p0 =	seq.s32 s7, s2  }
0x1e: {  	s7 =	smul.u32 @!p0 $0xF7A, s2;
	p2 =	seq.s32 @!p0 s5, $0x0  }
0x1f: {  	s9 =	smul.u32 $0xF7A, s1;
	s8 =	simm.s32 @!p0 $0x1BF5;
	p2 =	por !p2, p0  }
0x20: {  	[sflag:s8] =	ssyncset.s32 @!p0 $0xFFFFF086;
	s6 =	sadd.s32 @!p0 s3, s7;
	s7 =	simm.s32 @!p0 $0x108  }
0x21: {  	s3 =	sadd.s32 s3, s9;
	s6 =	sadd.s32 @!p0 $0x88, s6;
	s7 =	simm.s32 @p2 $0x1082  }
0x22: {  	[simem:s7], [sflag:s8] =	dma.local @!p0 [hbm:s6], $0xF7A  }
0x23: {  	s9 =	sor.u32 $0xD0000000, s2;
	s6 =	simm.s32 $0x108;
	_ =	swait.ge @!p0 [sflag:s8], $0x0  }
0x24: {  	s3 =	sadd.s32 $0x88, s3;
	s6 =	simm.s32 @!p1 $0x1082;
	[sflag:s4] =	ssyncset.s32 $0xFFFFF086  }
0x25: {  	[simem:s6], [sflag:s4] =	dma.local [hbm:s3], $0xF7A  }
0x26: {  	[smem:$0x3F98] =	sst s1;
	(tag) =	ssettag s2;
	_ =	strace s9  }
0x27: {  	s1 =	sld [smem:$0x3FA8]  }
0x28: {  	s2 =	sld [smem:$0x3FA9]  }
0x29: {  	s4 =	sld [smem:$0x3FAB]  }
0x2a: {  	p0 =	seq.s32 s5, $0x0;
	s5 =	sld [smem:$0x3FAC]  }
0x2b: {  	s6 =	sld [smem:$0x3FAD]  }
0x2c: {  	s7 =	sld [smem:$0x3FAE]  }
0x2d: {  	s3 =	simm.s32 $0x108;
	s8 =	sld [smem:$0x3FAF]  }
0x2e: {  	s3 =	simm.s32 @!p0 $0x1082;
	s9 =	sld [smem:$0x3FB0]  }
0x2f: {  	lr =	sadd.s32 s0, s3;
	s0 =	sld [smem:$0x3FA7]  }
0x30: {  	s3 =	sld [smem:$0x3FAA]  }
0x31: {  	[smem:$0x3FB3] =	sst s10  }
0x32: {  	s10 =	sld [smem:$0x3FB1];
	_ =	sdelay $0x3  }
0x33: {  	p0 =	seq.s32 s10, $0x1;
	s10 =	sld [smem:$0x3FB3];
	_ =	sdelay $0x3  }
0x34: {  	[smem:$0x3FB3] =	sst s10  }
0x35: {  	s10 =	sld [smem:$0x3FB2];
	_ =	sdelay $0x3  }
0x36: {  	p1 =	seq.s32 s10, $0x1;
	s10 =	sld [smem:$0x3FB3];
	_ =	sdelay $0x3  }
0x37: {  	[smem:$0x3FB3] =	sst s10  }
0x38: {  	s10 =	sld [smem:$0x3FB4]  }
0x39: {  	_ = 	snop;
	(pc) =	sbr.ind lr, $3  }
0x3a: {  	_ = 	snop  }
0x3b: {  	_ = 	snop  }
0x3c: {  	p2 =	seq.s32 s10, $0x1;
	s10 =	sld [smem:$0x3FB3]  }
0x3d: {  	_ =	shalt  }
0x3e: {  	_ =	shalt  }
0x3f: {  	_ =	shalt  }
0x40: {  	_ =	shalt  }
0x41: {  	_ =	shalt  }
0x42: {  	_ =	shalt  }
0x43: {  	_ =	shalt  }
0x44: {  	_ =	shalt  }
0x45: {  	_ =	shalt  }
0x46: {  	_ =	shalt  }
0x47: {  	_ =	shalt  }
0x48: {  	_ =	shalt  }
0x49: {  	_ =	shalt  }
0x4a: {  	_ =	shalt  }
0x4b: {  	_ =	shalt  }
0x4c: {  	_ =	shalt  }
0x4d: {  	_ =	shalt  }
0x4e: {  	_ =	shalt  }
0x4f: {  	_ =	shalt  }
0x50: {  	_ =	shalt  }
0x51: {  	_ =	shalt  }
0x52: {  	_ =	shalt  }
0x53: {  	_ =	shalt  }
0x54: {  	_ =	shalt  }
0x55: {  	_ =	shalt  }
0x56: {  	_ =	shalt  }
0x57: {  	_ =	shalt  }
0x58: {  	_ =	shalt  }
0x59: {  	_ =	shalt  }
0x5a: {  	_ =	shalt  }
0x5b: {  	_ =	shalt  }
0x5c: {  	_ =	shalt  }
0x5d: {  	_ =	shalt  }
0x5e: {  	_ =	shalt  }
0x5f: {  	_ =	shalt  }
0x60: {  	_ =	shalt  }
0x61: {  	_ =	shalt  }
0x62: {  	_ =	shalt  }
0x63: {  	_ =	shalt  }
0x64: {  	_ =	shalt  }
0x65: {  	_ =	shalt  }
0x66: {  	_ =	shalt  }
0x67: {  	_ =	shalt  }
0x68: {  	_ =	shalt  }
0x69: {  	_ =	shalt  }
0x6a: {  	_ =	shalt  }
0x6b: {  	_ =	shalt  }
0x6c: {  	_ =	shalt  }
0x6d: {  	_ =	shalt  }
0x6e: {  	_ =	shalt  }
0x6f: {  	_ =	shalt  }
0x70: {  	_ =	shalt  }
0x71: {  	_ =	shalt  }
0x72: {  	_ =	shalt  }
0x73: {  	_ =	shalt  }
0x74: {  	_ =	shalt  }
0x75: {  	_ =	shalt  }
0x76: {  	_ =	shalt  }
0x77: {  	_ =	shalt  }
0x78: {  	_ =	shalt  }
0x79: {  	_ =	shalt  }
0x7a: {  	_ =	shalt  }
0x7b: {  	_ =	shalt  }
0x7c: {  	_ =	shalt  }
0x7d: {  	_ =	shalt  }
0x7e: {  	_ =	shalt  }
0x7f: {  	_ =	shalt  }
0x80: {  	_ =	shalt  }
0x81: {  	_ =	shalt  }
0x82: {  	_ =	shalt  }
0x83: {  	_ =	shalt  }
0x84: {  	_ =	shalt  }
0x85: {  	_ =	shalt  }
0x86: {  	_ =	shalt  }
0x87: {  	_ =	shalt  }
.Lfunc_end0:
.L_simem_size_0:
called_computation_lowered:
.L_overlay_start_0:
0x88: {  	s2 =	sld [smem:$0x3FD9]  }
0x89: {  	s3 =	sld [smem:$0x3FFE];
	_ =	sdelay $0x1  }
0x8a: {  	s1 =	srdreg.scid  }
0x8b: {  	s0 =	sand.u32 $0x1, s1  }
0x8c: {  	s17 =	sshll.u32 s0, $0xA;
	s2 =	sadd.s32 s3, s2  }
0x8d: {  	s2 =	sadd.s32 s2, s17  }
0x8e: {  	[smem:$0x3FBF] =	sst s2  }
0x8f: {  	_ = 	snop  }
0x90: {  	s2 =	sld [smem:$0x3FC9]  }
0x91: {  	s18 =	sld [smem:$0x3FC7]  }
0x92: {  	s4 =	sld [smem:$0x3FC5];
	(tm) =	ssettm $0x1  }
0x93: {  	s5 =	sld [smem:$0x3FFB];
	_ =	sdelay $0x3  }
0x94: {  	_ =	strace s5  }
0x95: {  	s5 =	sld [smem:$0x3FFC];
	_ =	sdelay $0x3  }
0x96: {  	_ =	strace s5  }
0x97: {  	s5 =	sld [smem:$0x3FFD];
	_ =	sdelay $0x3  }
0x98: {  	_ =	strace s5  }
0x99: {  	_ =	strace $0x8FFFFFFF  }
0x9a: {  	s19 =	sld [smem:$0x3FDB];
	_ =	sdelay $0x1  }
0x9b: {  	s6 =	simm.s32 $_scs_section_size  }
0x9c: {  	s7 =	simm.s32 $_size__tile_overlayer_lowered;
	s8 =	simm.s32 $_tile_overlayer_lowered  }
0x9d: {  	s22 =	simm.s32 $0x1BFF;
	s21 =	sshll.u32 s8, $0x1;
	s5 =	sadd.s32 s6, s19  }
0x9e: {  	s9 =	simm.s32 $0x0;
	s20 =	sshll.u32 s7, $0x1;
	s7 =	sadd.s32 s21, s5  }
0x9f: {  	[timem:s9], [sflag:s22] =	dma.local [hbm:s7], s20  }
0xa0: {  	_ =	swait.ge [sflag:s22], s20  }
0xa1: {  	s6 =	ssub.s32 $0x0, s20;
	[sflag:s22] =	ssyncset.done $0x0  }
0xa2: {  	[sflag:s22] =	ssyncadd.s32 s6;
	_ =	sdelay $0x1  }
0xa3: {  	s23 =	simm.s32 $0x1B8B  }
0xa4: {  	_ =	swait.ge [sflag:s23], $0x1  }
0xa5: {  	[sflag:s23] =	ssyncset.done $0x0  }
0xa6: {  	s25 =	simm.s32 $0x1B8E;
	s24 =	sld [smem:$0x3FFE];
	[sflag:s23] =	ssyncadd.s32 $0xFFFFFFFF  }
0xa7: {  	s26 =	simm.s32 $execute0_lowered;
	[smem:$0x3FD2] =	sst s25  }
0xa8: {  	s7 =	sshll.u32 s26, $0x1;
	_ =	strace $0x80000046;
	[dreg:$0x1] =	wrdreg $0xFFFFFFFF  }
0xa9: {  	s28 =	simm.s32 $_size_execute0_lowered;
	s5 =	sadd.s32 s5, s7;
	[dreg:$0x0] =	wrdreg $0x0  }
0xaa: {  	s7 =	sshll.u32 s28, $0x1;
	[dreg:$0x2] =	wrdreg s5  }
0xab: {  	[dreg:$0x3] =	wrdreg s7  }
0xac: {  	[dreg:$0x4] =	wrdreg $0xC0  }
0xad: {  	_ =	task [dreg:s9], $0x5FFFF  }
0xae: {  	[dreg:$0x1] =	wrdreg $0xFFFFFFFF  }
0xaf: {  	[dreg:$0x0] =	wrdreg $0x60  }
0xb0: {  	[dreg:$0x2] =	wrdreg s2  }
0xb1: {  	[dreg:$0x3] =	wrdreg s24  }
0xb2: {  	[dreg:$0x4] =	wrdreg s18  }
0xb3: {  	[dreg:$0x5] =	wrdreg s4  }
0xb4: {  	[dreg:$0x6] =	wrdreg $0x0  }
0xb5: {  	[dreg:$0x7] =	wrdreg $0x9  }
0xb6: {  	_ =	task.clear_ibuf [dreg:s9], $0x8FFFF;
	_ =	strace $0x90000046  }
0xb7: {  	s29 =	simm.s32 $0x9;
	_ =	strace $0x80000048  }
0xb8: {  	_ =	swait.ge [sflag:s29], $0x1  }
0xb9: {  	[sflag:s29] =	ssyncadd.s32 $0xFFFFFFFF  }
0xba: {  	_ =	strace $0x90000048  }
0xbb: {  	_ =	sfence  }
0xbc: {  	s30 =	sld [smem:$0x0];
	_ =	sdelay $0x2  }
0xbd: {  	s31 =	sshll.u32 s1, $0xD;
	s1 =	sshrl.u32 s1, $0x2  }
0xbe: {  	s3 =	sand.u32 $0x4000, s31;
	s1 =	sadd.s32 s1, s30  }
0xbf: {  	s0 =	sor.u32 s3, s0;
	s1 =	sshll.u32 s1, $0x11  }
0xc0: {  	s0 =	sor.u32 s1, s0  }
0xc1: {  	s0 =	sadd.s32 $0x8F2B, s0  }
0xc2: {  	[sflag:s0] =	ssyncadd.remote.s32 $0x1  }
0xc3: {  	_ =	sfence.sel $0xFFFF  }
0xc4: {  	[dreg:$0x0] =	wrdreg $0xFFFFFFFF;
	(pc) =	sbr.abs _section_cstart, $3  }
0xc5: {  	[dreg:$0x1] =	wrdreg $0xFFFFFFFF  }
0xc6: {  	_ =	task.clear_ibuf [dreg:s9], $0x2FFFF;
	_ =	strace $0x9FFFFFFF  }
0xc7: {  	(tm) =	ssettm $0x7FFFFFFF  }
tec
execute0_lowered:
.L_overlay_start_1:
0x0: {  	(tag) =	ssettag $0x1  }
0x1: {  	s1 =	rddreg [dreg:$0x0]  }
0x2: {  	s0 =	rddreg [dreg:$0x1]  }
0x3: {  	s2 =	rddreg [dreg:$0x2]  }
0x4: {  	s3 =	rddreg [dreg:$0x3]  }
0x5: {  	s4 =	rddreg [dreg:$0x4]  }
0x6: {  	s11 =	simm.s32 $0x0;
	s10 =	stileid.u32;
	s5 =	srdreg.scid  }
0x7: {  	s28 =	simm.s32 $0x5;
	s31 =	simm.s32 $0x1;
	s30 =	simm.s32 $0x50  }
0x8: {  	[smem:$0x7FF] =	sst s11;
	s12 =	sadd.s32 $0x1C00, s0;
	s6 =	smul.u32 $0x2780, s10  }
0x9: {  	s13 =	sadd.s32 $0x31C00, s0;
	s16 =	sadd.s32 $0x11C00, s0;
	s5 =	sand.u32 $0x1, s5  }
0xa: {  	s17 =	sadd.s32 $0x21C00, s0;
	s8 =	sadd.s32 $0x69400, s0;
	s9 =	smul.u32 $0x4F000, s10  }
0xb: {  	s14 =	smul.u32 $0x4E20, s10;
	s18 =	sshll.u32 s10, $0xC;
	s26 =	sshll.u32 s10, $0x6  }
0xc: {  	_ =	strace $0x80000047;
	s7 =	ssub.s32 $0x2, s5;
	[dreg:$0xa] =	wrdreg s8  }
0xd: {  	p0 =	seq.s32 s5, $0x1;
	[dreg:$0x8] =	wrdreg s12;
	s22 =	sadd.s32 s12, s18  }
0xe: {  	[dreg:$0x9] =	wrdreg s13;
	s23 =	sadd.s32 s13, s18;
	s24 =	sor.u32 $0x200, s18  }
0xf: {  	s25 =	sadd.s32 s16, s18;
	s21 =	smov.u32 s17;
	[dreg:$0x7] =	wrdreg s6  }
0x10: {  	s12 =	simm.s32 $0x1AC00;
	s13 =	simm.s32 $0x1D400;
	[dreg:$0xd] =	wrdreg s22  }
0x11: {  	s6 =	sadd.s32 s6, s0;
	s29 =	sshrl.u32 s7, $0x1;
	[dreg:$0xe] =	wrdreg s23  }
0x12: {  	s0 =	sadd.s32 $0x90C00, s0;
	s15 =	sshrl.u32 s9, $0x2;
	[dreg:$0xf] =	wrdreg s24  }
0x13: {  	s19 =	sadd.s32 $0x50, s14;
	s20 =	sadd.s32 $0xA0, s14;
	[dreg:$0x10] =	wrdreg s25  }
0x14: {  	s22 =	simm.s32 $0x3;
	[dreg:$0xb] =	wrdreg s0;
	s8 =	ssub.s32 s7, s29  }
0x15: {  	s5 =	sadd.s32 s15, s4;
	s6 =	sadd.s32 $0x41C00, s6;
	s15 =	smov.u32 s16  }
.Ltmp0:
0x16: {  	s29 =	sadd.s32 s17, s18;
	[dreg:$0xc] =	wrdreg s6;
	(pc) =	sbr.rel .LBB2_1-.Ltmp0, $4  }
0x17: {  	s17 =	simm.s32 $0x15C00;
	s0 =	smax.u32 s8, $0x1;
	[dreg:$0x14] =	wrdreg s29  }
0x18: {  	s16 =	simm.s32 $0x2;
	s6 =	sor.u32 $0x1C05, s26;
	[dreg:$0x11] =	wrdreg s0  }
0x19: {  	s8 =	sshrl.u32 s5, $0x3;
	s26 =	simm.s32 $0x4;
	[dreg:$0x12] =	wrdreg s6  }
0x1a: {  	s0 =	smov.u32 s18;
	s18 =	simm.s32 $0x18400;
	[dreg:$0x13] =	wrdreg s8  }
.LBB2_32:
0x1b: {  	s6 =	rddreg [dreg:$0x7];
	[bflag:$0x0] =	sbarrier.arrive $0xFFFF  }
0x1c: {  	s5 =	sadd.s32 s5, s6;
	s6 =	rddreg [dreg:$0x12]  }
0x1d: {  	s8 =	rddreg [dreg:$0x13]  }
0x1e: {  	[hbm:s5], [sflag:s6] =	dma.local [spmem:s8], $0x2780  }
0x1f: {  	_ =	swait.ge [sflag:s28], $0x2780  }
0x20: {  	s11 =	sadd.s32 $0x1, s11;
	s29 =	rddreg [dreg:$0x11]  }
0x21: {  	p1 =	sne.s32 s11, s29  }
.Ltmp1:
0x22: {  	_ = 	snop;
	(pc) =	sbr.rel @!p1 .LBB2_33-.Ltmp1, $3  }
0x23: {  	_ =	sdelay $0x1  }
0x24: {  	[sflag:s28] =	ssyncset.done $0x0  }
0x25: {  	[sflag:s28] =	ssyncadd.s32 $0xFFFFD880  }
.LBB2_1:
0x26: {  	[dreg:$0x6] =	wrdreg s11  }
.Ltmp2:
0x27: {  	s5 =	rddreg [dreg:$0xc];
	(pc) =	sbr.rel @!p0 .LBB2_2-.Ltmp2, $4  }
0x28: {  	[spmem:s8], [sflag:s6] =	dma.local [hbm:s5], $0x2780  }
0x29: {  	_ =	swait.ge [sflag:s28], $0x2780  }
0x2a: {  	[sflag:s28] =	ssyncset.done $0x0  }
0x2b: {  	s23 =	simm.s32 $0x0;
	[sflag:s28] =	ssyncadd.s32 $0xFFFFD880  }
0x2c: {  	s5 =	rddreg [dreg:$0x10];
	s6 =	simm.s32 $0x13C00  }
0x2d: {  	[tilespmem:s6], [sflag:$0x1] =	stream.linear.gather [hbm4b:s5+s23], $0x800, $0x38;
	[tilespmem:$0x1FC00] =	vst v63  }
0x2e: {  	s25 =	rddreg [dreg:$0x14];
	s29 =	simm.s32 $0x14400  }
0x2f: {  	[tilespmem:s29], [sflag:$0x1] =	stream.linear.gather [hbm4b:s25+s23], $0x800, $0x38;
	[tilespmem:$0x1FC00] =	vst v63  }
0x30: {  	s8 =	simm.s32 $0x0;
	[bflag:$0x0] =	sbarrier.arrive $0xFFFF  }
.LBB2_18:
0x31: {  	_ =	swait.ge [sflag:s31], $0x800  }
0x32: {  	[sflag:s31] =	ssyncset.done $0x0  }
0x33: {  	s24 =	sshllo.u32 s8, $0x1;
	[sflag:s31] =	ssyncadd.s32 $0xFFFFF800  }
0x34: {  	s5 =	sshll.u32 s24, $0x8;
	_ =	swait.ge [sflag:s31], $0x800  }
0x35: {  	s5 =	sadd.s32 s0, s5;
	[sflag:s31] =	ssyncset.done $0x0  }
0x36: {  	s7 =	simm.s32 $0x14C00;
	s6 =	sadd.s32 s15, s5;
	[sflag:s31] =	ssyncadd.s32 $0xFFFFF800  }
0x37: {  	[tilespmem:s7], [sflag:$0x2] =	stream.linear.gather [hbm4b:s6+s23], $0x800, $0x38;
	[tilespmem:$0x1FC00] =	vst v63  }
0x38: {  	s11 =	simm.s32 $0x15400;
	s25 =	smul.u32 $0xA00, s8;
	s5 =	sadd.s32 s21, s5  }
0x39: {  	[tilespmem:s11], [sflag:$0x2] =	stream.linear.gather [hbm4b:s5+s23], $0x800, $0x38;
	[tilespmem:$0x1FC00] =	vst v63  }
0x3a: {  	s5 =	sadd.s32 s14, s25  }
0x3b: {  	s29 =	simm.s32 $0x13C00;
	s5 =	sshll.u32 s5, $0x4  }
0x3c: {  	[tilespmem:s17], [sflag:$0x3] =	stream.indirect.gather [hbm4b:s1+s30], $0x80, s29, s30, $0xb8;
	[tilespmem:$0x1FC00] =	vst v63  }
0x3d: {  	s6 =	sshll.u32 s8, $0x5;
	s25 =	simm.s32 $0x0;
	s5 =	sadd.s32 s3, s5  }
0x3e: {  	[tilespmem:s12], [sflag:$0x3] =	stream.linear.gather [hbm4b:s5+s23], $0x2800, $0x38;
	[tilespmem:$0x1FC00] =	vst v63  }
.LBB2_19:
0x3f: {  	s5 =	sshll.u32 s25, $0x1  }
0x40: {  	s10 =	sshll.u32 s25, $0x8;
	s5 =	sadd.s32 s6, s5  }
0x41: {  	s9 =	sadd.s32 $0x13C80, s10;
	s7 =	smul.u32 $0x50, s5  }
0x42: {  	[tilespmem:s18], [sflag:$0x4] =	stream.indirect.gather [hbm4b:s1+s30], $0x80, s9, s30, $0xb8;
	[tilespmem:$0x1FC00] =	vst v63  }
0x43: {  	s5 =	sadd.s32 s19, s7  }
0x44: {  	s5 =	sshll.u32 s5, $0x4  }
0x45: {  	s29 =	simm.s32 $0x0;
	s5 =	sadd.s32 s3, s5  }
0x46: {  	[tilespmem:s13], [sflag:$0x4] =	stream.linear.gather [hbm4b:s5+s29], $0x2800, $0x38;
	[tilespmem:$0x1FC00] =	vst v63  }
0x47: {  	_ =	swait.ge [sflag:s22], $0x2800  }
0x48: {  	[sflag:s22] =	ssyncset.done $0x0  }
0x49: {  	[sflag:s22] =	ssyncadd.s32 $0xFFFFD800  }
0x4a: {  	_ =	swait.ge [sflag:s22], $0x2800  }
0x4b: {  	[sflag:s22] =	ssyncset.done $0x0  }
0x4c: {  	s9 =	simm.s32 $0x0;
	[sflag:s22] =	ssyncadd.s32 $0xFFFFD800  }
0x4d: {  	v7 =	vld [tilespmem:s9+$0x15C00]  }
0x4e: {  	v11 =	vld [tilespmem:s9+$0x15C10]  }
0x4f: {  	v5 =	vld [tilespmem:s9+$0x15C20]  }
0x50: {  	v4 =	vld [tilespmem:s9+$0x15C30]  }
0x51: {  	v3 =	vld [tilespmem:s9+$0x15C40]  }
0x52: {  	v2 =	vld [tilespmem:s9+$0x15C50]  }
0x53: {  	v1 =	vld [tilespmem:s9+$0x15C60]  }
0x54: {  	v0 =	vld [tilespmem:s9+$0x15C70]  }
0x55: {  	v12 =	vld [tilespmem:s9+$0x1AC00]  }
0x56: {  	v13 =	vld [tilespmem:s9+$0x1AC10]  }
0x57: {  	v10 =	vld [tilespmem:s9+$0x1AC20]  }
0x58: {  	v9 =	vld [tilespmem:s9+$0x1AC30]  }
0x59: {  	v8 =	vld [tilespmem:s9+$0x1AC40]  }
0x5a: {  	v6 =	vld [tilespmem:s9+$0x1AC50];
	v12 =	vmul.f32 v7, v12  }
0x5b: {  	s5 =	sor.u32 $0x80, s10;
	s10 =	simm.s32 $0x200;
	v11 =	vmul.f32 v11, v13;
	v7 =	vld [tilespmem:s9+$0x1AC60]  }
.LBB2_20:
0x5c: {  	s11 =	sshra.s32 s10, $0x2;
	p1 =	sne.s32 s10, $0x9E00;
	[tilespmem:s9+$0x1AC00] =	vst v12;
	v5 =	vmul.f32 v5, v10;
	v10 =	vld [tilespmem:s9+$0x1AC70]  }
0x5d: {  	v12 =	vld [tilespmem:s11+$0x15C00];
	[tilespmem:s9+$0x1AC10] =	vst v11;
	v4 =	vmul.f32 v4, v9  }
0x5e: {  	v11 =	vld [tilespmem:s11+$0x15C10];
	[tilespmem:s9+$0x1AC20] =	vst v5;
	v3 =	vmul.f32 v3, v8  }
0x5f: {  	v5 =	vld [tilespmem:s11+$0x15C20];
	[tilespmem:s9+$0x1AC30] =	vst v4;
	v2 =	vmul.f32 v2, v6  }
0x60: {  	v4 =	vld [tilespmem:s11+$0x15C30];
	[tilespmem:s9+$0x1AC40] =	vst v3;
	v1 =	vmul.f32 v1, v7  }
0x61: {  	v3 =	vld [tilespmem:s11+$0x15C40];
	[tilespmem:s9+$0x1AC50] =	vst v2;
	v0 =	vmul.f32 v0, v10  }
0x62: {  	v2 =	vld [tilespmem:s11+$0x15C50];
	[tilespmem:s9+$0x1AC60] =	vst v1  }
0x63: {  	v1 =	vld [tilespmem:s11+$0x15C60];
	[tilespmem:s9+$0x1AC70] =	vst v0;
	s9 =	smov.u32 s11  }
0x64: {  	v0 =	vld [tilespmem:s9+$0x15C70]  }
0x65: {  	v6 =	vld [tilespmem:s9+$0x1AC00]  }
0x66: {  	v7 =	vld [tilespmem:s9+$0x1AC10]  }
.Ltmp3:
0x67: {  	v10 =	vld [tilespmem:s9+$0x1AC20];
	(pc) =	sbr.rel @p1 .LBB2_20-.Ltmp3, $4  }
0x68: {  	v9 =	vld [tilespmem:s9+$0x1AC30]  }
0x69: {  	v8 =	vld [tilespmem:s9+$0x1AC40]  }
0x6a: {  	v12 =	vmul.f32 v12, v6;
	v6 =	vld [tilespmem:s9+$0x1AC50]  }
0x6b: {  	s10 =	sadd.s32 $0x200, s10;
	v11 =	vmul.f32 v11, v7;
	v7 =	vld [tilespmem:s9+$0x1AC60]  }
0x6c: {  	[tilespmem:s9+$0x1AC00] =	vst v12;
	v5 =	vmul.f32 v5, v10;
	v10 =	vld [tilespmem:s9+$0x1AC70]  }
0x6d: {  	[tilespmem:s9+$0x1AC10] =	vst v11;
	v4 =	vmul.f32 v4, v9  }
0x6e: {  	[tilespmem:s9+$0x1AC20] =	vst v5;
	v3 =	vmul.f32 v3, v8  }
0x6f: {  	[tilespmem:s9+$0x1AC30] =	vst v4;
	v2 =	vmul.f32 v2, v6  }
0x70: {  	[tilespmem:s9+$0x1AC40] =	vst v3;
	v1 =	vmul.f32 v1, v7  }
0x71: {  	s10 =	sshll.u32 s25, $0xA;
	[tilespmem:s9+$0x1AC50] =	vst v2;
	v0 =	vmul.f32 v0, v10  }
0x72: {  	s11 =	sshrl.u32 s10, $0x2;
	[tilespmem:s9+$0x1AC60] =	vst v1  }
0x73: {  	p1 =	seq.s32 s25, $0x7;
	s29 =	sadd.s32 $0x14400, s11;
	[tilespmem:s9+$0x1AC70] =	vst v0  }
0x74: {  	[spmem:s4] =	stream.indirect.scatter.add.f32 [tilespmem:s12], [sflag:$0x5], $0x80, s29, s30, $0xb8;
	[tilespmem:$0x1FC00] =	vst v63  }
0x75: {  	s7 =	sadd.s32 @!p1 s20, s7;
	s11 =	simm.s32 @!p1 $0x15C00;
	_ =	swait.ge [sflag:s28], $0x2800  }
0x76: {  	s7 =	sshll.u32 @!p1 s7, $0x4;
	s9 =	sshrl.u32 @!p1 s10, $0x2;
	[sflag:s28] =	ssyncset.done $0x0  }
0x77: {  	s10 =	simm.s32 @!p1 $0x50;
	s9 =	sadd.s32 @!p1 $0x13D00, s9;
	[sflag:s28] =	ssyncadd.s32 $0xFFFFD800  }
0x78: {  	[tilespmem:s11], [sflag:$0x3] =	stream.indirect.gather @!p1 [hbm4b:s1+s10], $0x80, s9, s10, $0xb8;
	[tilespmem:$0x1FC00] =	vst v63  }
0x79: {  	s7 =	sadd.s32 @!p1 s3, s7;
	s9 =	simm.s32 @!p1 $0x0;
	s10 =	simm.s32 @!p1 $0x1AC00  }
0x7a: {  	[tilespmem:s10], [sflag:$0x3] =	stream.linear.gather @!p1 [hbm4b:s7+s9], $0x2800, $0x38;
	[tilespmem:$0x1FC00] =	vst v63  }
0x7b: {  	_ =	swait.ge [sflag:s26], $0x2800  }
0x7c: {  	[sflag:s26] =	ssyncset.done $0x0  }
0x7d: {  	[sflag:s26] =	ssyncadd.s32 $0xFFFFD800  }
0x7e: {  	_ =	swait.ge [sflag:s26], $0x2800  }
0x7f: {  	[sflag:s26] =	ssyncset.done $0x0  }
0x80: {  	s7 =	simm.s32 $0x0;
	[sflag:s26] =	ssyncadd.s32 $0xFFFFD800  }
0x81: {  	v7 =	vld [tilespmem:s7+$0x18400]  }
0x82: {  	v11 =	vld [tilespmem:s7+$0x18410]  }
0x83: {  	v5 =	vld [tilespmem:s7+$0x18420]  }
0x84: {  	v4 =	vld [tilespmem:s7+$0x18430]  }
0x85: {  	v3 =	vld [tilespmem:s7+$0x18440]  }
0x86: {  	v2 =	vld [tilespmem:s7+$0x18450]  }
0x87: {  	v1 =	vld [tilespmem:s7+$0x18460]  }
0x88: {  	v0 =	vld [tilespmem:s7+$0x18470]  }
0x89: {  	v12 =	vld [tilespmem:s7+$0x1D400]  }
0x8a: {  	v13 =	vld [tilespmem:s7+$0x1D410]  }
0x8b: {  	v10 =	vld [tilespmem:s7+$0x1D420]  }
0x8c: {  	v9 =	vld [tilespmem:s7+$0x1D430]  }
0x8d: {  	v8 =	vld [tilespmem:s7+$0x1D440]  }
0x8e: {  	v6 =	vld [tilespmem:s7+$0x1D450];
	v12 =	vmul.f32 v7, v12  }
0x8f: {  	s9 =	simm.s32 $0x200;
	v11 =	vmul.f32 v11, v13;
	v7 =	vld [tilespmem:s7+$0x1D460]  }
.LBB2_22:
0x90: {  	s10 =	sshra.s32 s9, $0x2;
	p1 =	sne.s32 s9, $0x9E00;
	[tilespmem:s7+$0x1D400] =	vst v12;
	v5 =	vmul.f32 v5, v10;
	v10 =	vld [tilespmem:s7+$0x1D470]  }
0x91: {  	v12 =	vld [tilespmem:s10+$0x18400];
	[tilespmem:s7+$0x1D410] =	vst v11;
	v4 =	vmul.f32 v4, v9  }
0x92: {  	v11 =	vld [tilespmem:s10+$0x18410];
	[tilespmem:s7+$0x1D420] =	vst v5;
	v3 =	vmul.f32 v3, v8  }
0x93: {  	v5 =	vld [tilespmem:s10+$0x18420];
	[tilespmem:s7+$0x1D430] =	vst v4;
	v2 =	vmul.f32 v2, v6  }
0x94: {  	v4 =	vld [tilespmem:s10+$0x18430];
	[tilespmem:s7+$0x1D440] =	vst v3;
	v1 =	vmul.f32 v1, v7  }
0x95: {  	v3 =	vld [tilespmem:s10+$0x18440];
	[tilespmem:s7+$0x1D450] =	vst v2;
	v0 =	vmul.f32 v0, v10  }
0x96: {  	v2 =	vld [tilespmem:s10+$0x18450];
	[tilespmem:s7+$0x1D460] =	vst v1  }
0x97: {  	v1 =	vld [tilespmem:s10+$0x18460];
	[tilespmem:s7+$0x1D470] =	vst v0;
	s7 =	smov.u32 s10  }
0x98: {  	v0 =	vld [tilespmem:s7+$0x18470]  }
0x99: {  	v6 =	vld [tilespmem:s7+$0x1D400]  }
0x9a: {  	v7 =	vld [tilespmem:s7+$0x1D410]  }
.Ltmp4:
0x9b: {  	v10 =	vld [tilespmem:s7+$0x1D420];
	(pc) =	sbr.rel @p1 .LBB2_22-.Ltmp4, $4  }
0x9c: {  	v9 =	vld [tilespmem:s7+$0x1D430]  }
0x9d: {  	v8 =	vld [tilespmem:s7+$0x1D440]  }
0x9e: {  	v12 =	vmul.f32 v12, v6;
	v6 =	vld [tilespmem:s7+$0x1D450]  }
0x9f: {  	s9 =	sadd.s32 $0x200, s9;
	v11 =	vmul.f32 v11, v7;
	v7 =	vld [tilespmem:s7+$0x1D460]  }
0xa0: {  	[tilespmem:s7+$0x1D400] =	vst v12;
	v5 =	vmul.f32 v5, v10;
	v63 =	vld [tilespmem:s7+$0x1D470]  }
0xa1: {  	[tilespmem:s7+$0x1D410] =	vst v11;
	v4 =	vmul.f32 v4, v9  }
0xa2: {  	[tilespmem:s7+$0x1D420] =	vst v5;
	v3 =	vmul.f32 v3, v8  }
0xa3: {  	[tilespmem:s7+$0x1D430] =	vst v4;
	v2 =	vmul.f32 v2, v6  }
0xa4: {  	[tilespmem:s7+$0x1D440] =	vst v3;
	v1 =	vmul.f32 v1, v7  }
0xa5: {  	s25 =	sadd.s32 $0x1, s25;
	[tilespmem:s7+$0x1D450] =	vst v2;
	v0 =	vmul.f32 v0, v63  }
0xa6: {  	p1 =	sne.s32 s25, $0x8;
	[tilespmem:s7+$0x1D460] =	vst v1  }
.Ltmp5:
0xa7: {  	s5 =	sadd.s32 $0x14400, s5;
	[tilespmem:s7+$0x1D470] =	vst v0;
	(pc) =	sbr.rel @p1 .LBB2_19-.Ltmp5, $4  }
0xa8: {  	[spmem:s4] =	stream.indirect.scatter.add.f32 [tilespmem:s13], [sflag:$0x5], $0x80, s5, s30, $0xb8;
	[tilespmem:$0x1FC00] =	vst v63  }
0xa9: {  	_ =	swait.ge [sflag:s28], $0x2800  }
0xaa: {  	[sflag:s28] =	ssyncset.done $0x0  }
0xab: {  	[sflag:s28] =	ssyncadd.s32 $0xFFFFD800  }
0xac: {  	_ =	swait.ge [sflag:s16], $0x800  }
0xad: {  	[sflag:s16] =	ssyncset.done $0x0  }
0xae: {  	[sflag:s16] =	ssyncadd.s32 $0xFFFFF800  }
0xaf: {  	p1 =	seq.s32 s8, $0x7;
	_ =	swait.ge [sflag:s16], $0x800  }
0xb0: {  	s5 =	sshll.u32 @!p1 s8, $0x9;
	s6 =	rddreg [dreg:$0xf]  }
0xb1: {  	s7 =	simm.s32 @!p1 $0x0;
	[sflag:s16] =	ssyncset.done $0x0;
	s5 =	sadd.s32 @!p1 s5, s6  }
0xb2: {  	s9 =	simm.s32 @!p1 $0x13C00;
	[sflag:s16] =	ssyncadd.s32 $0xFFFFF800;
	s6 =	sadd.s32 @!p1 s15, s5  }
0xb3: {  	[tilespmem:s9], [sflag:$0x1] =	stream.linear.gather @!p1 [hbm4b:s6+s7], $0x800, $0x38;
	[tilespmem:$0x1FC00] =	vst v63  }
0xb4: {  	s25 =	smul.u32 $0x500, s24;
	s5 =	sadd.s32 @!p1 s21, s5;
	s6 =	simm.s32 @!p1 $0x14400  }
0xb5: {  	[tilespmem:s6], [sflag:$0x1] =	stream.linear.gather @!p1 [hbm4b:s5+s7], $0x800, $0x38;
	[tilespmem:$0x1FC00] =	vst v63  }
0xb6: {  	s5 =	sadd.s32 s14, s25  }
0xb7: {  	s29 =	simm.s32 $0x14C00;
	s24 =	sshll.u32 s24, $0x4;
	s5 =	sshll.u32 s5, $0x4  }
0xb8: {  	[tilespmem:s17], [sflag:$0x3] =	stream.indirect.gather [hbm4b:s1+s30], $0x80, s29, s30, $0xb8;
	[tilespmem:$0x1FC00] =	vst v63  }
0xb9: {  	s25 =	simm.s32 $0x0;
	s6 =	simm.s32 $0x0;
	s5 =	sadd.s32 s3, s5  }
0xba: {  	[tilespmem:s12], [sflag:$0x3] =	stream.linear.gather [hbm4b:s5+s25], $0x2800, $0x38;
	[tilespmem:$0x1FC00] =	vst v63  }
.LBB2_25:
0xbb: {  	s5 =	sshll.u32 s6, $0x1  }
0xbc: {  	s11 =	sshll.u32 s6, $0x8;
	s29 =	sadd.s32 s24, s5  }
0xbd: {  	s9 =	sadd.s32 $0x14C80, s11;
	s7 =	smul.u32 $0x50, s29  }
0xbe: {  	[tilespmem:s18], [sflag:$0x4] =	stream.indirect.gather [hbm4b:s1+s30], $0x80, s9, s30, $0xb8;
	[tilespmem:$0x1FC00] =	vst v63  }
0xbf: {  	p1 =	slt.u32 s29, $0xFA;
	s9 =	sadd.s32 $0x50, s7  }
0xc0: {  	s9 =	simm.s32 @!p1 $0x0  }
0xc1: {  	s9 =	sadd.s32 s14, s9  }
0xc2: {  	s9 =	sshll.u32 s9, $0x4  }
0xc3: {  	s9 =	sadd.s32 s3, s9  }
0xc4: {  	[tilespmem:s13], [sflag:$0x4] =	stream.linear.gather [hbm4b:s9+s25], $0x2800, $0x38;
	[tilespmem:$0x1FC00] =	vst v63  }
0xc5: {  	_ =	swait.ge [sflag:s22], $0x2800  }
0xc6: {  	[sflag:s22] =	ssyncset.done $0x0  }
0xc7: {  	[sflag:s22] =	ssyncadd.s32 $0xFFFFD800  }
0xc8: {  	_ =	swait.ge [sflag:s22], $0x2800  }
0xc9: {  	[sflag:s22] =	ssyncset.done $0x0  }
0xca: {  	s9 =	simm.s32 $0x0;
	[sflag:s22] =	ssyncadd.s32 $0xFFFFD800  }
0xcb: {  	v7 =	vld [tilespmem:s9+$0x15C00]  }
0xcc: {  	v11 =	vld [tilespmem:s9+$0x15C10]  }
0xcd: {  	v5 =	vld [tilespmem:s9+$0x15C20]  }
0xce: {  	v4 =	vld [tilespmem:s9+$0x15C30]  }
0xcf: {  	v3 =	vld [tilespmem:s9+$0x15C40]  }
0xd0: {  	v2 =	vld [tilespmem:s9+$0x15C50]  }
0xd1: {  	v1 =	vld [tilespmem:s9+$0x15C60]  }
0xd2: {  	v0 =	vld [tilespmem:s9+$0x15C70]  }
0xd3: {  	v12 =	vld [tilespmem:s9+$0x1AC00]  }
0xd4: {  	v13 =	vld [tilespmem:s9+$0x1AC10]  }
0xd5: {  	v10 =	vld [tilespmem:s9+$0x1AC20]  }
0xd6: {  	v9 =	vld [tilespmem:s9+$0x1AC30]  }
0xd7: {  	v8 =	vld [tilespmem:s9+$0x1AC40]  }
0xd8: {  	v6 =	vld [tilespmem:s9+$0x1AC50];
	v12 =	vmul.f32 v7, v12  }
0xd9: {  	s10 =	simm.s32 $0x200;
	s5 =	sor.u32 $0x80, s11;
	v11 =	vmul.f32 v11, v13;
	v7 =	vld [tilespmem:s9+$0x1AC60]  }
.LBB2_26:
0xda: {  	s11 =	sshra.s32 s10, $0x2;
	p1 =	sne.s32 s10, $0x9E00;
	[tilespmem:s9+$0x1AC00] =	vst v12;
	v5 =	vmul.f32 v5, v10;
	v10 =	vld [tilespmem:s9+$0x1AC70]  }
0xdb: {  	v12 =	vld [tilespmem:s11+$0x15C00];
	[tilespmem:s9+$0x1AC10] =	vst v11;
	v4 =	vmul.f32 v4, v9  }
0xdc: {  	v11 =	vld [tilespmem:s11+$0x15C10];
	[tilespmem:s9+$0x1AC20] =	vst v5;
	v3 =	vmul.f32 v3, v8  }
0xdd: {  	v5 =	vld [tilespmem:s11+$0x15C20];
	[tilespmem:s9+$0x1AC30] =	vst v4;
	v2 =	vmul.f32 v2, v6  }
0xde: {  	v4 =	vld [tilespmem:s11+$0x15C30];
	[tilespmem:s9+$0x1AC40] =	vst v3;
	v1 =	vmul.f32 v1, v7  }
0xdf: {  	v3 =	vld [tilespmem:s11+$0x15C40];
	[tilespmem:s9+$0x1AC50] =	vst v2;
	v0 =	vmul.f32 v0, v10  }
0xe0: {  	v2 =	vld [tilespmem:s11+$0x15C50];
	[tilespmem:s9+$0x1AC60] =	vst v1  }
0xe1: {  	v1 =	vld [tilespmem:s11+$0x15C60];
	[tilespmem:s9+$0x1AC70] =	vst v0;
	s9 =	smov.u32 s11  }
0xe2: {  	v0 =	vld [tilespmem:s9+$0x15C70]  }
0xe3: {  	v6 =	vld [tilespmem:s9+$0x1AC00]  }
0xe4: {  	v7 =	vld [tilespmem:s9+$0x1AC10]  }
.Ltmp6:
0xe5: {  	v10 =	vld [tilespmem:s9+$0x1AC20];
	(pc) =	sbr.rel @p1 .LBB2_26-.Ltmp6, $4  }
0xe6: {  	v9 =	vld [tilespmem:s9+$0x1AC30]  }
0xe7: {  	v8 =	vld [tilespmem:s9+$0x1AC40]  }
0xe8: {  	v12 =	vmul.f32 v12, v6;
	v6 =	vld [tilespmem:s9+$0x1AC50]  }
0xe9: {  	s10 =	sadd.s32 $0x200, s10;
	v11 =	vmul.f32 v11, v7;
	v7 =	vld [tilespmem:s9+$0x1AC60]  }
0xea: {  	[tilespmem:s9+$0x1AC00] =	vst v12;
	v5 =	vmul.f32 v5, v10;
	v10 =	vld [tilespmem:s9+$0x1AC70]  }
0xeb: {  	[tilespmem:s9+$0x1AC10] =	vst v11;
	v4 =	vmul.f32 v4, v9  }
0xec: {  	[tilespmem:s9+$0x1AC20] =	vst v5;
	v3 =	vmul.f32 v3, v8  }
0xed: {  	p1 =	seq.s32 s6, $0x7;
	[tilespmem:s9+$0x1AC30] =	vst v4;
	v2 =	vmul.f32 v2, v6  }
0xee: {  	p2 =	slt.u32 @!p1 s29, $0xF8;
	[tilespmem:s9+$0x1AC40] =	vst v3;
	v1 =	vmul.f32 v1, v7  }
0xef: {  	s10 =	sshll.u32 s6, $0xA;
	s7 =	sadd.s32 @!p1 $0xA0, s7;
	p2 =	por !p2, p1;
	[tilespmem:s9+$0x1AC50] =	vst v2;
	v0 =	vmul.f32 v0, v10  }
0xf0: {  	s11 =	sshrl.u32 s10, $0x2;
	s7 =	simm.s32 @p2 $0x0;
	[tilespmem:s9+$0x1AC60] =	vst v1  }
0xf1: {  	s11 =	sadd.s32 $0x15400, s11;
	s7 =	sadd.s32 @!p1 s14, s7;
	[tilespmem:s9+$0x1AC70] =	vst v0  }
0xf2: {  	[spmem:s4] =	stream.indirect.scatter.add.f32 [tilespmem:s12], [sflag:$0x5], $0x80, s11, s30, $0xb8;
	[tilespmem:$0x1FC00] =	vst v63  }
0xf3: {  	s7 =	sshll.u32 @!p1 s7, $0x4;
	_ =	swait.ge [sflag:s28], $0x2800  }
0xf4: {  	s9 =	sshrl.u32 @!p1 s10, $0x2;
	s10 =	simm.s32 @!p1 $0x50;
	[sflag:s28] =	ssyncset.done $0x0  }
0xf5: {  	s9 =	sadd.s32 @!p1 $0x14D00, s9;
	s11 =	simm.s32 @!p1 $0x15C00;
	[sflag:s28] =	ssyncadd.s32 $0xFFFFD800  }
0xf6: {  	[tilespmem:s11], [sflag:$0x3] =	stream.indirect.gather @!p1 [hbm4b:s1+s10], $0x80, s9, s10, $0xb8;
	[tilespmem:$0x1FC00] =	vst v63  }
0xf7: {  	s7 =	sadd.s32 @!p1 s3, s7;
	s9 =	simm.s32 @!p1 $0x0;
	s10 =	simm.s32 @!p1 $0x1AC00  }
0xf8: {  	[tilespmem:s10], [sflag:$0x3] =	stream.linear.gather @!p1 [hbm4b:s7+s9], $0x2800, $0x38;
	[tilespmem:$0x1FC00] =	vst v63  }
0xf9: {  	_ =	swait.ge [sflag:s26], $0x2800  }
0xfa: {  	[sflag:s26] =	ssyncset.done $0x0  }
0xfb: {  	[sflag:s26] =	ssyncadd.s32 $0xFFFFD800  }
0xfc: {  	_ =	swait.ge [sflag:s26], $0x2800  }
0xfd: {  	[sflag:s26] =	ssyncset.done $0x0  }
0xfe: {  	s7 =	simm.s32 $0x0;
	[sflag:s26] =	ssyncadd.s32 $0xFFFFD800  }
0xff: {  	v7 =	vld [tilespmem:s7+$0x18400]  }
0x100: {  	v11 =	vld [tilespmem:s7+$0x18410]  }
0x101: {  	v5 =	vld [tilespmem:s7+$0x18420]  }
0x102: {  	v4 =	vld [tilespmem:s7+$0x18430]  }
0x103: {  	v3 =	vld [tilespmem:s7+$0x18440]  }
0x104: {  	v2 =	vld [tilespmem:s7+$0x18450]  }
0x105: {  	v1 =	vld [tilespmem:s7+$0x18460]  }
0x106: {  	v0 =	vld [tilespmem:s7+$0x18470]  }
0x107: {  	v12 =	vld [tilespmem:s7+$0x1D400]  }
0x108: {  	v13 =	vld [tilespmem:s7+$0x1D410]  }
0x109: {  	v10 =	vld [tilespmem:s7+$0x1D420]  }
0x10a: {  	v9 =	vld [tilespmem:s7+$0x1D430]  }
0x10b: {  	v8 =	vld [tilespmem:s7+$0x1D440]  }
0x10c: {  	v6 =	vld [tilespmem:s7+$0x1D450];
	v12 =	vmul.f32 v7, v12  }
0x10d: {  	s9 =	simm.s32 $0x200;
	v11 =	vmul.f32 v11, v13;
	v7 =	vld [tilespmem:s7+$0x1D460]  }
.LBB2_28:
0x10e: {  	s10 =	sshra.s32 s9, $0x2;
	p1 =	sne.s32 s9, $0x9E00;
	[tilespmem:s7+$0x1D400] =	vst v12;
	v5 =	vmul.f32 v5, v10;
	v10 =	vld [tilespmem:s7+$0x1D470]  }
0x10f: {  	v12 =	vld [tilespmem:s10+$0x18400];
	[tilespmem:s7+$0x1D410] =	vst v11;
	v4 =	vmul.f32 v4, v9  }
0x110: {  	v11 =	vld [tilespmem:s10+$0x18410];
	[tilespmem:s7+$0x1D420] =	vst v5;
	v3 =	vmul.f32 v3, v8  }
0x111: {  	v5 =	vld [tilespmem:s10+$0x18420];
	[tilespmem:s7+$0x1D430] =	vst v4;
	v2 =	vmul.f32 v2, v6  }
0x112: {  	v4 =	vld [tilespmem:s10+$0x18430];
	[tilespmem:s7+$0x1D440] =	vst v3;
	v1 =	vmul.f32 v1, v7  }
0x113: {  	v3 =	vld [tilespmem:s10+$0x18440];
	[tilespmem:s7+$0x1D450] =	vst v2;
	v0 =	vmul.f32 v0, v10  }
0x114: {  	v2 =	vld [tilespmem:s10+$0x18450];
	[tilespmem:s7+$0x1D460] =	vst v1  }
0x115: {  	v1 =	vld [tilespmem:s10+$0x18460];
	[tilespmem:s7+$0x1D470] =	vst v0;
	s7 =	smov.u32 s10  }
0x116: {  	v0 =	vld [tilespmem:s7+$0x18470]  }
0x117: {  	v6 =	vld [tilespmem:s7+$0x1D400]  }
0x118: {  	v7 =	vld [tilespmem:s7+$0x1D410]  }
.Ltmp7:
0x119: {  	v10 =	vld [tilespmem:s7+$0x1D420];
	(pc) =	sbr.rel @p1 .LBB2_28-.Ltmp7, $4  }
0x11a: {  	v9 =	vld [tilespmem:s7+$0x1D430]  }
0x11b: {  	v8 =	vld [tilespmem:s7+$0x1D440]  }
0x11c: {  	v12 =	vmul.f32 v12, v6;
	v6 =	vld [tilespmem:s7+$0x1D450]  }
0x11d: {  	s9 =	sadd.s32 $0x200, s9;
	v11 =	vmul.f32 v11, v7;
	v7 =	vld [tilespmem:s7+$0x1D460]  }
0x11e: {  	[tilespmem:s7+$0x1D400] =	vst v12;
	v5 =	vmul.f32 v5, v10;
	v63 =	vld [tilespmem:s7+$0x1D470]  }
0x11f: {  	[tilespmem:s7+$0x1D410] =	vst v11;
	v4 =	vmul.f32 v4, v9  }
0x120: {  	[tilespmem:s7+$0x1D420] =	vst v5;
	v3 =	vmul.f32 v3, v8  }
0x121: {  	[tilespmem:s7+$0x1D430] =	vst v4;
	v2 =	vmul.f32 v2, v6  }
0x122: {  	[tilespmem:s7+$0x1D440] =	vst v3;
	v1 =	vmul.f32 v1, v7  }
0x123: {  	s6 =	sadd.s32 $0x1, s6;
	[tilespmem:s7+$0x1D450] =	vst v2;
	v0 =	vmul.f32 v0, v63  }
0x124: {  	p1 =	sne.s32 s6, $0x8;
	[tilespmem:s7+$0x1D460] =	vst v1  }
.Ltmp8:
0x125: {  	s5 =	sadd.s32 $0x15400, s5;
	[tilespmem:s7+$0x1D470] =	vst v0;
	(pc) =	sbr.rel @p1 .LBB2_25-.Ltmp8, $4  }
0x126: {  	[spmem:s4] =	stream.indirect.scatter.add.f32 [tilespmem:s13], [sflag:$0x5], $0x80, s5, s30, $0xb8;
	[tilespmem:$0x1FC00] =	vst v63  }
0x127: {  	_ =	swait.ge [sflag:s28], $0x2800  }
0x128: {  	[sflag:s28] =	ssyncset.done $0x0  }
0x129: {  	[sflag:s28] =	ssyncadd.s32 $0xFFFFD800  }
0x12a: {  	s8 =	sadd.s32 $0x1, s8  }
0x12b: {  	p1 =	sne.s32 s8, $0x8  }
.Ltmp9:
0x12c: {  	_ = 	snop;
	(pc) =	sbr.rel @p1 .LBB2_18-.Ltmp9, $1  }
0x12d: {  	_ =	sdelay $0x3  }
.Ltmp10:
0x12e: {  	(pc) =	sbr.rel .LBB2_32-.Ltmp10, $3  }
0x12f: {  	_ =	sdelay $0x1  }
0x130: {  	s5 =	rddreg [dreg:$0xb]  }
0x131: {  	s11 =	rddreg [dreg:$0x6]  }
.LBB2_2:
0x132: {  	s5 =	rddreg [dreg:$0xd];
	s6 =	simm.s32 $0x13C00  }
0x133: {  	[tilespmem:s6], [sflag:$0x1] =	stream.linear.gather [hbm4b:s5+s23], $0x800, $0x38;
	[tilespmem:$0x1FC00] =	vst v63  }
0x134: {  	s25 =	rddreg [dreg:$0xe];
	s29 =	simm.s32 $0x14400  }
0x135: {  	[tilespmem:s29], [sflag:$0x1] =	stream.linear.gather [hbm4b:s25+s23], $0x800, $0x38;
	[tilespmem:$0x1FC00] =	vst v63  }
0x136: {  	s8 =	simm.s32 $0x0;
	[bflag:$0x0] =	sbarrier.arrive $0xFFFF  }
.LBB2_3:
0x137: {  	_ =	swait.ge [sflag:s31], $0x800  }
0x138: {  	[sflag:s31] =	ssyncset.done $0x0  }
0x139: {  	s24 =	sshllo.u32 s8, $0x1;
	[sflag:s31] =	ssyncadd.s32 $0xFFFFF800  }
0x13a: {  	s7 =	simm.s32 $0x14C00;
	s5 =	sshll.u32 s24, $0x8;
	_ =	swait.ge [sflag:s31], $0x800  }
0x13b: {  	s5 =	sadd.s32 s0, s5;
	[sflag:s31] =	ssyncset.done $0x0;
	s6 =	rddreg [dreg:$0x8]  }
0x13c: {  	s10 =	rddreg [dreg:$0x9];
	[sflag:s31] =	ssyncadd.s32 $0xFFFFF800;
	s6 =	sadd.s32 s6, s5  }
0x13d: {  	[tilespmem:s7], [sflag:$0x2] =	stream.linear.gather [hbm4b:s6+s23], $0x800, $0x38;
	[tilespmem:$0x1FC00] =	vst v63  }
0x13e: {  	s11 =	simm.s32 $0x15400;
	s25 =	smul.u32 $0xA00, s8;
	s5 =	sadd.s32 s10, s5  }
0x13f: {  	[tilespmem:s11], [sflag:$0x2] =	stream.linear.gather [hbm4b:s5+s23], $0x800, $0x38;
	[tilespmem:$0x1FC00] =	vst v63  }
0x140: {  	s5 =	sadd.s32 s14, s25  }
0x141: {  	s29 =	simm.s32 $0x13C00;
	s5 =	sshll.u32 s5, $0x4  }
0x142: {  	[tilespmem:s17], [sflag:$0x3] =	stream.indirect.gather [hbm4b:s1+s30], $0x80, s29, s30, $0xb8;
	[tilespmem:$0x1FC00] =	vst v63  }
0x143: {  	s6 =	sshll.u32 s8, $0x5;
	s25 =	simm.s32 $0x0;
	s5 =	sadd.s32 s2, s5  }
0x144: {  	[tilespmem:s12], [sflag:$0x3] =	stream.linear.gather [hbm4b:s5+s23], $0x2800, $0x38;
	[tilespmem:$0x1FC00] =	vst v63  }
.LBB2_4:
0x145: {  	s5 =	sshll.u32 s25, $0x1  }
0x146: {  	s9 =	sshll.u32 s25, $0x8;
	s5 =	sadd.s32 s6, s5  }
0x147: {  	s10 =	sadd.s32 $0x13C80, s9;
	s7 =	smul.u32 $0x50, s5  }
0x148: {  	[tilespmem:s18], [sflag:$0x4] =	stream.indirect.gather [hbm4b:s1+s30], $0x80, s10, s30, $0xb8;
	[tilespmem:$0x1FC00] =	vst v63  }
0x149: {  	s5 =	sadd.s32 s19, s7  }
0x14a: {  	s5 =	sshll.u32 s5, $0x4  }
0x14b: {  	s11 =	simm.s32 $0x0;
	s5 =	sadd.s32 s2, s5  }
0x14c: {  	[tilespmem:s13], [sflag:$0x4] =	stream.linear.gather [hbm4b:s5+s11], $0x2800, $0x38;
	[tilespmem:$0x1FC00] =	vst v63  }
0x14d: {  	_ =	swait.ge [sflag:s22], $0x2800  }
0x14e: {  	[sflag:s22] =	ssyncset.done $0x0  }
0x14f: {  	[sflag:s22] =	ssyncadd.s32 $0xFFFFD800  }
0x150: {  	_ =	swait.ge [sflag:s22], $0x2800  }
0x151: {  	[sflag:s22] =	ssyncset.done $0x0  }
0x152: {  	s29 =	simm.s32 $0x0;
	[sflag:s22] =	ssyncadd.s32 $0xFFFFD800  }
0x153: {  	v7 =	vld [tilespmem:s29+$0x15C00]  }
0x154: {  	v11 =	vld [tilespmem:s29+$0x15C10]  }
0x155: {  	v5 =	vld [tilespmem:s29+$0x15C20]  }
0x156: {  	v4 =	vld [tilespmem:s29+$0x15C30]  }
0x157: {  	v3 =	vld [tilespmem:s29+$0x15C40]  }
0x158: {  	v2 =	vld [tilespmem:s29+$0x15C50]  }
0x159: {  	v1 =	vld [tilespmem:s29+$0x15C60]  }
0x15a: {  	v0 =	vld [tilespmem:s29+$0x15C70]  }
0x15b: {  	v12 =	vld [tilespmem:s29+$0x1AC00]  }
0x15c: {  	v13 =	vld [tilespmem:s29+$0x1AC10]  }
0x15d: {  	v10 =	vld [tilespmem:s29+$0x1AC20]  }
0x15e: {  	v9 =	vld [tilespmem:s29+$0x1AC30]  }
0x15f: {  	v8 =	vld [tilespmem:s29+$0x1AC40]  }
0x160: {  	v6 =	vld [tilespmem:s29+$0x1AC50];
	v12 =	vmul.f32 v7, v12  }
0x161: {  	s5 =	sor.u32 $0x80, s9;
	s9 =	simm.s32 $0x200;
	v11 =	vmul.f32 v11, v13;
	v7 =	vld [tilespmem:s29+$0x1AC60]  }
.LBB2_5:
0x162: {  	s10 =	sshra.s32 s9, $0x2;
	p1 =	sne.s32 s9, $0x9E00;
	[tilespmem:s29+$0x1AC00] =	vst v12;
	v5 =	vmul.f32 v5, v10;
	v10 =	vld [tilespmem:s29+$0x1AC70]  }
0x163: {  	v12 =	vld [tilespmem:s10+$0x15C00];
	[tilespmem:s29+$0x1AC10] =	vst v11;
	v4 =	vmul.f32 v4, v9  }
0x164: {  	v11 =	vld [tilespmem:s10+$0x15C10];
	[tilespmem:s29+$0x1AC20] =	vst v5;
	v3 =	vmul.f32 v3, v8  }
0x165: {  	v5 =	vld [tilespmem:s10+$0x15C20];
	[tilespmem:s29+$0x1AC30] =	vst v4;
	v2 =	vmul.f32 v2, v6  }
0x166: {  	v4 =	vld [tilespmem:s10+$0x15C30];
	[tilespmem:s29+$0x1AC40] =	vst v3;
	v1 =	vmul.f32 v1, v7  }
0x167: {  	v3 =	vld [tilespmem:s10+$0x15C40];
	[tilespmem:s29+$0x1AC50] =	vst v2;
	v0 =	vmul.f32 v0, v10  }
0x168: {  	v2 =	vld [tilespmem:s10+$0x15C50];
	[tilespmem:s29+$0x1AC60] =	vst v1  }
0x169: {  	v1 =	vld [tilespmem:s10+$0x15C60];
	[tilespmem:s29+$0x1AC70] =	vst v0;
	s29 =	smov.u32 s10  }
0x16a: {  	v0 =	vld [tilespmem:s29+$0x15C70]  }
0x16b: {  	v6 =	vld [tilespmem:s29+$0x1AC00]  }
0x16c: {  	v7 =	vld [tilespmem:s29+$0x1AC10]  }
.Ltmp11:
0x16d: {  	v10 =	vld [tilespmem:s29+$0x1AC20];
	(pc) =	sbr.rel @p1 .LBB2_5-.Ltmp11, $4  }
0x16e: {  	v9 =	vld [tilespmem:s29+$0x1AC30]  }
0x16f: {  	v8 =	vld [tilespmem:s29+$0x1AC40]  }
0x170: {  	v12 =	vmul.f32 v12, v6;
	v6 =	vld [tilespmem:s29+$0x1AC50]  }
0x171: {  	s9 =	sadd.s32 $0x200, s9;
	v11 =	vmul.f32 v11, v7;
	v7 =	vld [tilespmem:s29+$0x1AC60]  }
0x172: {  	[tilespmem:s29+$0x1AC00] =	vst v12;
	v5 =	vmul.f32 v5, v10;
	v10 =	vld [tilespmem:s29+$0x1AC70]  }
0x173: {  	[tilespmem:s29+$0x1AC10] =	vst v11;
	v4 =	vmul.f32 v4, v9  }
0x174: {  	[tilespmem:s29+$0x1AC20] =	vst v5;
	v3 =	vmul.f32 v3, v8  }
0x175: {  	[tilespmem:s29+$0x1AC30] =	vst v4;
	v2 =	vmul.f32 v2, v6  }
0x176: {  	[tilespmem:s29+$0x1AC40] =	vst v3;
	v1 =	vmul.f32 v1, v7  }
0x177: {  	s9 =	sshll.u32 s25, $0xA;
	[tilespmem:s29+$0x1AC50] =	vst v2;
	v0 =	vmul.f32 v0, v10  }
0x178: {  	s10 =	sshrl.u32 s9, $0x2;
	[tilespmem:s29+$0x1AC60] =	vst v1  }
0x179: {  	p1 =	seq.s32 s25, $0x7;
	s10 =	sadd.s32 $0x14400, s10;
	[tilespmem:s29+$0x1AC70] =	vst v0  }
0x17a: {  	[spmem:s4] =	stream.indirect.scatter.add.f32 [tilespmem:s12], [sflag:$0x5], $0x80, s10, s30, $0xb8;
	[tilespmem:$0x1FC00] =	vst v63  }
0x17b: {  	s9 =	sshrl.u32 @!p1 s9, $0x2;
	s7 =	sadd.s32 @!p1 s20, s7;
	_ =	swait.ge [sflag:s28], $0x2800  }
0x17c: {  	s9 =	sadd.s32 @!p1 $0x13D00, s9;
	s7 =	sshll.u32 @!p1 s7, $0x4;
	[sflag:s28] =	ssyncset.done $0x0  }
0x17d: {  	s29 =	simm.s32 @!p1 $0x15C00;
	s10 =	simm.s32 @!p1 $0x50;
	[sflag:s28] =	ssyncadd.s32 $0xFFFFD800  }
0x17e: {  	[tilespmem:s29], [sflag:$0x3] =	stream.indirect.gather @!p1 [hbm4b:s1+s10], $0x80, s9, s10, $0xb8;
	[tilespmem:$0x1FC00] =	vst v63  }
0x17f: {  	s7 =	sadd.s32 @!p1 s2, s7;
	s9 =	simm.s32 @!p1 $0x0;
	s10 =	simm.s32 @!p1 $0x1AC00  }
0x180: {  	[tilespmem:s10], [sflag:$0x3] =	stream.linear.gather @!p1 [hbm4b:s7+s9], $0x2800, $0x38;
	[tilespmem:$0x1FC00] =	vst v63  }
0x181: {  	_ =	swait.ge [sflag:s26], $0x2800  }
0x182: {  	[sflag:s26] =	ssyncset.done $0x0  }
0x183: {  	[sflag:s26] =	ssyncadd.s32 $0xFFFFD800  }
0x184: {  	_ =	swait.ge [sflag:s26], $0x2800  }
0x185: {  	[sflag:s26] =	ssyncset.done $0x0  }
0x186: {  	s7 =	simm.s32 $0x0;
	[sflag:s26] =	ssyncadd.s32 $0xFFFFD800  }
0x187: {  	v7 =	vld [tilespmem:s7+$0x18400]  }
0x188: {  	v11 =	vld [tilespmem:s7+$0x18410]  }
0x189: {  	v5 =	vld [tilespmem:s7+$0x18420]  }
0x18a: {  	v4 =	vld [tilespmem:s7+$0x18430]  }
0x18b: {  	v3 =	vld [tilespmem:s7+$0x18440]  }
0x18c: {  	v2 =	vld [tilespmem:s7+$0x18450]  }
0x18d: {  	v1 =	vld [tilespmem:s7+$0x18460]  }
0x18e: {  	v0 =	vld [tilespmem:s7+$0x18470]  }
0x18f: {  	v12 =	vld [tilespmem:s7+$0x1D400]  }
0x190: {  	v13 =	vld [tilespmem:s7+$0x1D410]  }
0x191: {  	v10 =	vld [tilespmem:s7+$0x1D420]  }
0x192: {  	v9 =	vld [tilespmem:s7+$0x1D430]  }
0x193: {  	v8 =	vld [tilespmem:s7+$0x1D440]  }
0x194: {  	v6 =	vld [tilespmem:s7+$0x1D450];
	v12 =	vmul.f32 v7, v12  }
0x195: {  	s9 =	simm.s32 $0x200;
	v11 =	vmul.f32 v11, v13;
	v7 =	vld [tilespmem:s7+$0x1D460]  }
.LBB2_7:
0x196: {  	s10 =	sshra.s32 s9, $0x2;
	p1 =	sne.s32 s9, $0x9E00;
	[tilespmem:s7+$0x1D400] =	vst v12;
	v5 =	vmul.f32 v5, v10;
	v10 =	vld [tilespmem:s7+$0x1D470]  }
0x197: {  	v12 =	vld [tilespmem:s10+$0x18400];
	[tilespmem:s7+$0x1D410] =	vst v11;
	v4 =	vmul.f32 v4, v9  }
0x198: {  	v11 =	vld [tilespmem:s10+$0x18410];
	[tilespmem:s7+$0x1D420] =	vst v5;
	v3 =	vmul.f32 v3, v8  }
0x199: {  	v5 =	vld [tilespmem:s10+$0x18420];
	[tilespmem:s7+$0x1D430] =	vst v4;
	v2 =	vmul.f32 v2, v6  }
0x19a: {  	v4 =	vld [tilespmem:s10+$0x18430];
	[tilespmem:s7+$0x1D440] =	vst v3;
	v1 =	vmul.f32 v1, v7  }
0x19b: {  	v3 =	vld [tilespmem:s10+$0x18440];
	[tilespmem:s7+$0x1D450] =	vst v2;
	v0 =	vmul.f32 v0, v10  }
0x19c: {  	v2 =	vld [tilespmem:s10+$0x18450];
	[tilespmem:s7+$0x1D460] =	vst v1  }
0x19d: {  	v1 =	vld [tilespmem:s10+$0x18460];
	[tilespmem:s7+$0x1D470] =	vst v0;
	s7 =	smov.u32 s10  }
0x19e: {  	v0 =	vld [tilespmem:s7+$0x18470]  }
0x19f: {  	v6 =	vld [tilespmem:s7+$0x1D400]  }
0x1a0: {  	v7 =	vld [tilespmem:s7+$0x1D410]  }
.Ltmp12:
0x1a1: {  	v10 =	vld [tilespmem:s7+$0x1D420];
	(pc) =	sbr.rel @p1 .LBB2_7-.Ltmp12, $4  }
0x1a2: {  	v9 =	vld [tilespmem:s7+$0x1D430]  }
0x1a3: {  	v8 =	vld [tilespmem:s7+$0x1D440]  }
0x1a4: {  	v12 =	vmul.f32 v12, v6;
	v6 =	vld [tilespmem:s7+$0x1D450]  }
0x1a5: {  	s9 =	sadd.s32 $0x200, s9;
	v11 =	vmul.f32 v11, v7;
	v7 =	vld [tilespmem:s7+$0x1D460]  }
0x1a6: {  	[tilespmem:s7+$0x1D400] =	vst v12;
	v5 =	vmul.f32 v5, v10;
	v63 =	vld [tilespmem:s7+$0x1D470]  }
0x1a7: {  	[tilespmem:s7+$0x1D410] =	vst v11;
	v4 =	vmul.f32 v4, v9  }
0x1a8: {  	[tilespmem:s7+$0x1D420] =	vst v5;
	v3 =	vmul.f32 v3, v8  }
0x1a9: {  	[tilespmem:s7+$0x1D430] =	vst v4;
	v2 =	vmul.f32 v2, v6  }
0x1aa: {  	[tilespmem:s7+$0x1D440] =	vst v3;
	v1 =	vmul.f32 v1, v7  }
0x1ab: {  	s25 =	sadd.s32 $0x1, s25;
	[tilespmem:s7+$0x1D450] =	vst v2;
	v0 =	vmul.f32 v0, v63  }
0x1ac: {  	p1 =	sne.s32 s25, $0x8;
	[tilespmem:s7+$0x1D460] =	vst v1  }
.Ltmp13:
0x1ad: {  	s5 =	sadd.s32 $0x14400, s5;
	[tilespmem:s7+$0x1D470] =	vst v0;
	(pc) =	sbr.rel @p1 .LBB2_4-.Ltmp13, $4  }
0x1ae: {  	[spmem:s4] =	stream.indirect.scatter.add.f32 [tilespmem:s13], [sflag:$0x5], $0x80, s5, s30, $0xb8;
	[tilespmem:$0x1FC00] =	vst v63  }
0x1af: {  	_ =	swait.ge [sflag:s28], $0x2800  }
0x1b0: {  	[sflag:s28] =	ssyncset.done $0x0  }
0x1b1: {  	[sflag:s28] =	ssyncadd.s32 $0xFFFFD800  }
0x1b2: {  	_ =	swait.ge [sflag:s16], $0x800  }
0x1b3: {  	[sflag:s16] =	ssyncset.done $0x0  }
0x1b4: {  	[sflag:s16] =	ssyncadd.s32 $0xFFFFF800  }
0x1b5: {  	p1 =	seq.s32 s8, $0x7;
	_ =	swait.ge [sflag:s16], $0x800  }
0x1b6: {  	s5 =	sshll.u32 @!p1 s8, $0x9;
	s7 =	simm.s32 @!p1 $0x0;
	s6 =	rddreg [dreg:$0xf]  }
0x1b7: {  	[sflag:s16] =	ssyncset.done $0x0;
	s5 =	sadd.s32 @!p1 s5, s6;
	s6 =	rddreg [dreg:$0x8]  }
0x1b8: {  	s9 =	simm.s32 @!p1 $0x13C00;
	[sflag:s16] =	ssyncadd.s32 $0xFFFFF800;
	s6 =	sadd.s32 @!p1 s6, s5  }
0x1b9: {  	[tilespmem:s9], [sflag:$0x1] =	stream.linear.gather @!p1 [hbm4b:s6+s7], $0x800, $0x38;
	[tilespmem:$0x1FC00] =	vst v63  }
0x1ba: {  	s6 =	rddreg [dreg:$0x9]  }
0x1bb: {  	s25 =	smul.u32 $0x500, s24;
	s5 =	sadd.s32 @!p1 s6, s5;
	s6 =	simm.s32 @!p1 $0x14400  }
0x1bc: {  	[tilespmem:s6], [sflag:$0x1] =	stream.linear.gather @!p1 [hbm4b:s5+s7], $0x800, $0x38;
	[tilespmem:$0x1FC00] =	vst v63  }
0x1bd: {  	s5 =	sadd.s32 s14, s25  }
0x1be: {  	s29 =	simm.s32 $0x14C00;
	s24 =	sshll.u32 s24, $0x4;
	s5 =	sshll.u32 s5, $0x4  }
0x1bf: {  	[tilespmem:s17], [sflag:$0x3] =	stream.indirect.gather [hbm4b:s1+s30], $0x80, s29, s30, $0xb8;
	[tilespmem:$0x1FC00] =	vst v63  }
0x1c0: {  	s25 =	simm.s32 $0x0;
	s6 =	simm.s32 $0x0;
	s5 =	sadd.s32 s2, s5  }
0x1c1: {  	[tilespmem:s12], [sflag:$0x3] =	stream.linear.gather [hbm4b:s5+s25], $0x2800, $0x38;
	[tilespmem:$0x1FC00] =	vst v63  }
.LBB2_10:
0x1c2: {  	s5 =	sshll.u32 s6, $0x1  }
0x1c3: {  	s11 =	sshll.u32 s6, $0x8;
	s29 =	sadd.s32 s24, s5  }
0x1c4: {  	s9 =	sadd.s32 $0x14C80, s11;
	s7 =	smul.u32 $0x50, s29  }
0x1c5: {  	[tilespmem:s18], [sflag:$0x4] =	stream.indirect.gather [hbm4b:s1+s30], $0x80, s9, s30, $0xb8;
	[tilespmem:$0x1FC00] =	vst v63  }
0x1c6: {  	p1 =	slt.u32 s29, $0xFA;
	s9 =	sadd.s32 $0x50, s7  }
0x1c7: {  	s9 =	simm.s32 @!p1 $0x0  }
0x1c8: {  	s9 =	sadd.s32 s14, s9  }
0x1c9: {  	s9 =	sshll.u32 s9, $0x4  }
0x1ca: {  	s9 =	sadd.s32 s2, s9  }
0x1cb: {  	[tilespmem:s13], [sflag:$0x4] =	stream.linear.gather [hbm4b:s9+s25], $0x2800, $0x38;
	[tilespmem:$0x1FC00] =	vst v63  }
0x1cc: {  	_ =	swait.ge [sflag:s22], $0x2800  }
0x1cd: {  	[sflag:s22] =	ssyncset.done $0x0  }
0x1ce: {  	[sflag:s22] =	ssyncadd.s32 $0xFFFFD800  }
0x1cf: {  	_ =	swait.ge [sflag:s22], $0x2800  }
0x1d0: {  	[sflag:s22] =	ssyncset.done $0x0  }
0x1d1: {  	s9 =	simm.s32 $0x0;
	[sflag:s22] =	ssyncadd.s32 $0xFFFFD800  }
0x1d2: {  	v7 =	vld [tilespmem:s9+$0x15C00]  }
0x1d3: {  	v11 =	vld [tilespmem:s9+$0x15C10]  }
0x1d4: {  	v5 =	vld [tilespmem:s9+$0x15C20]  }
0x1d5: {  	v4 =	vld [tilespmem:s9+$0x15C30]  }
0x1d6: {  	v3 =	vld [tilespmem:s9+$0x15C40]  }
0x1d7: {  	v2 =	vld [tilespmem:s9+$0x15C50]  }
0x1d8: {  	v1 =	vld [tilespmem:s9+$0x15C60]  }
0x1d9: {  	v0 =	vld [tilespmem:s9+$0x15C70]  }
0x1da: {  	v12 =	vld [tilespmem:s9+$0x1AC00]  }
0x1db: {  	v13 =	vld [tilespmem:s9+$0x1AC10]  }
0x1dc: {  	v10 =	vld [tilespmem:s9+$0x1AC20]  }
0x1dd: {  	v9 =	vld [tilespmem:s9+$0x1AC30]  }
0x1de: {  	v8 =	vld [tilespmem:s9+$0x1AC40]  }
0x1df: {  	v6 =	vld [tilespmem:s9+$0x1AC50];
	v12 =	vmul.f32 v7, v12  }
0x1e0: {  	s10 =	simm.s32 $0x200;
	s5 =	sor.u32 $0x80, s11;
	v11 =	vmul.f32 v11, v13;
	v7 =	vld [tilespmem:s9+$0x1AC60]  }
.LBB2_11:
0x1e1: {  	s11 =	sshra.s32 s10, $0x2;
	p1 =	sne.s32 s10, $0x9E00;
	[tilespmem:s9+$0x1AC00] =	vst v12;
	v5 =	vmul.f32 v5, v10;
	v10 =	vld [tilespmem:s9+$0x1AC70]  }
0x1e2: {  	v12 =	vld [tilespmem:s11+$0x15C00];
	[tilespmem:s9+$0x1AC10] =	vst v11;
	v4 =	vmul.f32 v4, v9  }
0x1e3: {  	v11 =	vld [tilespmem:s11+$0x15C10];
	[tilespmem:s9+$0x1AC20] =	vst v5;
	v3 =	vmul.f32 v3, v8  }
0x1e4: {  	v5 =	vld [tilespmem:s11+$0x15C20];
	[tilespmem:s9+$0x1AC30] =	vst v4;
	v2 =	vmul.f32 v2, v6  }
0x1e5: {  	v4 =	vld [tilespmem:s11+$0x15C30];
	[tilespmem:s9+$0x1AC40] =	vst v3;
	v1 =	vmul.f32 v1, v7  }
0x1e6: {  	v3 =	vld [tilespmem:s11+$0x15C40];
	[tilespmem:s9+$0x1AC50] =	vst v2;
	v0 =	vmul.f32 v0, v10  }
0x1e7: {  	v2 =	vld [tilespmem:s11+$0x15C50];
	[tilespmem:s9+$0x1AC60] =	vst v1  }
0x1e8: {  	v1 =	vld [tilespmem:s11+$0x15C60];
	[tilespmem:s9+$0x1AC70] =	vst v0;
	s9 =	smov.u32 s11  }
0x1e9: {  	v0 =	vld [tilespmem:s9+$0x15C70]  }
0x1ea: {  	v6 =	vld [tilespmem:s9+$0x1AC00]  }
0x1eb: {  	v7 =	vld [tilespmem:s9+$0x1AC10]  }
.Ltmp14:
0x1ec: {  	v10 =	vld [tilespmem:s9+$0x1AC20];
	(pc) =	sbr.rel @p1 .LBB2_11-.Ltmp14, $4  }
0x1ed: {  	v9 =	vld [tilespmem:s9+$0x1AC30]  }
0x1ee: {  	v8 =	vld [tilespmem:s9+$0x1AC40]  }
0x1ef: {  	v12 =	vmul.f32 v12, v6;
	v6 =	vld [tilespmem:s9+$0x1AC50]  }
0x1f0: {  	s10 =	sadd.s32 $0x200, s10;
	v11 =	vmul.f32 v11, v7;
	v7 =	vld [tilespmem:s9+$0x1AC60]  }
0x1f1: {  	[tilespmem:s9+$0x1AC00] =	vst v12;
	v5 =	vmul.f32 v5, v10;
	v10 =	vld [tilespmem:s9+$0x1AC70]  }
0x1f2: {  	[tilespmem:s9+$0x1AC10] =	vst v11;
	v4 =	vmul.f32 v4, v9  }
0x1f3: {  	[tilespmem:s9+$0x1AC20] =	vst v5;
	v3 =	vmul.f32 v3, v8  }
0x1f4: {  	p1 =	seq.s32 s6, $0x7;
	[tilespmem:s9+$0x1AC30] =	vst v4;
	v2 =	vmul.f32 v2, v6  }
0x1f5: {  	p2 =	slt.u32 @!p1 s29, $0xF8;
	[tilespmem:s9+$0x1AC40] =	vst v3;
	v1 =	vmul.f32 v1, v7  }
0x1f6: {  	s10 =	sshll.u32 s6, $0xA;
	s7 =	sadd.s32 @!p1 $0xA0, s7;
	p2 =	por !p2, p1;
	[tilespmem:s9+$0x1AC50] =	vst v2;
	v0 =	vmul.f32 v0, v10  }
0x1f7: {  	s11 =	sshrl.u32 s10, $0x2;
	s7 =	simm.s32 @p2 $0x0;
	[tilespmem:s9+$0x1AC60] =	vst v1  }
0x1f8: {  	s11 =	sadd.s32 $0x15400, s11;
	s7 =	sadd.s32 @!p1 s14, s7;
	[tilespmem:s9+$0x1AC70] =	vst v0  }
0x1f9: {  	[spmem:s4] =	stream.indirect.scatter.add.f32 [tilespmem:s12], [sflag:$0x5], $0x80, s11, s30, $0xb8;
	[tilespmem:$0x1FC00] =	vst v63  }
0x1fa: {  	s7 =	sshll.u32 @!p1 s7, $0x4;
	_ =	swait.ge [sflag:s28], $0x2800  }
0x1fb: {  	s9 =	sshrl.u32 @!p1 s10, $0x2;
	s10 =	simm.s32 @!p1 $0x50;
	[sflag:s28] =	ssyncset.done $0x0  }
0x1fc: {  	s9 =	sadd.s32 @!p1 $0x14D00, s9;
	s11 =	simm.s32 @!p1 $0x15C00;
	[sflag:s28] =	ssyncadd.s32 $0xFFFFD800  }
0x1fd: {  	[tilespmem:s11], [sflag:$0x3] =	stream.indirect.gather @!p1 [hbm4b:s1+s10], $0x80, s9, s10, $0xb8;
	[tilespmem:$0x1FC00] =	vst v63  }
0x1fe: {  	s7 =	sadd.s32 @!p1 s2, s7;
	s9 =	simm.s32 @!p1 $0x0;
	s10 =	simm.s32 @!p1 $0x1AC00  }
0x1ff: {  	[tilespmem:s10], [sflag:$0x3] =	stream.linear.gather @!p1 [hbm4b:s7+s9], $0x2800, $0x38;
	[tilespmem:$0x1FC00] =	vst v63  }
0x200: {  	_ =	swait.ge [sflag:s26], $0x2800  }
0x201: {  	[sflag:s26] =	ssyncset.done $0x0  }
0x202: {  	[sflag:s26] =	ssyncadd.s32 $0xFFFFD800  }
0x203: {  	_ =	swait.ge [sflag:s26], $0x2800  }
0x204: {  	[sflag:s26] =	ssyncset.done $0x0  }
0x205: {  	s7 =	simm.s32 $0x0;
	[sflag:s26] =	ssyncadd.s32 $0xFFFFD800  }
0x206: {  	v7 =	vld [tilespmem:s7+$0x18400]  }
0x207: {  	v11 =	vld [tilespmem:s7+$0x18410]  }
0x208: {  	v5 =	vld [tilespmem:s7+$0x18420]  }
0x209: {  	v4 =	vld [tilespmem:s7+$0x18430]  }
0x20a: {  	v3 =	vld [tilespmem:s7+$0x18440]  }
0x20b: {  	v2 =	vld [tilespmem:s7+$0x18450]  }
0x20c: {  	v1 =	vld [tilespmem:s7+$0x18460]  }
0x20d: {  	v0 =	vld [tilespmem:s7+$0x18470]  }
0x20e: {  	v12 =	vld [tilespmem:s7+$0x1D400]  }
0x20f: {  	v13 =	vld [tilespmem:s7+$0x1D410]  }
0x210: {  	v10 =	vld [tilespmem:s7+$0x1D420]  }
0x211: {  	v9 =	vld [tilespmem:s7+$0x1D430]  }
0x212: {  	v8 =	vld [tilespmem:s7+$0x1D440]  }
0x213: {  	v6 =	vld [tilespmem:s7+$0x1D450];
	v12 =	vmul.f32 v7, v12  }
0x214: {  	s9 =	simm.s32 $0x200;
	v11 =	vmul.f32 v11, v13;
	v7 =	vld [tilespmem:s7+$0x1D460]  }
.LBB2_13:
0x215: {  	s10 =	sshra.s32 s9, $0x2;
	p1 =	sne.s32 s9, $0x9E00;
	[tilespmem:s7+$0x1D400] =	vst v12;
	v5 =	vmul.f32 v5, v10;
	v10 =	vld [tilespmem:s7+$0x1D470]  }
0x216: {  	v12 =	vld [tilespmem:s10+$0x18400];
	[tilespmem:s7+$0x1D410] =	vst v11;
	v4 =	vmul.f32 v4, v9  }
0x217: {  	v11 =	vld [tilespmem:s10+$0x18410];
	[tilespmem:s7+$0x1D420] =	vst v5;
	v3 =	vmul.f32 v3, v8  }
0x218: {  	v5 =	vld [tilespmem:s10+$0x18420];
	[tilespmem:s7+$0x1D430] =	vst v4;
	v2 =	vmul.f32 v2, v6  }
0x219: {  	v4 =	vld [tilespmem:s10+$0x18430];
	[tilespmem:s7+$0x1D440] =	vst v3;
	v1 =	vmul.f32 v1, v7  }
0x21a: {  	v3 =	vld [tilespmem:s10+$0x18440];
	[tilespmem:s7+$0x1D450] =	vst v2;
	v0 =	vmul.f32 v0, v10  }
0x21b: {  	v2 =	vld [tilespmem:s10+$0x18450];
	[tilespmem:s7+$0x1D460] =	vst v1  }
0x21c: {  	v1 =	vld [tilespmem:s10+$0x18460];
	[tilespmem:s7+$0x1D470] =	vst v0;
	s7 =	smov.u32 s10  }
0x21d: {  	v0 =	vld [tilespmem:s7+$0x18470]  }
0x21e: {  	v6 =	vld [tilespmem:s7+$0x1D400]  }
0x21f: {  	v7 =	vld [tilespmem:s7+$0x1D410]  }
.Ltmp15:
0x220: {  	v10 =	vld [tilespmem:s7+$0x1D420];
	(pc) =	sbr.rel @p1 .LBB2_13-.Ltmp15, $4  }
0x221: {  	v9 =	vld [tilespmem:s7+$0x1D430]  }
0x222: {  	v8 =	vld [tilespmem:s7+$0x1D440]  }
0x223: {  	v12 =	vmul.f32 v12, v6;
	v6 =	vld [tilespmem:s7+$0x1D450]  }
0x224: {  	s9 =	sadd.s32 $0x200, s9;
	v11 =	vmul.f32 v11, v7;
	v7 =	vld [tilespmem:s7+$0x1D460]  }
0x225: {  	[tilespmem:s7+$0x1D400] =	vst v12;
	v5 =	vmul.f32 v5, v10;
	v63 =	vld [tilespmem:s7+$0x1D470]  }
0x226: {  	[tilespmem:s7+$0x1D410] =	vst v11;
	v4 =	vmul.f32 v4, v9  }
0x227: {  	[tilespmem:s7+$0x1D420] =	vst v5;
	v3 =	vmul.f32 v3, v8  }
0x228: {  	[tilespmem:s7+$0x1D430] =	vst v4;
	v2 =	vmul.f32 v2, v6  }
0x229: {  	[tilespmem:s7+$0x1D440] =	vst v3;
	v1 =	vmul.f32 v1, v7  }
0x22a: {  	s6 =	sadd.s32 $0x1, s6;
	[tilespmem:s7+$0x1D450] =	vst v2;
	v0 =	vmul.f32 v0, v63  }
0x22b: {  	p1 =	sne.s32 s6, $0x8;
	[tilespmem:s7+$0x1D460] =	vst v1  }
.Ltmp16:
0x22c: {  	s5 =	sadd.s32 $0x15400, s5;
	[tilespmem:s7+$0x1D470] =	vst v0;
	(pc) =	sbr.rel @p1 .LBB2_10-.Ltmp16, $4  }
0x22d: {  	[spmem:s4] =	stream.indirect.scatter.add.f32 [tilespmem:s13], [sflag:$0x5], $0x80, s5, s30, $0xb8;
	[tilespmem:$0x1FC00] =	vst v63  }
0x22e: {  	_ =	swait.ge [sflag:s28], $0x2800  }
0x22f: {  	[sflag:s28] =	ssyncset.done $0x0  }
0x230: {  	[sflag:s28] =	ssyncadd.s32 $0xFFFFD800  }
0x231: {  	s8 =	sadd.s32 $0x1, s8  }
0x232: {  	p1 =	seq.s32 s8, $0x8  }
.Ltmp17:
0x233: {  	_ = 	snop;
	(pc) =	sbr.rel @!p1 .LBB2_3-.Ltmp17, $1  }
0x234: {  	_ =	sdelay $0x3  }
.Ltmp18:
0x235: {  	(pc) =	sbr.rel .LBB2_32-.Ltmp18, $3  }
0x236: {  	_ =	sdelay $0x1  }
0x237: {  	s5 =	rddreg [dreg:$0xa]  }
0x238: {  	s11 =	rddreg [dreg:$0x6]  }
.LBB2_33:
0x239: {  	_ =	sfence.sel $0x180000  }
0x23a: {  	[bflag:$0x0] =	sbarrier.arrive $0xFFFF  }
0x23b: {  	_ =	strace $0x90000047  }
0x23c: {  	s0 =	stileid.u32;
	[bflag:$0x2] =	sbarrier.arrive $0xFFFF  }
0x23d: {  	p0 =	sne.s32 s0, $0x0;
	s0 =	rddreg [dreg:$0x5]  }
0x23e: {  	s0 =	sadd.s32 @!p0 $0x100000, s0  }
0x23f: {  	[sflag:s0] =	ssyncadd.tile.s32 @!p0 $0x1;
	_ =	shalt  }
.Lfunc_end2:
_tile_overlayer_lowered:
.L_overlay_start_2:
0x240: {  	(tag) =	ssettag $0x2  }
0x241: {  	s0 =	rddreg [dreg:$0x0];
	s2 =	stileid.u32  }
0x242: {  	s1 =	rddreg [dreg:$0x1];
	p0 =	sne.s32 s2, $0x0  }
0x243: {  	s3 =	rddreg [dreg:$0x2];
	[bflag:$0x3] =	sbarrier.arrive $0xFFFF;
	s2 =	simm.s32 @!p0 $0x1C05  }
0x244: {  	[timem:s3], [sflag:s2] =	dma.local @!p0 [hbm:s0], s1  }
0x245: {  	s0 =	simm.s32 @!p0 $0x5  }
0x246: {  	_ =	swait.ge @!p0 [sflag:s0], s1  }
0x247: {  	s1 =	ssub.s32 @!p0 $0x0, s1;
	[sflag:s0] =	ssyncset.done @!p0 $0x0  }
0x248: {  	[sflag:s0] =	ssyncadd.s32 @!p0 s1  }
0x249: {  	[bflag:$0x3] =	sbarrier.arrive $0xFFFF  }
0x24a: {  	_ =	shalt  }

// kernel: kernel.9.cloned.1.call-start
scs
__scs_entry_jumppad:
0x0: {  	(pc) =	sbr.rel $0x88, $3  }
0x1: {  	(tag) =	ssettag $0x0;
	lr =	simm.s32 $0x1  }
0x2: {  	[smem:$0x3F98] =	sst lr;
	_ =	strace $0xD0000000  }
0x3: {  	_ = 	snop  }
0x4: {  	_ = 	snop  }
0x5: {  	_ = 	snop  }
0x6: {  	_ = 	snop  }
0x7: {  	_ = 	snop  }
__scs_overlays_trampoline_lowered:
0x8: {  	[smem:$0x3FA7] =	sst s0  }
0x9: {  	[smem:$0x3FA8] =	sst s1  }
0xa: {  	[smem:$0x3FA9] =	sst s2  }
0xb: {  	[smem:$0x3FAA] =	sst s3  }
0xc: {  	[smem:$0x3FAB] =	sst s4  }
0xd: {  	[smem:$0x3FAC] =	sst s5  }
0xe: {  	[smem:$0x3FAD] =	sst s6  }
0xf: {  	[smem:$0x3FAE] =	sst s7  }
0x10: {  	[smem:$0x3FAF] =	sst s8  }
0x11: {  	[smem:$0x3FB0] =	sst s9;
	s0 =	simm.s32 @!p0 $0x0  }
0x12: {  	s1 =	sld [smem:$0x3F96];
	s0 =	simm.s32 @p0 $0x1  }
0x13: {  	[smem:$0x3FB1] =	sst s0;
	s0 =	simm.s32 @!p1 $0x0  }
0x14: {  	s2 =	sld [smem:$0x3F95];
	s0 =	simm.s32 @p1 $0x1  }
0x15: {  	[smem:$0x3FB2] =	sst s0;
	s0 =	simm.s32 @!p2 $0x0  }
0x16: {  	s3 =	sld [smem:$0x3FDB];
	s0 =	simm.s32 @p2 $0x1  }
0x17: {  	s4 =	simm.s32 $0x1BF5;
	[smem:$0x3FB4] =	sst s0  }
0x18: {  	s0 =	sld [smem:$0x3F97];
	_ =	swait.ge [sflag:s4], $0x0  }
0x19: {  	s7 =	sld [smem:$0x3F98]  }
0x1a: {  	s8 =	sadd.s32 $0xFFFFE003, lr  }
0x1b: {  	s9 =	sadd.s32 $0xFFFFFEF7, lr;
	s5 =	simm.s32 $0xFFFFFFFF;
	p2 =	slt.u32 s8, $0xFFFFF086  }
0x1c: {  	p1 =	slt.u32 s9, $0xF7A;
	s5 =	simm.s32 @!p2 $0x0  }
0x1d: {  	s5 =	simm.s32 @p1 $0x1;
	p0 =	seq.s32 s7, s2  }
0x1e: {  	s7 =	smul.u32 @!p0 $0xF7A, s2;
	p2 =	seq.s32 @!p0 s5, $0x0  }
0x1f: {  	s9 =	smul.u32 $0xF7A, s1;
	s8 =	simm.s32 @!p0 $0x1BF5;
	p2 =	por !p2, p0  }
0x20: {  	[sflag:s8] =	ssyncset.s32 @!p0 $0xFFFFF086;
	s6 =	sadd.s32 @!p0 s3, s7;
	s7 =	simm.s32 @!p0 $0x108  }
0x21: {  	s3 =	sadd.s32 s3, s9;
	s6 =	sadd.s32 @!p0 $0x88, s6;
	s7 =	simm.s32 @p2 $0x1082  }
0x22: {  	[simem:s7], [sflag:s8] =	dma.local @!p0 [hbm:s6], $0xF7A  }
0x23: {  	s9 =	sor.u32 $0xD0000000, s2;
	s6 =	simm.s32 $0x108;
	_ =	swait.ge @!p0 [sflag:s8], $0x0  }
0x24: {  	s3 =	sadd.s32 $0x88, s3;
	s6 =	simm.s32 @!p1 $0x1082;
	[sflag:s4] =	ssyncset.s32 $0xFFFFF086  }
0x25: {  	[simem:s6], [sflag:s4] =	dma.local [hbm:s3], $0xF7A  }
0x26: {  	[smem:$0x3F98] =	sst s1;
	(tag) =	ssettag s2;
	_ =	strace s9  }
0x27: {  	s1 =	sld [smem:$0x3FA8]  }
0x28: {  	s2 =	sld [smem:$0x3FA9]  }
0x29: {  	s4 =	sld [smem:$0x3FAB]  }
0x2a: {  	p0 =	seq.s32 s5, $0x0;
	s5 =	sld [smem:$0x3FAC]  }
0x2b: {  	s6 =	sld [smem:$0x3FAD]  }
0x2c: {  	s7 =	sld [smem:$0x3FAE]  }
0x2d: {  	s3 =	simm.s32 $0x108;
	s8 =	sld [smem:$0x3FAF]  }
0x2e: {  	s3 =	simm.s32 @!p0 $0x1082;
	s9 =	sld [smem:$0x3FB0]  }
0x2f: {  	lr =	sadd.s32 s0, s3;
	s0 =	sld [smem:$0x3FA7]  }
0x30: {  	s3 =	sld [smem:$0x3FAA]  }
0x31: {  	[smem:$0x3FB3] =	sst s10  }
0x32: {  	s10 =	sld [smem:$0x3FB1];
	_ =	sdelay $0x3  }
0x33: {  	p0 =	seq.s32 s10, $0x1;
	s10 =	sld [smem:$0x3FB3];
	_ =	sdelay $0x3  }
0x34: {  	[smem:$0x3FB3] =	sst s10  }
0x35: {  	s10 =	sld [smem:$0x3FB2];
	_ =	sdelay $0x3  }
0x36: {  	p1 =	seq.s32 s10, $0x1;
	s10 =	sld [smem:$0x3FB3];
	_ =	sdelay $0x3  }
0x37: {  	[smem:$0x3FB3] =	sst s10  }
0x38: {  	s10 =	sld [smem:$0x3FB4]  }
0x39: {  	_ = 	snop;
	(pc) =	sbr.ind lr, $3  }
0x3a: {  	_ = 	snop  }
0x3b: {  	_ = 	snop  }
0x3c: {  	p2 =	seq.s32 s10, $0x1;
	s10 =	sld [smem:$0x3FB3]  }
0x3d: {  	_ =	shalt  }
0x3e: {  	_ =	shalt  }
0x3f: {  	_ =	shalt  }
0x40: {  	_ =	shalt  }
0x41: {  	_ =	shalt  }
0x42: {  	_ =	shalt  }
0x43: {  	_ =	shalt  }
0x44: {  	_ =	shalt  }
0x45: {  	_ =	shalt  }
0x46: {  	_ =	shalt  }
0x47: {  	_ =	shalt  }
0x48: {  	_ =	shalt  }
0x49: {  	_ =	shalt  }
0x4a: {  	_ =	shalt  }
0x4b: {  	_ =	shalt  }
0x4c: {  	_ =	shalt  }
0x4d: {  	_ =	shalt  }
0x4e: {  	_ =	shalt  }
0x4f: {  	_ =	shalt  }
0x50: {  	_ =	shalt  }
0x51: {  	_ =	shalt  }
0x52: {  	_ =	shalt  }
0x53: {  	_ =	shalt  }
0x54: {  	_ =	shalt  }
0x55: {  	_ =	shalt  }
0x56: {  	_ =	shalt  }
0x57: {  	_ =	shalt  }
0x58: {  	_ =	shalt  }
0x59: {  	_ =	shalt  }
0x5a: {  	_ =	shalt  }
0x5b: {  	_ =	shalt  }
0x5c: {  	_ =	shalt  }
0x5d: {  	_ =	shalt  }
0x5e: {  	_ =	shalt  }
0x5f: {  	_ =	shalt  }
0x60: {  	_ =	shalt  }
0x61: {  	_ =	shalt  }
0x62: {  	_ =	shalt  }
0x63: {  	_ =	shalt  }
0x64: {  	_ =	shalt  }
0x65: {  	_ =	shalt  }
0x66: {  	_ =	shalt  }
0x67: {  	_ =	shalt  }
0x68: {  	_ =	shalt  }
0x69: {  	_ =	shalt  }
0x6a: {  	_ =	shalt  }
0x6b: {  	_ =	shalt  }
0x6c: {  	_ =	shalt  }
0x6d: {  	_ =	shalt  }
0x6e: {  	_ =	shalt  }
0x6f: {  	_ =	shalt  }
0x70: {  	_ =	shalt  }
0x71: {  	_ =	shalt  }
0x72: {  	_ =	shalt  }
0x73: {  	_ =	shalt  }
0x74: {  	_ =	shalt  }
0x75: {  	_ =	shalt  }
0x76: {  	_ =	shalt  }
0x77: {  	_ =	shalt  }
0x78: {  	_ =	shalt  }
0x79: {  	_ =	shalt  }
0x7a: {  	_ =	shalt  }
0x7b: {  	_ =	shalt  }
0x7c: {  	_ =	shalt  }
0x7d: {  	_ =	shalt  }
0x7e: {  	_ =	shalt  }
0x7f: {  	_ =	shalt  }
0x80: {  	_ =	shalt  }
0x81: {  	_ =	shalt  }
0x82: {  	_ =	shalt  }
0x83: {  	_ =	shalt  }
0x84: {  	_ =	shalt  }
0x85: {  	_ =	shalt  }
0x86: {  	_ =	shalt  }
0x87: {  	_ =	shalt  }
.Lfunc_end0:
.L_simem_size_0:
called_computation.1_lowered:
.L_overlay_start_0:
0x88: {  	s2 =	sld [smem:$0x3FD9]  }
0x89: {  	s3 =	sld [smem:$0x3FFE];
	_ =	sdelay $0x1  }
0x8a: {  	s1 =	srdreg.scid  }
0x8b: {  	s0 =	sand.u32 $0x1, s1  }
0x8c: {  	s17 =	sshll.u32 s0, $0xA;
	s2 =	sadd.s32 s3, s2  }
0x8d: {  	s2 =	sadd.s32 s2, s17  }
0x8e: {  	[smem:$0x3FBF] =	sst s2  }
0x8f: {  	_ = 	snop  }
0x90: {  	s2 =	sld [smem:$0x3FC7]  }
0x91: {  	s18 =	sld [smem:$0x3FC5]  }
0x92: {  	s4 =	sld [smem:$0x3FD0];
	(tm) =	ssettm $0x1  }
0x93: {  	s5 =	sld [smem:$0x3FFB];
	_ =	sdelay $0x3  }
0x94: {  	_ =	strace s5  }
0x95: {  	s5 =	sld [smem:$0x3FFC];
	_ =	sdelay $0x3  }
0x96: {  	_ =	strace s5  }
0x97: {  	s5 =	sld [smem:$0x3FFD];
	_ =	sdelay $0x3  }
0x98: {  	_ =	strace s5  }
0x99: {  	_ =	strace $0x8FFFFFFF  }
0x9a: {  	s19 =	sld [smem:$0x3FDB];
	_ =	sdelay $0x1  }
0x9b: {  	s6 =	simm.s32 $_scs_section_size  }
0x9c: {  	s7 =	simm.s32 $_size__tile_overlayer_lowered;
	s8 =	simm.s32 $_tile_overlayer_lowered  }
0x9d: {  	s22 =	simm.s32 $0x1BFF;
	s21 =	sshll.u32 s8, $0x1;
	s5 =	sadd.s32 s6, s19  }
0x9e: {  	s9 =	simm.s32 $0x0;
	s20 =	sshll.u32 s7, $0x1;
	s7 =	sadd.s32 s21, s5  }
0x9f: {  	[timem:s9], [sflag:s22] =	dma.local [hbm:s7], s20  }
0xa0: {  	_ =	swait.ge [sflag:s22], s20  }
0xa1: {  	s6 =	ssub.s32 $0x0, s20;
	[sflag:s22] =	ssyncset.done $0x0  }
0xa2: {  	[sflag:s22] =	ssyncadd.s32 s6;
	_ =	sdelay $0x1  }
0xa3: {  	s23 =	simm.s32 $0x1B8B  }
0xa4: {  	_ =	swait.ge [sflag:s23], $0x1  }
0xa5: {  	[sflag:s23] =	ssyncset.done $0x0  }
0xa6: {  	s25 =	simm.s32 $0x1B8E;
	s24 =	sld [smem:$0x3FFE];
	[sflag:s23] =	ssyncadd.s32 $0xFFFFFFFF  }
0xa7: {  	s26 =	simm.s32 $execute0_lowered;
	[smem:$0x3FD2] =	sst s25  }
0xa8: {  	s7 =	sshll.u32 s26, $0x1;
	_ =	strace $0x80000049;
	[dreg:$0x1] =	wrdreg $0xFFFFFFFF  }
0xa9: {  	s28 =	simm.s32 $_size_execute0_lowered;
	s5 =	sadd.s32 s5, s7;
	[dreg:$0x0] =	wrdreg $0x0  }
0xaa: {  	s7 =	sshll.u32 s28, $0x1;
	[dreg:$0x2] =	wrdreg s5  }
0xab: {  	[dreg:$0x3] =	wrdreg s7  }
0xac: {  	[dreg:$0x4] =	wrdreg $0xC0  }
0xad: {  	_ =	task [dreg:s9], $0x5FFFF  }
0xae: {  	[dreg:$0x1] =	wrdreg $0xFFFFFFFF  }
0xaf: {  	[dreg:$0x0] =	wrdreg $0x60  }
0xb0: {  	[dreg:$0x2] =	wrdreg s4  }
0xb1: {  	[dreg:$0x3] =	wrdreg s24  }
0xb2: {  	[dreg:$0x4] =	wrdreg s2  }
0xb3: {  	[dreg:$0x5] =	wrdreg s18  }
0xb4: {  	[dreg:$0x6] =	wrdreg $0x0  }
0xb5: {  	[dreg:$0x7] =	wrdreg $0x9  }
0xb6: {  	_ =	task.clear_ibuf [dreg:s9], $0x8FFFF;
	_ =	strace $0x90000049  }
0xb7: {  	s29 =	simm.s32 $0x9;
	_ =	strace $0x8000004B  }
0xb8: {  	_ =	swait.ge [sflag:s29], $0x1  }
0xb9: {  	[sflag:s29] =	ssyncadd.s32 $0xFFFFFFFF  }
0xba: {  	_ =	strace $0x9000004B  }
0xbb: {  	_ =	sfence  }
0xbc: {  	s30 =	sld [smem:$0x0];
	_ =	sdelay $0x2  }
0xbd: {  	s31 =	sshll.u32 s1, $0xD;
	s1 =	sshrl.u32 s1, $0x2  }
0xbe: {  	s3 =	sand.u32 $0x4000, s31;
	s1 =	sadd.s32 s1, s30  }
0xbf: {  	s0 =	sor.u32 s3, s0;
	s1 =	sshll.u32 s1, $0x11  }
0xc0: {  	s0 =	sor.u32 s1, s0  }
0xc1: {  	s0 =	sadd.s32 $0x8F2B, s0  }
0xc2: {  	[sflag:s0] =	ssyncadd.remote.s32 $0x1  }
0xc3: {  	_ =	sfence.sel $0xFFFF  }
0xc4: {  	[dreg:$0x0] =	wrdreg $0xFFFFFFFF;
	(pc) =	sbr.abs _section_cstart, $3  }
0xc5: {  	[dreg:$0x1] =	wrdreg $0xFFFFFFFF  }
0xc6: {  	_ =	task.clear_ibuf [dreg:s9], $0x2FFFF;
	_ =	strace $0x9FFFFFFF  }
0xc7: {  	(tm) =	ssettm $0x7FFFFFFF  }
tec
execute0_lowered:
.L_overlay_start_1:
0x0: {  	(tag) =	ssettag $0x1  }
0x1: {  	s1 =	rddreg [dreg:$0x0]  }
0x2: {  	s0 =	rddreg [dreg:$0x1]  }
0x3: {  	s2 =	rddreg [dreg:$0x2]  }
0x4: {  	s3 =	rddreg [dreg:$0x3]  }
0x5: {  	s4 =	rddreg [dreg:$0x4]  }
0x6: {  	s11 =	simm.s32 $0x0;
	s10 =	stileid.u32;
	s5 =	srdreg.scid  }
0x7: {  	s28 =	simm.s32 $0x5;
	s31 =	simm.s32 $0x1;
	s30 =	simm.s32 $0x50  }
0x8: {  	[smem:$0x7FF] =	sst s11;
	s12 =	sadd.s32 $0x1C00, s0;
	s6 =	smul.u32 $0x2780, s10  }
0x9: {  	s13 =	sadd.s32 $0x31C00, s0;
	s16 =	sadd.s32 $0x11C00, s0;
	s5 =	sand.u32 $0x1, s5  }
0xa: {  	s17 =	sadd.s32 $0x21C00, s0;
	s8 =	sadd.s32 $0x69400, s0;
	s9 =	smul.u32 $0x4F000, s10  }
0xb: {  	s14 =	smul.u32 $0x4E20, s10;
	s18 =	sshll.u32 s10, $0xC;
	s26 =	sshll.u32 s10, $0x6  }
0xc: {  	_ =	strace $0x8000004A;
	s7 =	ssub.s32 $0x2, s5;
	[dreg:$0xa] =	wrdreg s8  }
0xd: {  	p0 =	seq.s32 s5, $0x1;
	[dreg:$0x8] =	wrdreg s12;
	s22 =	sadd.s32 s12, s18  }
0xe: {  	[dreg:$0x9] =	wrdreg s13;
	s23 =	sadd.s32 s13, s18;
	s24 =	sor.u32 $0x200, s18  }
0xf: {  	s25 =	sadd.s32 s16, s18;
	s21 =	smov.u32 s17;
	[dreg:$0x7] =	wrdreg s6  }
0x10: {  	s12 =	simm.s32 $0x1AC00;
	s13 =	simm.s32 $0x1D400;
	[dreg:$0xd] =	wrdreg s22  }
0x11: {  	s6 =	sadd.s32 s6, s0;
	s29 =	sshrl.u32 s7, $0x1;
	[dreg:$0xe] =	wrdreg s23  }
0x12: {  	s0 =	sadd.s32 $0x90C00, s0;
	s15 =	sshrl.u32 s9, $0x2;
	[dreg:$0xf] =	wrdreg s24  }
0x13: {  	s19 =	sadd.s32 $0x50, s14;
	s20 =	sadd.s32 $0xA0, s14;
	[dreg:$0x10] =	wrdreg s25  }
0x14: {  	s22 =	simm.s32 $0x3;
	[dreg:$0xb] =	wrdreg s0;
	s8 =	ssub.s32 s7, s29  }
0x15: {  	s5 =	sadd.s32 s15, s4;
	s6 =	sadd.s32 $0x41C00, s6;
	s15 =	smov.u32 s16  }
.Ltmp0:
0x16: {  	s29 =	sadd.s32 s17, s18;
	[dreg:$0xc] =	wrdreg s6;
	(pc) =	sbr.rel .LBB2_1-.Ltmp0, $4  }
0x17: {  	s17 =	simm.s32 $0x15C00;
	s0 =	smax.u32 s8, $0x1;
	[dreg:$0x14] =	wrdreg s29  }
0x18: {  	s16 =	simm.s32 $0x2;
	s6 =	sor.u32 $0x1C05, s26;
	[dreg:$0x11] =	wrdreg s0  }
0x19: {  	s8 =	sshrl.u32 s5, $0x3;
	s26 =	simm.s32 $0x4;
	[dreg:$0x12] =	wrdreg s6  }
0x1a: {  	s0 =	smov.u32 s18;
	s18 =	simm.s32 $0x18400;
	[dreg:$0x13] =	wrdreg s8  }
.LBB2_32:
0x1b: {  	s6 =	rddreg [dreg:$0x7];
	[bflag:$0x0] =	sbarrier.arrive $0xFFFF  }
0x1c: {  	s5 =	sadd.s32 s5, s6;
	s6 =	rddreg [dreg:$0x12]  }
0x1d: {  	s8 =	rddreg [dreg:$0x13]  }
0x1e: {  	[hbm:s5], [sflag:s6] =	dma.local [spmem:s8], $0x2780  }
0x1f: {  	_ =	swait.ge [sflag:s28], $0x2780  }
0x20: {  	s11 =	sadd.s32 $0x1, s11;
	s29 =	rddreg [dreg:$0x11]  }
0x21: {  	p1 =	sne.s32 s11, s29  }
.Ltmp1:
0x22: {  	_ = 	snop;
	(pc) =	sbr.rel @!p1 .LBB2_33-.Ltmp1, $3  }
0x23: {  	_ =	sdelay $0x1  }
0x24: {  	[sflag:s28] =	ssyncset.done $0x0  }
0x25: {  	[sflag:s28] =	ssyncadd.s32 $0xFFFFD880  }
.LBB2_1:
0x26: {  	[dreg:$0x6] =	wrdreg s11  }
.Ltmp2:
0x27: {  	s5 =	rddreg [dreg:$0xc];
	(pc) =	sbr.rel @!p0 .LBB2_2-.Ltmp2, $4  }
0x28: {  	[spmem:s8], [sflag:s6] =	dma.local [hbm:s5], $0x2780  }
0x29: {  	_ =	swait.ge [sflag:s28], $0x2780  }
0x2a: {  	[sflag:s28] =	ssyncset.done $0x0  }
0x2b: {  	s23 =	simm.s32 $0x0;
	[sflag:s28] =	ssyncadd.s32 $0xFFFFD880  }
0x2c: {  	s5 =	rddreg [dreg:$0x10];
	s6 =	simm.s32 $0x13C00  }
0x2d: {  	[tilespmem:s6], [sflag:$0x1] =	stream.linear.gather [hbm4b:s5+s23], $0x800, $0x38;
	[tilespmem:$0x1FC00] =	vst v63  }
0x2e: {  	s25 =	rddreg [dreg:$0x14];
	s29 =	simm.s32 $0x14400  }
0x2f: {  	[tilespmem:s29], [sflag:$0x1] =	stream.linear.gather [hbm4b:s25+s23], $0x800, $0x38;
	[tilespmem:$0x1FC00] =	vst v63  }
0x30: {  	s8 =	simm.s32 $0x0;
	[bflag:$0x0] =	sbarrier.arrive $0xFFFF  }
.LBB2_18:
0x31: {  	_ =	swait.ge [sflag:s31], $0x800  }
0x32: {  	[sflag:s31] =	ssyncset.done $0x0  }
0x33: {  	s24 =	sshllo.u32 s8, $0x1;
	[sflag:s31] =	ssyncadd.s32 $0xFFFFF800  }
0x34: {  	s5 =	sshll.u32 s24, $0x8;
	_ =	swait.ge [sflag:s31], $0x800  }
0x35: {  	s5 =	sadd.s32 s0, s5;
	[sflag:s31] =	ssyncset.done $0x0  }
0x36: {  	s7 =	simm.s32 $0x14C00;
	s6 =	sadd.s32 s15, s5;
	[sflag:s31] =	ssyncadd.s32 $0xFFFFF800  }
0x37: {  	[tilespmem:s7], [sflag:$0x2] =	stream.linear.gather [hbm4b:s6+s23], $0x800, $0x38;
	[tilespmem:$0x1FC00] =	vst v63  }
0x38: {  	s11 =	simm.s32 $0x15400;
	s25 =	smul.u32 $0xA00, s8;
	s5 =	sadd.s32 s21, s5  }
0x39: {  	[tilespmem:s11], [sflag:$0x2] =	stream.linear.gather [hbm4b:s5+s23], $0x800, $0x38;
	[tilespmem:$0x1FC00] =	vst v63  }
0x3a: {  	s5 =	sadd.s32 s14, s25  }
0x3b: {  	s29 =	simm.s32 $0x13C00;
	s5 =	sshll.u32 s5, $0x4  }
0x3c: {  	[tilespmem:s17], [sflag:$0x3] =	stream.indirect.gather [hbm4b:s1+s30], $0x80, s29, s30, $0xb8;
	[tilespmem:$0x1FC00] =	vst v63  }
0x3d: {  	s6 =	sshll.u32 s8, $0x5;
	s25 =	simm.s32 $0x0;
	s5 =	sadd.s32 s3, s5  }
0x3e: {  	[tilespmem:s12], [sflag:$0x3] =	stream.linear.gather [hbm4b:s5+s23], $0x2800, $0x38;
	[tilespmem:$0x1FC00] =	vst v63  }
.LBB2_19:
0x3f: {  	s5 =	sshll.u32 s25, $0x1  }
0x40: {  	s10 =	sshll.u32 s25, $0x8;
	s5 =	sadd.s32 s6, s5  }
0x41: {  	s9 =	sadd.s32 $0x13C80, s10;
	s7 =	smul.u32 $0x50, s5  }
0x42: {  	[tilespmem:s18], [sflag:$0x4] =	stream.indirect.gather [hbm4b:s1+s30], $0x80, s9, s30, $0xb8;
	[tilespmem:$0x1FC00] =	vst v63  }
0x43: {  	s5 =	sadd.s32 s19, s7  }
0x44: {  	s5 =	sshll.u32 s5, $0x4  }
0x45: {  	s29 =	simm.s32 $0x0;
	s5 =	sadd.s32 s3, s5  }
0x46: {  	[tilespmem:s13], [sflag:$0x4] =	stream.linear.gather [hbm4b:s5+s29], $0x2800, $0x38;
	[tilespmem:$0x1FC00] =	vst v63  }
0x47: {  	_ =	swait.ge [sflag:s22], $0x2800  }
0x48: {  	[sflag:s22] =	ssyncset.done $0x0  }
0x49: {  	[sflag:s22] =	ssyncadd.s32 $0xFFFFD800  }
0x4a: {  	_ =	swait.ge [sflag:s22], $0x2800  }
0x4b: {  	[sflag:s22] =	ssyncset.done $0x0  }
0x4c: {  	s9 =	simm.s32 $0x0;
	[sflag:s22] =	ssyncadd.s32 $0xFFFFD800  }
0x4d: {  	v7 =	vld [tilespmem:s9+$0x15C00]  }
0x4e: {  	v11 =	vld [tilespmem:s9+$0x15C10]  }
0x4f: {  	v5 =	vld [tilespmem:s9+$0x15C20]  }
0x50: {  	v4 =	vld [tilespmem:s9+$0x15C30]  }
0x51: {  	v3 =	vld [tilespmem:s9+$0x15C40]  }
0x52: {  	v2 =	vld [tilespmem:s9+$0x15C50]  }
0x53: {  	v1 =	vld [tilespmem:s9+$0x15C60]  }
0x54: {  	v0 =	vld [tilespmem:s9+$0x15C70]  }
0x55: {  	v12 =	vld [tilespmem:s9+$0x1AC00]  }
0x56: {  	v13 =	vld [tilespmem:s9+$0x1AC10]  }
0x57: {  	v10 =	vld [tilespmem:s9+$0x1AC20]  }
0x58: {  	v9 =	vld [tilespmem:s9+$0x1AC30]  }
0x59: {  	v8 =	vld [tilespmem:s9+$0x1AC40]  }
0x5a: {  	v6 =	vld [tilespmem:s9+$0x1AC50];
	v12 =	vmul.f32 v7, v12  }
0x5b: {  	s5 =	sor.u32 $0x80, s10;
	s10 =	simm.s32 $0x200;
	v11 =	vmul.f32 v11, v13;
	v7 =	vld [tilespmem:s9+$0x1AC60]  }
.LBB2_20:
0x5c: {  	s11 =	sshra.s32 s10, $0x2;
	p1 =	sne.s32 s10, $0x9E00;
	[tilespmem:s9+$0x1AC00] =	vst v12;
	v5 =	vmul.f32 v5, v10;
	v10 =	vld [tilespmem:s9+$0x1AC70]  }
0x5d: {  	v12 =	vld [tilespmem:s11+$0x15C00];
	[tilespmem:s9+$0x1AC10] =	vst v11;
	v4 =	vmul.f32 v4, v9  }
0x5e: {  	v11 =	vld [tilespmem:s11+$0x15C10];
	[tilespmem:s9+$0x1AC20] =	vst v5;
	v3 =	vmul.f32 v3, v8  }
0x5f: {  	v5 =	vld [tilespmem:s11+$0x15C20];
	[tilespmem:s9+$0x1AC30] =	vst v4;
	v2 =	vmul.f32 v2, v6  }
0x60: {  	v4 =	vld [tilespmem:s11+$0x15C30];
	[tilespmem:s9+$0x1AC40] =	vst v3;
	v1 =	vmul.f32 v1, v7  }
0x61: {  	v3 =	vld [tilespmem:s11+$0x15C40];
	[tilespmem:s9+$0x1AC50] =	vst v2;
	v0 =	vmul.f32 v0, v10  }
0x62: {  	v2 =	vld [tilespmem:s11+$0x15C50];
	[tilespmem:s9+$0x1AC60] =	vst v1  }
0x63: {  	v1 =	vld [tilespmem:s11+$0x15C60];
	[tilespmem:s9+$0x1AC70] =	vst v0;
	s9 =	smov.u32 s11  }
0x64: {  	v0 =	vld [tilespmem:s9+$0x15C70]  }
0x65: {  	v6 =	vld [tilespmem:s9+$0x1AC00]  }
0x66: {  	v7 =	vld [tilespmem:s9+$0x1AC10]  }
.Ltmp3:
0x67: {  	v10 =	vld [tilespmem:s9+$0x1AC20];
	(pc) =	sbr.rel @p1 .LBB2_20-.Ltmp3, $4  }
0x68: {  	v9 =	vld [tilespmem:s9+$0x1AC30]  }
0x69: {  	v8 =	vld [tilespmem:s9+$0x1AC40]  }
0x6a: {  	v12 =	vmul.f32 v12, v6;
	v6 =	vld [tilespmem:s9+$0x1AC50]  }
0x6b: {  	s10 =	sadd.s32 $0x200, s10;
	v11 =	vmul.f32 v11, v7;
	v7 =	vld [tilespmem:s9+$0x1AC60]  }
0x6c: {  	[tilespmem:s9+$0x1AC00] =	vst v12;
	v5 =	vmul.f32 v5, v10;
	v10 =	vld [tilespmem:s9+$0x1AC70]  }
0x6d: {  	[tilespmem:s9+$0x1AC10] =	vst v11;
	v4 =	vmul.f32 v4, v9  }
0x6e: {  	[tilespmem:s9+$0x1AC20] =	vst v5;
	v3 =	vmul.f32 v3, v8  }
0x6f: {  	[tilespmem:s9+$0x1AC30] =	vst v4;
	v2 =	vmul.f32 v2, v6  }
0x70: {  	[tilespmem:s9+$0x1AC40] =	vst v3;
	v1 =	vmul.f32 v1, v7  }
0x71: {  	s10 =	sshll.u32 s25, $0xA;
	[tilespmem:s9+$0x1AC50] =	vst v2;
	v0 =	vmul.f32 v0, v10  }
0x72: {  	s11 =	sshrl.u32 s10, $0x2;
	[tilespmem:s9+$0x1AC60] =	vst v1  }
0x73: {  	p1 =	seq.s32 s25, $0x7;
	s29 =	sadd.s32 $0x14400, s11;
	[tilespmem:s9+$0x1AC70] =	vst v0  }
0x74: {  	[spmem:s4] =	stream.indirect.scatter.add.f32 [tilespmem:s12], [sflag:$0x5], $0x80, s29, s30, $0xb8;
	[tilespmem:$0x1FC00] =	vst v63  }
0x75: {  	s7 =	sadd.s32 @!p1 s20, s7;
	s11 =	simm.s32 @!p1 $0x15C00;
	_ =	swait.ge [sflag:s28], $0x2800  }
0x76: {  	s7 =	sshll.u32 @!p1 s7, $0x4;
	s9 =	sshrl.u32 @!p1 s10, $0x2;
	[sflag:s28] =	ssyncset.done $0x0  }
0x77: {  	s10 =	simm.s32 @!p1 $0x50;
	s9 =	sadd.s32 @!p1 $0x13D00, s9;
	[sflag:s28] =	ssyncadd.s32 $0xFFFFD800  }
0x78: {  	[tilespmem:s11], [sflag:$0x3] =	stream.indirect.gather @!p1 [hbm4b:s1+s10], $0x80, s9, s10, $0xb8;
	[tilespmem:$0x1FC00] =	vst v63  }
0x79: {  	s7 =	sadd.s32 @!p1 s3, s7;
	s9 =	simm.s32 @!p1 $0x0;
	s10 =	simm.s32 @!p1 $0x1AC00  }
0x7a: {  	[tilespmem:s10], [sflag:$0x3] =	stream.linear.gather @!p1 [hbm4b:s7+s9], $0x2800, $0x38;
	[tilespmem:$0x1FC00] =	vst v63  }
0x7b: {  	_ =	swait.ge [sflag:s26], $0x2800  }
0x7c: {  	[sflag:s26] =	ssyncset.done $0x0  }
0x7d: {  	[sflag:s26] =	ssyncadd.s32 $0xFFFFD800  }
0x7e: {  	_ =	swait.ge [sflag:s26], $0x2800  }
0x7f: {  	[sflag:s26] =	ssyncset.done $0x0  }
0x80: {  	s7 =	simm.s32 $0x0;
	[sflag:s26] =	ssyncadd.s32 $0xFFFFD800  }
0x81: {  	v7 =	vld [tilespmem:s7+$0x18400]  }
0x82: {  	v11 =	vld [tilespmem:s7+$0x18410]  }
0x83: {  	v5 =	vld [tilespmem:s7+$0x18420]  }
0x84: {  	v4 =	vld [tilespmem:s7+$0x18430]  }
0x85: {  	v3 =	vld [tilespmem:s7+$0x18440]  }
0x86: {  	v2 =	vld [tilespmem:s7+$0x18450]  }
0x87: {  	v1 =	vld [tilespmem:s7+$0x18460]  }
0x88: {  	v0 =	vld [tilespmem:s7+$0x18470]  }
0x89: {  	v12 =	vld [tilespmem:s7+$0x1D400]  }
0x8a: {  	v13 =	vld [tilespmem:s7+$0x1D410]  }
0x8b: {  	v10 =	vld [tilespmem:s7+$0x1D420]  }
0x8c: {  	v9 =	vld [tilespmem:s7+$0x1D430]  }
0x8d: {  	v8 =	vld [tilespmem:s7+$0x1D440]  }
0x8e: {  	v6 =	vld [tilespmem:s7+$0x1D450];
	v12 =	vmul.f32 v7, v12  }
0x8f: {  	s9 =	simm.s32 $0x200;
	v11 =	vmul.f32 v11, v13;
	v7 =	vld [tilespmem:s7+$0x1D460]  }
.LBB2_22:
0x90: {  	s10 =	sshra.s32 s9, $0x2;
	p1 =	sne.s32 s9, $0x9E00;
	[tilespmem:s7+$0x1D400] =	vst v12;
	v5 =	vmul.f32 v5, v10;
	v10 =	vld [tilespmem:s7+$0x1D470]  }
0x91: {  	v12 =	vld [tilespmem:s10+$0x18400];
	[tilespmem:s7+$0x1D410] =	vst v11;
	v4 =	vmul.f32 v4, v9  }
0x92: {  	v11 =	vld [tilespmem:s10+$0x18410];
	[tilespmem:s7+$0x1D420] =	vst v5;
	v3 =	vmul.f32 v3, v8  }
0x93: {  	v5 =	vld [tilespmem:s10+$0x18420];
	[tilespmem:s7+$0x1D430] =	vst v4;
	v2 =	vmul.f32 v2, v6  }
0x94: {  	v4 =	vld [tilespmem:s10+$0x18430];
	[tilespmem:s7+$0x1D440] =	vst v3;
	v1 =	vmul.f32 v1, v7  }
0x95: {  	v3 =	vld [tilespmem:s10+$0x18440];
	[tilespmem:s7+$0x1D450] =	vst v2;
	v0 =	vmul.f32 v0, v10  }
0x96: {  	v2 =	vld [tilespmem:s10+$0x18450];
	[tilespmem:s7+$0x1D460] =	vst v1  }
0x97: {  	v1 =	vld [tilespmem:s10+$0x18460];
	[tilespmem:s7+$0x1D470] =	vst v0;
	s7 =	smov.u32 s10  }
0x98: {  	v0 =	vld [tilespmem:s7+$0x18470]  }
0x99: {  	v6 =	vld [tilespmem:s7+$0x1D400]  }
0x9a: {  	v7 =	vld [tilespmem:s7+$0x1D410]  }
.Ltmp4:
0x9b: {  	v10 =	vld [tilespmem:s7+$0x1D420];
	(pc) =	sbr.rel @p1 .LBB2_22-.Ltmp4, $4  }
0x9c: {  	v9 =	vld [tilespmem:s7+$0x1D430]  }
0x9d: {  	v8 =	vld [tilespmem:s7+$0x1D440]  }
0x9e: {  	v12 =	vmul.f32 v12, v6;
	v6 =	vld [tilespmem:s7+$0x1D450]  }
0x9f: {  	s9 =	sadd.s32 $0x200, s9;
	v11 =	vmul.f32 v11, v7;
	v7 =	vld [tilespmem:s7+$0x1D460]  }
0xa0: {  	[tilespmem:s7+$0x1D400] =	vst v12;
	v5 =	vmul.f32 v5, v10;
	v63 =	vld [tilespmem:s7+$0x1D470]  }
0xa1: {  	[tilespmem:s7+$0x1D410] =	vst v11;
	v4 =	vmul.f32 v4, v9  }
0xa2: {  	[tilespmem:s7+$0x1D420] =	vst v5;
	v3 =	vmul.f32 v3, v8  }
0xa3: {  	[tilespmem:s7+$0x1D430] =	vst v4;
	v2 =	vmul.f32 v2, v6  }
0xa4: {  	[tilespmem:s7+$0x1D440] =	vst v3;
	v1 =	vmul.f32 v1, v7  }
0xa5: {  	s25 =	sadd.s32 $0x1, s25;
	[tilespmem:s7+$0x1D450] =	vst v2;
	v0 =	vmul.f32 v0, v63  }
0xa6: {  	p1 =	sne.s32 s25, $0x8;
	[tilespmem:s7+$0x1D460] =	vst v1  }
.Ltmp5:
0xa7: {  	s5 =	sadd.s32 $0x14400, s5;
	[tilespmem:s7+$0x1D470] =	vst v0;
	(pc) =	sbr.rel @p1 .LBB2_19-.Ltmp5, $4  }
0xa8: {  	[spmem:s4] =	stream.indirect.scatter.add.f32 [tilespmem:s13], [sflag:$0x5], $0x80, s5, s30, $0xb8;
	[tilespmem:$0x1FC00] =	vst v63  }
0xa9: {  	_ =	swait.ge [sflag:s28], $0x2800  }
0xaa: {  	[sflag:s28] =	ssyncset.done $0x0  }
0xab: {  	[sflag:s28] =	ssyncadd.s32 $0xFFFFD800  }
0xac: {  	_ =	swait.ge [sflag:s16], $0x800  }
0xad: {  	[sflag:s16] =	ssyncset.done $0x0  }
0xae: {  	[sflag:s16] =	ssyncadd.s32 $0xFFFFF800  }
0xaf: {  	p1 =	seq.s32 s8, $0x7;
	_ =	swait.ge [sflag:s16], $0x800  }
0xb0: {  	s5 =	sshll.u32 @!p1 s8, $0x9;
	s6 =	rddreg [dreg:$0xf]  }
0xb1: {  	s7 =	simm.s32 @!p1 $0x0;
	[sflag:s16] =	ssyncset.done $0x0;
	s5 =	sadd.s32 @!p1 s5, s6  }
0xb2: {  	s9 =	simm.s32 @!p1 $0x13C00;
	[sflag:s16] =	ssyncadd.s32 $0xFFFFF800;
	s6 =	sadd.s32 @!p1 s15, s5  }
0xb3: {  	[tilespmem:s9], [sflag:$0x1] =	stream.linear.gather @!p1 [hbm4b:s6+s7], $0x800, $0x38;
	[tilespmem:$0x1FC00] =	vst v63  }
0xb4: {  	s25 =	smul.u32 $0x500, s24;
	s5 =	sadd.s32 @!p1 s21, s5;
	s6 =	simm.s32 @!p1 $0x14400  }
0xb5: {  	[tilespmem:s6], [sflag:$0x1] =	stream.linear.gather @!p1 [hbm4b:s5+s7], $0x800, $0x38;
	[tilespmem:$0x1FC00] =	vst v63  }
0xb6: {  	s5 =	sadd.s32 s14, s25  }
0xb7: {  	s29 =	simm.s32 $0x14C00;
	s24 =	sshll.u32 s24, $0x4;
	s5 =	sshll.u32 s5, $0x4  }
0xb8: {  	[tilespmem:s17], [sflag:$0x3] =	stream.indirect.gather [hbm4b:s1+s30], $0x80, s29, s30, $0xb8;
	[tilespmem:$0x1FC00] =	vst v63  }
0xb9: {  	s25 =	simm.s32 $0x0;
	s6 =	simm.s32 $0x0;
	s5 =	sadd.s32 s3, s5  }
0xba: {  	[tilespmem:s12], [sflag:$0x3] =	stream.linear.gather [hbm4b:s5+s25], $0x2800, $0x38;
	[tilespmem:$0x1FC00] =	vst v63  }
.LBB2_25:
0xbb: {  	s5 =	sshll.u32 s6, $0x1  }
0xbc: {  	s11 =	sshll.u32 s6, $0x8;
	s29 =	sadd.s32 s24, s5  }
0xbd: {  	s9 =	sadd.s32 $0x14C80, s11;
	s7 =	smul.u32 $0x50, s29  }
0xbe: {  	[tilespmem:s18], [sflag:$0x4] =	stream.indirect.gather [hbm4b:s1+s30], $0x80, s9, s30, $0xb8;
	[tilespmem:$0x1FC00] =	vst v63  }
0xbf: {  	p1 =	slt.u32 s29, $0xFA;
	s9 =	sadd.s32 $0x50, s7  }
0xc0: {  	s9 =	simm.s32 @!p1 $0x0  }
0xc1: {  	s9 =	sadd.s32 s14, s9  }
0xc2: {  	s9 =	sshll.u32 s9, $0x4  }
0xc3: {  	s9 =	sadd.s32 s3, s9  }
0xc4: {  	[tilespmem:s13], [sflag:$0x4] =	stream.linear.gather [hbm4b:s9+s25], $0x2800, $0x38;
	[tilespmem:$0x1FC00] =	vst v63  }
0xc5: {  	_ =	swait.ge [sflag:s22], $0x2800  }
0xc6: {  	[sflag:s22] =	ssyncset.done $0x0  }
0xc7: {  	[sflag:s22] =	ssyncadd.s32 $0xFFFFD800  }
0xc8: {  	_ =	swait.ge [sflag:s22], $0x2800  }
0xc9: {  	[sflag:s22] =	ssyncset.done $0x0  }
0xca: {  	s9 =	simm.s32 $0x0;
	[sflag:s22] =	ssyncadd.s32 $0xFFFFD800  }
0xcb: {  	v7 =	vld [tilespmem:s9+$0x15C00]  }
0xcc: {  	v11 =	vld [tilespmem:s9+$0x15C10]  }
0xcd: {  	v5 =	vld [tilespmem:s9+$0x15C20]  }
0xce: {  	v4 =	vld [tilespmem:s9+$0x15C30]  }
0xcf: {  	v3 =	vld [tilespmem:s9+$0x15C40]  }
0xd0: {  	v2 =	vld [tilespmem:s9+$0x15C50]  }
0xd1: {  	v1 =	vld [tilespmem:s9+$0x15C60]  }
0xd2: {  	v0 =	vld [tilespmem:s9+$0x15C70]  }
0xd3: {  	v12 =	vld [tilespmem:s9+$0x1AC00]  }
0xd4: {  	v13 =	vld [tilespmem:s9+$0x1AC10]  }
0xd5: {  	v10 =	vld [tilespmem:s9+$0x1AC20]  }
0xd6: {  	v9 =	vld [tilespmem:s9+$0x1AC30]  }
0xd7: {  	v8 =	vld [tilespmem:s9+$0x1AC40]  }
0xd8: {  	v6 =	vld [tilespmem:s9+$0x1AC50];
	v12 =	vmul.f32 v7, v12  }
0xd9: {  	s10 =	simm.s32 $0x200;
	s5 =	sor.u32 $0x80, s11;
	v11 =	vmul.f32 v11, v13;
	v7 =	vld [tilespmem:s9+$0x1AC60]  }
.LBB2_26:
0xda: {  	s11 =	sshra.s32 s10, $0x2;
	p1 =	sne.s32 s10, $0x9E00;
	[tilespmem:s9+$0x1AC00] =	vst v12;
	v5 =	vmul.f32 v5, v10;
	v10 =	vld [tilespmem:s9+$0x1AC70]  }
0xdb: {  	v12 =	vld [tilespmem:s11+$0x15C00];
	[tilespmem:s9+$0x1AC10] =	vst v11;
	v4 =	vmul.f32 v4, v9  }
0xdc: {  	v11 =	vld [tilespmem:s11+$0x15C10];
	[tilespmem:s9+$0x1AC20] =	vst v5;
	v3 =	vmul.f32 v3, v8  }
0xdd: {  	v5 =	vld [tilespmem:s11+$0x15C20];
	[tilespmem:s9+$0x1AC30] =	vst v4;
	v2 =	vmul.f32 v2, v6  }
0xde: {  	v4 =	vld [tilespmem:s11+$0x15C30];
	[tilespmem:s9+$0x1AC40] =	vst v3;
	v1 =	vmul.f32 v1, v7  }
0xdf: {  	v3 =	vld [tilespmem:s11+$0x15C40];
	[tilespmem:s9+$0x1AC50] =	vst v2;
	v0 =	vmul.f32 v0, v10  }
0xe0: {  	v2 =	vld [tilespmem:s11+$0x15C50];
	[tilespmem:s9+$0x1AC60] =	vst v1  }
0xe1: {  	v1 =	vld [tilespmem:s11+$0x15C60];
	[tilespmem:s9+$0x1AC70] =	vst v0;
	s9 =	smov.u32 s11  }
0xe2: {  	v0 =	vld [tilespmem:s9+$0x15C70]  }
0xe3: {  	v6 =	vld [tilespmem:s9+$0x1AC00]  }
0xe4: {  	v7 =	vld [tilespmem:s9+$0x1AC10]  }
.Ltmp6:
0xe5: {  	v10 =	vld [tilespmem:s9+$0x1AC20];
	(pc) =	sbr.rel @p1 .LBB2_26-.Ltmp6, $4  }
0xe6: {  	v9 =	vld [tilespmem:s9+$0x1AC30]  }
0xe7: {  	v8 =	vld [tilespmem:s9+$0x1AC40]  }
0xe8: {  	v12 =	vmul.f32 v12, v6;
	v6 =	vld [tilespmem:s9+$0x1AC50]  }
0xe9: {  	s10 =	sadd.s32 $0x200, s10;
	v11 =	vmul.f32 v11, v7;
	v7 =	vld [tilespmem:s9+$0x1AC60]  }
0xea: {  	[tilespmem:s9+$0x1AC00] =	vst v12;
	v5 =	vmul.f32 v5, v10;
	v10 =	vld [tilespmem:s9+$0x1AC70]  }
0xeb: {  	[tilespmem:s9+$0x1AC10] =	vst v11;
	v4 =	vmul.f32 v4, v9  }
0xec: {  	[tilespmem:s9+$0x1AC20] =	vst v5;
	v3 =	vmul.f32 v3, v8  }
0xed: {  	p1 =	seq.s32 s6, $0x7;
	[tilespmem:s9+$0x1AC30] =	vst v4;
	v2 =	vmul.f32 v2, v6  }
0xee: {  	p2 =	slt.u32 @!p1 s29, $0xF8;
	[tilespmem:s9+$0x1AC40] =	vst v3;
	v1 =	vmul.f32 v1, v7  }
0xef: {  	s10 =	sshll.u32 s6, $0xA;
	s7 =	sadd.s32 @!p1 $0xA0, s7;
	p2 =	por !p2, p1;
	[tilespmem:s9+$0x1AC50] =	vst v2;
	v0 =	vmul.f32 v0, v10  }
0xf0: {  	s11 =	sshrl.u32 s10, $0x2;
	s7 =	simm.s32 @p2 $0x0;
	[tilespmem:s9+$0x1AC60] =	vst v1  }
0xf1: {  	s11 =	sadd.s32 $0x15400, s11;
	s7 =	sadd.s32 @!p1 s14, s7;
	[tilespmem:s9+$0x1AC70] =	vst v0  }
0xf2: {  	[spmem:s4] =	stream.indirect.scatter.add.f32 [tilespmem:s12], [sflag:$0x5], $0x80, s11, s30, $0xb8;
	[tilespmem:$0x1FC00] =	vst v63  }
0xf3: {  	s7 =	sshll.u32 @!p1 s7, $0x4;
	_ =	swait.ge [sflag:s28], $0x2800  }
0xf4: {  	s9 =	sshrl.u32 @!p1 s10, $0x2;
	s10 =	simm.s32 @!p1 $0x50;
	[sflag:s28] =	ssyncset.done $0x0  }
0xf5: {  	s9 =	sadd.s32 @!p1 $0x14D00, s9;
	s11 =	simm.s32 @!p1 $0x15C00;
	[sflag:s28] =	ssyncadd.s32 $0xFFFFD800  }
0xf6: {  	[tilespmem:s11], [sflag:$0x3] =	stream.indirect.gather @!p1 [hbm4b:s1+s10], $0x80, s9, s10, $0xb8;
	[tilespmem:$0x1FC00] =	vst v63  }
0xf7: {  	s7 =	sadd.s32 @!p1 s3, s7;
	s9 =	simm.s32 @!p1 $0x0;
	s10 =	simm.s32 @!p1 $0x1AC00  }
0xf8: {  	[tilespmem:s10], [sflag:$0x3] =	stream.linear.gather @!p1 [hbm4b:s7+s9], $0x2800, $0x38;
	[tilespmem:$0x1FC00] =	vst v63  }
0xf9: {  	_ =	swait.ge [sflag:s26], $0x2800  }
0xfa: {  	[sflag:s26] =	ssyncset.done $0x0  }
0xfb: {  	[sflag:s26] =	ssyncadd.s32 $0xFFFFD800  }
0xfc: {  	_ =	swait.ge [sflag:s26], $0x2800  }
0xfd: {  	[sflag:s26] =	ssyncset.done $0x0  }
0xfe: {  	s7 =	simm.s32 $0x0;
	[sflag:s26] =	ssyncadd.s32 $0xFFFFD800  }
0xff: {  	v7 =	vld [tilespmem:s7+$0x18400]  }
0x100: {  	v11 =	vld [tilespmem:s7+$0x18410]  }
0x101: {  	v5 =	vld [tilespmem:s7+$0x18420]  }
0x102: {  	v4 =	vld [tilespmem:s7+$0x18430]  }
0x103: {  	v3 =	vld [tilespmem:s7+$0x18440]  }
0x104: {  	v2 =	vld [tilespmem:s7+$0x18450]  }
0x105: {  	v1 =	vld [tilespmem:s7+$0x18460]  }
0x106: {  	v0 =	vld [tilespmem:s7+$0x18470]  }
0x107: {  	v12 =	vld [tilespmem:s7+$0x1D400]  }
0x108: {  	v13 =	vld [tilespmem:s7+$0x1D410]  }
0x109: {  	v10 =	vld [tilespmem:s7+$0x1D420]  }
0x10a: {  	v9 =	vld [tilespmem:s7+$0x1D430]  }
0x10b: {  	v8 =	vld [tilespmem:s7+$0x1D440]  }
0x10c: {  	v6 =	vld [tilespmem:s7+$0x1D450];
	v12 =	vmul.f32 v7, v12  }
0x10d: {  	s9 =	simm.s32 $0x200;
	v11 =	vmul.f32 v11, v13;
	v7 =	vld [tilespmem:s7+$0x1D460]  }
.LBB2_28:
0x10e: {  	s10 =	sshra.s32 s9, $0x2;
	p1 =	sne.s32 s9, $0x9E00;
	[tilespmem:s7+$0x1D400] =	vst v12;
	v5 =	vmul.f32 v5, v10;
	v10 =	vld [tilespmem:s7+$0x1D470]  }
0x10f: {  	v12 =	vld [tilespmem:s10+$0x18400];
	[tilespmem:s7+$0x1D410] =	vst v11;
	v4 =	vmul.f32 v4, v9  }
0x110: {  	v11 =	vld [tilespmem:s10+$0x18410];
	[tilespmem:s7+$0x1D420] =	vst v5;
	v3 =	vmul.f32 v3, v8  }
0x111: {  	v5 =	vld [tilespmem:s10+$0x18420];
	[tilespmem:s7+$0x1D430] =	vst v4;
	v2 =	vmul.f32 v2, v6  }
0x112: {  	v4 =	vld [tilespmem:s10+$0x18430];
	[tilespmem:s7+$0x1D440] =	vst v3;
	v1 =	vmul.f32 v1, v7  }
0x113: {  	v3 =	vld [tilespmem:s10+$0x18440];
	[tilespmem:s7+$0x1D450] =	vst v2;
	v0 =	vmul.f32 v0, v10  }
0x114: {  	v2 =	vld [tilespmem:s10+$0x18450];
	[tilespmem:s7+$0x1D460] =	vst v1  }
0x115: {  	v1 =	vld [tilespmem:s10+$0x18460];
	[tilespmem:s7+$0x1D470] =	vst v0;
	s7 =	smov.u32 s10  }
0x116: {  	v0 =	vld [tilespmem:s7+$0x18470]  }
0x117: {  	v6 =	vld [tilespmem:s7+$0x1D400]  }
0x118: {  	v7 =	vld [tilespmem:s7+$0x1D410]  }
.Ltmp7:
0x119: {  	v10 =	vld [tilespmem:s7+$0x1D420];
	(pc) =	sbr.rel @p1 .LBB2_28-.Ltmp7, $4  }
0x11a: {  	v9 =	vld [tilespmem:s7+$0x1D430]  }
0x11b: {  	v8 =	vld [tilespmem:s7+$0x1D440]  }
0x11c: {  	v12 =	vmul.f32 v12, v6;
	v6 =	vld [tilespmem:s7+$0x1D450]  }
0x11d: {  	s9 =	sadd.s32 $0x200, s9;
	v11 =	vmul.f32 v11, v7;
	v7 =	vld [tilespmem:s7+$0x1D460]  }
0x11e: {  	[tilespmem:s7+$0x1D400] =	vst v12;
	v5 =	vmul.f32 v5, v10;
	v63 =	vld [tilespmem:s7+$0x1D470]  }
0x11f: {  	[tilespmem:s7+$0x1D410] =	vst v11;
	v4 =	vmul.f32 v4, v9  }
0x120: {  	[tilespmem:s7+$0x1D420] =	vst v5;
	v3 =	vmul.f32 v3, v8  }
0x121: {  	[tilespmem:s7+$0x1D430] =	vst v4;
	v2 =	vmul.f32 v2, v6  }
0x122: {  	[tilespmem:s7+$0x1D440] =	vst v3;
	v1 =	vmul.f32 v1, v7  }
0x123: {  	s6 =	sadd.s32 $0x1, s6;
	[tilespmem:s7+$0x1D450] =	vst v2;
	v0 =	vmul.f32 v0, v63  }
0x124: {  	p1 =	sne.s32 s6, $0x8;
	[tilespmem:s7+$0x1D460] =	vst v1  }
.Ltmp8:
0x125: {  	s5 =	sadd.s32 $0x15400, s5;
	[tilespmem:s7+$0x1D470] =	vst v0;
	(pc) =	sbr.rel @p1 .LBB2_25-.Ltmp8, $4  }
0x126: {  	[spmem:s4] =	stream.indirect.scatter.add.f32 [tilespmem:s13], [sflag:$0x5], $0x80, s5, s30, $0xb8;
	[tilespmem:$0x1FC00] =	vst v63  }
0x127: {  	_ =	swait.ge [sflag:s28], $0x2800  }
0x128: {  	[sflag:s28] =	ssyncset.done $0x0  }
0x129: {  	[sflag:s28] =	ssyncadd.s32 $0xFFFFD800  }
0x12a: {  	s8 =	sadd.s32 $0x1, s8  }
0x12b: {  	p1 =	sne.s32 s8, $0x8  }
.Ltmp9:
0x12c: {  	_ = 	snop;
	(pc) =	sbr.rel @p1 .LBB2_18-.Ltmp9, $1  }
0x12d: {  	_ =	sdelay $0x3  }
.Ltmp10:
0x12e: {  	(pc) =	sbr.rel .LBB2_32-.Ltmp10, $3  }
0x12f: {  	_ =	sdelay $0x1  }
0x130: {  	s5 =	rddreg [dreg:$0xb]  }
0x131: {  	s11 =	rddreg [dreg:$0x6]  }
.LBB2_2:
0x132: {  	s5 =	rddreg [dreg:$0xd];
	s6 =	simm.s32 $0x13C00  }
0x133: {  	[tilespmem:s6], [sflag:$0x1] =	stream.linear.gather [hbm4b:s5+s23], $0x800, $0x38;
	[tilespmem:$0x1FC00] =	vst v63  }
0x134: {  	s25 =	rddreg [dreg:$0xe];
	s29 =	simm.s32 $0x14400  }
0x135: {  	[tilespmem:s29], [sflag:$0x1] =	stream.linear.gather [hbm4b:s25+s23], $0x800, $0x38;
	[tilespmem:$0x1FC00] =	vst v63  }
0x136: {  	s8 =	simm.s32 $0x0;
	[bflag:$0x0] =	sbarrier.arrive $0xFFFF  }
.LBB2_3:
0x137: {  	_ =	swait.ge [sflag:s31], $0x800  }
0x138: {  	[sflag:s31] =	ssyncset.done $0x0  }
0x139: {  	s24 =	sshllo.u32 s8, $0x1;
	[sflag:s31] =	ssyncadd.s32 $0xFFFFF800  }
0x13a: {  	s7 =	simm.s32 $0x14C00;
	s5 =	sshll.u32 s24, $0x8;
	_ =	swait.ge [sflag:s31], $0x800  }
0x13b: {  	s5 =	sadd.s32 s0, s5;
	[sflag:s31] =	ssyncset.done $0x0;
	s6 =	rddreg [dreg:$0x8]  }
0x13c: {  	s10 =	rddreg [dreg:$0x9];
	[sflag:s31] =	ssyncadd.s32 $0xFFFFF800;
	s6 =	sadd.s32 s6, s5  }
0x13d: {  	[tilespmem:s7], [sflag:$0x2] =	stream.linear.gather [hbm4b:s6+s23], $0x800, $0x38;
	[tilespmem:$0x1FC00] =	vst v63  }
0x13e: {  	s11 =	simm.s32 $0x15400;
	s25 =	smul.u32 $0xA00, s8;
	s5 =	sadd.s32 s10, s5  }
0x13f: {  	[tilespmem:s11], [sflag:$0x2] =	stream.linear.gather [hbm4b:s5+s23], $0x800, $0x38;
	[tilespmem:$0x1FC00] =	vst v63  }
0x140: {  	s5 =	sadd.s32 s14, s25  }
0x141: {  	s29 =	simm.s32 $0x13C00;
	s5 =	sshll.u32 s5, $0x4  }
0x142: {  	[tilespmem:s17], [sflag:$0x3] =	stream.indirect.gather [hbm4b:s1+s30], $0x80, s29, s30, $0xb8;
	[tilespmem:$0x1FC00] =	vst v63  }
0x143: {  	s6 =	sshll.u32 s8, $0x5;
	s25 =	simm.s32 $0x0;
	s5 =	sadd.s32 s2, s5  }
0x144: {  	[tilespmem:s12], [sflag:$0x3] =	stream.linear.gather [hbm4b:s5+s23], $0x2800, $0x38;
	[tilespmem:$0x1FC00] =	vst v63  }
.LBB2_4:
0x145: {  	s5 =	sshll.u32 s25, $0x1  }
0x146: {  	s9 =	sshll.u32 s25, $0x8;
	s5 =	sadd.s32 s6, s5  }
0x147: {  	s10 =	sadd.s32 $0x13C80, s9;
	s7 =	smul.u32 $0x50, s5  }
0x148: {  	[tilespmem:s18], [sflag:$0x4] =	stream.indirect.gather [hbm4b:s1+s30], $0x80, s10, s30, $0xb8;
	[tilespmem:$0x1FC00] =	vst v63  }
0x149: {  	s5 =	sadd.s32 s19, s7  }
0x14a: {  	s5 =	sshll.u32 s5, $0x4  }
0x14b: {  	s11 =	simm.s32 $0x0;
	s5 =	sadd.s32 s2, s5  }
0x14c: {  	[tilespmem:s13], [sflag:$0x4] =	stream.linear.gather [hbm4b:s5+s11], $0x2800, $0x38;
	[tilespmem:$0x1FC00] =	vst v63  }
0x14d: {  	_ =	swait.ge [sflag:s22], $0x2800  }
0x14e: {  	[sflag:s22] =	ssyncset.done $0x0  }
0x14f: {  	[sflag:s22] =	ssyncadd.s32 $0xFFFFD800  }
0x150: {  	_ =	swait.ge [sflag:s22], $0x2800  }
0x151: {  	[sflag:s22] =	ssyncset.done $0x0  }
0x152: {  	s29 =	simm.s32 $0x0;
	[sflag:s22] =	ssyncadd.s32 $0xFFFFD800  }
0x153: {  	v7 =	vld [tilespmem:s29+$0x15C00]  }
0x154: {  	v11 =	vld [tilespmem:s29+$0x15C10]  }
0x155: {  	v5 =	vld [tilespmem:s29+$0x15C20]  }
0x156: {  	v4 =	vld [tilespmem:s29+$0x15C30]  }
0x157: {  	v3 =	vld [tilespmem:s29+$0x15C40]  }
0x158: {  	v2 =	vld [tilespmem:s29+$0x15C50]  }
0x159: {  	v1 =	vld [tilespmem:s29+$0x15C60]  }
0x15a: {  	v0 =	vld [tilespmem:s29+$0x15C70]  }
0x15b: {  	v12 =	vld [tilespmem:s29+$0x1AC00]  }
0x15c: {  	v13 =	vld [tilespmem:s29+$0x1AC10]  }
0x15d: {  	v10 =	vld [tilespmem:s29+$0x1AC20]  }
0x15e: {  	v9 =	vld [tilespmem:s29+$0x1AC30]  }
0x15f: {  	v8 =	vld [tilespmem:s29+$0x1AC40]  }
0x160: {  	v6 =	vld [tilespmem:s29+$0x1AC50];
	v12 =	vmul.f32 v7, v12  }
0x161: {  	s5 =	sor.u32 $0x80, s9;
	s9 =	simm.s32 $0x200;
	v11 =	vmul.f32 v11, v13;
	v7 =	vld [tilespmem:s29+$0x1AC60]  }
.LBB2_5:
0x162: {  	s10 =	sshra.s32 s9, $0x2;
	p1 =	sne.s32 s9, $0x9E00;
	[tilespmem:s29+$0x1AC00] =	vst v12;
	v5 =	vmul.f32 v5, v10;
	v10 =	vld [tilespmem:s29+$0x1AC70]  }
0x163: {  	v12 =	vld [tilespmem:s10+$0x15C00];
	[tilespmem:s29+$0x1AC10] =	vst v11;
	v4 =	vmul.f32 v4, v9  }
0x164: {  	v11 =	vld [tilespmem:s10+$0x15C10];
	[tilespmem:s29+$0x1AC20] =	vst v5;
	v3 =	vmul.f32 v3, v8  }
0x165: {  	v5 =	vld [tilespmem:s10+$0x15C20];
	[tilespmem:s29+$0x1AC30] =	vst v4;
	v2 =	vmul.f32 v2, v6  }
0x166: {  	v4 =	vld [tilespmem:s10+$0x15C30];
	[tilespmem:s29+$0x1AC40] =	vst v3;
	v1 =	vmul.f32 v1, v7  }
0x167: {  	v3 =	vld [tilespmem:s10+$0x15C40];
	[tilespmem:s29+$0x1AC50] =	vst v2;
	v0 =	vmul.f32 v0, v10  }
0x168: {  	v2 =	vld [tilespmem:s10+$0x15C50];
	[tilespmem:s29+$0x1AC60] =	vst v1  }
0x169: {  	v1 =	vld [tilespmem:s10+$0x15C60];
	[tilespmem:s29+$0x1AC70] =	vst v0;
	s29 =	smov.u32 s10  }
0x16a: {  	v0 =	vld [tilespmem:s29+$0x15C70]  }
0x16b: {  	v6 =	vld [tilespmem:s29+$0x1AC00]  }
0x16c: {  	v7 =	vld [tilespmem:s29+$0x1AC10]  }
.Ltmp11:
0x16d: {  	v10 =	vld [tilespmem:s29+$0x1AC20];
	(pc) =	sbr.rel @p1 .LBB2_5-.Ltmp11, $4  }
0x16e: {  	v9 =	vld [tilespmem:s29+$0x1AC30]  }
0x16f: {  	v8 =	vld [tilespmem:s29+$0x1AC40]  }
0x170: {  	v12 =	vmul.f32 v12, v6;
	v6 =	vld [tilespmem:s29+$0x1AC50]  }
0x171: {  	s9 =	sadd.s32 $0x200, s9;
	v11 =	vmul.f32 v11, v7;
	v7 =	vld [tilespmem:s29+$0x1AC60]  }
0x172: {  	[tilespmem:s29+$0x1AC00] =	vst v12;
	v5 =	vmul.f32 v5, v10;
	v10 =	vld [tilespmem:s29+$0x1AC70]  }
0x173: {  	[tilespmem:s29+$0x1AC10] =	vst v11;
	v4 =	vmul.f32 v4, v9  }
0x174: {  	[tilespmem:s29+$0x1AC20] =	vst v5;
	v3 =	vmul.f32 v3, v8  }
0x175: {  	[tilespmem:s29+$0x1AC30] =	vst v4;
	v2 =	vmul.f32 v2, v6  }
0x176: {  	[tilespmem:s29+$0x1AC40] =	vst v3;
	v1 =	vmul.f32 v1, v7  }
0x177: {  	s9 =	sshll.u32 s25, $0xA;
	[tilespmem:s29+$0x1AC50] =	vst v2;
	v0 =	vmul.f32 v0, v10  }
0x178: {  	s10 =	sshrl.u32 s9, $0x2;
	[tilespmem:s29+$0x1AC60] =	vst v1  }
0x179: {  	p1 =	seq.s32 s25, $0x7;
	s10 =	sadd.s32 $0x14400, s10;
	[tilespmem:s29+$0x1AC70] =	vst v0  }
0x17a: {  	[spmem:s4] =	stream.indirect.scatter.add.f32 [tilespmem:s12], [sflag:$0x5], $0x80, s10, s30, $0xb8;
	[tilespmem:$0x1FC00] =	vst v63  }
0x17b: {  	s9 =	sshrl.u32 @!p1 s9, $0x2;
	s7 =	sadd.s32 @!p1 s20, s7;
	_ =	swait.ge [sflag:s28], $0x2800  }
0x17c: {  	s9 =	sadd.s32 @!p1 $0x13D00, s9;
	s7 =	sshll.u32 @!p1 s7, $0x4;
	[sflag:s28] =	ssyncset.done $0x0  }
0x17d: {  	s29 =	simm.s32 @!p1 $0x15C00;
	s10 =	simm.s32 @!p1 $0x50;
	[sflag:s28] =	ssyncadd.s32 $0xFFFFD800  }
0x17e: {  	[tilespmem:s29], [sflag:$0x3] =	stream.indirect.gather @!p1 [hbm4b:s1+s10], $0x80, s9, s10, $0xb8;
	[tilespmem:$0x1FC00] =	vst v63  }
0x17f: {  	s7 =	sadd.s32 @!p1 s2, s7;
	s9 =	simm.s32 @!p1 $0x0;
	s10 =	simm.s32 @!p1 $0x1AC00  }
0x180: {  	[tilespmem:s10], [sflag:$0x3] =	stream.linear.gather @!p1 [hbm4b:s7+s9], $0x2800, $0x38;
	[tilespmem:$0x1FC00] =	vst v63  }
0x181: {  	_ =	swait.ge [sflag:s26], $0x2800  }
0x182: {  	[sflag:s26] =	ssyncset.done $0x0  }
0x183: {  	[sflag:s26] =	ssyncadd.s32 $0xFFFFD800  }
0x184: {  	_ =	swait.ge [sflag:s26], $0x2800  }
0x185: {  	[sflag:s26] =	ssyncset.done $0x0  }
0x186: {  	s7 =	simm.s32 $0x0;
	[sflag:s26] =	ssyncadd.s32 $0xFFFFD800  }
0x187: {  	v7 =	vld [tilespmem:s7+$0x18400]  }
0x188: {  	v11 =	vld [tilespmem:s7+$0x18410]  }
0x189: {  	v5 =	vld [tilespmem:s7+$0x18420]  }
0x18a: {  	v4 =	vld [tilespmem:s7+$0x18430]  }
0x18b: {  	v3 =	vld [tilespmem:s7+$0x18440]  }
0x18c: {  	v2 =	vld [tilespmem:s7+$0x18450]  }
0x18d: {  	v1 =	vld [tilespmem:s7+$0x18460]  }
0x18e: {  	v0 =	vld [tilespmem:s7+$0x18470]  }
0x18f: {  	v12 =	vld [tilespmem:s7+$0x1D400]  }
0x190: {  	v13 =	vld [tilespmem:s7+$0x1D410]  }
0x191: {  	v10 =	vld [tilespmem:s7+$0x1D420]  }
0x192: {  	v9 =	vld [tilespmem:s7+$0x1D430]  }
0x193: {  	v8 =	vld [tilespmem:s7+$0x1D440]  }
0x194: {  	v6 =	vld [tilespmem:s7+$0x1D450];
	v12 =	vmul.f32 v7, v12  }
0x195: {  	s9 =	simm.s32 $0x200;
	v11 =	vmul.f32 v11, v13;
	v7 =	vld [tilespmem:s7+$0x1D460]  }
.LBB2_7:
0x196: {  	s10 =	sshra.s32 s9, $0x2;
	p1 =	sne.s32 s9, $0x9E00;
	[tilespmem:s7+$0x1D400] =	vst v12;
	v5 =	vmul.f32 v5, v10;
	v10 =	vld [tilespmem:s7+$0x1D470]  }
0x197: {  	v12 =	vld [tilespmem:s10+$0x18400];
	[tilespmem:s7+$0x1D410] =	vst v11;
	v4 =	vmul.f32 v4, v9  }
0x198: {  	v11 =	vld [tilespmem:s10+$0x18410];
	[tilespmem:s7+$0x1D420] =	vst v5;
	v3 =	vmul.f32 v3, v8  }
0x199: {  	v5 =	vld [tilespmem:s10+$0x18420];
	[tilespmem:s7+$0x1D430] =	vst v4;
	v2 =	vmul.f32 v2, v6  }
0x19a: {  	v4 =	vld [tilespmem:s10+$0x18430];
	[tilespmem:s7+$0x1D440] =	vst v3;
	v1 =	vmul.f32 v1, v7  }
0x19b: {  	v3 =	vld [tilespmem:s10+$0x18440];
	[tilespmem:s7+$0x1D450] =	vst v2;
	v0 =	vmul.f32 v0, v10  }
0x19c: {  	v2 =	vld [tilespmem:s10+$0x18450];
	[tilespmem:s7+$0x1D460] =	vst v1  }
0x19d: {  	v1 =	vld [tilespmem:s10+$0x18460];
	[tilespmem:s7+$0x1D470] =	vst v0;
	s7 =	smov.u32 s10  }
0x19e: {  	v0 =	vld [tilespmem:s7+$0x18470]  }
0x19f: {  	v6 =	vld [tilespmem:s7+$0x1D400]  }
0x1a0: {  	v7 =	vld [tilespmem:s7+$0x1D410]  }
.Ltmp12:
0x1a1: {  	v10 =	vld [tilespmem:s7+$0x1D420];
	(pc) =	sbr.rel @p1 .LBB2_7-.Ltmp12, $4  }
0x1a2: {  	v9 =	vld [tilespmem:s7+$0x1D430]  }
0x1a3: {  	v8 =	vld [tilespmem:s7+$0x1D440]  }
0x1a4: {  	v12 =	vmul.f32 v12, v6;
	v6 =	vld [tilespmem:s7+$0x1D450]  }
0x1a5: {  	s9 =	sadd.s32 $0x200, s9;
	v11 =	vmul.f32 v11, v7;
	v7 =	vld [tilespmem:s7+$0x1D460]  }
0x1a6: {  	[tilespmem:s7+$0x1D400] =	vst v12;
	v5 =	vmul.f32 v5, v10;
	v63 =	vld [tilespmem:s7+$0x1D470]  }
0x1a7: {  	[tilespmem:s7+$0x1D410] =	vst v11;
	v4 =	vmul.f32 v4, v9  }
0x1a8: {  	[tilespmem:s7+$0x1D420] =	vst v5;
	v3 =	vmul.f32 v3, v8  }
0x1a9: {  	[tilespmem:s7+$0x1D430] =	vst v4;
	v2 =	vmul.f32 v2, v6  }
0x1aa: {  	[tilespmem:s7+$0x1D440] =	vst v3;
	v1 =	vmul.f32 v1, v7  }
0x1ab: {  	s25 =	sadd.s32 $0x1, s25;
	[tilespmem:s7+$0x1D450] =	vst v2;
	v0 =	vmul.f32 v0, v63  }
0x1ac: {  	p1 =	sne.s32 s25, $0x8;
	[tilespmem:s7+$0x1D460] =	vst v1  }
.Ltmp13:
0x1ad: {  	s5 =	sadd.s32 $0x14400, s5;
	[tilespmem:s7+$0x1D470] =	vst v0;
	(pc) =	sbr.rel @p1 .LBB2_4-.Ltmp13, $4  }
0x1ae: {  	[spmem:s4] =	stream.indirect.scatter.add.f32 [tilespmem:s13], [sflag:$0x5], $0x80, s5, s30, $0xb8;
	[tilespmem:$0x1FC00] =	vst v63  }
0x1af: {  	_ =	swait.ge [sflag:s28], $0x2800  }
0x1b0: {  	[sflag:s28] =	ssyncset.done $0x0  }
0x1b1: {  	[sflag:s28] =	ssyncadd.s32 $0xFFFFD800  }
0x1b2: {  	_ =	swait.ge [sflag:s16], $0x800  }
0x1b3: {  	[sflag:s16] =	ssyncset.done $0x0  }
0x1b4: {  	[sflag:s16] =	ssyncadd.s32 $0xFFFFF800  }
0x1b5: {  	p1 =	seq.s32 s8, $0x7;
	_ =	swait.ge [sflag:s16], $0x800  }
0x1b6: {  	s5 =	sshll.u32 @!p1 s8, $0x9;
	s7 =	simm.s32 @!p1 $0x0;
	s6 =	rddreg [dreg:$0xf]  }
0x1b7: {  	[sflag:s16] =	ssyncset.done $0x0;
	s5 =	sadd.s32 @!p1 s5, s6;
	s6 =	rddreg [dreg:$0x8]  }
0x1b8: {  	s9 =	simm.s32 @!p1 $0x13C00;
	[sflag:s16] =	ssyncadd.s32 $0xFFFFF800;
	s6 =	sadd.s32 @!p1 s6, s5  }
0x1b9: {  	[tilespmem:s9], [sflag:$0x1] =	stream.linear.gather @!p1 [hbm4b:s6+s7], $0x800, $0x38;
	[tilespmem:$0x1FC00] =	vst v63  }
0x1ba: {  	s6 =	rddreg [dreg:$0x9]  }
0x1bb: {  	s25 =	smul.u32 $0x500, s24;
	s5 =	sadd.s32 @!p1 s6, s5;
	s6 =	simm.s32 @!p1 $0x14400  }
0x1bc: {  	[tilespmem:s6], [sflag:$0x1] =	stream.linear.gather @!p1 [hbm4b:s5+s7], $0x800, $0x38;
	[tilespmem:$0x1FC00] =	vst v63  }
0x1bd: {  	s5 =	sadd.s32 s14, s25  }
0x1be: {  	s29 =	simm.s32 $0x14C00;
	s24 =	sshll.u32 s24, $0x4;
	s5 =	sshll.u32 s5, $0x4  }
0x1bf: {  	[tilespmem:s17], [sflag:$0x3] =	stream.indirect.gather [hbm4b:s1+s30], $0x80, s29, s30, $0xb8;
	[tilespmem:$0x1FC00] =	vst v63  }
0x1c0: {  	s25 =	simm.s32 $0x0;
	s6 =	simm.s32 $0x0;
	s5 =	sadd.s32 s2, s5  }
0x1c1: {  	[tilespmem:s12], [sflag:$0x3] =	stream.linear.gather [hbm4b:s5+s25], $0x2800, $0x38;
	[tilespmem:$0x1FC00] =	vst v63  }
.LBB2_10:
0x1c2: {  	s5 =	sshll.u32 s6, $0x1  }
0x1c3: {  	s11 =	sshll.u32 s6, $0x8;
	s29 =	sadd.s32 s24, s5  }
0x1c4: {  	s9 =	sadd.s32 $0x14C80, s11;
	s7 =	smul.u32 $0x50, s29  }
0x1c5: {  	[tilespmem:s18], [sflag:$0x4] =	stream.indirect.gather [hbm4b:s1+s30], $0x80, s9, s30, $0xb8;
	[tilespmem:$0x1FC00] =	vst v63  }
0x1c6: {  	p1 =	slt.u32 s29, $0xFA;
	s9 =	sadd.s32 $0x50, s7  }
0x1c7: {  	s9 =	simm.s32 @!p1 $0x0  }
0x1c8: {  	s9 =	sadd.s32 s14, s9  }
0x1c9: {  	s9 =	sshll.u32 s9, $0x4  }
0x1ca: {  	s9 =	sadd.s32 s2, s9  }
0x1cb: {  	[tilespmem:s13], [sflag:$0x4] =	stream.linear.gather [hbm4b:s9+s25], $0x2800, $0x38;
	[tilespmem:$0x1FC00] =	vst v63  }
0x1cc: {  	_ =	swait.ge [sflag:s22], $0x2800  }
0x1cd: {  	[sflag:s22] =	ssyncset.done $0x0  }
0x1ce: {  	[sflag:s22] =	ssyncadd.s32 $0xFFFFD800  }
0x1cf: {  	_ =	swait.ge [sflag:s22], $0x2800  }
0x1d0: {  	[sflag:s22] =	ssyncset.done $0x0  }
0x1d1: {  	s9 =	simm.s32 $0x0;
	[sflag:s22] =	ssyncadd.s32 $0xFFFFD800  }
0x1d2: {  	v7 =	vld [tilespmem:s9+$0x15C00]  }
0x1d3: {  	v11 =	vld [tilespmem:s9+$0x15C10]  }
0x1d4: {  	v5 =	vld [tilespmem:s9+$0x15C20]  }
0x1d5: {  	v4 =	vld [tilespmem:s9+$0x15C30]  }
0x1d6: {  	v3 =	vld [tilespmem:s9+$0x15C40]  }
0x1d7: {  	v2 =	vld [tilespmem:s9+$0x15C50]  }
0x1d8: {  	v1 =	vld [tilespmem:s9+$0x15C60]  }
0x1d9: {  	v0 =	vld [tilespmem:s9+$0x15C70]  }
0x1da: {  	v12 =	vld [tilespmem:s9+$0x1AC00]  }
0x1db: {  	v13 =	vld [tilespmem:s9+$0x1AC10]  }
0x1dc: {  	v10 =	vld [tilespmem:s9+$0x1AC20]  }
0x1dd: {  	v9 =	vld [tilespmem:s9+$0x1AC30]  }
0x1de: {  	v8 =	vld [tilespmem:s9+$0x1AC40]  }
0x1df: {  	v6 =	vld [tilespmem:s9+$0x1AC50];
	v12 =	vmul.f32 v7, v12  }
0x1e0: {  	s10 =	simm.s32 $0x200;
	s5 =	sor.u32 $0x80, s11;
	v11 =	vmul.f32 v11, v13;
	v7 =	vld [tilespmem:s9+$0x1AC60]  }
.LBB2_11:
0x1e1: {  	s11 =	sshra.s32 s10, $0x2;
	p1 =	sne.s32 s10, $0x9E00;
	[tilespmem:s9+$0x1AC00] =	vst v12;
	v5 =	vmul.f32 v5, v10;
	v10 =	vld [tilespmem:s9+$0x1AC70]  }
0x1e2: {  	v12 =	vld [tilespmem:s11+$0x15C00];
	[tilespmem:s9+$0x1AC10] =	vst v11;
	v4 =	vmul.f32 v4, v9  }
0x1e3: {  	v11 =	vld [tilespmem:s11+$0x15C10];
	[tilespmem:s9+$0x1AC20] =	vst v5;
	v3 =	vmul.f32 v3, v8  }
0x1e4: {  	v5 =	vld [tilespmem:s11+$0x15C20];
	[tilespmem:s9+$0x1AC30] =	vst v4;
	v2 =	vmul.f32 v2, v6  }
0x1e5: {  	v4 =	vld [tilespmem:s11+$0x15C30];
	[tilespmem:s9+$0x1AC40] =	vst v3;
	v1 =	vmul.f32 v1, v7  }
0x1e6: {  	v3 =	vld [tilespmem:s11+$0x15C40];
	[tilespmem:s9+$0x1AC50] =	vst v2;
	v0 =	vmul.f32 v0, v10  }
0x1e7: {  	v2 =	vld [tilespmem:s11+$0x15C50];
	[tilespmem:s9+$0x1AC60] =	vst v1  }
0x1e8: {  	v1 =	vld [tilespmem:s11+$0x15C60];
	[tilespmem:s9+$0x1AC70] =	vst v0;
	s9 =	smov.u32 s11  }
0x1e9: {  	v0 =	vld [tilespmem:s9+$0x15C70]  }
0x1ea: {  	v6 =	vld [tilespmem:s9+$0x1AC00]  }
0x1eb: {  	v7 =	vld [tilespmem:s9+$0x1AC10]  }
.Ltmp14:
0x1ec: {  	v10 =	vld [tilespmem:s9+$0x1AC20];
	(pc) =	sbr.rel @p1 .LBB2_11-.Ltmp14, $4  }
0x1ed: {  	v9 =	vld [tilespmem:s9+$0x1AC30]  }
0x1ee: {  	v8 =	vld [tilespmem:s9+$0x1AC40]  }
0x1ef: {  	v12 =	vmul.f32 v12, v6;
	v6 =	vld [tilespmem:s9+$0x1AC50]  }
0x1f0: {  	s10 =	sadd.s32 $0x200, s10;
	v11 =	vmul.f32 v11, v7;
	v7 =	vld [tilespmem:s9+$0x1AC60]  }
0x1f1: {  	[tilespmem:s9+$0x1AC00] =	vst v12;
	v5 =	vmul.f32 v5, v10;
	v10 =	vld [tilespmem:s9+$0x1AC70]  }
0x1f2: {  	[tilespmem:s9+$0x1AC10] =	vst v11;
	v4 =	vmul.f32 v4, v9  }
0x1f3: {  	[tilespmem:s9+$0x1AC20] =	vst v5;
	v3 =	vmul.f32 v3, v8  }
0x1f4: {  	p1 =	seq.s32 s6, $0x7;
	[tilespmem:s9+$0x1AC30] =	vst v4;
	v2 =	vmul.f32 v2, v6  }
0x1f5: {  	p2 =	slt.u32 @!p1 s29, $0xF8;
	[tilespmem:s9+$0x1AC40] =	vst v3;
	v1 =	vmul.f32 v1, v7  }
0x1f6: {  	s10 =	sshll.u32 s6, $0xA;
	s7 =	sadd.s32 @!p1 $0xA0, s7;
	p2 =	por !p2, p1;
	[tilespmem:s9+$0x1AC50] =	vst v2;
	v0 =	vmul.f32 v0, v10  }
0x1f7: {  	s11 =	sshrl.u32 s10, $0x2;
	s7 =	simm.s32 @p2 $0x0;
	[tilespmem:s9+$0x1AC60] =	vst v1  }
0x1f8: {  	s11 =	sadd.s32 $0x15400, s11;
	s7 =	sadd.s32 @!p1 s14, s7;
	[tilespmem:s9+$0x1AC70] =	vst v0  }
0x1f9: {  	[spmem:s4] =	stream.indirect.scatter.add.f32 [tilespmem:s12], [sflag:$0x5], $0x80, s11, s30, $0xb8;
	[tilespmem:$0x1FC00] =	vst v63  }
0x1fa: {  	s7 =	sshll.u32 @!p1 s7, $0x4;
	_ =	swait.ge [sflag:s28], $0x2800  }
0x1fb: {  	s9 =	sshrl.u32 @!p1 s10, $0x2;
	s10 =	simm.s32 @!p1 $0x50;
	[sflag:s28] =	ssyncset.done $0x0  }
0x1fc: {  	s9 =	sadd.s32 @!p1 $0x14D00, s9;
	s11 =	simm.s32 @!p1 $0x15C00;
	[sflag:s28] =	ssyncadd.s32 $0xFFFFD800  }
0x1fd: {  	[tilespmem:s11], [sflag:$0x3] =	stream.indirect.gather @!p1 [hbm4b:s1+s10], $0x80, s9, s10, $0xb8;
	[tilespmem:$0x1FC00] =	vst v63  }
0x1fe: {  	s7 =	sadd.s32 @!p1 s2, s7;
	s9 =	simm.s32 @!p1 $0x0;
	s10 =	simm.s32 @!p1 $0x1AC00  }
0x1ff: {  	[tilespmem:s10], [sflag:$0x3] =	stream.linear.gather @!p1 [hbm4b:s7+s9], $0x2800, $0x38;
	[tilespmem:$0x1FC00] =	vst v63  }
0x200: {  	_ =	swait.ge [sflag:s26], $0x2800  }
0x201: {  	[sflag:s26] =	ssyncset.done $0x0  }
0x202: {  	[sflag:s26] =	ssyncadd.s32 $0xFFFFD800  }
0x203: {  	_ =	swait.ge [sflag:s26], $0x2800  }
0x204: {  	[sflag:s26] =	ssyncset.done $0x0  }
0x205: {  	s7 =	simm.s32 $0x0;
	[sflag:s26] =	ssyncadd.s32 $0xFFFFD800  }
0x206: {  	v7 =	vld [tilespmem:s7+$0x18400]  }
0x207: {  	v11 =	vld [tilespmem:s7+$0x18410]  }
0x208: {  	v5 =	vld [tilespmem:s7+$0x18420]  }
0x209: {  	v4 =	vld [tilespmem:s7+$0x18430]  }
0x20a: {  	v3 =	vld [tilespmem:s7+$0x18440]  }
0x20b: {  	v2 =	vld [tilespmem:s7+$0x18450]  }
0x20c: {  	v1 =	vld [tilespmem:s7+$0x18460]  }
0x20d: {  	v0 =	vld [tilespmem:s7+$0x18470]  }
0x20e: {  	v12 =	vld [tilespmem:s7+$0x1D400]  }
0x20f: {  	v13 =	vld [tilespmem:s7+$0x1D410]  }
0x210: {  	v10 =	vld [tilespmem:s7+$0x1D420]  }
0x211: {  	v9 =	vld [tilespmem:s7+$0x1D430]  }
0x212: {  	v8 =	vld [tilespmem:s7+$0x1D440]  }
0x213: {  	v6 =	vld [tilespmem:s7+$0x1D450];
	v12 =	vmul.f32 v7, v12  }
0x214: {  	s9 =	simm.s32 $0x200;
	v11 =	vmul.f32 v11, v13;
	v7 =	vld [tilespmem:s7+$0x1D460]  }
.LBB2_13:
0x215: {  	s10 =	sshra.s32 s9, $0x2;
	p1 =	sne.s32 s9, $0x9E00;
	[tilespmem:s7+$0x1D400] =	vst v12;
	v5 =	vmul.f32 v5, v10;
	v10 =	vld [tilespmem:s7+$0x1D470]  }
0x216: {  	v12 =	vld [tilespmem:s10+$0x18400];
	[tilespmem:s7+$0x1D410] =	vst v11;
	v4 =	vmul.f32 v4, v9  }
0x217: {  	v11 =	vld [tilespmem:s10+$0x18410];
	[tilespmem:s7+$0x1D420] =	vst v5;
	v3 =	vmul.f32 v3, v8  }
0x218: {  	v5 =	vld [tilespmem:s10+$0x18420];
	[tilespmem:s7+$0x1D430] =	vst v4;
	v2 =	vmul.f32 v2, v6  }
0x219: {  	v4 =	vld [tilespmem:s10+$0x18430];
	[tilespmem:s7+$0x1D440] =	vst v3;
	v1 =	vmul.f32 v1, v7  }
0x21a: {  	v3 =	vld [tilespmem:s10+$0x18440];
	[tilespmem:s7+$0x1D450] =	vst v2;
	v0 =	vmul.f32 v0, v10  }
0x21b: {  	v2 =	vld [tilespmem:s10+$0x18450];
	[tilespmem:s7+$0x1D460] =	vst v1  }
0x21c: {  	v1 =	vld [tilespmem:s10+$0x18460];
	[tilespmem:s7+$0x1D470] =	vst v0;
	s7 =	smov.u32 s10  }
0x21d: {  	v0 =	vld [tilespmem:s7+$0x18470]  }
0x21e: {  	v6 =	vld [tilespmem:s7+$0x1D400]  }
0x21f: {  	v7 =	vld [tilespmem:s7+$0x1D410]  }
.Ltmp15:
0x220: {  	v10 =	vld [tilespmem:s7+$0x1D420];
	(pc) =	sbr.rel @p1 .LBB2_13-.Ltmp15, $4  }
0x221: {  	v9 =	vld [tilespmem:s7+$0x1D430]  }
0x222: {  	v8 =	vld [tilespmem:s7+$0x1D440]  }
0x223: {  	v12 =	vmul.f32 v12, v6;
	v6 =	vld [tilespmem:s7+$0x1D450]  }
0x224: {  	s9 =	sadd.s32 $0x200, s9;
	v11 =	vmul.f32 v11, v7;
	v7 =	vld [tilespmem:s7+$0x1D460]  }
0x225: {  	[tilespmem:s7+$0x1D400] =	vst v12;
	v5 =	vmul.f32 v5, v10;
	v63 =	vld [tilespmem:s7+$0x1D470]  }
0x226: {  	[tilespmem:s7+$0x1D410] =	vst v11;
	v4 =	vmul.f32 v4, v9  }
0x227: {  	[tilespmem:s7+$0x1D420] =	vst v5;
	v3 =	vmul.f32 v3, v8  }
0x228: {  	[tilespmem:s7+$0x1D430] =	vst v4;
	v2 =	vmul.f32 v2, v6  }
0x229: {  	[tilespmem:s7+$0x1D440] =	vst v3;
	v1 =	vmul.f32 v1, v7  }
0x22a: {  	s6 =	sadd.s32 $0x1, s6;
	[tilespmem:s7+$0x1D450] =	vst v2;
	v0 =	vmul.f32 v0, v63  }
0x22b: {  	p1 =	sne.s32 s6, $0x8;
	[tilespmem:s7+$0x1D460] =	vst v1  }
.Ltmp16:
0x22c: {  	s5 =	sadd.s32 $0x15400, s5;
	[tilespmem:s7+$0x1D470] =	vst v0;
	(pc) =	sbr.rel @p1 .LBB2_10-.Ltmp16, $4  }
0x22d: {  	[spmem:s4] =	stream.indirect.scatter.add.f32 [tilespmem:s13], [sflag:$0x5], $0x80, s5, s30, $0xb8;
	[tilespmem:$0x1FC00] =	vst v63  }
0x22e: {  	_ =	swait.ge [sflag:s28], $0x2800  }
0x22f: {  	[sflag:s28] =	ssyncset.done $0x0  }
0x230: {  	[sflag:s28] =	ssyncadd.s32 $0xFFFFD800  }
0x231: {  	s8 =	sadd.s32 $0x1, s8  }
0x232: {  	p1 =	seq.s32 s8, $0x8  }
.Ltmp17:
0x233: {  	_ = 	snop;
	(pc) =	sbr.rel @!p1 .LBB2_3-.Ltmp17, $1  }
0x234: {  	_ =	sdelay $0x3  }
.Ltmp18:
0x235: {  	(pc) =	sbr.rel .LBB2_32-.Ltmp18, $3  }
0x236: {  	_ =	sdelay $0x1  }
0x237: {  	s5 =	rddreg [dreg:$0xa]  }
0x238: {  	s11 =	rddreg [dreg:$0x6]  }
.LBB2_33:
0x239: {  	_ =	sfence.sel $0x180000  }
0x23a: {  	[bflag:$0x0] =	sbarrier.arrive $0xFFFF  }
0x23b: {  	_ =	strace $0x9000004A  }
0x23c: {  	s0 =	stileid.u32;
	[bflag:$0x2] =	sbarrier.arrive $0xFFFF  }
0x23d: {  	p0 =	sne.s32 s0, $0x0;
	s0 =	rddreg [dreg:$0x5]  }
0x23e: {  	s0 =	sadd.s32 @!p0 $0x100000, s0  }
0x23f: {  	[sflag:s0] =	ssyncadd.tile.s32 @!p0 $0x1;
	_ =	shalt  }
.Lfunc_end2:
_tile_overlayer_lowered:
.L_overlay_start_2:
0x240: {  	(tag) =	ssettag $0x2  }
0x241: {  	s0 =	rddreg [dreg:$0x0];
	s2 =	stileid.u32  }
0x242: {  	s1 =	rddreg [dreg:$0x1];
	p0 =	sne.s32 s2, $0x0  }
0x243: {  	s3 =	rddreg [dreg:$0x2];
	[bflag:$0x3] =	sbarrier.arrive $0xFFFF;
	s2 =	simm.s32 @!p0 $0x1C05  }
0x244: {  	[timem:s3], [sflag:s2] =	dma.local @!p0 [hbm:s0], s1  }
0x245: {  	s0 =	simm.s32 @!p0 $0x5  }
0x246: {  	_ =	swait.ge @!p0 [sflag:s0], s1  }
0x247: {  	s1 =	ssub.s32 @!p0 $0x0, s1;
	[sflag:s0] =	ssyncset.done @!p0 $0x0  }
0x248: {  	[sflag:s0] =	ssyncadd.s32 @!p0 s1  }
0x249: {  	[bflag:$0x3] =	sbarrier.arrive $0xFFFF  }
0x24a: {  	_ =	shalt  }

</sc_bundles>
